<compile_context>
chip_gen: v7x
topology: tpu7x:2x2x1
jax: 0.10.2.dev20260603
libtpu: 0.0.44.dev20260713+nightly
codegen_flags: <defaults>
</compile_context>

<pallas_src>
import jax
import jax.numpy as jnp
from jax import lax
from jax.experimental import pallas as pl
from jax.experimental.pallas import tpu as pltpu
from jax.experimental.pallas import tpu_sc as plsc

_RADIAL_CUTOFF = 5.0
_P = 6.0
_EA = -((_P + 1.0) * (_P + 2.0)) / 2.0
_EB = _P * (_P + 2.0)
_EC = -_P * (_P + 1.0) / 2.0

_BE = 12800
_SCCH = 3200


def _sc_stage(pairs, d_flat, atoms):
    n_edges = pairs.shape[1]
    n_atoms = atoms.shape[0]
    info = plsc.get_sparse_core_info()
    nw = info.num_cores * info.num_subcores
    nb = n_edges // _BE
    bpw = (nb + nw - 1) // nw
    cpb = _BE // _SCCH
    run = _SCCH // 4
    beq = _BE // 4

    def body(pairs_hbm, d_hbm, atoms_hbm, zi_hbm, zj_hbm, d4_hbm,
             atoms_v, ij2_v, di_v, zi_s, zj_s, d_s):
        wid = lax.axis_index("s") * info.num_cores + lax.axis_index("c")
        pltpu.sync_copy(atoms_hbm, atoms_v)
        lane16 = lax.iota(jnp.int32, 16)
        row0 = jnp.zeros((16,), jnp.int32)
        row1 = row0 + 1

        def chunk_body(u, _):
            b = wid + nw * (u // cpb)
            c = u % cpb

            @pl.when(b < nb)
            def _():
                ebase = b * _BE + c * _SCCH
                pltpu.sync_copy(pairs_hbm.at[:, pl.ds(ebase, _SCCH)], ij2_v)
                pltpu.sync_copy(d_hbm.at[pl.ds(ebase, _SCCH)], di_v)
                for g in range(_SCCH // 16):
                    pos = lane16 + g * 16
                    iv = plsc.load_gather(ij2_v, [row0, pos])
                    jv = plsc.load_gather(ij2_v, [row1, pos])
                    sl = pl.ds(g * 16, 16)
                    zi_s[sl] = plsc.load_gather(atoms_v, [iv])
                    zj_s[sl] = plsc.load_gather(atoms_v, [jv])
                dst = pl.ds(ebase, _SCCH)
                pltpu.sync_copy(zi_s, zi_hbm.at[dst])
                pltpu.sync_copy(zj_s, zj_hbm.at[dst])
                pltpu.sync_copy(di_v, d4_hbm.at[dst])
            return 0

        lax.fori_loop(0, bpw * cpb, chunk_body, 0)

    mesh = plsc.VectorSubcoreMesh(core_axis_name="c", subcore_axis_name="s")
    fn = pl.kernel(
        body,
        mesh=mesh,
        compiler_params=pltpu.CompilerParams(needs_layout_passes=False),
        out_type=[
            jax.ShapeDtypeStruct((n_edges,), jnp.int32),
            jax.ShapeDtypeStruct((n_edges,), jnp.int32),
            jax.ShapeDtypeStruct((n_edges,), jnp.float32),
        ],
        scratch_types=[
            pltpu.VMEM((n_atoms,), jnp.int32),
            pltpu.VMEM((2, _SCCH), jnp.int32),
            pltpu.VMEM((_SCCH,), jnp.float32),
            pltpu.VMEM((_SCCH,), jnp.int32),
            pltpu.VMEM((_SCCH,), jnp.int32),
            pltpu.VMEM((_SCCH,), jnp.float32),
        ],
    )
    return fn(pairs, d_flat, atoms)


_S1 = 9.9993896014e-01
_S3 = -1.6614390484e-01
_S5 = 7.6898124879e-03
_PI = 3.14159265358979
_INV_PI = 1.0 / _PI
_CT = (((0,), (0,)), ((), ()))


def _dot(a, b):
    return lax.dot_general(a, b, _CT, preferred_element_type=jnp.float32)


def _silu(v):
    return (0.5 * v) * (1.0 + jnp.tanh(0.5 * v))


def _tc_body(d_ref, zi_ref, zj_ref, freq_ref, emb_ref, wr_ref, br_ref,
             wd_ref, bd_ref, out_ref):
    f32 = jnp.float32
    beq = d_ref.shape[2]
    emb = emb_ref[:, :]
    t1 = jnp.dot(emb, wd_ref[0:32, :],
                 preferred_element_type=f32).astype(jnp.bfloat16)
    t2 = jnp.dot(emb, wd_ref[32:64, :],
                 preferred_element_type=f32).astype(jnp.bfloat16)
    iota = lax.broadcasted_iota(jnp.int32, (96, beq), 0)
    parts = []
    for a in range(4):
        d = d_ref[0, a:a + 1, :]
        x = d * (1.0 / _RADIAL_CUTOFF)
        x2 = x * x
        x5 = x2 * x2 * x
        env = 1.0 / x + x5 * (_EA + x * (_EB + x * _EC))
        env = jnp.where(x < 1.0, env, jnp.zeros_like(env))
        tT = jnp.broadcast_to(x, (16, beq)) * freq_ref[:, :]
        n = (tT * _INV_PI + 0.5).astype(jnp.int32)
        r = tT - n.astype(f32) * _PI
        u = r * r
        s = r * (_S1 + u * (_S3 + u * _S5))
        s = jnp.where((n & 1) == 0, s, -s)
        rbfT = (jnp.broadcast_to(env, s.shape) * s).astype(jnp.bfloat16)
        hT = _silu(_dot(wr_ref[:, :], rbfT) + br_ref[:, :])
        oiT = (zi_ref[0, a:a + 1, :] == iota).astype(jnp.bfloat16)
        ojT = (zj_ref[0, a:a + 1, :] == iota).astype(jnp.bfloat16)
        accT = (_dot(t1, oiT) + _dot(t2, ojT)
                + _dot(wd_ref[64:96, :], hT.astype(jnp.bfloat16))
                + bd_ref[:, :])
        parts.append(_silu(accT))
    for a in range(4):
        out_ref[pl.ds(a * beq, beq), :] = parts[a].T


def kernel(atomic_numbers, d_ij, pair_indices, frequencies, emb_table,
           W_rbf, b_rbf, W_dense, b_dense):
    n_edges = d_ij.shape[0]
    emb_size = emb_table.shape[1]
    beq = _BE // 4
    nb = n_edges // _BE
    zi, zj, d4 = _sc_stage(pair_indices.astype(jnp.int32),
                           d_ij.reshape(-1), atomic_numbers.astype(jnp.int32))
    d4 = d4.reshape(nb, 4, beq)
    embp = jnp.pad(emb_table, ((0, 96 - emb_table.shape[0]), (0, 0)))
    out = pl.pallas_call(
        _tc_body,
        grid=(nb,),
        in_specs=[
            pl.BlockSpec((1, 4, beq), lambda i: (i, 0, 0)),
            pl.BlockSpec((1, 4, beq), lambda i: (i, 0, 0)),
            pl.BlockSpec((1, 4, beq), lambda i: (i, 0, 0)),
            pl.BlockSpec((16, 1), lambda i: (0, 0)),
            pl.BlockSpec((96, emb_size), lambda i: (0, 0)),
            pl.BlockSpec((16, emb_size), lambda i: (0, 0)),
            pl.BlockSpec((emb_size, 1), lambda i: (0, 0)),
            pl.BlockSpec((96, emb_size), lambda i: (0, 0)),
            pl.BlockSpec((emb_size, 1), lambda i: (0, 0)),
        ],
        out_specs=pl.BlockSpec((_BE, emb_size), lambda i: (i, 0)),
        out_shape=jax.ShapeDtypeStruct((n_edges, emb_size), jnp.float32),
    )(d4, zi.reshape(nb, 4, beq), zj.reshape(nb, 4, beq),
      frequencies.reshape(16, 1), embp.astype(jnp.bfloat16),
      W_rbf.astype(jnp.bfloat16), b_rbf.reshape(emb_size, 1),
      W_dense.astype(jnp.bfloat16), b_dense.reshape(emb_size, 1))
    return out

# --- scband reference (transcript-rebuilt; emitter-appended) ---
"""Pipeline reference for scband-dime-net-core-57088705299014 (READ-ONLY COPY).

The authoritative reference and input builder live on the scoring server;
editing this copy changes nothing except your own understanding.
"""

import jax, jax.numpy as jnp
import numpy as np

N_ATOMS = 100000
N_PAIRS = 1600000
NUM_RADIAL = 16
EMB_SIZE = 32
RADIAL_CUTOFF = 5.0
ENVELOPE_EXPONENT = 5
NUM_EMBEDDINGS = 95


def setup_inputs(seed: int = 0) -> dict:
    key = jax.random.key(seed)
    ks = jax.random.split(key, 8)
    atomic_numbers = jax.random.randint(ks[0], (N_ATOMS,), 0, 94, dtype=jnp.int64 if jax.config.jax_enable_x64 else jnp.int32)
    d_ij = jax.random.uniform(ks[1], (N_PAIRS, 1), dtype=jnp.float32)
    pair_indices = jax.random.randint(ks[2], (2, N_PAIRS), 0, N_ATOMS, dtype=jnp.int64 if jax.config.jax_enable_x64 else jnp.int32)
    # learned parameters
    frequencies = jnp.pi * jnp.arange(1, NUM_RADIAL + 1, dtype=jnp.float32)
    r = float(np.sqrt(3.0))
    emb_table = jax.random.uniform(ks[3], (NUM_EMBEDDINGS, EMB_SIZE), minval=-r, maxval=r, dtype=jnp.float32)
    W_rbf = jax.random.normal(ks[4], (NUM_RADIAL, EMB_SIZE), dtype=jnp.float32) / np.sqrt(NUM_RADIAL)
    b_rbf = jnp.zeros((EMB_SIZE,), jnp.float32)
    W_dense = jax.random.normal(ks[5], (3 * EMB_SIZE, EMB_SIZE), dtype=jnp.float32) / np.sqrt(3 * EMB_SIZE)
    b_dense = jnp.zeros((EMB_SIZE,), jnp.float32)
    return {
        "atomic_numbers": atomic_numbers,
        "d_ij": d_ij,
        "pair_indices": pair_indices,
        "frequencies": frequencies,
        "emb_table": emb_table,
        "W_rbf": W_rbf,
        "b_rbf": b_rbf,
        "W_dense": W_dense,
        "b_dense": b_dense,
    }


def _envelope(x):
    # exponent = 5 -> p = 6
    p = float(ENVELOPE_EXPONENT + 1)
    a = -((p + 1.0) * (p + 2.0)) / 2.0
    b = p * (p + 2.0)
    c = -p * (p + 1.0) / 2.0
    x_pm1 = x ** (p - 1.0)
    x_p = x_pm1 * x
    x_pp1 = x_p * x
    env = 1.0 / x + a * x_pm1 + b * x_p + c * x_pp1
    return jnp.where(x < 1.0, env, jnp.zeros_like(env))


def reference(atomic_numbers, d_ij, pair_indices, frequencies, emb_table, W_rbf, b_rbf, W_dense, b_dense):
    # BesselBasisLayer
    d_scaled = d_ij * (1.0 / RADIAL_CUTOFF)            # (E, 1)
    d_cutoff = _envelope(d_scaled)                      # (E, 1)
    rbf = d_cutoff * jnp.sin(frequencies * d_scaled)    # (E, NUM_RADIAL)
    # EmbeddingBlock
    rbf_h = jax.nn.silu(rbf @ W_rbf + b_rbf)            # (E, EMB_SIZE)
    idnb_i = pair_indices[0]
    idnb_j = pair_indices[1]
    Z_i = jnp.take(atomic_numbers, idnb_i, axis=0)
    Z_j = jnp.take(atomic_numbers, idnb_j, axis=0)
    x_i = jnp.take(emb_table, Z_i, axis=0)              # (E, EMB_SIZE)
    x_j = jnp.take(emb_table, Z_j, axis=0)              # (E, EMB_SIZE)
    x = jnp.concatenate([x_i, x_j, rbf_h], axis=-1)     # (E, 3*EMB_SIZE)
    out = jax.nn.silu(x @ W_dense + b_dense)            # (E, EMB_SIZE)
    return out

if __name__ == "__main__":
    import jax
    _d = setup_inputs()
    print(jax.jit(kernel)(*tuple(_d.values())))

</pallas_src>

<mosaic_0001>
#map = affine_map<(d0, d1) -> (0, 0)>
#map1 = affine_map<(d0, d1) -> (0)>
module attributes {stable_mosaic.version = 14 : i64} {
  func.func @body(%arg0: i32, %arg1: i32, %arg2: memref<2x1600000xi32, #tpu.memory_space<hbm>>, %arg3: memref<1600000xf32, #tpu.memory_space<hbm>>, %arg4: memref<100000xi32, #tpu.memory_space<hbm>>, %arg5: memref<1600000xi32, #tpu.memory_space<hbm>>, %arg6: memref<1600000xi32, #tpu.memory_space<hbm>>, %arg7: memref<1600000xf32, #tpu.memory_space<hbm>>, %arg8: memref<100000xi32, #tpu.memory_space<vmem>>, %arg9: memref<2x3200xi32, #tpu.memory_space<vmem>>, %arg10: memref<3200xf32, #tpu.memory_space<vmem>>, %arg11: memref<3200xi32, #tpu.memory_space<vmem>>, %arg12: memref<3200xi32, #tpu.memory_space<vmem>>, %arg13: memref<3200xf32, #tpu.memory_space<vmem>>) attributes {dimension_semantics = [#tpu.dimension_semantics<core_parallel>, #tpu.dimension_semantics<subcore_parallel>], iteration_bounds = array<i64: 2, 16>, scalar_prefetch = 0 : i64, scratch_operands = 6 : i64, tpu.core_type = #tpu.core_type<sc_vector_subcore>, window_params = [{transform_indices = #map}, {transform_indices = #map1}, {transform_indices = #map1}, {transform_indices = #map1}, {transform_indices = #map1}, {transform_indices = #map1}]} {
    %mul3A = arith.constant 2 : i32
    %mul3A_0 = arith.muli %arg1, %mul3A : i32
    %add3A = arith.addi %mul3A_0, %arg0 : i32
    "tpu.region"() ({
      %run_scoped3A = tpu.sem_alloc : memref<!tpu.dma_semaphore, #tpu.memory_space<semaphore_mem>>
      tpu.enqueue_dma source(%arg4 : memref<100000xi32, #tpu.memory_space<hbm>>) target(%arg8 : memref<100000xi32, #tpu.memory_space<vmem>>) target_semaphore(%run_scoped3A : memref<!tpu.dma_semaphore, #tpu.memory_space<semaphore_mem>>)
      tpu.wait_dma2 semaphore(%run_scoped3A : memref<!tpu.dma_semaphore, #tpu.memory_space<semaphore_mem>>) src(%arg4 : memref<100000xi32, #tpu.memory_space<hbm>>) dst(%arg8 : memref<100000xi32, #tpu.memory_space<vmem>>)
      tpu.yield
    }) : () -> ()
    %iota3A = tpu.iota {dimensions = array<i32: 0>} : vector<16xi32>
    %broadcast_in_dim3A = arith.constant 0 : i32
    %broadcast_in_dim3A_1 = vector.broadcast %broadcast_in_dim3A : i32 to vector<16xi32>
    %add3A_2 = arith.constant 1 : i32
    %add3A_3 = vector.broadcast %add3A_2 : i32 to vector<16xi32>
    %add3A_4 = arith.addi %broadcast_in_dim3A_1, %add3A_3 : vector<16xi32>
    %scan3A = arith.constant 0 : i32
    %scan3A_5 = arith.constant 0 : i32
    %scan3A_6 = arith.constant 16 : i32
    %scan3A_7 = arith.addi %scan3A_5, %scan3A_6 : i32
    %scan3A_8 = arith.constant 1 : i32
    %scan3A_9 = scf.for %scan3A_11 = %scan3A_5 to %scan3A_7 step %scan3A_8 iter_args(%scan3A_12 = %scan3A) -> (i32)  : i32 {
      %jit3A = arith.constant 4 : i32
      %div3A = arith.divsi %scan3A_11, %jit3A : i32
      %sign3A = arith.constant 0 : i32
      %sign3A_13 = arith.cmpi sgt, %scan3A_11, %sign3A : i32
      %sign3A_14 = arith.extui %sign3A_13 : i1 to i32
      %sign3A_15 = arith.constant 0 : i32
      %sign3A_16 = arith.cmpi slt, %scan3A_11, %sign3A_15 : i32
      %sign3A_17 = arith.extui %sign3A_16 : i1 to i32
      %sign3A_18 = arith.subi %sign3A_14, %sign3A_17 : i32
      %sign3A_19 = arith.constant 0 : i32
      %sign3A_20 = arith.cmpi sgt, %jit3A, %sign3A_19 : i32
      %sign3A_21 = arith.extui %sign3A_20 : i1 to i32
      %sign3A_22 = arith.constant 0 : i32
      %sign3A_23 = arith.cmpi slt, %jit3A, %sign3A_22 : i32
      %sign3A_24 = arith.extui %sign3A_23 : i1 to i32
      %sign3A_25 = arith.subi %sign3A_21, %sign3A_24 : i32
      %ne3A = arith.cmpi ne, %sign3A_18, %sign3A_25 : i32
      %rem3A = arith.remsi %scan3A_11, %jit3A : i32
      %ne3A_26 = arith.constant 0 : i32
      %ne3A_27 = arith.cmpi ne, %rem3A, %ne3A_26 : i32
      %and3A = arith.andi %ne3A, %ne3A_27 : i1
      %sub3A = arith.constant 1 : i32
      %sub3A_28 = arith.subi %div3A, %sub3A : i32
      %select_n3A = arith.select %and3A, %sub3A_28, %div3A : i32
      %mul3A_29 = arith.constant 32 : i32
      %mul3A_30 = arith.muli %mul3A_29, %select_n3A : i32
      %add3A_31 = arith.addi %add3A, %mul3A_30 : i32
      %jit3A_32 = arith.constant 4 : i32
      %eq3A = arith.constant 0 : i32
      %eq3A_33 = arith.cmpi eq, %jit3A_32, %eq3A : i32
      %jit3A_34 = arith.constant 1 : i32
      %select_n3A_35 = arith.select %eq3A_33, %jit3A_34, %jit3A_32 : i32
      %rem3A_36 = arith.remsi %scan3A_11, %select_n3A_35 : i32
      %ne3A_37 = arith.constant 0 : i32
      %ne3A_38 = arith.cmpi ne, %rem3A_36, %ne3A_37 : i32
      %lt3A = arith.constant 0 : i32
      %lt3A_39 = arith.cmpi slt, %rem3A_36, %lt3A : i32
      %lt3A_40 = arith.constant 0 : i32
      %lt3A_41 = arith.cmpi slt, %select_n3A_35, %lt3A_40 : i32
      %ne3A_42 = arith.xori %lt3A_39, %lt3A_41 : i1
      %and3A_43 = arith.andi %ne3A_42, %ne3A_38 : i1
      %add3A_44 = arith.addi %rem3A_36, %select_n3A_35 : i32
      %select_n3A_45 = arith.select %and3A_43, %add3A_44, %rem3A_36 : i32
      %lt3A_46 = arith.constant 125 : i32
      %lt3A_47 = arith.cmpi slt, %add3A_31, %lt3A_46 : i32
      %convert_element_type3A = arith.extui %lt3A_47 : i1 to i32
      %cond3A = arith.constant 0 : i32
      %cond3A_48 = arith.cmpi ne, %convert_element_type3A, %cond3A : i32
      scf.if %cond3A_48 {
        %mul3A_50 = arith.constant 12800 : i32
        %mul3A_51 = arith.muli %add3A_31, %mul3A_50 : i32
        %mul3A_52 = arith.constant 3200 : i32
        %mul3A_53 = arith.muli %select_n3A_45, %mul3A_52 : i32
        %add3A_54 = arith.addi %mul3A_51, %mul3A_53 : i32
        "tpu.region"() ({
          %run_scoped3A = tpu.sem_alloc : memref<!tpu.dma_semaphore, #tpu.memory_space<semaphore_mem>>
          %dma_start3A = arith.constant 0 : i32
          %dma_start3A_2253 = tpu.memref_slice %arg2[%dma_start3A, %add3A_54] : memref<2x1600000xi32, #tpu.memory_space<hbm>> -> memref<2x3200xi32, #tpu.memory_space<hbm>>
          %dma_start3A_2254 = arith.constant 0 : i32
          %dma_start3A_2255 = tpu.memref_slice %arg2[%dma_start3A_2254, %add3A_54] : memref<2x1600000xi32, #tpu.memory_space<hbm>> -> memref<2x3200xi32, #tpu.memory_space<hbm>>
          tpu.enqueue_dma source(%dma_start3A_2255 : memref<2x3200xi32, #tpu.memory_space<hbm>>) target(%arg9 : memref<2x3200xi32, #tpu.memory_space<vmem>>) target_semaphore(%run_scoped3A : memref<!tpu.dma_semaphore, #tpu.memory_space<semaphore_mem>>)
          %dma_wait3A = arith.constant 0 : i32
          %dma_wait3A_2256 = tpu.memref_slice %arg2[%dma_wait3A, %add3A_54] : memref<2x1600000xi32, #tpu.memory_space<hbm>> -> memref<2x3200xi32, #tpu.memory_space<hbm>>
          %dma_wait3A_2257 = arith.constant 0 : i32
          %dma_wait3A_2258 = tpu.memref_slice %arg2[%dma_wait3A_2257, %add3A_54] : memref<2x1600000xi32, #tpu.memory_space<hbm>> -> memref<2x3200xi32, #tpu.memory_space<hbm>>
          tpu.wait_dma2 semaphore(%run_scoped3A : memref<!tpu.dma_semaphore, #tpu.memory_space<semaphore_mem>>) src(%dma_wait3A_2258 : memref<2x3200xi32, #tpu.memory_space<hbm>>) dst(%arg9 : memref<2x3200xi32, #tpu.memory_space<vmem>>)
          tpu.yield
        }) : () -> ()
        "tpu.region"() ({
          %run_scoped3A = tpu.sem_alloc : memref<!tpu.dma_semaphore, #tpu.memory_space<semaphore_mem>>
          %dma_start3A = tpu.memref_slice %arg3[%add3A_54] : memref<1600000xf32, #tpu.memory_space<hbm>> -> memref<3200xf32, #tpu.memory_space<hbm>>
          %dma_start3A_2253 = tpu.memref_slice %arg3[%add3A_54] : memref<1600000xf32, #tpu.memory_space<hbm>> -> memref<3200xf32, #tpu.memory_space<hbm>>
          tpu.enqueue_dma source(%dma_start3A_2253 : memref<3200xf32, #tpu.memory_space<hbm>>) target(%arg10 : memref<3200xf32, #tpu.memory_space<vmem>>) target_semaphore(%run_scoped3A : memref<!tpu.dma_semaphore, #tpu.memory_space<semaphore_mem>>)
          %dma_wait3A = tpu.memref_slice %arg3[%add3A_54] : memref<1600000xf32, #tpu.memory_space<hbm>> -> memref<3200xf32, #tpu.memory_space<hbm>>
          %dma_wait3A_2254 = tpu.memref_slice %arg3[%add3A_54] : memref<1600000xf32, #tpu.memory_space<hbm>> -> memref<3200xf32, #tpu.memory_space<hbm>>
          tpu.wait_dma2 semaphore(%run_scoped3A : memref<!tpu.dma_semaphore, #tpu.memory_space<semaphore_mem>>) src(%dma_wait3A_2254 : memref<3200xf32, #tpu.memory_space<hbm>>) dst(%arg10 : memref<3200xf32, #tpu.memory_space<vmem>>)
          tpu.yield
        }) : () -> ()
        %add3A_55 = arith.constant 0 : i32
        %add3A_56 = vector.broadcast %add3A_55 : i32 to vector<16xi32>
        %add3A_57 = arith.addi %iota3A, %add3A_56 : vector<16xi32>
        %gather3A = tpu.vector_load_idx %arg9[%broadcast_in_dim3A_1, %add3A_57] : memref<2x3200xi32, #tpu.memory_space<vmem>>[vector<16xi32>, vector<16xi32>], vector<16xi32>,
        %gather3A_58 = tpu.vector_load_idx %arg9[%add3A_4, %add3A_57] : memref<2x3200xi32, #tpu.memory_space<vmem>>[vector<16xi32>, vector<16xi32>], vector<16xi32>,
        %gather3A_59 = tpu.vector_load_idx %arg8[%gather3A] : memref<100000xi32, #tpu.memory_space<vmem>>[vector<16xi32>], vector<16xi32>,
        %swap3A = arith.constant 0 : index
        %swap3A_60 = tpu.vector_load %arg11[%swap3A] {strides = array<i32>} : memref<3200xi32, #tpu.memory_space<vmem>>, vector<16xi32>,
        tpu.vector_store %arg11[%swap3A], %gather3A_59 {strides = array<i32>} : memref<3200xi32, #tpu.memory_space<vmem>>, vector<16xi32>,
        %gather3A_61 = tpu.vector_load_idx %arg8[%gather3A_58] : memref<100000xi32, #tpu.memory_space<vmem>>[vector<16xi32>], vector<16xi32>,
        %swap3A_62 = arith.constant 0 : index
        %swap3A_63 = tpu.vector_load %arg12[%swap3A_62] {strides = array<i32>} : memref<3200xi32, #tpu.memory_space<vmem>>, vector<16xi32>,
        tpu.vector_store %arg12[%swap3A_62], %gather3A_61 {strides = array<i32>} : memref<3200xi32, #tpu.memory_space<vmem>>, vector<16xi32>,
        %add3A_64 = arith.constant 16 : i32
        %add3A_65 = vector.broadcast %add3A_64 : i32 to vector<16xi32>
        %add3A_66 = arith.addi %iota3A, %add3A_65 : vector<16xi32>
        %gather3A_67 = tpu.vector_load_idx %arg9[%broadcast_in_dim3A_1, %add3A_66] : memref<2x3200xi32, #tpu.memory_space<vmem>>[vector<16xi32>, vector<16xi32>], vector<16xi32>,
        %gather3A_68 = tpu.vector_load_idx %arg9[%add3A_4, %add3A_66] : memref<2x3200xi32, #tpu.memory_space<vmem>>[vector<16xi32>, vector<16xi32>], vector<16xi32>,
        %gather3A_69 = tpu.vector_load_idx %arg8[%gather3A_67] : memref<100000xi32, #tpu.memory_space<vmem>>[vector<16xi32>], vector<16xi32>,
        %swap3A_70 = arith.constant 16 : index
        %swap3A_71 = tpu.vector_load %arg11[%swap3A_70] {strides = array<i32>} : memref<3200xi32, #tpu.memory_space<vmem>>, vector<16xi32>,
        tpu.vector_store %arg11[%swap3A_70], %gather3A_69 {strides = array<i32>} : memref<3200xi32, #tpu.memory_space<vmem>>, vector<16xi32>,
        %gather3A_72 = tpu.vector_load_idx %arg8[%gather3A_68] : memref<100000xi32, #tpu.memory_space<vmem>>[vector<16xi32>], vector<16xi32>,
        %swap3A_73 = arith.constant 16 : index
        %swap3A_74 = tpu.vector_load %arg12[%swap3A_73] {strides = array<i32>} : memref<3200xi32, #tpu.memory_space<vmem>>, vector<16xi32>,
        tpu.vector_store %arg12[%swap3A_73], %gather3A_72 {strides = array<i32>} : memref<3200xi32, #tpu.memory_space<vmem>>, vector<16xi32>,
        %add3A_75 = arith.constant 32 : i32
        %add3A_76 = vector.broadcast %add3A_75 : i32 to vector<16xi32>
        %add3A_77 = arith.addi %iota3A, %add3A_76 : vector<16xi32>
        %gather3A_78 = tpu.vector_load_idx %arg9[%broadcast_in_dim3A_1, %add3A_77] : memref<2x3200xi32, #tpu.memory_space<vmem>>[vector<16xi32>, vector<16xi32>], vector<16xi32>,
        %gather3A_79 = tpu.vector_load_idx %arg9[%add3A_4, %add3A_77] : memref<2x3200xi32, #tpu.memory_space<vmem>>[vector<16xi32>, vector<16xi32>], vector<16xi32>,
        %gather3A_80 = tpu.vector_load_idx %arg8[%gather3A_78] : memref<100000xi32, #tpu.memory_space<vmem>>[vector<16xi32>], vector<16xi32>,
        %swap3A_81 = arith.constant 32 : index
        %swap3A_82 = tpu.vector_load %arg11[%swap3A_81] {strides = array<i32>} : memref<3200xi32, #tpu.memory_space<vmem>>, vector<16xi32>,
        tpu.vector_store %arg11[%swap3A_81], %gather3A_80 {strides = array<i32>} : memref<3200xi32, #tpu.memory_space<vmem>>, vector<16xi32>,
        %gather3A_83 = tpu.vector_load_idx %arg8[%gather3A_79] : memref<100000xi32, #tpu.memory_space<vmem>>[vector<16xi32>], vector<16xi32>,
        %swap3A_84 = arith.constant 32 : index
        %swap3A_85 = tpu.vector_load %arg12[%swap3A_84] {strides = array<i32>} : memref<3200xi32, #tpu.memory_space<vmem>>, vector<16xi32>,
        tpu.vector_store %arg12[%swap3A_84], %gather3A_83 {strides = array<i32>} : memref<3200xi32, #tpu.memory_space<vmem>>, vector<16xi32>,
        %add3A_86 = arith.constant 48 : i32
        %add3A_87 = vector.broadcast %add3A_86 : i32 to vector<16xi32>
        %add3A_88 = arith.addi %iota3A, %add3A_87 : vector<16xi32>
        %gather3A_89 = tpu.vector_load_idx %arg9[%broadcast_in_dim3A_1, %add3A_88] : memref<2x3200xi32, #tpu.memory_space<vmem>>[vector<16xi32>, vector<16xi32>], vector<16xi32>,
        %gather3A_90 = tpu.vector_load_idx %arg9[%add3A_4, %add3A_88] : memref<2x3200xi32, #tpu.memory_space<vmem>>[vector<16xi32>, vector<16xi32>], vector<16xi32>,
        %gather3A_91 = tpu.vector_load_idx %arg8[%gather3A_89] : memref<100000xi32, #tpu.memory_space<vmem>>[vector<16xi32>], vector<16xi32>,
        %swap3A_92 = arith.constant 48 : index
        %swap3A_93 = tpu.vector_load %arg11[%swap3A_92] {strides = array<i32>} : memref<3200xi32, #tpu.memory_space<vmem>>, vector<16xi32>,
        tpu.vector_store %arg11[%swap3A_92], %gather3A_91 {strides = array<i32>} : memref<3200xi32, #tpu.memory_space<vmem>>, vector<16xi32>,
        %gather3A_94 = tpu.vector_load_idx %arg8[%gather3A_90] : memref<100000xi32, #tpu.memory_space<vmem>>[vector<16xi32>], vector<16xi32>,
        %swap3A_95 = arith.constant 48 : index
        %swap3A_96 = tpu.vector_load %arg12[%swap3A_95] {strides = array<i32>} : memref<3200xi32, #tpu.memory_space<vmem>>, vector<16xi32>,
        tpu.vector_store %arg12[%swap3A_95], %gather3A_94 {strides = array<i32>} : memref<3200xi32, #tpu.memory_space<vmem>>, vector<16xi32>,
        %add3A_97 = arith.constant 64 : i32
        %add3A_98 = vector.broadcast %add3A_97 : i32 to vector<16xi32>
        %add3A_99 = arith.addi %iota3A, %add3A_98 : vector<16xi32>
        %gather3A_100 = tpu.vector_load_idx %arg9[%broadcast_in_dim3A_1, %add3A_99] : memref<2x3200xi32, #tpu.memory_space<vmem>>[vector<16xi32>, vector<16xi32>], vector<16xi32>,
        %gather3A_101 = tpu.vector_load_idx %arg9[%add3A_4, %add3A_99] : memref<2x3200xi32, #tpu.memory_space<vmem>>[vector<16xi32>, vector<16xi32>], vector<16xi32>,
        %gather3A_102 = tpu.vector_load_idx %arg8[%gather3A_100] : memref<100000xi32, #tpu.memory_space<vmem>>[vector<16xi32>], vector<16xi32>,
        %swap3A_103 = arith.constant 64 : index
        %swap3A_104 = tpu.vector_load %arg11[%swap3A_103] {strides = array<i32>} : memref<3200xi32, #tpu.memory_space<vmem>>, vector<16xi32>,
        tpu.vector_store %arg11[%swap3A_103], %gather3A_102 {strides = array<i32>} : memref<3200xi32, #tpu.memory_space<vmem>>, vector<16xi32>,
        %gather3A_105 = tpu.vector_load_idx %arg8[%gather3A_101] : memref<100000xi32, #tpu.memory_space<vmem>>[vector<16xi32>], vector<16xi32>,
        %swap3A_106 = arith.constant 64 : index
        %swap3A_107 = tpu.vector_load %arg12[%swap3A_106] {strides = array<i32>} : memref<3200xi32, #tpu.memory_space<vmem>>, vector<16xi32>,
        tpu.vector_store %arg12[%swap3A_106], %gather3A_105 {strides = array<i32>} : memref<3200xi32, #tpu.memory_space<vmem>>, vector<16xi32>,
        %add3A_108 = arith.constant 80 : i32
        %add3A_109 = vector.broadcast %add3A_108 : i32 to vector<16xi32>
        %add3A_110 = arith.addi %iota3A, %add3A_109 : vector<16xi32>
        %gather3A_111 = tpu.vector_load_idx %arg9[%broadcast_in_dim3A_1, %add3A_110] : memref<2x3200xi32, #tpu.memory_space<vmem>>[vector<16xi32>, vector<16xi32>], vector<16xi32>,
        %gather3A_112 = tpu.vector_load_idx %arg9[%add3A_4, %add3A_110] : memref<2x3200xi32, #tpu.memory_space<vmem>>[vector<16xi32>, vector<16xi32>], vector<16xi32>,
        %gather3A_113 = tpu.vector_load_idx %arg8[%gather3A_111] : memref<100000xi32, #tpu.memory_space<vmem>>[vector<16xi32>], vector<16xi32>,
        %swap3A_114 = arith.constant 80 : index
        %swap3A_115 = tpu.vector_load %arg11[%swap3A_114] {strides = array<i32>} : memref<3200xi32, #tpu.memory_space<vmem>>, vector<16xi32>,
        tpu.vector_store %arg11[%swap3A_114], %gather3A_113 {strides = array<i32>} : memref<3200xi32, #tpu.memory_space<vmem>>, vector<16xi32>,
        %gather3A_116 = tpu.vector_load_idx %arg8[%gather3A_112] : memref<100000xi32, #tpu.memory_space<vmem>>[vector<16xi32>], vector<16xi32>,
        %swap3A_117 = arith.constant 80 : index
        %swap3A_118 = tpu.vector_load %arg12[%swap3A_117] {strides = array<i32>} : memref<3200xi32, #tpu.memory_space<vmem>>, vector<16xi32>,
        tpu.vector_store %arg12[%swap3A_117], %gather3A_116 {strides = array<i32>} : memref<3200xi32, #tpu.memory_space<vmem>>, vector<16xi32>,
        %add3A_119 = arith.constant 96 : i32
        %add3A_120 = vector.broadcast %add3A_119 : i32 to vector<16xi32>
        %add3A_121 = arith.addi %iota3A, %add3A_120 : vector<16xi32>
        %gather3A_122 = tpu.vector_load_idx %arg9[%broadcast_in_dim3A_1, %add3A_121] : memref<2x3200xi32, #tpu.memory_space<vmem>>[vector<16xi32>, vector<16xi32>], vector<16xi32>,
        %gather3A_123 = tpu.vector_load_idx %arg9[%add3A_4, %add3A_121] : memref<2x3200xi32, #tpu.memory_space<vmem>>[vector<16xi32>, vector<16xi32>], vector<16xi32>,
        %gather3A_124 = tpu.vector_load_idx %arg8[%gather3A_122] : memref<100000xi32, #tpu.memory_space<vmem>>[vector<16xi32>], vector<16xi32>,
        %swap3A_125 = arith.constant 96 : index
        %swap3A_126 = tpu.vector_load %arg11[%swap3A_125] {strides = array<i32>} : memref<3200xi32, #tpu.memory_space<vmem>>, vector<16xi32>,
        tpu.vector_store %arg11[%swap3A_125], %gather3A_124 {strides = array<i32>} : memref<3200xi32, #tpu.memory_space<vmem>>, vector<16xi32>,
        %gather3A_127 = tpu.vector_load_idx %arg8[%gather3A_123] : memref<100000xi32, #tpu.memory_space<vmem>>[vector<16xi32>], vector<16xi32>,
        %swap3A_128 = arith.constant 96 : index
        %swap3A_129 = tpu.vector_load %arg12[%swap3A_128] {strides = array<i32>} : memref<3200xi32, #tpu.memory_space<vmem>>, vector<16xi32>,
        tpu.vector_store %arg12[%swap3A_128], %gather3A_127 {strides = array<i32>} : memref<3200xi32, #tpu.memory_space<vmem>>, vector<16xi32>,
        %add3A_130 = arith.constant 112 : i32
        %add3A_131 = vector.broadcast %add3A_130 : i32 to vector<16xi32>
        %add3A_132 = arith.addi %iota3A, %add3A_131 : vector<16xi32>
        %gather3A_133 = tpu.vector_load_idx %arg9[%broadcast_in_dim3A_1, %add3A_132] : memref<2x3200xi32, #tpu.memory_space<vmem>>[vector<16xi32>, vector<16xi32>], vector<16xi32>,
        %gather3A_134 = tpu.vector_load_idx %arg9[%add3A_4, %add3A_132] : memref<2x3200xi32, #tpu.memory_space<vmem>>[vector<16xi32>, vector<16xi32>], vector<16xi32>,
        %gather3A_135 = tpu.vector_load_idx %arg8[%gather3A_133] : memref<100000xi32, #tpu.memory_space<vmem>>[vector<16xi32>], vector<16xi32>,
        %swap3A_136 = arith.constant 112 : index
        %swap3A_137 = tpu.vector_load %arg11[%swap3A_136] {strides = array<i32>} : memref<3200xi32, #tpu.memory_space<vmem>>, vector<16xi32>,
        tpu.vector_store %arg11[%swap3A_136], %gather3A_135 {strides = array<i32>} : memref<3200xi32, #tpu.memory_space<vmem>>, vector<16xi32>,
        %gather3A_138 = tpu.vector_load_idx %arg8[%gather3A_134] : memref<100000xi32, #tpu.memory_space<vmem>>[vector<16xi32>], vector<16xi32>,
        %swap3A_139 = arith.constant 112 : index
        %swap3A_140 = tpu.vector_load %arg12[%swap3A_139] {strides = array<i32>} : memref<3200xi32, #tpu.memory_space<vmem>>, vector<16xi32>,
        tpu.vector_store %arg12[%swap3A_139], %gather3A_138 {strides = array<i32>} : memref<3200xi32, #tpu.memory_space<vmem>>, vector<16xi32>,
        %add3A_141 = arith.constant 128 : i32
        %add3A_142 = vector.broadcast %add3A_141 : i32 to vector<16xi32>
        %add3A_143 = arith.addi %iota3A, %add3A_142 : vector<16xi32>
        %gather3A_144 = tpu.vector_load_idx %arg9[%broadcast_in_dim3A_1, %add3A_143] : memref<2x3200xi32, #tpu.memory_space<vmem>>[vector<16xi32>, vector<16xi32>], vector<16xi32>,
        %gather3A_145 = tpu.vector_load_idx %arg9[%add3A_4, %add3A_143] : memref<2x3200xi32, #tpu.memory_space<vmem>>[vector<16xi32>, vector<16xi32>], vector<16xi32>,
        %gather3A_146 = tpu.vector_load_idx %arg8[%gather3A_144] : memref<100000xi32, #tpu.memory_space<vmem>>[vector<16xi32>], vector<16xi32>,
        %swap3A_147 = arith.constant 128 : index
        %swap3A_148 = tpu.vector_load %arg11[%swap3A_147] {strides = array<i32>} : memref<3200xi32, #tpu.memory_space<vmem>>, vector<16xi32>,
        tpu.vector_store %arg11[%swap3A_147], %gather3A_146 {strides = array<i32>} : memref<3200xi32, #tpu.memory_space<vmem>>, vector<16xi32>,
        %gather3A_149 = tpu.vector_load_idx %arg8[%gather3A_145] : memref<100000xi32, #tpu.memory_space<vmem>>[vector<16xi32>], vector<16xi32>,
        %swap3A_150 = arith.constant 128 : index
        %swap3A_151 = tpu.vector_load %arg12[%swap3A_150] {strides = array<i32>} : memref<3200xi32, #tpu.memory_space<vmem>>, vector<16xi32>,
        tpu.vector_store %arg12[%swap3A_150], %gather3A_149 {strides = array<i32>} : memref<3200xi32, #tpu.memory_space<vmem>>, vector<16xi32>,
        %add3A_152 = arith.constant 144 : i32
        %add3A_153 = vector.broadcast %add3A_152 : i32 to vector<16xi32>
        %add3A_154 = arith.addi %iota3A, %add3A_153 : vector<16xi32>
        %gather3A_155 = tpu.vector_load_idx %arg9[%broadcast_in_dim3A_1, %add3A_154] : memref<2x3200xi32, #tpu.memory_space<vmem>>[vector<16xi32>, vector<16xi32>], vector<16xi32>,
        %gather3A_156 = tpu.vector_load_idx %arg9[%add3A_4, %add3A_154] : memref<2x3200xi32, #tpu.memory_space<vmem>>[vector<16xi32>, vector<16xi32>], vector<16xi32>,
        %gather3A_157 = tpu.vector_load_idx %arg8[%gather3A_155] : memref<100000xi32, #tpu.memory_space<vmem>>[vector<16xi32>], vector<16xi32>,
        %swap3A_158 = arith.constant 144 : index
        %swap3A_159 = tpu.vector_load %arg11[%swap3A_158] {strides = array<i32>} : memref<3200xi32, #tpu.memory_space<vmem>>, vector<16xi32>,
        tpu.vector_store %arg11[%swap3A_158], %gather3A_157 {strides = array<i32>} : memref<3200xi32, #tpu.memory_space<vmem>>, vector<16xi32>,
        %gather3A_160 = tpu.vector_load_idx %arg8[%gather3A_156] : memref<100000xi32, #tpu.memory_space<vmem>>[vector<16xi32>], vector<16xi32>,
        %swap3A_161 = arith.constant 144 : index
        %swap3A_162 = tpu.vector_load %arg12[%swap3A_161] {strides = array<i32>} : memref<3200xi32, #tpu.memory_space<vmem>>, vector<16xi32>,
        tpu.vector_store %arg12[%swap3A_161], %gather3A_160 {strides = array<i32>} : memref<3200xi32, #tpu.memory_space<vmem>>, vector<16xi32>,
        %add3A_163 = arith.constant 160 : i32
        %add3A_164 = vector.broadcast %add3A_163 : i32 to vector<16xi32>
        %add3A_165 = arith.addi %iota3A, %add3A_164 : vector<16xi32>
        %gather3A_166 = tpu.vector_load_idx %arg9[%broadcast_in_dim3A_1, %add3A_165] : memref<2x3200xi32, #tpu.memory_space<vmem>>[vector<16xi32>, vector<16xi32>], vector<16xi32>,
        %gather3A_167 = tpu.vector_load_idx %arg9[%add3A_4, %add3A_165] : memref<2x3200xi32, #tpu.memory_space<vmem>>[vector<16xi32>, vector<16xi32>], vector<16xi32>,
        %gather3A_168 = tpu.vector_load_idx %arg8[%gather3A_166] : memref<100000xi32, #tpu.memory_space<vmem>>[vector<16xi32>], vector<16xi32>,
        %swap3A_169 = arith.constant 160 : index
        %swap3A_170 = tpu.vector_load %arg11[%swap3A_169] {strides = array<i32>} : memref<3200xi32, #tpu.memory_space<vmem>>, vector<16xi32>,
        tpu.vector_store %arg11[%swap3A_169], %gather3A_168 {strides = array<i32>} : memref<3200xi32, #tpu.memory_space<vmem>>, vector<16xi32>,
        %gather3A_171 = tpu.vector_load_idx %arg8[%gather3A_167] : memref<100000xi32, #tpu.memory_space<vmem>>[vector<16xi32>], vector<16xi32>,
        %swap3A_172 = arith.constant 160 : index
        %swap3A_173 = tpu.vector_load %arg12[%swap3A_172] {strides = array<i32>} : memref<3200xi32, #tpu.memory_space<vmem>>, vector<16xi32>,
        tpu.vector_store %arg12[%swap3A_172], %gather3A_171 {strides = array<i32>} : memref<3200xi32, #tpu.memory_space<vmem>>, vector<16xi32>,
        %add3A_174 = arith.constant 176 : i32
        %add3A_175 = vector.broadcast %add3A_174 : i32 to vector<16xi32>
        %add3A_176 = arith.addi %iota3A, %add3A_175 : vector<16xi32>
        %gather3A_177 = tpu.vector_load_idx %arg9[%broadcast_in_dim3A_1, %add3A_176] : memref<2x3200xi32, #tpu.memory_space<vmem>>[vector<16xi32>, vector<16xi32>], vector<16xi32>,
        %gather3A_178 = tpu.vector_load_idx %arg9[%add3A_4, %add3A_176] : memref<2x3200xi32, #tpu.memory_space<vmem>>[vector<16xi32>, vector<16xi32>], vector<16xi32>,
        %gather3A_179 = tpu.vector_load_idx %arg8[%gather3A_177] : memref<100000xi32, #tpu.memory_space<vmem>>[vector<16xi32>], vector<16xi32>,
        %swap3A_180 = arith.constant 176 : index
        %swap3A_181 = tpu.vector_load %arg11[%swap3A_180] {strides = array<i32>} : memref<3200xi32, #tpu.memory_space<vmem>>, vector<16xi32>,
        tpu.vector_store %arg11[%swap3A_180], %gather3A_179 {strides = array<i32>} : memref<3200xi32, #tpu.memory_space<vmem>>, vector<16xi32>,
        %gather3A_182 = tpu.vector_load_idx %arg8[%gather3A_178] : memref<100000xi32, #tpu.memory_space<vmem>>[vector<16xi32>], vector<16xi32>,
        %swap3A_183 = arith.constant 176 : index
        %swap3A_184 = tpu.vector_load %arg12[%swap3A_183] {strides = array<i32>} : memref<3200xi32, #tpu.memory_space<vmem>>, vector<16xi32>,
        tpu.vector_store %arg12[%swap3A_183], %gather3A_182 {strides = array<i32>} : memref<3200xi32, #tpu.memory_space<vmem>>, vector<16xi32>,
        %add3A_185 = arith.constant 192 : i32
        %add3A_186 = vector.broadcast %add3A_185 : i32 to vector<16xi32>
        %add3A_187 = arith.addi %iota3A, %add3A_186 : vector<16xi32>
        %gather3A_188 = tpu.vector_load_idx %arg9[%broadcast_in_dim3A_1, %add3A_187] : memref<2x3200xi32, #tpu.memory_space<vmem>>[vector<16xi32>, vector<16xi32>], vector<16xi32>,
        %gather3A_189 = tpu.vector_load_idx %arg9[%add3A_4, %add3A_187] : memref<2x3200xi32, #tpu.memory_space<vmem>>[vector<16xi32>, vector<16xi32>], vector<16xi32>,
        %gather3A_190 = tpu.vector_load_idx %arg8[%gather3A_188] : memref<100000xi32, #tpu.memory_space<vmem>>[vector<16xi32>], vector<16xi32>,
        %swap3A_191 = arith.constant 192 : index
        %swap3A_192 = tpu.vector_load %arg11[%swap3A_191] {strides = array<i32>} : memref<3200xi32, #tpu.memory_space<vmem>>, vector<16xi32>,
        tpu.vector_store %arg11[%swap3A_191], %gather3A_190 {strides = array<i32>} : memref<3200xi32, #tpu.memory_space<vmem>>, vector<16xi32>,
        %gather3A_193 = tpu.vector_load_idx %arg8[%gather3A_189] : memref<100000xi32, #tpu.memory_space<vmem>>[vector<16xi32>], vector<16xi32>,
        %swap3A_194 = arith.constant 192 : index
        %swap3A_195 = tpu.vector_load %arg12[%swap3A_194] {strides = array<i32>} : memref<3200xi32, #tpu.memory_space<vmem>>, vector<16xi32>,
        tpu.vector_store %arg12[%swap3A_194], %gather3A_193 {strides = array<i32>} : memref<3200xi32, #tpu.memory_space<vmem>>, vector<16xi32>,
        %add3A_196 = arith.constant 208 : i32
        %add3A_197 = vector.broadcast %add3A_196 : i32 to vector<16xi32>
        %add3A_198 = arith.addi %iota3A, %add3A_197 : vector<16xi32>
        %gather3A_199 = tpu.vector_load_idx %arg9[%broadcast_in_dim3A_1, %add3A_198] : memref<2x3200xi32, #tpu.memory_space<vmem>>[vector<16xi32>, vector<16xi32>], vector<16xi32>,
        %gather3A_200 = tpu.vector_load_idx %arg9[%add3A_4, %add3A_198] : memref<2x3200xi32, #tpu.memory_space<vmem>>[vector<16xi32>, vector<16xi32>], vector<16xi32>,
        %gather3A_201 = tpu.vector_load_idx %arg8[%gather3A_199] : memref<100000xi32, #tpu.memory_space<vmem>>[vector<16xi32>], vector<16xi32>,
        %swap3A_202 = arith.constant 208 : index
        %swap3A_203 = tpu.vector_load %arg11[%swap3A_202] {strides = array<i32>} : memref<3200xi32, #tpu.memory_space<vmem>>, vector<16xi32>,
        tpu.vector_store %arg11[%swap3A_202], %gather3A_201 {strides = array<i32>} : memref<3200xi32, #tpu.memory_space<vmem>>, vector<16xi32>,
        %gather3A_204 = tpu.vector_load_idx %arg8[%gather3A_200] : memref<100000xi32, #tpu.memory_space<vmem>>[vector<16xi32>], vector<16xi32>,
        %swap3A_205 = arith.constant 208 : index
        %swap3A_206 = tpu.vector_load %arg12[%swap3A_205] {strides = array<i32>} : memref<3200xi32, #tpu.memory_space<vmem>>, vector<16xi32>,
        tpu.vector_store %arg12[%swap3A_205], %gather3A_204 {strides = array<i32>} : memref<3200xi32, #tpu.memory_space<vmem>>, vector<16xi32>,
        %add3A_207 = arith.constant 224 : i32
        %add3A_208 = vector.broadcast %add3A_207 : i32 to vector<16xi32>
        %add3A_209 = arith.addi %iota3A, %add3A_208 : vector<16xi32>
        %gather3A_210 = tpu.vector_load_idx %arg9[%broadcast_in_dim3A_1, %add3A_209] : memref<2x3200xi32, #tpu.memory_space<vmem>>[vector<16xi32>, vector<16xi32>], vector<16xi32>,
        %gather3A_211 = tpu.vector_load_idx %arg9[%add3A_4, %add3A_209] : memref<2x3200xi32, #tpu.memory_space<vmem>>[vector<16xi32>, vector<16xi32>], vector<16xi32>,
        %gather3A_212 = tpu.vector_load_idx %arg8[%gather3A_210] : memref<100000xi32, #tpu.memory_space<vmem>>[vector<16xi32>], vector<16xi32>,
        %swap3A_213 = arith.constant 224 : index
        %swap3A_214 = tpu.vector_load %arg11[%swap3A_213] {strides = array<i32>} : memref<3200xi32, #tpu.memory_space<vmem>>, vector<16xi32>,
        tpu.vector_store %arg11[%swap3A_213], %gather3A_212 {strides = array<i32>} : memref<3200xi32, #tpu.memory_space<vmem>>, vector<16xi32>,
        %gather3A_215 = tpu.vector_load_idx %arg8[%gather3A_211] : memref<100000xi32, #tpu.memory_space<vmem>>[vector<16xi32>], vector<16xi32>,
        %swap3A_216 = arith.constant 224 : index
        %swap3A_217 = tpu.vector_load %arg12[%swap3A_216] {strides = array<i32>} : memref<3200xi32, #tpu.memory_space<vmem>>, vector<16xi32>,
        tpu.vector_store %arg12[%swap3A_216], %gather3A_215 {strides = array<i32>} : memref<3200xi32, #tpu.memory_space<vmem>>, vector<16xi32>,
        %add3A_218 = arith.constant 240 : i32
        %add3A_219 = vector.broadcast %add3A_218 : i32 to vector<16xi32>
        %add3A_220 = arith.addi %iota3A, %add3A_219 : vector<16xi32>
        %gather3A_221 = tpu.vector_load_idx %arg9[%broadcast_in_dim3A_1, %add3A_220] : memref<2x3200xi32, #tpu.memory_space<vmem>>[vector<16xi32>, vector<16xi32>], vector<16xi32>,
        %gather3A_222 = tpu.vector_load_idx %arg9[%add3A_4, %add3A_220] : memref<2x3200xi32, #tpu.memory_space<vmem>>[vector<16xi32>, vector<16xi32>], vector<16xi32>,
        %gather3A_223 = tpu.vector_load_idx %arg8[%gather3A_221] : memref<100000xi32, #tpu.memory_space<vmem>>[vector<16xi32>], vector<16xi32>,
        %swap3A_224 = arith.constant 240 : index
        %swap3A_225 = tpu.vector_load %arg11[%swap3A_224] {strides = array<i32>} : memref<3200xi32, #tpu.memory_space<vmem>>, vector<16xi32>,
        tpu.vector_store %arg11[%swap3A_224], %gather3A_223 {strides = array<i32>} : memref<3200xi32, #tpu.memory_space<vmem>>, vector<16xi32>,
        %gather3A_226 = tpu.vector_load_idx %arg8[%gather3A_222] : memref<100000xi32, #tpu.memory_space<vmem>>[vector<16xi32>], vector<16xi32>,
        %swap3A_227 = arith.constant 240 : index
        %swap3A_228 = tpu.vector_load %arg12[%swap3A_227] {strides = array<i32>} : memref<3200xi32, #tpu.memory_space<vmem>>, vector<16xi32>,
        tpu.vector_store %arg12[%swap3A_227], %gather3A_226 {strides = array<i32>} : memref<3200xi32, #tpu.memory_space<vmem>>, vector<16xi32>,
        %add3A_229 = arith.constant 256 : i32
        %add3A_230 = vector.broadcast %add3A_229 : i32 to vector<16xi32>
        %add3A_231 = arith.addi %iota3A, %add3A_230 : vector<16xi32>
        %gather3A_232 = tpu.vector_load_idx %arg9[%broadcast_in_dim3A_1, %add3A_231] : memref<2x3200xi32, #tpu.memory_space<vmem>>[vector<16xi32>, vector<16xi32>], vector<16xi32>,
        %gather3A_233 = tpu.vector_load_idx %arg9[%add3A_4, %add3A_231] : memref<2x3200xi32, #tpu.memory_space<vmem>>[vector<16xi32>, vector<16xi32>], vector<16xi32>,
        %gather3A_234 = tpu.vector_load_idx %arg8[%gather3A_232] : memref<100000xi32, #tpu.memory_space<vmem>>[vector<16xi32>], vector<16xi32>,
        %swap3A_235 = arith.constant 256 : index
        %swap3A_236 = tpu.vector_load %arg11[%swap3A_235] {strides = array<i32>} : memref<3200xi32, #tpu.memory_space<vmem>>, vector<16xi32>,
        tpu.vector_store %arg11[%swap3A_235], %gather3A_234 {strides = array<i32>} : memref<3200xi32, #tpu.memory_space<vmem>>, vector<16xi32>,
        %gather3A_237 = tpu.vector_load_idx %arg8[%gather3A_233] : memref<100000xi32, #tpu.memory_space<vmem>>[vector<16xi32>], vector<16xi32>,
        %swap3A_238 = arith.constant 256 : index
        %swap3A_239 = tpu.vector_load %arg12[%swap3A_238] {strides = array<i32>} : memref<3200xi32, #tpu.memory_space<vmem>>, vector<16xi32>,
        tpu.vector_store %arg12[%swap3A_238], %gather3A_237 {strides = array<i32>} : memref<3200xi32, #tpu.memory_space<vmem>>, vector<16xi32>,
        %add3A_240 = arith.constant 272 : i32
        %add3A_241 = vector.broadcast %add3A_240 : i32 to vector<16xi32>
        %add3A_242 = arith.addi %iota3A, %add3A_241 : vector<16xi32>
        %gather3A_243 = tpu.vector_load_idx %arg9[%broadcast_in_dim3A_1, %add3A_242] : memref<2x3200xi32, #tpu.memory_space<vmem>>[vector<16xi32>, vector<16xi32>], vector<16xi32>,
        %gather3A_244 = tpu.vector_load_idx %arg9[%add3A_4, %add3A_242] : memref<2x3200xi32, #tpu.memory_space<vmem>>[vector<16xi32>, vector<16xi32>], vector<16xi32>,
        %gather3A_245 = tpu.vector_load_idx %arg8[%gather3A_243] : memref<100000xi32, #tpu.memory_space<vmem>>[vector<16xi32>], vector<16xi32>,
        %swap3A_246 = arith.constant 272 : index
        %swap3A_247 = tpu.vector_load %arg11[%swap3A_246] {strides = array<i32>} : memref<3200xi32, #tpu.memory_space<vmem>>, vector<16xi32>,
        tpu.vector_store %arg11[%swap3A_246], %gather3A_245 {strides = array<i32>} : memref<3200xi32, #tpu.memory_space<vmem>>, vector<16xi32>,
        %gather3A_248 = tpu.vector_load_idx %arg8[%gather3A_244] : memref<100000xi32, #tpu.memory_space<vmem>>[vector<16xi32>], vector<16xi32>,
        %swap3A_249 = arith.constant 272 : index
        %swap3A_250 = tpu.vector_load %arg12[%swap3A_249] {strides = array<i32>} : memref<3200xi32, #tpu.memory_space<vmem>>, vector<16xi32>,
        tpu.vector_store %arg12[%swap3A_249], %gather3A_248 {strides = array<i32>} : memref<3200xi32, #tpu.memory_space<vmem>>, vector<16xi32>,
        %add3A_251 = arith.constant 288 : i32
        %add3A_252 = vector.broadcast %add3A_251 : i32 to vector<16xi32>
        %add3A_253 = arith.addi %iota3A, %add3A_252 : vector<16xi32>
        %gather3A_254 = tpu.vector_load_idx %arg9[%broadcast_in_dim3A_1, %add3A_253] : memref<2x3200xi32, #tpu.memory_space<vmem>>[vector<16xi32>, vector<16xi32>], vector<16xi32>,
        %gather3A_255 = tpu.vector_load_idx %arg9[%add3A_4, %add3A_253] : memref<2x3200xi32, #tpu.memory_space<vmem>>[vector<16xi32>, vector<16xi32>], vector<16xi32>,
        %gather3A_256 = tpu.vector_load_idx %arg8[%gather3A_254] : memref<100000xi32, #tpu.memory_space<vmem>>[vector<16xi32>], vector<16xi32>,
        %swap3A_257 = arith.constant 288 : index
        %swap3A_258 = tpu.vector_load %arg11[%swap3A_257] {strides = array<i32>} : memref<3200xi32, #tpu.memory_space<vmem>>, vector<16xi32>,
        tpu.vector_store %arg11[%swap3A_257], %gather3A_256 {strides = array<i32>} : memref<3200xi32, #tpu.memory_space<vmem>>, vector<16xi32>,
        %gather3A_259 = tpu.vector_load_idx %arg8[%gather3A_255] : memref<100000xi32, #tpu.memory_space<vmem>>[vector<16xi32>], vector<16xi32>,
        %swap3A_260 = arith.constant 288 : index
        %swap3A_261 = tpu.vector_load %arg12[%swap3A_260] {strides = array<i32>} : memref<3200xi32, #tpu.memory_space<vmem>>, vector<16xi32>,
        tpu.vector_store %arg12[%swap3A_260], %gather3A_259 {strides = array<i32>} : memref<3200xi32, #tpu.memory_space<vmem>>, vector<16xi32>,
        %add3A_262 = arith.constant 304 : i32
        %add3A_263 = vector.broadcast %add3A_262 : i32 to vector<16xi32>
        %add3A_264 = arith.addi %iota3A, %add3A_263 : vector<16xi32>
        %gather3A_265 = tpu.vector_load_idx %arg9[%broadcast_in_dim3A_1, %add3A_264] : memref<2x3200xi32, #tpu.memory_space<vmem>>[vector<16xi32>, vector<16xi32>], vector<16xi32>,
        %gather3A_266 = tpu.vector_load_idx %arg9[%add3A_4, %add3A_264] : memref<2x3200xi32, #tpu.memory_space<vmem>>[vector<16xi32>, vector<16xi32>], vector<16xi32>,
        %gather3A_267 = tpu.vector_load_idx %arg8[%gather3A_265] : memref<100000xi32, #tpu.memory_space<vmem>>[vector<16xi32>], vector<16xi32>,
        %swap3A_268 = arith.constant 304 : index
        %swap3A_269 = tpu.vector_load %arg11[%swap3A_268] {strides = array<i32>} : memref<3200xi32, #tpu.memory_space<vmem>>, vector<16xi32>,
        tpu.vector_store %arg11[%swap3A_268], %gather3A_267 {strides = array<i32>} : memref<3200xi32, #tpu.memory_space<vmem>>, vector<16xi32>,
        %gather3A_270 = tpu.vector_load_idx %arg8[%gather3A_266] : memref<100000xi32, #tpu.memory_space<vmem>>[vector<16xi32>], vector<16xi32>,
        %swap3A_271 = arith.constant 304 : index
        %swap3A_272 = tpu.vector_load %arg12[%swap3A_271] {strides = array<i32>} : memref<3200xi32, #tpu.memory_space<vmem>>, vector<16xi32>,
        tpu.vector_store %arg12[%swap3A_271], %gather3A_270 {strides = array<i32>} : memref<3200xi32, #tpu.memory_space<vmem>>, vector<16xi32>,
        %add3A_273 = arith.constant 320 : i32
        %add3A_274 = vector.broadcast %add3A_273 : i32 to vector<16xi32>
        %add3A_275 = arith.addi %iota3A, %add3A_274 : vector<16xi32>
        %gather3A_276 = tpu.vector_load_idx %arg9[%broadcast_in_dim3A_1, %add3A_275] : memref<2x3200xi32, #tpu.memory_space<vmem>>[vector<16xi32>, vector<16xi32>], vector<16xi32>,
        %gather3A_277 = tpu.vector_load_idx %arg9[%add3A_4, %add3A_275] : memref<2x3200xi32, #tpu.memory_space<vmem>>[vector<16xi32>, vector<16xi32>], vector<16xi32>,
        %gather3A_278 = tpu.vector_load_idx %arg8[%gather3A_276] : memref<100000xi32, #tpu.memory_space<vmem>>[vector<16xi32>], vector<16xi32>,
        %swap3A_279 = arith.constant 320 : index
        %swap3A_280 = tpu.vector_load %arg11[%swap3A_279] {strides = array<i32>} : memref<3200xi32, #tpu.memory_space<vmem>>, vector<16xi32>,
        tpu.vector_store %arg11[%swap3A_279], %gather3A_278 {strides = array<i32>} : memref<3200xi32, #tpu.memory_space<vmem>>, vector<16xi32>,
        %gather3A_281 = tpu.vector_load_idx %arg8[%gather3A_277] : memref<100000xi32, #tpu.memory_space<vmem>>[vector<16xi32>], vector<16xi32>,
        %swap3A_282 = arith.constant 320 : index
        %swap3A_283 = tpu.vector_load %arg12[%swap3A_282] {strides = array<i32>} : memref<3200xi32, #tpu.memory_space<vmem>>, vector<16xi32>,
        tpu.vector_store %arg12[%swap3A_282], %gather3A_281 {strides = array<i32>} : memref<3200xi32, #tpu.memory_space<vmem>>, vector<16xi32>,
        %add3A_284 = arith.constant 336 : i32
        %add3A_285 = vector.broadcast %add3A_284 : i32 to vector<16xi32>
        %add3A_286 = arith.addi %iota3A, %add3A_285 : vector<16xi32>
        %gather3A_287 = tpu.vector_load_idx %arg9[%broadcast_in_dim3A_1, %add3A_286] : memref<2x3200xi32, #tpu.memory_space<vmem>>[vector<16xi32>, vector<16xi32>], vector<16xi32>,
        %gather3A_288 = tpu.vector_load_idx %arg9[%add3A_4, %add3A_286] : memref<2x3200xi32, #tpu.memory_space<vmem>>[vector<16xi32>, vector<16xi32>], vector<16xi32>,
        %gather3A_289 = tpu.vector_load_idx %arg8[%gather3A_287] : memref<100000xi32, #tpu.memory_space<vmem>>[vector<16xi32>], vector<16xi32>,
        %swap3A_290 = arith.constant 336 : index
        %swap3A_291 = tpu.vector_load %arg11[%swap3A_290] {strides = array<i32>} : memref<3200xi32, #tpu.memory_space<vmem>>, vector<16xi32>,
        tpu.vector_store %arg11[%swap3A_290], %gather3A_289 {strides = array<i32>} : memref<3200xi32, #tpu.memory_space<vmem>>, vector<16xi32>,
        %gather3A_292 = tpu.vector_load_idx %arg8[%gather3A_288] : memref<100000xi32, #tpu.memory_space<vmem>>[vector<16xi32>], vector<16xi32>,
        %swap3A_293 = arith.constant 336 : index
        %swap3A_294 = tpu.vector_load %arg12[%swap3A_293] {strides = array<i32>} : memref<3200xi32, #tpu.memory_space<vmem>>, vector<16xi32>,
        tpu.vector_store %arg12[%swap3A_293], %gather3A_292 {strides = array<i32>} : memref<3200xi32, #tpu.memory_space<vmem>>, vector<16xi32>,
        %add3A_295 = arith.constant 352 : i32
        %add3A_296 = vector.broadcast %add3A_295 : i32 to vector<16xi32>
        %add3A_297 = arith.addi %iota3A, %add3A_296 : vector<16xi32>
        %gather3A_298 = tpu.vector_load_idx %arg9[%broadcast_in_dim3A_1, %add3A_297] : memref<2x3200xi32, #tpu.memory_space<vmem>>[vector<16xi32>, vector<16xi32>], vector<16xi32>,
        %gather3A_299 = tpu.vector_load_idx %arg9[%add3A_4, %add3A_297] : memref<2x3200xi32, #tpu.memory_space<vmem>>[vector<16xi32>, vector<16xi32>], vector<16xi32>,
        %gather3A_300 = tpu.vector_load_idx %arg8[%gather3A_298] : memref<100000xi32, #tpu.memory_space<vmem>>[vector<16xi32>], vector<16xi32>,
        %swap3A_301 = arith.constant 352 : index
        %swap3A_302 = tpu.vector_load %arg11[%swap3A_301] {strides = array<i32>} : memref<3200xi32, #tpu.memory_space<vmem>>, vector<16xi32>,
        tpu.vector_store %arg11[%swap3A_301], %gather3A_300 {strides = array<i32>} : memref<3200xi32, #tpu.memory_space<vmem>>, vector<16xi32>,
        %gather3A_303 = tpu.vector_load_idx %arg8[%gather3A_299] : memref<100000xi32, #tpu.memory_space<vmem>>[vector<16xi32>], vector<16xi32>,
        %swap3A_304 = arith.constant 352 : index
        %swap3A_305 = tpu.vector_load %arg12[%swap3A_304] {strides = array<i32>} : memref<3200xi32, #tpu.memory_space<vmem>>, vector<16xi32>,
        tpu.vector_store %arg12[%swap3A_304], %gather3A_303 {strides = array<i32>} : memref<3200xi32, #tpu.memory_space<vmem>>, vector<16xi32>,
        %add3A_306 = arith.constant 368 : i32
        %add3A_307 = vector.broadcast %add3A_306 : i32 to vector<16xi32>
        %add3A_308 = arith.addi %iota3A, %add3A_307 : vector<16xi32>
        %gather3A_309 = tpu.vector_load_idx %arg9[%broadcast_in_dim3A_1, %add3A_308] : memref<2x3200xi32, #tpu.memory_space<vmem>>[vector<16xi32>, vector<16xi32>], vector<16xi32>,
        %gather3A_310 = tpu.vector_load_idx %arg9[%add3A_4, %add3A_308] : memref<2x3200xi32, #tpu.memory_space<vmem>>[vector<16xi32>, vector<16xi32>], vector<16xi32>,
        %gather3A_311 = tpu.vector_load_idx %arg8[%gather3A_309] : memref<100000xi32, #tpu.memory_space<vmem>>[vector<16xi32>], vector<16xi32>,
        %swap3A_312 = arith.constant 368 : index
        %swap3A_313 = tpu.vector_load %arg11[%swap3A_312] {strides = array<i32>} : memref<3200xi32, #tpu.memory_space<vmem>>, vector<16xi32>,
        tpu.vector_store %arg11[%swap3A_312], %gather3A_311 {strides = array<i32>} : memref<3200xi32, #tpu.memory_space<vmem>>, vector<16xi32>,
        %gather3A_314 = tpu.vector_load_idx %arg8[%gather3A_310] : memref<100000xi32, #tpu.memory_space<vmem>>[vector<16xi32>], vector<16xi32>,
        %swap3A_315 = arith.constant 368 : index
        %swap3A_316 = tpu.vector_load %arg12[%swap3A_315] {strides = array<i32>} : memref<3200xi32, #tpu.memory_space<vmem>>, vector<16xi32>,
        tpu.vector_store %arg12[%swap3A_315], %gather3A_314 {strides = array<i32>} : memref<3200xi32, #tpu.memory_space<vmem>>, vector<16xi32>,
        %add3A_317 = arith.constant 384 : i32
        %add3A_318 = vector.broadcast %add3A_317 : i32 to vector<16xi32>
        %add3A_319 = arith.addi %iota3A, %add3A_318 : vector<16xi32>
        %gather3A_320 = tpu.vector_load_idx %arg9[%broadcast_in_dim3A_1, %add3A_319] : memref<2x3200xi32, #tpu.memory_space<vmem>>[vector<16xi32>, vector<16xi32>], vector<16xi32>,
        %gather3A_321 = tpu.vector_load_idx %arg9[%add3A_4, %add3A_319] : memref<2x3200xi32, #tpu.memory_space<vmem>>[vector<16xi32>, vector<16xi32>], vector<16xi32>,
        %gather3A_322 = tpu.vector_load_idx %arg8[%gather3A_320] : memref<100000xi32, #tpu.memory_space<vmem>>[vector<16xi32>], vector<16xi32>,
        %swap3A_323 = arith.constant 384 : index
        %swap3A_324 = tpu.vector_load %arg11[%swap3A_323] {strides = array<i32>} : memref<3200xi32, #tpu.memory_space<vmem>>, vector<16xi32>,
        tpu.vector_store %arg11[%swap3A_323], %gather3A_322 {strides = array<i32>} : memref<3200xi32, #tpu.memory_space<vmem>>, vector<16xi32>,
        %gather3A_325 = tpu.vector_load_idx %arg8[%gather3A_321] : memref<100000xi32, #tpu.memory_space<vmem>>[vector<16xi32>], vector<16xi32>,
        %swap3A_326 = arith.constant 384 : index
        %swap3A_327 = tpu.vector_load %arg12[%swap3A_326] {strides = array<i32>} : memref<3200xi32, #tpu.memory_space<vmem>>, vector<16xi32>,
        tpu.vector_store %arg12[%swap3A_326], %gather3A_325 {strides = array<i32>} : memref<3200xi32, #tpu.memory_space<vmem>>, vector<16xi32>,
        %add3A_328 = arith.constant 400 : i32
        %add3A_329 = vector.broadcast %add3A_328 : i32 to vector<16xi32>
        %add3A_330 = arith.addi %iota3A, %add3A_329 : vector<16xi32>
        %gather3A_331 = tpu.vector_load_idx %arg9[%broadcast_in_dim3A_1, %add3A_330] : memref<2x3200xi32, #tpu.memory_space<vmem>>[vector<16xi32>, vector<16xi32>], vector<16xi32>,
        %gather3A_332 = tpu.vector_load_idx %arg9[%add3A_4, %add3A_330] : memref<2x3200xi32, #tpu.memory_space<vmem>>[vector<16xi32>, vector<16xi32>], vector<16xi32>,
        %gather3A_333 = tpu.vector_load_idx %arg8[%gather3A_331] : memref<100000xi32, #tpu.memory_space<vmem>>[vector<16xi32>], vector<16xi32>,
        %swap3A_334 = arith.constant 400 : index
        %swap3A_335 = tpu.vector_load %arg11[%swap3A_334] {strides = array<i32>} : memref<3200xi32, #tpu.memory_space<vmem>>, vector<16xi32>,
        tpu.vector_store %arg11[%swap3A_334], %gather3A_333 {strides = array<i32>} : memref<3200xi32, #tpu.memory_space<vmem>>, vector<16xi32>,
        %gather3A_336 = tpu.vector_load_idx %arg8[%gather3A_332] : memref<100000xi32, #tpu.memory_space<vmem>>[vector<16xi32>], vector<16xi32>,
        %swap3A_337 = arith.constant 400 : index
        %swap3A_338 = tpu.vector_load %arg12[%swap3A_337] {strides = array<i32>} : memref<3200xi32, #tpu.memory_space<vmem>>, vector<16xi32>,
        tpu.vector_store %arg12[%swap3A_337], %gather3A_336 {strides = array<i32>} : memref<3200xi32, #tpu.memory_space<vmem>>, vector<16xi32>,
        %add3A_339 = arith.constant 416 : i32
        %add3A_340 = vector.broadcast %add3A_339 : i32 to vector<16xi32>
        %add3A_341 = arith.addi %iota3A, %add3A_340 : vector<16xi32>
        %gather3A_342 = tpu.vector_load_idx %arg9[%broadcast_in_dim3A_1, %add3A_341] : memref<2x3200xi32, #tpu.memory_space<vmem>>[vector<16xi32>, vector<16xi32>], vector<16xi32>,
        %gather3A_343 = tpu.vector_load_idx %arg9[%add3A_4, %add3A_341] : memref<2x3200xi32, #tpu.memory_space<vmem>>[vector<16xi32>, vector<16xi32>], vector<16xi32>,
        %gather3A_344 = tpu.vector_load_idx %arg8[%gather3A_342] : memref<100000xi32, #tpu.memory_space<vmem>>[vector<16xi32>], vector<16xi32>,
        %swap3A_345 = arith.constant 416 : index
        %swap3A_346 = tpu.vector_load %arg11[%swap3A_345] {strides = array<i32>} : memref<3200xi32, #tpu.memory_space<vmem>>, vector<16xi32>,
        tpu.vector_store %arg11[%swap3A_345], %gather3A_344 {strides = array<i32>} : memref<3200xi32, #tpu.memory_space<vmem>>, vector<16xi32>,
        %gather3A_347 = tpu.vector_load_idx %arg8[%gather3A_343] : memref<100000xi32, #tpu.memory_space<vmem>>[vector<16xi32>], vector<16xi32>,
        %swap3A_348 = arith.constant 416 : index
        %swap3A_349 = tpu.vector_load %arg12[%swap3A_348] {strides = array<i32>} : memref<3200xi32, #tpu.memory_space<vmem>>, vector<16xi32>,
        tpu.vector_store %arg12[%swap3A_348], %gather3A_347 {strides = array<i32>} : memref<3200xi32, #tpu.memory_space<vmem>>, vector<16xi32>,
        %add3A_350 = arith.constant 432 : i32
        %add3A_351 = vector.broadcast %add3A_350 : i32 to vector<16xi32>
        %add3A_352 = arith.addi %iota3A, %add3A_351 : vector<16xi32>
        %gather3A_353 = tpu.vector_load_idx %arg9[%broadcast_in_dim3A_1, %add3A_352] : memref<2x3200xi32, #tpu.memory_space<vmem>>[vector<16xi32>, vector<16xi32>], vector<16xi32>,
        %gather3A_354 = tpu.vector_load_idx %arg9[%add3A_4, %add3A_352] : memref<2x3200xi32, #tpu.memory_space<vmem>>[vector<16xi32>, vector<16xi32>], vector<16xi32>,
        %gather3A_355 = tpu.vector_load_idx %arg8[%gather3A_353] : memref<100000xi32, #tpu.memory_space<vmem>>[vector<16xi32>], vector<16xi32>,
        %swap3A_356 = arith.constant 432 : index
        %swap3A_357 = tpu.vector_load %arg11[%swap3A_356] {strides = array<i32>} : memref<3200xi32, #tpu.memory_space<vmem>>, vector<16xi32>,
        tpu.vector_store %arg11[%swap3A_356], %gather3A_355 {strides = array<i32>} : memref<3200xi32, #tpu.memory_space<vmem>>, vector<16xi32>,
        %gather3A_358 = tpu.vector_load_idx %arg8[%gather3A_354] : memref<100000xi32, #tpu.memory_space<vmem>>[vector<16xi32>], vector<16xi32>,
        %swap3A_359 = arith.constant 432 : index
        %swap3A_360 = tpu.vector_load %arg12[%swap3A_359] {strides = array<i32>} : memref<3200xi32, #tpu.memory_space<vmem>>, vector<16xi32>,
        tpu.vector_store %arg12[%swap3A_359], %gather3A_358 {strides = array<i32>} : memref<3200xi32, #tpu.memory_space<vmem>>, vector<16xi32>,
        %add3A_361 = arith.constant 448 : i32
        %add3A_362 = vector.broadcast %add3A_361 : i32 to vector<16xi32>
        %add3A_363 = arith.addi %iota3A, %add3A_362 : vector<16xi32>
        %gather3A_364 = tpu.vector_load_idx %arg9[%broadcast_in_dim3A_1, %add3A_363] : memref<2x3200xi32, #tpu.memory_space<vmem>>[vector<16xi32>, vector<16xi32>], vector<16xi32>,
        %gather3A_365 = tpu.vector_load_idx %arg9[%add3A_4, %add3A_363] : memref<2x3200xi32, #tpu.memory_space<vmem>>[vector<16xi32>, vector<16xi32>], vector<16xi32>,
        %gather3A_366 = tpu.vector_load_idx %arg8[%gather3A_364] : memref<100000xi32, #tpu.memory_space<vmem>>[vector<16xi32>], vector<16xi32>,
        %swap3A_367 = arith.constant 448 : index
        %swap3A_368 = tpu.vector_load %arg11[%swap3A_367] {strides = array<i32>} : memref<3200xi32, #tpu.memory_space<vmem>>, vector<16xi32>,
        tpu.vector_store %arg11[%swap3A_367], %gather3A_366 {strides = array<i32>} : memref<3200xi32, #tpu.memory_space<vmem>>, vector<16xi32>,
        %gather3A_369 = tpu.vector_load_idx %arg8[%gather3A_365] : memref<100000xi32, #tpu.memory_space<vmem>>[vector<16xi32>], vector<16xi32>,
        %swap3A_370 = arith.constant 448 : index
        %swap3A_371 = tpu.vector_load %arg12[%swap3A_370] {strides = array<i32>} : memref<3200xi32, #tpu.memory_space<vmem>>, vector<16xi32>,
        tpu.vector_store %arg12[%swap3A_370], %gather3A_369 {strides = array<i32>} : memref<3200xi32, #tpu.memory_space<vmem>>, vector<16xi32>,
        %add3A_372 = arith.constant 464 : i32
        %add3A_373 = vector.broadcast %add3A_372 : i32 to vector<16xi32>
        %add3A_374 = arith.addi %iota3A, %add3A_373 : vector<16xi32>
        %gather3A_375 = tpu.vector_load_idx %arg9[%broadcast_in_dim3A_1, %add3A_374] : memref<2x3200xi32, #tpu.memory_space<vmem>>[vector<16xi32>, vector<16xi32>], vector<16xi32>,
        %gather3A_376 = tpu.vector_load_idx %arg9[%add3A_4, %add3A_374] : memref<2x3200xi32, #tpu.memory_space<vmem>>[vector<16xi32>, vector<16xi32>], vector<16xi32>,
        %gather3A_377 = tpu.vector_load_idx %arg8[%gather3A_375] : memref<100000xi32, #tpu.memory_space<vmem>>[vector<16xi32>], vector<16xi32>,
        %swap3A_378 = arith.constant 464 : index
        %swap3A_379 = tpu.vector_load %arg11[%swap3A_378] {strides = array<i32>} : memref<3200xi32, #tpu.memory_space<vmem>>, vector<16xi32>,
        tpu.vector_store %arg11[%swap3A_378], %gather3A_377 {strides = array<i32>} : memref<3200xi32, #tpu.memory_space<vmem>>, vector<16xi32>,
        %gather3A_380 = tpu.vector_load_idx %arg8[%gather3A_376] : memref<100000xi32, #tpu.memory_space<vmem>>[vector<16xi32>], vector<16xi32>,
        %swap3A_381 = arith.constant 464 : index
        %swap3A_382 = tpu.vector_load %arg12[%swap3A_381] {strides = array<i32>} : memref<3200xi32, #tpu.memory_space<vmem>>, vector<16xi32>,
        tpu.vector_store %arg12[%swap3A_381], %gather3A_380 {strides = array<i32>} : memref<3200xi32, #tpu.memory_space<vmem>>, vector<16xi32>,
        %add3A_383 = arith.constant 480 : i32
        %add3A_384 = vector.broadcast %add3A_383 : i32 to vector<16xi32>
        %add3A_385 = arith.addi %iota3A, %add3A_384 : vector<16xi32>
        %gather3A_386 = tpu.vector_load_idx %arg9[%broadcast_in_dim3A_1, %add3A_385] : memref<2x3200xi32, #tpu.memory_space<vmem>>[vector<16xi32>, vector<16xi32>], vector<16xi32>,
        %gather3A_387 = tpu.vector_load_idx %arg9[%add3A_4, %add3A_385] : memref<2x3200xi32, #tpu.memory_space<vmem>>[vector<16xi32>, vector<16xi32>], vector<16xi32>,
        %gather3A_388 = tpu.vector_load_idx %arg8[%gather3A_386] : memref<100000xi32, #tpu.memory_space<vmem>>[vector<16xi32>], vector<16xi32>,
        %swap3A_389 = arith.constant 480 : index
        %swap3A_390 = tpu.vector_load %arg11[%swap3A_389] {strides = array<i32>} : memref<3200xi32, #tpu.memory_space<vmem>>, vector<16xi32>,
        tpu.vector_store %arg11[%swap3A_389], %gather3A_388 {strides = array<i32>} : memref<3200xi32, #tpu.memory_space<vmem>>, vector<16xi32>,
        %gather3A_391 = tpu.vector_load_idx %arg8[%gather3A_387] : memref<100000xi32, #tpu.memory_space<vmem>>[vector<16xi32>], vector<16xi32>,
        %swap3A_392 = arith.constant 480 : index
        %swap3A_393 = tpu.vector_load %arg12[%swap3A_392] {strides = array<i32>} : memref<3200xi32, #tpu.memory_space<vmem>>, vector<16xi32>,
        tpu.vector_store %arg12[%swap3A_392], %gather3A_391 {strides = array<i32>} : memref<3200xi32, #tpu.memory_space<vmem>>, vector<16xi32>,
        %add3A_394 = arith.constant 496 : i32
        %add3A_395 = vector.broadcast %add3A_394 : i32 to vector<16xi32>
        %add3A_396 = arith.addi %iota3A, %add3A_395 : vector<16xi32>
        %gather3A_397 = tpu.vector_load_idx %arg9[%broadcast_in_dim3A_1, %add3A_396] : memref<2x3200xi32, #tpu.memory_space<vmem>>[vector<16xi32>, vector<16xi32>], vector<16xi32>,
        %gather3A_398 = tpu.vector_load_idx %arg9[%add3A_4, %add3A_396] : memref<2x3200xi32, #tpu.memory_space<vmem>>[vector<16xi32>, vector<16xi32>], vector<16xi32>,
        %gather3A_399 = tpu.vector_load_idx %arg8[%gather3A_397] : memref<100000xi32, #tpu.memory_space<vmem>>[vector<16xi32>], vector<16xi32>,
        %swap3A_400 = arith.constant 496 : index
        %swap3A_401 = tpu.vector_load %arg11[%swap3A_400] {strides = array<i32>} : memref<3200xi32, #tpu.memory_space<vmem>>, vector<16xi32>,
        tpu.vector_store %arg11[%swap3A_400], %gather3A_399 {strides = array<i32>} : memref<3200xi32, #tpu.memory_space<vmem>>, vector<16xi32>,
        %gather3A_402 = tpu.vector_load_idx %arg8[%gather3A_398] : memref<100000xi32, #tpu.memory_space<vmem>>[vector<16xi32>], vector<16xi32>,
        %swap3A_403 = arith.constant 496 : index
        %swap3A_404 = tpu.vector_load %arg12[%swap3A_403] {strides = array<i32>} : memref<3200xi32, #tpu.memory_space<vmem>>, vector<16xi32>,
        tpu.vector_store %arg12[%swap3A_403], %gather3A_402 {strides = array<i32>} : memref<3200xi32, #tpu.memory_space<vmem>>, vector<16xi32>,
        %add3A_405 = arith.constant 512 : i32
        %add3A_406 = vector.broadcast %add3A_405 : i32 to vector<16xi32>
        %add3A_407 = arith.addi %iota3A, %add3A_406 : vector<16xi32>
        %gather3A_408 = tpu.vector_load_idx %arg9[%broadcast_in_dim3A_1, %add3A_407] : memref<2x3200xi32, #tpu.memory_space<vmem>>[vector<16xi32>, vector<16xi32>], vector<16xi32>,
        %gather3A_409 = tpu.vector_load_idx %arg9[%add3A_4, %add3A_407] : memref<2x3200xi32, #tpu.memory_space<vmem>>[vector<16xi32>, vector<16xi32>], vector<16xi32>,
        %gather3A_410 = tpu.vector_load_idx %arg8[%gather3A_408] : memref<100000xi32, #tpu.memory_space<vmem>>[vector<16xi32>], vector<16xi32>,
        %swap3A_411 = arith.constant 512 : index
        %swap3A_412 = tpu.vector_load %arg11[%swap3A_411] {strides = array<i32>} : memref<3200xi32, #tpu.memory_space<vmem>>, vector<16xi32>,
        tpu.vector_store %arg11[%swap3A_411], %gather3A_410 {strides = array<i32>} : memref<3200xi32, #tpu.memory_space<vmem>>, vector<16xi32>,
        %gather3A_413 = tpu.vector_load_idx %arg8[%gather3A_409] : memref<100000xi32, #tpu.memory_space<vmem>>[vector<16xi32>], vector<16xi32>,
        %swap3A_414 = arith.constant 512 : index
        %swap3A_415 = tpu.vector_load %arg12[%swap3A_414] {strides = array<i32>} : memref<3200xi32, #tpu.memory_space<vmem>>, vector<16xi32>,
        tpu.vector_store %arg12[%swap3A_414], %gather3A_413 {strides = array<i32>} : memref<3200xi32, #tpu.memory_space<vmem>>, vector<16xi32>,
        %add3A_416 = arith.constant 528 : i32
        %add3A_417 = vector.broadcast %add3A_416 : i32 to vector<16xi32>
        %add3A_418 = arith.addi %iota3A, %add3A_417 : vector<16xi32>
        %gather3A_419 = tpu.vector_load_idx %arg9[%broadcast_in_dim3A_1, %add3A_418] : memref<2x3200xi32, #tpu.memory_space<vmem>>[vector<16xi32>, vector<16xi32>], vector<16xi32>,
        %gather3A_420 = tpu.vector_load_idx %arg9[%add3A_4, %add3A_418] : memref<2x3200xi32, #tpu.memory_space<vmem>>[vector<16xi32>, vector<16xi32>], vector<16xi32>,
        %gather3A_421 = tpu.vector_load_idx %arg8[%gather3A_419] : memref<100000xi32, #tpu.memory_space<vmem>>[vector<16xi32>], vector<16xi32>,
        %swap3A_422 = arith.constant 528 : index
        %swap3A_423 = tpu.vector_load %arg11[%swap3A_422] {strides = array<i32>} : memref<3200xi32, #tpu.memory_space<vmem>>, vector<16xi32>,
        tpu.vector_store %arg11[%swap3A_422], %gather3A_421 {strides = array<i32>} : memref<3200xi32, #tpu.memory_space<vmem>>, vector<16xi32>,
        %gather3A_424 = tpu.vector_load_idx %arg8[%gather3A_420] : memref<100000xi32, #tpu.memory_space<vmem>>[vector<16xi32>], vector<16xi32>,
        %swap3A_425 = arith.constant 528 : index
        %swap3A_426 = tpu.vector_load %arg12[%swap3A_425] {strides = array<i32>} : memref<3200xi32, #tpu.memory_space<vmem>>, vector<16xi32>,
        tpu.vector_store %arg12[%swap3A_425], %gather3A_424 {strides = array<i32>} : memref<3200xi32, #tpu.memory_space<vmem>>, vector<16xi32>,
        %add3A_427 = arith.constant 544 : i32
        %add3A_428 = vector.broadcast %add3A_427 : i32 to vector<16xi32>
        %add3A_429 = arith.addi %iota3A, %add3A_428 : vector<16xi32>
        %gather3A_430 = tpu.vector_load_idx %arg9[%broadcast_in_dim3A_1, %add3A_429] : memref<2x3200xi32, #tpu.memory_space<vmem>>[vector<16xi32>, vector<16xi32>], vector<16xi32>,
        %gather3A_431 = tpu.vector_load_idx %arg9[%add3A_4, %add3A_429] : memref<2x3200xi32, #tpu.memory_space<vmem>>[vector<16xi32>, vector<16xi32>], vector<16xi32>,
        %gather3A_432 = tpu.vector_load_idx %arg8[%gather3A_430] : memref<100000xi32, #tpu.memory_space<vmem>>[vector<16xi32>], vector<16xi32>,
        %swap3A_433 = arith.constant 544 : index
        %swap3A_434 = tpu.vector_load %arg11[%swap3A_433] {strides = array<i32>} : memref<3200xi32, #tpu.memory_space<vmem>>, vector<16xi32>,
        tpu.vector_store %arg11[%swap3A_433], %gather3A_432 {strides = array<i32>} : memref<3200xi32, #tpu.memory_space<vmem>>, vector<16xi32>,
        %gather3A_435 = tpu.vector_load_idx %arg8[%gather3A_431] : memref<100000xi32, #tpu.memory_space<vmem>>[vector<16xi32>], vector<16xi32>,
        %swap3A_436 = arith.constant 544 : index
        %swap3A_437 = tpu.vector_load %arg12[%swap3A_436] {strides = array<i32>} : memref<3200xi32, #tpu.memory_space<vmem>>, vector<16xi32>,
        tpu.vector_store %arg12[%swap3A_436], %gather3A_435 {strides = array<i32>} : memref<3200xi32, #tpu.memory_space<vmem>>, vector<16xi32>,
        %add3A_438 = arith.constant 560 : i32
        %add3A_439 = vector.broadcast %add3A_438 : i32 to vector<16xi32>
        %add3A_440 = arith.addi %iota3A, %add3A_439 : vector<16xi32>
        %gather3A_441 = tpu.vector_load_idx %arg9[%broadcast_in_dim3A_1, %add3A_440] : memref<2x3200xi32, #tpu.memory_space<vmem>>[vector<16xi32>, vector<16xi32>], vector<16xi32>,
        %gather3A_442 = tpu.vector_load_idx %arg9[%add3A_4, %add3A_440] : memref<2x3200xi32, #tpu.memory_space<vmem>>[vector<16xi32>, vector<16xi32>], vector<16xi32>,
        %gather3A_443 = tpu.vector_load_idx %arg8[%gather3A_441] : memref<100000xi32, #tpu.memory_space<vmem>>[vector<16xi32>], vector<16xi32>,
        %swap3A_444 = arith.constant 560 : index
        %swap3A_445 = tpu.vector_load %arg11[%swap3A_444] {strides = array<i32>} : memref<3200xi32, #tpu.memory_space<vmem>>, vector<16xi32>,
        tpu.vector_store %arg11[%swap3A_444], %gather3A_443 {strides = array<i32>} : memref<3200xi32, #tpu.memory_space<vmem>>, vector<16xi32>,
        %gather3A_446 = tpu.vector_load_idx %arg8[%gather3A_442] : memref<100000xi32, #tpu.memory_space<vmem>>[vector<16xi32>], vector<16xi32>,
        %swap3A_447 = arith.constant 560 : index
        %swap3A_448 = tpu.vector_load %arg12[%swap3A_447] {strides = array<i32>} : memref<3200xi32, #tpu.memory_space<vmem>>, vector<16xi32>,
        tpu.vector_store %arg12[%swap3A_447], %gather3A_446 {strides = array<i32>} : memref<3200xi32, #tpu.memory_space<vmem>>, vector<16xi32>,
        %add3A_449 = arith.constant 576 : i32
        %add3A_450 = vector.broadcast %add3A_449 : i32 to vector<16xi32>
        %add3A_451 = arith.addi %iota3A, %add3A_450 : vector<16xi32>
        %gather3A_452 = tpu.vector_load_idx %arg9[%broadcast_in_dim3A_1, %add3A_451] : memref<2x3200xi32, #tpu.memory_space<vmem>>[vector<16xi32>, vector<16xi32>], vector<16xi32>,
        %gather3A_453 = tpu.vector_load_idx %arg9[%add3A_4, %add3A_451] : memref<2x3200xi32, #tpu.memory_space<vmem>>[vector<16xi32>, vector<16xi32>], vector<16xi32>,
        %gather3A_454 = tpu.vector_load_idx %arg8[%gather3A_452] : memref<100000xi32, #tpu.memory_space<vmem>>[vector<16xi32>], vector<16xi32>,
        %swap3A_455 = arith.constant 576 : index
        %swap3A_456 = tpu.vector_load %arg11[%swap3A_455] {strides = array<i32>} : memref<3200xi32, #tpu.memory_space<vmem>>, vector<16xi32>,
        tpu.vector_store %arg11[%swap3A_455], %gather3A_454 {strides = array<i32>} : memref<3200xi32, #tpu.memory_space<vmem>>, vector<16xi32>,
        %gather3A_457 = tpu.vector_load_idx %arg8[%gather3A_453] : memref<100000xi32, #tpu.memory_space<vmem>>[vector<16xi32>], vector<16xi32>,
        %swap3A_458 = arith.constant 576 : index
        %swap3A_459 = tpu.vector_load %arg12[%swap3A_458] {strides = array<i32>} : memref<3200xi32, #tpu.memory_space<vmem>>, vector<16xi32>,
        tpu.vector_store %arg12[%swap3A_458], %gather3A_457 {strides = array<i32>} : memref<3200xi32, #tpu.memory_space<vmem>>, vector<16xi32>,
        %add3A_460 = arith.constant 592 : i32
        %add3A_461 = vector.broadcast %add3A_460 : i32 to vector<16xi32>
        %add3A_462 = arith.addi %iota3A, %add3A_461 : vector<16xi32>
        %gather3A_463 = tpu.vector_load_idx %arg9[%broadcast_in_dim3A_1, %add3A_462] : memref<2x3200xi32, #tpu.memory_space<vmem>>[vector<16xi32>, vector<16xi32>], vector<16xi32>,
        %gather3A_464 = tpu.vector_load_idx %arg9[%add3A_4, %add3A_462] : memref<2x3200xi32, #tpu.memory_space<vmem>>[vector<16xi32>, vector<16xi32>], vector<16xi32>,
        %gather3A_465 = tpu.vector_load_idx %arg8[%gather3A_463] : memref<100000xi32, #tpu.memory_space<vmem>>[vector<16xi32>], vector<16xi32>,
        %swap3A_466 = arith.constant 592 : index
        %swap3A_467 = tpu.vector_load %arg11[%swap3A_466] {strides = array<i32>} : memref<3200xi32, #tpu.memory_space<vmem>>, vector<16xi32>,
        tpu.vector_store %arg11[%swap3A_466], %gather3A_465 {strides = array<i32>} : memref<3200xi32, #tpu.memory_space<vmem>>, vector<16xi32>,
        %gather3A_468 = tpu.vector_load_idx %arg8[%gather3A_464] : memref<100000xi32, #tpu.memory_space<vmem>>[vector<16xi32>], vector<16xi32>,
        %swap3A_469 = arith.constant 592 : index
        %swap3A_470 = tpu.vector_load %arg12[%swap3A_469] {strides = array<i32>} : memref<3200xi32, #tpu.memory_space<vmem>>, vector<16xi32>,
        tpu.vector_store %arg12[%swap3A_469], %gather3A_468 {strides = array<i32>} : memref<3200xi32, #tpu.memory_space<vmem>>, vector<16xi32>,
        %add3A_471 = arith.constant 608 : i32
        %add3A_472 = vector.broadcast %add3A_471 : i32 to vector<16xi32>
        %add3A_473 = arith.addi %iota3A, %add3A_472 : vector<16xi32>
        %gather3A_474 = tpu.vector_load_idx %arg9[%broadcast_in_dim3A_1, %add3A_473] : memref<2x3200xi32, #tpu.memory_space<vmem>>[vector<16xi32>, vector<16xi32>], vector<16xi32>,
        %gather3A_475 = tpu.vector_load_idx %arg9[%add3A_4, %add3A_473] : memref<2x3200xi32, #tpu.memory_space<vmem>>[vector<16xi32>, vector<16xi32>], vector<16xi32>,
        %gather3A_476 = tpu.vector_load_idx %arg8[%gather3A_474] : memref<100000xi32, #tpu.memory_space<vmem>>[vector<16xi32>], vector<16xi32>,
        %swap3A_477 = arith.constant 608 : index
        %swap3A_478 = tpu.vector_load %arg11[%swap3A_477] {strides = array<i32>} : memref<3200xi32, #tpu.memory_space<vmem>>, vector<16xi32>,
        tpu.vector_store %arg11[%swap3A_477], %gather3A_476 {strides = array<i32>} : memref<3200xi32, #tpu.memory_space<vmem>>, vector<16xi32>,
        %gather3A_479 = tpu.vector_load_idx %arg8[%gather3A_475] : memref<100000xi32, #tpu.memory_space<vmem>>[vector<16xi32>], vector<16xi32>,
        %swap3A_480 = arith.constant 608 : index
        %swap3A_481 = tpu.vector_load %arg12[%swap3A_480] {strides = array<i32>} : memref<3200xi32, #tpu.memory_space<vmem>>, vector<16xi32>,
        tpu.vector_store %arg12[%swap3A_480], %gather3A_479 {strides = array<i32>} : memref<3200xi32, #tpu.memory_space<vmem>>, vector<16xi32>,
        %add3A_482 = arith.constant 624 : i32
        %add3A_483 = vector.broadcast %add3A_482 : i32 to vector<16xi32>
        %add3A_484 = arith.addi %iota3A, %add3A_483 : vector<16xi32>
        %gather3A_485 = tpu.vector_load_idx %arg9[%broadcast_in_dim3A_1, %add3A_484] : memref<2x3200xi32, #tpu.memory_space<vmem>>[vector<16xi32>, vector<16xi32>], vector<16xi32>,
        %gather3A_486 = tpu.vector_load_idx %arg9[%add3A_4, %add3A_484] : memref<2x3200xi32, #tpu.memory_space<vmem>>[vector<16xi32>, vector<16xi32>], vector<16xi32>,
        %gather3A_487 = tpu.vector_load_idx %arg8[%gather3A_485] : memref<100000xi32, #tpu.memory_space<vmem>>[vector<16xi32>], vector<16xi32>,
        %swap3A_488 = arith.constant 624 : index
        %swap3A_489 = tpu.vector_load %arg11[%swap3A_488] {strides = array<i32>} : memref<3200xi32, #tpu.memory_space<vmem>>, vector<16xi32>,
        tpu.vector_store %arg11[%swap3A_488], %gather3A_487 {strides = array<i32>} : memref<3200xi32, #tpu.memory_space<vmem>>, vector<16xi32>,
        %gather3A_490 = tpu.vector_load_idx %arg8[%gather3A_486] : memref<100000xi32, #tpu.memory_space<vmem>>[vector<16xi32>], vector<16xi32>,
        %swap3A_491 = arith.constant 624 : index
        %swap3A_492 = tpu.vector_load %arg12[%swap3A_491] {strides = array<i32>} : memref<3200xi32, #tpu.memory_space<vmem>>, vector<16xi32>,
        tpu.vector_store %arg12[%swap3A_491], %gather3A_490 {strides = array<i32>} : memref<3200xi32, #tpu.memory_space<vmem>>, vector<16xi32>,
        %add3A_493 = arith.constant 640 : i32
        %add3A_494 = vector.broadcast %add3A_493 : i32 to vector<16xi32>
        %add3A_495 = arith.addi %iota3A, %add3A_494 : vector<16xi32>
        %gather3A_496 = tpu.vector_load_idx %arg9[%broadcast_in_dim3A_1, %add3A_495] : memref<2x3200xi32, #tpu.memory_space<vmem>>[vector<16xi32>, vector<16xi32>], vector<16xi32>,
        %gather3A_497 = tpu.vector_load_idx %arg9[%add3A_4, %add3A_495] : memref<2x3200xi32, #tpu.memory_space<vmem>>[vector<16xi32>, vector<16xi32>], vector<16xi32>,
        %gather3A_498 = tpu.vector_load_idx %arg8[%gather3A_496] : memref<100000xi32, #tpu.memory_space<vmem>>[vector<16xi32>], vector<16xi32>,
        %swap3A_499 = arith.constant 640 : index
        %swap3A_500 = tpu.vector_load %arg11[%swap3A_499] {strides = array<i32>} : memref<3200xi32, #tpu.memory_space<vmem>>, vector<16xi32>,
        tpu.vector_store %arg11[%swap3A_499], %gather3A_498 {strides = array<i32>} : memref<3200xi32, #tpu.memory_space<vmem>>, vector<16xi32>,
        %gather3A_501 = tpu.vector_load_idx %arg8[%gather3A_497] : memref<100000xi32, #tpu.memory_space<vmem>>[vector<16xi32>], vector<16xi32>,
        %swap3A_502 = arith.constant 640 : index
        %swap3A_503 = tpu.vector_load %arg12[%swap3A_502] {strides = array<i32>} : memref<3200xi32, #tpu.memory_space<vmem>>, vector<16xi32>,
        tpu.vector_store %arg12[%swap3A_502], %gather3A_501 {strides = array<i32>} : memref<3200xi32, #tpu.memory_space<vmem>>, vector<16xi32>,
        %add3A_504 = arith.constant 656 : i32
        %add3A_505 = vector.broadcast %add3A_504 : i32 to vector<16xi32>
        %add3A_506 = arith.addi %iota3A, %add3A_505 : vector<16xi32>
        %gather3A_507 = tpu.vector_load_idx %arg9[%broadcast_in_dim3A_1, %add3A_506] : memref<2x3200xi32, #tpu.memory_space<vmem>>[vector<16xi32>, vector<16xi32>], vector<16xi32>,
        %gather3A_508 = tpu.vector_load_idx %arg9[%add3A_4, %add3A_506] : memref<2x3200xi32, #tpu.memory_space<vmem>>[vector<16xi32>, vector<16xi32>], vector<16xi32>,
        %gather3A_509 = tpu.vector_load_idx %arg8[%gather3A_507] : memref<100000xi32, #tpu.memory_space<vmem>>[vector<16xi32>], vector<16xi32>,
        %swap3A_510 = arith.constant 656 : index
        %swap3A_511 = tpu.vector_load %arg11[%swap3A_510] {strides = array<i32>} : memref<3200xi32, #tpu.memory_space<vmem>>, vector<16xi32>,
        tpu.vector_store %arg11[%swap3A_510], %gather3A_509 {strides = array<i32>} : memref<3200xi32, #tpu.memory_space<vmem>>, vector<16xi32>,
        %gather3A_512 = tpu.vector_load_idx %arg8[%gather3A_508] : memref<100000xi32, #tpu.memory_space<vmem>>[vector<16xi32>], vector<16xi32>,
        %swap3A_513 = arith.constant 656 : index
        %swap3A_514 = tpu.vector_load %arg12[%swap3A_513] {strides = array<i32>} : memref<3200xi32, #tpu.memory_space<vmem>>, vector<16xi32>,
        tpu.vector_store %arg12[%swap3A_513], %gather3A_512 {strides = array<i32>} : memref<3200xi32, #tpu.memory_space<vmem>>, vector<16xi32>,
        %add3A_515 = arith.constant 672 : i32
        %add3A_516 = vector.broadcast %add3A_515 : i32 to vector<16xi32>
        %add3A_517 = arith.addi %iota3A, %add3A_516 : vector<16xi32>
        %gather3A_518 = tpu.vector_load_idx %arg9[%broadcast_in_dim3A_1, %add3A_517] : memref<2x3200xi32, #tpu.memory_space<vmem>>[vector<16xi32>, vector<16xi32>], vector<16xi32>,
        %gather3A_519 = tpu.vector_load_idx %arg9[%add3A_4, %add3A_517] : memref<2x3200xi32, #tpu.memory_space<vmem>>[vector<16xi32>, vector<16xi32>], vector<16xi32>,
        %gather3A_520 = tpu.vector_load_idx %arg8[%gather3A_518] : memref<100000xi32, #tpu.memory_space<vmem>>[vector<16xi32>], vector<16xi32>,
        %swap3A_521 = arith.constant 672 : index
        %swap3A_522 = tpu.vector_load %arg11[%swap3A_521] {strides = array<i32>} : memref<3200xi32, #tpu.memory_space<vmem>>, vector<16xi32>,
        tpu.vector_store %arg11[%swap3A_521], %gather3A_520 {strides = array<i32>} : memref<3200xi32, #tpu.memory_space<vmem>>, vector<16xi32>,
        %gather3A_523 = tpu.vector_load_idx %arg8[%gather3A_519] : memref<100000xi32, #tpu.memory_space<vmem>>[vector<16xi32>], vector<16xi32>,
        %swap3A_524 = arith.constant 672 : index
        %swap3A_525 = tpu.vector_load %arg12[%swap3A_524] {strides = array<i32>} : memref<3200xi32, #tpu.memory_space<vmem>>, vector<16xi32>,
        tpu.vector_store %arg12[%swap3A_524], %gather3A_523 {strides = array<i32>} : memref<3200xi32, #tpu.memory_space<vmem>>, vector<16xi32>,
        %add3A_526 = arith.constant 688 : i32
        %add3A_527 = vector.broadcast %add3A_526 : i32 to vector<16xi32>
        %add3A_528 = arith.addi %iota3A, %add3A_527 : vector<16xi32>
        %gather3A_529 = tpu.vector_load_idx %arg9[%broadcast_in_dim3A_1, %add3A_528] : memref<2x3200xi32, #tpu.memory_space<vmem>>[vector<16xi32>, vector<16xi32>], vector<16xi32>,
        %gather3A_530 = tpu.vector_load_idx %arg9[%add3A_4, %add3A_528] : memref<2x3200xi32, #tpu.memory_space<vmem>>[vector<16xi32>, vector<16xi32>], vector<16xi32>,
        %gather3A_531 = tpu.vector_load_idx %arg8[%gather3A_529] : memref<100000xi32, #tpu.memory_space<vmem>>[vector<16xi32>], vector<16xi32>,
        %swap3A_532 = arith.constant 688 : index
        %swap3A_533 = tpu.vector_load %arg11[%swap3A_532] {strides = array<i32>} : memref<3200xi32, #tpu.memory_space<vmem>>, vector<16xi32>,
        tpu.vector_store %arg11[%swap3A_532], %gather3A_531 {strides = array<i32>} : memref<3200xi32, #tpu.memory_space<vmem>>, vector<16xi32>,
        %gather3A_534 = tpu.vector_load_idx %arg8[%gather3A_530] : memref<100000xi32, #tpu.memory_space<vmem>>[vector<16xi32>], vector<16xi32>,
        %swap3A_535 = arith.constant 688 : index
        %swap3A_536 = tpu.vector_load %arg12[%swap3A_535] {strides = array<i32>} : memref<3200xi32, #tpu.memory_space<vmem>>, vector<16xi32>,
        tpu.vector_store %arg12[%swap3A_535], %gather3A_534 {strides = array<i32>} : memref<3200xi32, #tpu.memory_space<vmem>>, vector<16xi32>,
        %add3A_537 = arith.constant 704 : i32
        %add3A_538 = vector.broadcast %add3A_537 : i32 to vector<16xi32>
        %add3A_539 = arith.addi %iota3A, %add3A_538 : vector<16xi32>
        %gather3A_540 = tpu.vector_load_idx %arg9[%broadcast_in_dim3A_1, %add3A_539] : memref<2x3200xi32, #tpu.memory_space<vmem>>[vector<16xi32>, vector<16xi32>], vector<16xi32>,
        %gather3A_541 = tpu.vector_load_idx %arg9[%add3A_4, %add3A_539] : memref<2x3200xi32, #tpu.memory_space<vmem>>[vector<16xi32>, vector<16xi32>], vector<16xi32>,
        %gather3A_542 = tpu.vector_load_idx %arg8[%gather3A_540] : memref<100000xi32, #tpu.memory_space<vmem>>[vector<16xi32>], vector<16xi32>,
        %swap3A_543 = arith.constant 704 : index
        %swap3A_544 = tpu.vector_load %arg11[%swap3A_543] {strides = array<i32>} : memref<3200xi32, #tpu.memory_space<vmem>>, vector<16xi32>,
        tpu.vector_store %arg11[%swap3A_543], %gather3A_542 {strides = array<i32>} : memref<3200xi32, #tpu.memory_space<vmem>>, vector<16xi32>,
        %gather3A_545 = tpu.vector_load_idx %arg8[%gather3A_541] : memref<100000xi32, #tpu.memory_space<vmem>>[vector<16xi32>], vector<16xi32>,
        %swap3A_546 = arith.constant 704 : index
        %swap3A_547 = tpu.vector_load %arg12[%swap3A_546] {strides = array<i32>} : memref<3200xi32, #tpu.memory_space<vmem>>, vector<16xi32>,
        tpu.vector_store %arg12[%swap3A_546], %gather3A_545 {strides = array<i32>} : memref<3200xi32, #tpu.memory_space<vmem>>, vector<16xi32>,
        %add3A_548 = arith.constant 720 : i32
        %add3A_549 = vector.broadcast %add3A_548 : i32 to vector<16xi32>
        %add3A_550 = arith.addi %iota3A, %add3A_549 : vector<16xi32>
        %gather3A_551 = tpu.vector_load_idx %arg9[%broadcast_in_dim3A_1, %add3A_550] : memref<2x3200xi32, #tpu.memory_space<vmem>>[vector<16xi32>, vector<16xi32>], vector<16xi32>,
        %gather3A_552 = tpu.vector_load_idx %arg9[%add3A_4, %add3A_550] : memref<2x3200xi32, #tpu.memory_space<vmem>>[vector<16xi32>, vector<16xi32>], vector<16xi32>,
        %gather3A_553 = tpu.vector_load_idx %arg8[%gather3A_551] : memref<100000xi32, #tpu.memory_space<vmem>>[vector<16xi32>], vector<16xi32>,
        %swap3A_554 = arith.constant 720 : index
        %swap3A_555 = tpu.vector_load %arg11[%swap3A_554] {strides = array<i32>} : memref<3200xi32, #tpu.memory_space<vmem>>, vector<16xi32>,
        tpu.vector_store %arg11[%swap3A_554], %gather3A_553 {strides = array<i32>} : memref<3200xi32, #tpu.memory_space<vmem>>, vector<16xi32>,
        %gather3A_556 = tpu.vector_load_idx %arg8[%gather3A_552] : memref<100000xi32, #tpu.memory_space<vmem>>[vector<16xi32>], vector<16xi32>,
        %swap3A_557 = arith.constant 720 : index
        %swap3A_558 = tpu.vector_load %arg12[%swap3A_557] {strides = array<i32>} : memref<3200xi32, #tpu.memory_space<vmem>>, vector<16xi32>,
        tpu.vector_store %arg12[%swap3A_557], %gather3A_556 {strides = array<i32>} : memref<3200xi32, #tpu.memory_space<vmem>>, vector<16xi32>,
        %add3A_559 = arith.constant 736 : i32
        %add3A_560 = vector.broadcast %add3A_559 : i32 to vector<16xi32>
        %add3A_561 = arith.addi %iota3A, %add3A_560 : vector<16xi32>
        %gather3A_562 = tpu.vector_load_idx %arg9[%broadcast_in_dim3A_1, %add3A_561] : memref<2x3200xi32, #tpu.memory_space<vmem>>[vector<16xi32>, vector<16xi32>], vector<16xi32>,
        %gather3A_563 = tpu.vector_load_idx %arg9[%add3A_4, %add3A_561] : memref<2x3200xi32, #tpu.memory_space<vmem>>[vector<16xi32>, vector<16xi32>], vector<16xi32>,
        %gather3A_564 = tpu.vector_load_idx %arg8[%gather3A_562] : memref<100000xi32, #tpu.memory_space<vmem>>[vector<16xi32>], vector<16xi32>,
        %swap3A_565 = arith.constant 736 : index
        %swap3A_566 = tpu.vector_load %arg11[%swap3A_565] {strides = array<i32>} : memref<3200xi32, #tpu.memory_space<vmem>>, vector<16xi32>,
        tpu.vector_store %arg11[%swap3A_565], %gather3A_564 {strides = array<i32>} : memref<3200xi32, #tpu.memory_space<vmem>>, vector<16xi32>,
        %gather3A_567 = tpu.vector_load_idx %arg8[%gather3A_563] : memref<100000xi32, #tpu.memory_space<vmem>>[vector<16xi32>], vector<16xi32>,
        %swap3A_568 = arith.constant 736 : index
        %swap3A_569 = tpu.vector_load %arg12[%swap3A_568] {strides = array<i32>} : memref<3200xi32, #tpu.memory_space<vmem>>, vector<16xi32>,
        tpu.vector_store %arg12[%swap3A_568], %gather3A_567 {strides = array<i32>} : memref<3200xi32, #tpu.memory_space<vmem>>, vector<16xi32>,
        %add3A_570 = arith.constant 752 : i32
        %add3A_571 = vector.broadcast %add3A_570 : i32 to vector<16xi32>
        %add3A_572 = arith.addi %iota3A, %add3A_571 : vector<16xi32>
        %gather3A_573 = tpu.vector_load_idx %arg9[%broadcast_in_dim3A_1, %add3A_572] : memref<2x3200xi32, #tpu.memory_space<vmem>>[vector<16xi32>, vector<16xi32>], vector<16xi32>,
        %gather3A_574 = tpu.vector_load_idx %arg9[%add3A_4, %add3A_572] : memref<2x3200xi32, #tpu.memory_space<vmem>>[vector<16xi32>, vector<16xi32>], vector<16xi32>,
        %gather3A_575 = tpu.vector_load_idx %arg8[%gather3A_573] : memref<100000xi32, #tpu.memory_space<vmem>>[vector<16xi32>], vector<16xi32>,
        %swap3A_576 = arith.constant 752 : index
        %swap3A_577 = tpu.vector_load %arg11[%swap3A_576] {strides = array<i32>} : memref<3200xi32, #tpu.memory_space<vmem>>, vector<16xi32>,
        tpu.vector_store %arg11[%swap3A_576], %gather3A_575 {strides = array<i32>} : memref<3200xi32, #tpu.memory_space<vmem>>, vector<16xi32>,
        %gather3A_578 = tpu.vector_load_idx %arg8[%gather3A_574] : memref<100000xi32, #tpu.memory_space<vmem>>[vector<16xi32>], vector<16xi32>,
        %swap3A_579 = arith.constant 752 : index
        %swap3A_580 = tpu.vector_load %arg12[%swap3A_579] {strides = array<i32>} : memref<3200xi32, #tpu.memory_space<vmem>>, vector<16xi32>,
        tpu.vector_store %arg12[%swap3A_579], %gather3A_578 {strides = array<i32>} : memref<3200xi32, #tpu.memory_space<vmem>>, vector<16xi32>,
        %add3A_581 = arith.constant 768 : i32
        %add3A_582 = vector.broadcast %add3A_581 : i32 to vector<16xi32>
        %add3A_583 = arith.addi %iota3A, %add3A_582 : vector<16xi32>
        %gather3A_584 = tpu.vector_load_idx %arg9[%broadcast_in_dim3A_1, %add3A_583] : memref<2x3200xi32, #tpu.memory_space<vmem>>[vector<16xi32>, vector<16xi32>], vector<16xi32>,
        %gather3A_585 = tpu.vector_load_idx %arg9[%add3A_4, %add3A_583] : memref<2x3200xi32, #tpu.memory_space<vmem>>[vector<16xi32>, vector<16xi32>], vector<16xi32>,
        %gather3A_586 = tpu.vector_load_idx %arg8[%gather3A_584] : memref<100000xi32, #tpu.memory_space<vmem>>[vector<16xi32>], vector<16xi32>,
        %swap3A_587 = arith.constant 768 : index
        %swap3A_588 = tpu.vector_load %arg11[%swap3A_587] {strides = array<i32>} : memref<3200xi32, #tpu.memory_space<vmem>>, vector<16xi32>,
        tpu.vector_store %arg11[%swap3A_587], %gather3A_586 {strides = array<i32>} : memref<3200xi32, #tpu.memory_space<vmem>>, vector<16xi32>,
        %gather3A_589 = tpu.vector_load_idx %arg8[%gather3A_585] : memref<100000xi32, #tpu.memory_space<vmem>>[vector<16xi32>], vector<16xi32>,
        %swap3A_590 = arith.constant 768 : index
        %swap3A_591 = tpu.vector_load %arg12[%swap3A_590] {strides = array<i32>} : memref<3200xi32, #tpu.memory_space<vmem>>, vector<16xi32>,
        tpu.vector_store %arg12[%swap3A_590], %gather3A_589 {strides = array<i32>} : memref<3200xi32, #tpu.memory_space<vmem>>, vector<16xi32>,
        %add3A_592 = arith.constant 784 : i32
        %add3A_593 = vector.broadcast %add3A_592 : i32 to vector<16xi32>
        %add3A_594 = arith.addi %iota3A, %add3A_593 : vector<16xi32>
        %gather3A_595 = tpu.vector_load_idx %arg9[%broadcast_in_dim3A_1, %add3A_594] : memref<2x3200xi32, #tpu.memory_space<vmem>>[vector<16xi32>, vector<16xi32>], vector<16xi32>,
        %gather3A_596 = tpu.vector_load_idx %arg9[%add3A_4, %add3A_594] : memref<2x3200xi32, #tpu.memory_space<vmem>>[vector<16xi32>, vector<16xi32>], vector<16xi32>,
        %gather3A_597 = tpu.vector_load_idx %arg8[%gather3A_595] : memref<100000xi32, #tpu.memory_space<vmem>>[vector<16xi32>], vector<16xi32>,
        %swap3A_598 = arith.constant 784 : index
        %swap3A_599 = tpu.vector_load %arg11[%swap3A_598] {strides = array<i32>} : memref<3200xi32, #tpu.memory_space<vmem>>, vector<16xi32>,
        tpu.vector_store %arg11[%swap3A_598], %gather3A_597 {strides = array<i32>} : memref<3200xi32, #tpu.memory_space<vmem>>, vector<16xi32>,
        %gather3A_600 = tpu.vector_load_idx %arg8[%gather3A_596] : memref<100000xi32, #tpu.memory_space<vmem>>[vector<16xi32>], vector<16xi32>,
        %swap3A_601 = arith.constant 784 : index
        %swap3A_602 = tpu.vector_load %arg12[%swap3A_601] {strides = array<i32>} : memref<3200xi32, #tpu.memory_space<vmem>>, vector<16xi32>,
        tpu.vector_store %arg12[%swap3A_601], %gather3A_600 {strides = array<i32>} : memref<3200xi32, #tpu.memory_space<vmem>>, vector<16xi32>,
        %add3A_603 = arith.constant 800 : i32
        %add3A_604 = vector.broadcast %add3A_603 : i32 to vector<16xi32>
        %add3A_605 = arith.addi %iota3A, %add3A_604 : vector<16xi32>
        %gather3A_606 = tpu.vector_load_idx %arg9[%broadcast_in_dim3A_1, %add3A_605] : memref<2x3200xi32, #tpu.memory_space<vmem>>[vector<16xi32>, vector<16xi32>], vector<16xi32>,
        %gather3A_607 = tpu.vector_load_idx %arg9[%add3A_4, %add3A_605] : memref<2x3200xi32, #tpu.memory_space<vmem>>[vector<16xi32>, vector<16xi32>], vector<16xi32>,
        %gather3A_608 = tpu.vector_load_idx %arg8[%gather3A_606] : memref<100000xi32, #tpu.memory_space<vmem>>[vector<16xi32>], vector<16xi32>,
        %swap3A_609 = arith.constant 800 : index
        %swap3A_610 = tpu.vector_load %arg11[%swap3A_609] {strides = array<i32>} : memref<3200xi32, #tpu.memory_space<vmem>>, vector<16xi32>,
        tpu.vector_store %arg11[%swap3A_609], %gather3A_608 {strides = array<i32>} : memref<3200xi32, #tpu.memory_space<vmem>>, vector<16xi32>,
        %gather3A_611 = tpu.vector_load_idx %arg8[%gather3A_607] : memref<100000xi32, #tpu.memory_space<vmem>>[vector<16xi32>], vector<16xi32>,
        %swap3A_612 = arith.constant 800 : index
        %swap3A_613 = tpu.vector_load %arg12[%swap3A_612] {strides = array<i32>} : memref<3200xi32, #tpu.memory_space<vmem>>, vector<16xi32>,
        tpu.vector_store %arg12[%swap3A_612], %gather3A_611 {strides = array<i32>} : memref<3200xi32, #tpu.memory_space<vmem>>, vector<16xi32>,
        %add3A_614 = arith.constant 816 : i32
        %add3A_615 = vector.broadcast %add3A_614 : i32 to vector<16xi32>
        %add3A_616 = arith.addi %iota3A, %add3A_615 : vector<16xi32>
        %gather3A_617 = tpu.vector_load_idx %arg9[%broadcast_in_dim3A_1, %add3A_616] : memref<2x3200xi32, #tpu.memory_space<vmem>>[vector<16xi32>, vector<16xi32>], vector<16xi32>,
        %gather3A_618 = tpu.vector_load_idx %arg9[%add3A_4, %add3A_616] : memref<2x3200xi32, #tpu.memory_space<vmem>>[vector<16xi32>, vector<16xi32>], vector<16xi32>,
        %gather3A_619 = tpu.vector_load_idx %arg8[%gather3A_617] : memref<100000xi32, #tpu.memory_space<vmem>>[vector<16xi32>], vector<16xi32>,
        %swap3A_620 = arith.constant 816 : index
        %swap3A_621 = tpu.vector_load %arg11[%swap3A_620] {strides = array<i32>} : memref<3200xi32, #tpu.memory_space<vmem>>, vector<16xi32>,
        tpu.vector_store %arg11[%swap3A_620], %gather3A_619 {strides = array<i32>} : memref<3200xi32, #tpu.memory_space<vmem>>, vector<16xi32>,
        %gather3A_622 = tpu.vector_load_idx %arg8[%gather3A_618] : memref<100000xi32, #tpu.memory_space<vmem>>[vector<16xi32>], vector<16xi32>,
        %swap3A_623 = arith.constant 816 : index
        %swap3A_624 = tpu.vector_load %arg12[%swap3A_623] {strides = array<i32>} : memref<3200xi32, #tpu.memory_space<vmem>>, vector<16xi32>,
        tpu.vector_store %arg12[%swap3A_623], %gather3A_622 {strides = array<i32>} : memref<3200xi32, #tpu.memory_space<vmem>>, vector<16xi32>,
        %add3A_625 = arith.constant 832 : i32
        %add3A_626 = vector.broadcast %add3A_625 : i32 to vector<16xi32>
        %add3A_627 = arith.addi %iota3A, %add3A_626 : vector<16xi32>
        %gather3A_628 = tpu.vector_load_idx %arg9[%broadcast_in_dim3A_1, %add3A_627] : memref<2x3200xi32, #tpu.memory_space<vmem>>[vector<16xi32>, vector<16xi32>], vector<16xi32>,
        %gather3A_629 = tpu.vector_load_idx %arg9[%add3A_4, %add3A_627] : memref<2x3200xi32, #tpu.memory_space<vmem>>[vector<16xi32>, vector<16xi32>], vector<16xi32>,
        %gather3A_630 = tpu.vector_load_idx %arg8[%gather3A_628] : memref<100000xi32, #tpu.memory_space<vmem>>[vector<16xi32>], vector<16xi32>,
        %swap3A_631 = arith.constant 832 : index
        %swap3A_632 = tpu.vector_load %arg11[%swap3A_631] {strides = array<i32>} : memref<3200xi32, #tpu.memory_space<vmem>>, vector<16xi32>,
        tpu.vector_store %arg11[%swap3A_631], %gather3A_630 {strides = array<i32>} : memref<3200xi32, #tpu.memory_space<vmem>>, vector<16xi32>,
        %gather3A_633 = tpu.vector_load_idx %arg8[%gather3A_629] : memref<100000xi32, #tpu.memory_space<vmem>>[vector<16xi32>], vector<16xi32>,
        %swap3A_634 = arith.constant 832 : index
        %swap3A_635 = tpu.vector_load %arg12[%swap3A_634] {strides = array<i32>} : memref<3200xi32, #tpu.memory_space<vmem>>, vector<16xi32>,
        tpu.vector_store %arg12[%swap3A_634], %gather3A_633 {strides = array<i32>} : memref<3200xi32, #tpu.memory_space<vmem>>, vector<16xi32>,
        %add3A_636 = arith.constant 848 : i32
        %add3A_637 = vector.broadcast %add3A_636 : i32 to vector<16xi32>
        %add3A_638 = arith.addi %iota3A, %add3A_637 : vector<16xi32>
        %gather3A_639 = tpu.vector_load_idx %arg9[%broadcast_in_dim3A_1, %add3A_638] : memref<2x3200xi32, #tpu.memory_space<vmem>>[vector<16xi32>, vector<16xi32>], vector<16xi32>,
        %gather3A_640 = tpu.vector_load_idx %arg9[%add3A_4, %add3A_638] : memref<2x3200xi32, #tpu.memory_space<vmem>>[vector<16xi32>, vector<16xi32>], vector<16xi32>,
        %gather3A_641 = tpu.vector_load_idx %arg8[%gather3A_639] : memref<100000xi32, #tpu.memory_space<vmem>>[vector<16xi32>], vector<16xi32>,
        %swap3A_642 = arith.constant 848 : index
        %swap3A_643 = tpu.vector_load %arg11[%swap3A_642] {strides = array<i32>} : memref<3200xi32, #tpu.memory_space<vmem>>, vector<16xi32>,
        tpu.vector_store %arg11[%swap3A_642], %gather3A_641 {strides = array<i32>} : memref<3200xi32, #tpu.memory_space<vmem>>, vector<16xi32>,
        %gather3A_644 = tpu.vector_load_idx %arg8[%gather3A_640] : memref<100000xi32, #tpu.memory_space<vmem>>[vector<16xi32>], vector<16xi32>,
        %swap3A_645 = arith.constant 848 : index
        %swap3A_646 = tpu.vector_load %arg12[%swap3A_645] {strides = array<i32>} : memref<3200xi32, #tpu.memory_space<vmem>>, vector<16xi32>,
        tpu.vector_store %arg12[%swap3A_645], %gather3A_644 {strides = array<i32>} : memref<3200xi32, #tpu.memory_space<vmem>>, vector<16xi32>,
        %add3A_647 = arith.constant 864 : i32
        %add3A_648 = vector.broadcast %add3A_647 : i32 to vector<16xi32>
        %add3A_649 = arith.addi %iota3A, %add3A_648 : vector<16xi32>
        %gather3A_650 = tpu.vector_load_idx %arg9[%broadcast_in_dim3A_1, %add3A_649] : memref<2x3200xi32, #tpu.memory_space<vmem>>[vector<16xi32>, vector<16xi32>], vector<16xi32>,
        %gather3A_651 = tpu.vector_load_idx %arg9[%add3A_4, %add3A_649] : memref<2x3200xi32, #tpu.memory_space<vmem>>[vector<16xi32>, vector<16xi32>], vector<16xi32>,
        %gather3A_652 = tpu.vector_load_idx %arg8[%gather3A_650] : memref<100000xi32, #tpu.memory_space<vmem>>[vector<16xi32>], vector<16xi32>,
        %swap3A_653 = arith.constant 864 : index
        %swap3A_654 = tpu.vector_load %arg11[%swap3A_653] {strides = array<i32>} : memref<3200xi32, #tpu.memory_space<vmem>>, vector<16xi32>,
        tpu.vector_store %arg11[%swap3A_653], %gather3A_652 {strides = array<i32>} : memref<3200xi32, #tpu.memory_space<vmem>>, vector<16xi32>,
        %gather3A_655 = tpu.vector_load_idx %arg8[%gather3A_651] : memref<100000xi32, #tpu.memory_space<vmem>>[vector<16xi32>], vector<16xi32>,
        %swap3A_656 = arith.constant 864 : index
        %swap3A_657 = tpu.vector_load %arg12[%swap3A_656] {strides = array<i32>} : memref<3200xi32, #tpu.memory_space<vmem>>, vector<16xi32>,
        tpu.vector_store %arg12[%swap3A_656], %gather3A_655 {strides = array<i32>} : memref<3200xi32, #tpu.memory_space<vmem>>, vector<16xi32>,
        %add3A_658 = arith.constant 880 : i32
        %add3A_659 = vector.broadcast %add3A_658 : i32 to vector<16xi32>
        %add3A_660 = arith.addi %iota3A, %add3A_659 : vector<16xi32>
        %gather3A_661 = tpu.vector_load_idx %arg9[%broadcast_in_dim3A_1, %add3A_660] : memref<2x3200xi32, #tpu.memory_space<vmem>>[vector<16xi32>, vector<16xi32>], vector<16xi32>,
        %gather3A_662 = tpu.vector_load_idx %arg9[%add3A_4, %add3A_660] : memref<2x3200xi32, #tpu.memory_space<vmem>>[vector<16xi32>, vector<16xi32>], vector<16xi32>,
        %gather3A_663 = tpu.vector_load_idx %arg8[%gather3A_661] : memref<100000xi32, #tpu.memory_space<vmem>>[vector<16xi32>], vector<16xi32>,
        %swap3A_664 = arith.constant 880 : index
        %swap3A_665 = tpu.vector_load %arg11[%swap3A_664] {strides = array<i32>} : memref<3200xi32, #tpu.memory_space<vmem>>, vector<16xi32>,
        tpu.vector_store %arg11[%swap3A_664], %gather3A_663 {strides = array<i32>} : memref<3200xi32, #tpu.memory_space<vmem>>, vector<16xi32>,
        %gather3A_666 = tpu.vector_load_idx %arg8[%gather3A_662] : memref<100000xi32, #tpu.memory_space<vmem>>[vector<16xi32>], vector<16xi32>,
        %swap3A_667 = arith.constant 880 : index
        %swap3A_668 = tpu.vector_load %arg12[%swap3A_667] {strides = array<i32>} : memref<3200xi32, #tpu.memory_space<vmem>>, vector<16xi32>,
        tpu.vector_store %arg12[%swap3A_667], %gather3A_666 {strides = array<i32>} : memref<3200xi32, #tpu.memory_space<vmem>>, vector<16xi32>,
        %add3A_669 = arith.constant 896 : i32
        %add3A_670 = vector.broadcast %add3A_669 : i32 to vector<16xi32>
        %add3A_671 = arith.addi %iota3A, %add3A_670 : vector<16xi32>
        %gather3A_672 = tpu.vector_load_idx %arg9[%broadcast_in_dim3A_1, %add3A_671] : memref<2x3200xi32, #tpu.memory_space<vmem>>[vector<16xi32>, vector<16xi32>], vector<16xi32>,
        %gather3A_673 = tpu.vector_load_idx %arg9[%add3A_4, %add3A_671] : memref<2x3200xi32, #tpu.memory_space<vmem>>[vector<16xi32>, vector<16xi32>], vector<16xi32>,
        %gather3A_674 = tpu.vector_load_idx %arg8[%gather3A_672] : memref<100000xi32, #tpu.memory_space<vmem>>[vector<16xi32>], vector<16xi32>,
        %swap3A_675 = arith.constant 896 : index
        %swap3A_676 = tpu.vector_load %arg11[%swap3A_675] {strides = array<i32>} : memref<3200xi32, #tpu.memory_space<vmem>>, vector<16xi32>,
        tpu.vector_store %arg11[%swap3A_675], %gather3A_674 {strides = array<i32>} : memref<3200xi32, #tpu.memory_space<vmem>>, vector<16xi32>,
        %gather3A_677 = tpu.vector_load_idx %arg8[%gather3A_673] : memref<100000xi32, #tpu.memory_space<vmem>>[vector<16xi32>], vector<16xi32>,
        %swap3A_678 = arith.constant 896 : index
        %swap3A_679 = tpu.vector_load %arg12[%swap3A_678] {strides = array<i32>} : memref<3200xi32, #tpu.memory_space<vmem>>, vector<16xi32>,
        tpu.vector_store %arg12[%swap3A_678], %gather3A_677 {strides = array<i32>} : memref<3200xi32, #tpu.memory_space<vmem>>, vector<16xi32>,
        %add3A_680 = arith.constant 912 : i32
        %add3A_681 = vector.broadcast %add3A_680 : i32 to vector<16xi32>
        %add3A_682 = arith.addi %iota3A, %add3A_681 : vector<16xi32>
        %gather3A_683 = tpu.vector_load_idx %arg9[%broadcast_in_dim3A_1, %add3A_682] : memref<2x3200xi32, #tpu.memory_space<vmem>>[vector<16xi32>, vector<16xi32>], vector<16xi32>,
        %gather3A_684 = tpu.vector_load_idx %arg9[%add3A_4, %add3A_682] : memref<2x3200xi32, #tpu.memory_space<vmem>>[vector<16xi32>, vector<16xi32>], vector<16xi32>,
        %gather3A_685 = tpu.vector_load_idx %arg8[%gather3A_683] : memref<100000xi32, #tpu.memory_space<vmem>>[vector<16xi32>], vector<16xi32>,
        %swap3A_686 = arith.constant 912 : index
        %swap3A_687 = tpu.vector_load %arg11[%swap3A_686] {strides = array<i32>} : memref<3200xi32, #tpu.memory_space<vmem>>, vector<16xi32>,
        tpu.vector_store %arg11[%swap3A_686], %gather3A_685 {strides = array<i32>} : memref<3200xi32, #tpu.memory_space<vmem>>, vector<16xi32>,
        %gather3A_688 = tpu.vector_load_idx %arg8[%gather3A_684] : memref<100000xi32, #tpu.memory_space<vmem>>[vector<16xi32>], vector<16xi32>,
        %swap3A_689 = arith.constant 912 : index
        %swap3A_690 = tpu.vector_load %arg12[%swap3A_689] {strides = array<i32>} : memref<3200xi32, #tpu.memory_space<vmem>>, vector<16xi32>,
        tpu.vector_store %arg12[%swap3A_689], %gather3A_688 {strides = array<i32>} : memref<3200xi32, #tpu.memory_space<vmem>>, vector<16xi32>,
        %add3A_691 = arith.constant 928 : i32
        %add3A_692 = vector.broadcast %add3A_691 : i32 to vector<16xi32>
        %add3A_693 = arith.addi %iota3A, %add3A_692 : vector<16xi32>
        %gather3A_694 = tpu.vector_load_idx %arg9[%broadcast_in_dim3A_1, %add3A_693] : memref<2x3200xi32, #tpu.memory_space<vmem>>[vector<16xi32>, vector<16xi32>], vector<16xi32>,
        %gather3A_695 = tpu.vector_load_idx %arg9[%add3A_4, %add3A_693] : memref<2x3200xi32, #tpu.memory_space<vmem>>[vector<16xi32>, vector<16xi32>], vector<16xi32>,
        %gather3A_696 = tpu.vector_load_idx %arg8[%gather3A_694] : memref<100000xi32, #tpu.memory_space<vmem>>[vector<16xi32>], vector<16xi32>,
        %swap3A_697 = arith.constant 928 : index
        %swap3A_698 = tpu.vector_load %arg11[%swap3A_697] {strides = array<i32>} : memref<3200xi32, #tpu.memory_space<vmem>>, vector<16xi32>,
        tpu.vector_store %arg11[%swap3A_697], %gather3A_696 {strides = array<i32>} : memref<3200xi32, #tpu.memory_space<vmem>>, vector<16xi32>,
        %gather3A_699 = tpu.vector_load_idx %arg8[%gather3A_695] : memref<100000xi32, #tpu.memory_space<vmem>>[vector<16xi32>], vector<16xi32>,
        %swap3A_700 = arith.constant 928 : index
        %swap3A_701 = tpu.vector_load %arg12[%swap3A_700] {strides = array<i32>} : memref<3200xi32, #tpu.memory_space<vmem>>, vector<16xi32>,
        tpu.vector_store %arg12[%swap3A_700], %gather3A_699 {strides = array<i32>} : memref<3200xi32, #tpu.memory_space<vmem>>, vector<16xi32>,
        %add3A_702 = arith.constant 944 : i32
        %add3A_703 = vector.broadcast %add3A_702 : i32 to vector<16xi32>
        %add3A_704 = arith.addi %iota3A, %add3A_703 : vector<16xi32>
        %gather3A_705 = tpu.vector_load_idx %arg9[%broadcast_in_dim3A_1, %add3A_704] : memref<2x3200xi32, #tpu.memory_space<vmem>>[vector<16xi32>, vector<16xi32>], vector<16xi32>,
        %gather3A_706 = tpu.vector_load_idx %arg9[%add3A_4, %add3A_704] : memref<2x3200xi32, #tpu.memory_space<vmem>>[vector<16xi32>, vector<16xi32>], vector<16xi32>,
        %gather3A_707 = tpu.vector_load_idx %arg8[%gather3A_705] : memref<100000xi32, #tpu.memory_space<vmem>>[vector<16xi32>], vector<16xi32>,
        %swap3A_708 = arith.constant 944 : index
        %swap3A_709 = tpu.vector_load %arg11[%swap3A_708] {strides = array<i32>} : memref<3200xi32, #tpu.memory_space<vmem>>, vector<16xi32>,
        tpu.vector_store %arg11[%swap3A_708], %gather3A_707 {strides = array<i32>} : memref<3200xi32, #tpu.memory_space<vmem>>, vector<16xi32>,
        %gather3A_710 = tpu.vector_load_idx %arg8[%gather3A_706] : memref<100000xi32, #tpu.memory_space<vmem>>[vector<16xi32>], vector<16xi32>,
        %swap3A_711 = arith.constant 944 : index
        %swap3A_712 = tpu.vector_load %arg12[%swap3A_711] {strides = array<i32>} : memref<3200xi32, #tpu.memory_space<vmem>>, vector<16xi32>,
        tpu.vector_store %arg12[%swap3A_711], %gather3A_710 {strides = array<i32>} : memref<3200xi32, #tpu.memory_space<vmem>>, vector<16xi32>,
        %add3A_713 = arith.constant 960 : i32
        %add3A_714 = vector.broadcast %add3A_713 : i32 to vector<16xi32>
        %add3A_715 = arith.addi %iota3A, %add3A_714 : vector<16xi32>
        %gather3A_716 = tpu.vector_load_idx %arg9[%broadcast_in_dim3A_1, %add3A_715] : memref<2x3200xi32, #tpu.memory_space<vmem>>[vector<16xi32>, vector<16xi32>], vector<16xi32>,
        %gather3A_717 = tpu.vector_load_idx %arg9[%add3A_4, %add3A_715] : memref<2x3200xi32, #tpu.memory_space<vmem>>[vector<16xi32>, vector<16xi32>], vector<16xi32>,
        %gather3A_718 = tpu.vector_load_idx %arg8[%gather3A_716] : memref<100000xi32, #tpu.memory_space<vmem>>[vector<16xi32>], vector<16xi32>,
        %swap3A_719 = arith.constant 960 : index
        %swap3A_720 = tpu.vector_load %arg11[%swap3A_719] {strides = array<i32>} : memref<3200xi32, #tpu.memory_space<vmem>>, vector<16xi32>,
        tpu.vector_store %arg11[%swap3A_719], %gather3A_718 {strides = array<i32>} : memref<3200xi32, #tpu.memory_space<vmem>>, vector<16xi32>,
        %gather3A_721 = tpu.vector_load_idx %arg8[%gather3A_717] : memref<100000xi32, #tpu.memory_space<vmem>>[vector<16xi32>], vector<16xi32>,
        %swap3A_722 = arith.constant 960 : index
        %swap3A_723 = tpu.vector_load %arg12[%swap3A_722] {strides = array<i32>} : memref<3200xi32, #tpu.memory_space<vmem>>, vector<16xi32>,
        tpu.vector_store %arg12[%swap3A_722], %gather3A_721 {strides = array<i32>} : memref<3200xi32, #tpu.memory_space<vmem>>, vector<16xi32>,
        %add3A_724 = arith.constant 976 : i32
        %add3A_725 = vector.broadcast %add3A_724 : i32 to vector<16xi32>
        %add3A_726 = arith.addi %iota3A, %add3A_725 : vector<16xi32>
        %gather3A_727 = tpu.vector_load_idx %arg9[%broadcast_in_dim3A_1, %add3A_726] : memref<2x3200xi32, #tpu.memory_space<vmem>>[vector<16xi32>, vector<16xi32>], vector<16xi32>,
        %gather3A_728 = tpu.vector_load_idx %arg9[%add3A_4, %add3A_726] : memref<2x3200xi32, #tpu.memory_space<vmem>>[vector<16xi32>, vector<16xi32>], vector<16xi32>,
        %gather3A_729 = tpu.vector_load_idx %arg8[%gather3A_727] : memref<100000xi32, #tpu.memory_space<vmem>>[vector<16xi32>], vector<16xi32>,
        %swap3A_730 = arith.constant 976 : index
        %swap3A_731 = tpu.vector_load %arg11[%swap3A_730] {strides = array<i32>} : memref<3200xi32, #tpu.memory_space<vmem>>, vector<16xi32>,
        tpu.vector_store %arg11[%swap3A_730], %gather3A_729 {strides = array<i32>} : memref<3200xi32, #tpu.memory_space<vmem>>, vector<16xi32>,
        %gather3A_732 = tpu.vector_load_idx %arg8[%gather3A_728] : memref<100000xi32, #tpu.memory_space<vmem>>[vector<16xi32>], vector<16xi32>,
        %swap3A_733 = arith.constant 976 : index
        %swap3A_734 = tpu.vector_load %arg12[%swap3A_733] {strides = array<i32>} : memref<3200xi32, #tpu.memory_space<vmem>>, vector<16xi32>,
        tpu.vector_store %arg12[%swap3A_733], %gather3A_732 {strides = array<i32>} : memref<3200xi32, #tpu.memory_space<vmem>>, vector<16xi32>,
        %add3A_735 = arith.constant 992 : i32
        %add3A_736 = vector.broadcast %add3A_735 : i32 to vector<16xi32>
        %add3A_737 = arith.addi %iota3A, %add3A_736 : vector<16xi32>
        %gather3A_738 = tpu.vector_load_idx %arg9[%broadcast_in_dim3A_1, %add3A_737] : memref<2x3200xi32, #tpu.memory_space<vmem>>[vector<16xi32>, vector<16xi32>], vector<16xi32>,
        %gather3A_739 = tpu.vector_load_idx %arg9[%add3A_4, %add3A_737] : memref<2x3200xi32, #tpu.memory_space<vmem>>[vector<16xi32>, vector<16xi32>], vector<16xi32>,
        %gather3A_740 = tpu.vector_load_idx %arg8[%gather3A_738] : memref<100000xi32, #tpu.memory_space<vmem>>[vector<16xi32>], vector<16xi32>,
        %swap3A_741 = arith.constant 992 : index
        %swap3A_742 = tpu.vector_load %arg11[%swap3A_741] {strides = array<i32>} : memref<3200xi32, #tpu.memory_space<vmem>>, vector<16xi32>,
        tpu.vector_store %arg11[%swap3A_741], %gather3A_740 {strides = array<i32>} : memref<3200xi32, #tpu.memory_space<vmem>>, vector<16xi32>,
        %gather3A_743 = tpu.vector_load_idx %arg8[%gather3A_739] : memref<100000xi32, #tpu.memory_space<vmem>>[vector<16xi32>], vector<16xi32>,
        %swap3A_744 = arith.constant 992 : index
        %swap3A_745 = tpu.vector_load %arg12[%swap3A_744] {strides = array<i32>} : memref<3200xi32, #tpu.memory_space<vmem>>, vector<16xi32>,
        tpu.vector_store %arg12[%swap3A_744], %gather3A_743 {strides = array<i32>} : memref<3200xi32, #tpu.memory_space<vmem>>, vector<16xi32>,
        %add3A_746 = arith.constant 1008 : i32
        %add3A_747 = vector.broadcast %add3A_746 : i32 to vector<16xi32>
        %add3A_748 = arith.addi %iota3A, %add3A_747 : vector<16xi32>
        %gather3A_749 = tpu.vector_load_idx %arg9[%broadcast_in_dim3A_1, %add3A_748] : memref<2x3200xi32, #tpu.memory_space<vmem>>[vector<16xi32>, vector<16xi32>], vector<16xi32>,
        %gather3A_750 = tpu.vector_load_idx %arg9[%add3A_4, %add3A_748] : memref<2x3200xi32, #tpu.memory_space<vmem>>[vector<16xi32>, vector<16xi32>], vector<16xi32>,
        %gather3A_751 = tpu.vector_load_idx %arg8[%gather3A_749] : memref<100000xi32, #tpu.memory_space<vmem>>[vector<16xi32>], vector<16xi32>,
        %swap3A_752 = arith.constant 1008 : index
        %swap3A_753 = tpu.vector_load %arg11[%swap3A_752] {strides = array<i32>} : memref<3200xi32, #tpu.memory_space<vmem>>, vector<16xi32>,
        tpu.vector_store %arg11[%swap3A_752], %gather3A_751 {strides = array<i32>} : memref<3200xi32, #tpu.memory_space<vmem>>, vector<16xi32>,
        %gather3A_754 = tpu.vector_load_idx %arg8[%gather3A_750] : memref<100000xi32, #tpu.memory_space<vmem>>[vector<16xi32>], vector<16xi32>,
        %swap3A_755 = arith.constant 1008 : index
        %swap3A_756 = tpu.vector_load %arg12[%swap3A_755] {strides = array<i32>} : memref<3200xi32, #tpu.memory_space<vmem>>, vector<16xi32>,
        tpu.vector_store %arg12[%swap3A_755], %gather3A_754 {strides = array<i32>} : memref<3200xi32, #tpu.memory_space<vmem>>, vector<16xi32>,
        %add3A_757 = arith.constant 1024 : i32
        %add3A_758 = vector.broadcast %add3A_757 : i32 to vector<16xi32>
        %add3A_759 = arith.addi %iota3A, %add3A_758 : vector<16xi32>
        %gather3A_760 = tpu.vector_load_idx %arg9[%broadcast_in_dim3A_1, %add3A_759] : memref<2x3200xi32, #tpu.memory_space<vmem>>[vector<16xi32>, vector<16xi32>], vector<16xi32>,
        %gather3A_761 = tpu.vector_load_idx %arg9[%add3A_4, %add3A_759] : memref<2x3200xi32, #tpu.memory_space<vmem>>[vector<16xi32>, vector<16xi32>], vector<16xi32>,
        %gather3A_762 = tpu.vector_load_idx %arg8[%gather3A_760] : memref<100000xi32, #tpu.memory_space<vmem>>[vector<16xi32>], vector<16xi32>,
        %swap3A_763 = arith.constant 1024 : index
        %swap3A_764 = tpu.vector_load %arg11[%swap3A_763] {strides = array<i32>} : memref<3200xi32, #tpu.memory_space<vmem>>, vector<16xi32>,
        tpu.vector_store %arg11[%swap3A_763], %gather3A_762 {strides = array<i32>} : memref<3200xi32, #tpu.memory_space<vmem>>, vector<16xi32>,
        %gather3A_765 = tpu.vector_load_idx %arg8[%gather3A_761] : memref<100000xi32, #tpu.memory_space<vmem>>[vector<16xi32>], vector<16xi32>,
        %swap3A_766 = arith.constant 1024 : index
        %swap3A_767 = tpu.vector_load %arg12[%swap3A_766] {strides = array<i32>} : memref<3200xi32, #tpu.memory_space<vmem>>, vector<16xi32>,
        tpu.vector_store %arg12[%swap3A_766], %gather3A_765 {strides = array<i32>} : memref<3200xi32, #tpu.memory_space<vmem>>, vector<16xi32>,
        %add3A_768 = arith.constant 1040 : i32
        %add3A_769 = vector.broadcast %add3A_768 : i32 to vector<16xi32>
        %add3A_770 = arith.addi %iota3A, %add3A_769 : vector<16xi32>
        %gather3A_771 = tpu.vector_load_idx %arg9[%broadcast_in_dim3A_1, %add3A_770] : memref<2x3200xi32, #tpu.memory_space<vmem>>[vector<16xi32>, vector<16xi32>], vector<16xi32>,
        %gather3A_772 = tpu.vector_load_idx %arg9[%add3A_4, %add3A_770] : memref<2x3200xi32, #tpu.memory_space<vmem>>[vector<16xi32>, vector<16xi32>], vector<16xi32>,
        %gather3A_773 = tpu.vector_load_idx %arg8[%gather3A_771] : memref<100000xi32, #tpu.memory_space<vmem>>[vector<16xi32>], vector<16xi32>,
        %swap3A_774 = arith.constant 1040 : index
        %swap3A_775 = tpu.vector_load %arg11[%swap3A_774] {strides = array<i32>} : memref<3200xi32, #tpu.memory_space<vmem>>, vector<16xi32>,
        tpu.vector_store %arg11[%swap3A_774], %gather3A_773 {strides = array<i32>} : memref<3200xi32, #tpu.memory_space<vmem>>, vector<16xi32>,
        %gather3A_776 = tpu.vector_load_idx %arg8[%gather3A_772] : memref<100000xi32, #tpu.memory_space<vmem>>[vector<16xi32>], vector<16xi32>,
        %swap3A_777 = arith.constant 1040 : index
        %swap3A_778 = tpu.vector_load %arg12[%swap3A_777] {strides = array<i32>} : memref<3200xi32, #tpu.memory_space<vmem>>, vector<16xi32>,
        tpu.vector_store %arg12[%swap3A_777], %gather3A_776 {strides = array<i32>} : memref<3200xi32, #tpu.memory_space<vmem>>, vector<16xi32>,
        %add3A_779 = arith.constant 1056 : i32
        %add3A_780 = vector.broadcast %add3A_779 : i32 to vector<16xi32>
        %add3A_781 = arith.addi %iota3A, %add3A_780 : vector<16xi32>
        %gather3A_782 = tpu.vector_load_idx %arg9[%broadcast_in_dim3A_1, %add3A_781] : memref<2x3200xi32, #tpu.memory_space<vmem>>[vector<16xi32>, vector<16xi32>], vector<16xi32>,
        %gather3A_783 = tpu.vector_load_idx %arg9[%add3A_4, %add3A_781] : memref<2x3200xi32, #tpu.memory_space<vmem>>[vector<16xi32>, vector<16xi32>], vector<16xi32>,
        %gather3A_784 = tpu.vector_load_idx %arg8[%gather3A_782] : memref<100000xi32, #tpu.memory_space<vmem>>[vector<16xi32>], vector<16xi32>,
        %swap3A_785 = arith.constant 1056 : index
        %swap3A_786 = tpu.vector_load %arg11[%swap3A_785] {strides = array<i32>} : memref<3200xi32, #tpu.memory_space<vmem>>, vector<16xi32>,
        tpu.vector_store %arg11[%swap3A_785], %gather3A_784 {strides = array<i32>} : memref<3200xi32, #tpu.memory_space<vmem>>, vector<16xi32>,
        %gather3A_787 = tpu.vector_load_idx %arg8[%gather3A_783] : memref<100000xi32, #tpu.memory_space<vmem>>[vector<16xi32>], vector<16xi32>,
        %swap3A_788 = arith.constant 1056 : index
        %swap3A_789 = tpu.vector_load %arg12[%swap3A_788] {strides = array<i32>} : memref<3200xi32, #tpu.memory_space<vmem>>, vector<16xi32>,
        tpu.vector_store %arg12[%swap3A_788], %gather3A_787 {strides = array<i32>} : memref<3200xi32, #tpu.memory_space<vmem>>, vector<16xi32>,
        %add3A_790 = arith.constant 1072 : i32
        %add3A_791 = vector.broadcast %add3A_790 : i32 to vector<16xi32>
        %add3A_792 = arith.addi %iota3A, %add3A_791 : vector<16xi32>
        %gather3A_793 = tpu.vector_load_idx %arg9[%broadcast_in_dim3A_1, %add3A_792] : memref<2x3200xi32, #tpu.memory_space<vmem>>[vector<16xi32>, vector<16xi32>], vector<16xi32>,
        %gather3A_794 = tpu.vector_load_idx %arg9[%add3A_4, %add3A_792] : memref<2x3200xi32, #tpu.memory_space<vmem>>[vector<16xi32>, vector<16xi32>], vector<16xi32>,
        %gather3A_795 = tpu.vector_load_idx %arg8[%gather3A_793] : memref<100000xi32, #tpu.memory_space<vmem>>[vector<16xi32>], vector<16xi32>,
        %swap3A_796 = arith.constant 1072 : index
        %swap3A_797 = tpu.vector_load %arg11[%swap3A_796] {strides = array<i32>} : memref<3200xi32, #tpu.memory_space<vmem>>, vector<16xi32>,
        tpu.vector_store %arg11[%swap3A_796], %gather3A_795 {strides = array<i32>} : memref<3200xi32, #tpu.memory_space<vmem>>, vector<16xi32>,
        %gather3A_798 = tpu.vector_load_idx %arg8[%gather3A_794] : memref<100000xi32, #tpu.memory_space<vmem>>[vector<16xi32>], vector<16xi32>,
        %swap3A_799 = arith.constant 1072 : index
        %swap3A_800 = tpu.vector_load %arg12[%swap3A_799] {strides = array<i32>} : memref<3200xi32, #tpu.memory_space<vmem>>, vector<16xi32>,
        tpu.vector_store %arg12[%swap3A_799], %gather3A_798 {strides = array<i32>} : memref<3200xi32, #tpu.memory_space<vmem>>, vector<16xi32>,
        %add3A_801 = arith.constant 1088 : i32
        %add3A_802 = vector.broadcast %add3A_801 : i32 to vector<16xi32>
        %add3A_803 = arith.addi %iota3A, %add3A_802 : vector<16xi32>
        %gather3A_804 = tpu.vector_load_idx %arg9[%broadcast_in_dim3A_1, %add3A_803] : memref<2x3200xi32, #tpu.memory_space<vmem>>[vector<16xi32>, vector<16xi32>], vector<16xi32>,
        %gather3A_805 = tpu.vector_load_idx %arg9[%add3A_4, %add3A_803] : memref<2x3200xi32, #tpu.memory_space<vmem>>[vector<16xi32>, vector<16xi32>], vector<16xi32>,
        %gather3A_806 = tpu.vector_load_idx %arg8[%gather3A_804] : memref<100000xi32, #tpu.memory_space<vmem>>[vector<16xi32>], vector<16xi32>,
        %swap3A_807 = arith.constant 1088 : index
        %swap3A_808 = tpu.vector_load %arg11[%swap3A_807] {strides = array<i32>} : memref<3200xi32, #tpu.memory_space<vmem>>, vector<16xi32>,
        tpu.vector_store %arg11[%swap3A_807], %gather3A_806 {strides = array<i32>} : memref<3200xi32, #tpu.memory_space<vmem>>, vector<16xi32>,
        %gather3A_809 = tpu.vector_load_idx %arg8[%gather3A_805] : memref<100000xi32, #tpu.memory_space<vmem>>[vector<16xi32>], vector<16xi32>,
        %swap3A_810 = arith.constant 1088 : index
        %swap3A_811 = tpu.vector_load %arg12[%swap3A_810] {strides = array<i32>} : memref<3200xi32, #tpu.memory_space<vmem>>, vector<16xi32>,
        tpu.vector_store %arg12[%swap3A_810], %gather3A_809 {strides = array<i32>} : memref<3200xi32, #tpu.memory_space<vmem>>, vector<16xi32>,
        %add3A_812 = arith.constant 1104 : i32
        %add3A_813 = vector.broadcast %add3A_812 : i32 to vector<16xi32>
        %add3A_814 = arith.addi %iota3A, %add3A_813 : vector<16xi32>
        %gather3A_815 = tpu.vector_load_idx %arg9[%broadcast_in_dim3A_1, %add3A_814] : memref<2x3200xi32, #tpu.memory_space<vmem>>[vector<16xi32>, vector<16xi32>], vector<16xi32>,
        %gather3A_816 = tpu.vector_load_idx %arg9[%add3A_4, %add3A_814] : memref<2x3200xi32, #tpu.memory_space<vmem>>[vector<16xi32>, vector<16xi32>], vector<16xi32>,
        %gather3A_817 = tpu.vector_load_idx %arg8[%gather3A_815] : memref<100000xi32, #tpu.memory_space<vmem>>[vector<16xi32>], vector<16xi32>,
        %swap3A_818 = arith.constant 1104 : index
        %swap3A_819 = tpu.vector_load %arg11[%swap3A_818] {strides = array<i32>} : memref<3200xi32, #tpu.memory_space<vmem>>, vector<16xi32>,
        tpu.vector_store %arg11[%swap3A_818], %gather3A_817 {strides = array<i32>} : memref<3200xi32, #tpu.memory_space<vmem>>, vector<16xi32>,
        %gather3A_820 = tpu.vector_load_idx %arg8[%gather3A_816] : memref<100000xi32, #tpu.memory_space<vmem>>[vector<16xi32>], vector<16xi32>,
        %swap3A_821 = arith.constant 1104 : index
        %swap3A_822 = tpu.vector_load %arg12[%swap3A_821] {strides = array<i32>} : memref<3200xi32, #tpu.memory_space<vmem>>, vector<16xi32>,
        tpu.vector_store %arg12[%swap3A_821], %gather3A_820 {strides = array<i32>} : memref<3200xi32, #tpu.memory_space<vmem>>, vector<16xi32>,
        %add3A_823 = arith.constant 1120 : i32
        %add3A_824 = vector.broadcast %add3A_823 : i32 to vector<16xi32>
        %add3A_825 = arith.addi %iota3A, %add3A_824 : vector<16xi32>
        %gather3A_826 = tpu.vector_load_idx %arg9[%broadcast_in_dim3A_1, %add3A_825] : memref<2x3200xi32, #tpu.memory_space<vmem>>[vector<16xi32>, vector<16xi32>], vector<16xi32>,
        %gather3A_827 = tpu.vector_load_idx %arg9[%add3A_4, %add3A_825] : memref<2x3200xi32, #tpu.memory_space<vmem>>[vector<16xi32>, vector<16xi32>], vector<16xi32>,
        %gather3A_828 = tpu.vector_load_idx %arg8[%gather3A_826] : memref<100000xi32, #tpu.memory_space<vmem>>[vector<16xi32>], vector<16xi32>,
        %swap3A_829 = arith.constant 1120 : index
        %swap3A_830 = tpu.vector_load %arg11[%swap3A_829] {strides = array<i32>} : memref<3200xi32, #tpu.memory_space<vmem>>, vector<16xi32>,
        tpu.vector_store %arg11[%swap3A_829], %gather3A_828 {strides = array<i32>} : memref<3200xi32, #tpu.memory_space<vmem>>, vector<16xi32>,
        %gather3A_831 = tpu.vector_load_idx %arg8[%gather3A_827] : memref<100000xi32, #tpu.memory_space<vmem>>[vector<16xi32>], vector<16xi32>,
        %swap3A_832 = arith.constant 1120 : index
        %swap3A_833 = tpu.vector_load %arg12[%swap3A_832] {strides = array<i32>} : memref<3200xi32, #tpu.memory_space<vmem>>, vector<16xi32>,
        tpu.vector_store %arg12[%swap3A_832], %gather3A_831 {strides = array<i32>} : memref<3200xi32, #tpu.memory_space<vmem>>, vector<16xi32>,
        %add3A_834 = arith.constant 1136 : i32
        %add3A_835 = vector.broadcast %add3A_834 : i32 to vector<16xi32>
        %add3A_836 = arith.addi %iota3A, %add3A_835 : vector<16xi32>
        %gather3A_837 = tpu.vector_load_idx %arg9[%broadcast_in_dim3A_1, %add3A_836] : memref<2x3200xi32, #tpu.memory_space<vmem>>[vector<16xi32>, vector<16xi32>], vector<16xi32>,
        %gather3A_838 = tpu.vector_load_idx %arg9[%add3A_4, %add3A_836] : memref<2x3200xi32, #tpu.memory_space<vmem>>[vector<16xi32>, vector<16xi32>], vector<16xi32>,
        %gather3A_839 = tpu.vector_load_idx %arg8[%gather3A_837] : memref<100000xi32, #tpu.memory_space<vmem>>[vector<16xi32>], vector<16xi32>,
        %swap3A_840 = arith.constant 1136 : index
        %swap3A_841 = tpu.vector_load %arg11[%swap3A_840] {strides = array<i32>} : memref<3200xi32, #tpu.memory_space<vmem>>, vector<16xi32>,
        tpu.vector_store %arg11[%swap3A_840], %gather3A_839 {strides = array<i32>} : memref<3200xi32, #tpu.memory_space<vmem>>, vector<16xi32>,
        %gather3A_842 = tpu.vector_load_idx %arg8[%gather3A_838] : memref<100000xi32, #tpu.memory_space<vmem>>[vector<16xi32>], vector<16xi32>,
        %swap3A_843 = arith.constant 1136 : index
        %swap3A_844 = tpu.vector_load %arg12[%swap3A_843] {strides = array<i32>} : memref<3200xi32, #tpu.memory_space<vmem>>, vector<16xi32>,
        tpu.vector_store %arg12[%swap3A_843], %gather3A_842 {strides = array<i32>} : memref<3200xi32, #tpu.memory_space<vmem>>, vector<16xi32>,
        %add3A_845 = arith.constant 1152 : i32
        %add3A_846 = vector.broadcast %add3A_845 : i32 to vector<16xi32>
        %add3A_847 = arith.addi %iota3A, %add3A_846 : vector<16xi32>
        %gather3A_848 = tpu.vector_load_idx %arg9[%broadcast_in_dim3A_1, %add3A_847] : memref<2x3200xi32, #tpu.memory_space<vmem>>[vector<16xi32>, vector<16xi32>], vector<16xi32>,
        %gather3A_849 = tpu.vector_load_idx %arg9[%add3A_4, %add3A_847] : memref<2x3200xi32, #tpu.memory_space<vmem>>[vector<16xi32>, vector<16xi32>], vector<16xi32>,
        %gather3A_850 = tpu.vector_load_idx %arg8[%gather3A_848] : memref<100000xi32, #tpu.memory_space<vmem>>[vector<16xi32>], vector<16xi32>,
        %swap3A_851 = arith.constant 1152 : index
        %swap3A_852 = tpu.vector_load %arg11[%swap3A_851] {strides = array<i32>} : memref<3200xi32, #tpu.memory_space<vmem>>, vector<16xi32>,
        tpu.vector_store %arg11[%swap3A_851], %gather3A_850 {strides = array<i32>} : memref<3200xi32, #tpu.memory_space<vmem>>, vector<16xi32>,
        %gather3A_853 = tpu.vector_load_idx %arg8[%gather3A_849] : memref<100000xi32, #tpu.memory_space<vmem>>[vector<16xi32>], vector<16xi32>,
        %swap3A_854 = arith.constant 1152 : index
        %swap3A_855 = tpu.vector_load %arg12[%swap3A_854] {strides = array<i32>} : memref<3200xi32, #tpu.memory_space<vmem>>, vector<16xi32>,
        tpu.vector_store %arg12[%swap3A_854], %gather3A_853 {strides = array<i32>} : memref<3200xi32, #tpu.memory_space<vmem>>, vector<16xi32>,
        %add3A_856 = arith.constant 1168 : i32
        %add3A_857 = vector.broadcast %add3A_856 : i32 to vector<16xi32>
        %add3A_858 = arith.addi %iota3A, %add3A_857 : vector<16xi32>
        %gather3A_859 = tpu.vector_load_idx %arg9[%broadcast_in_dim3A_1, %add3A_858] : memref<2x3200xi32, #tpu.memory_space<vmem>>[vector<16xi32>, vector<16xi32>], vector<16xi32>,
        %gather3A_860 = tpu.vector_load_idx %arg9[%add3A_4, %add3A_858] : memref<2x3200xi32, #tpu.memory_space<vmem>>[vector<16xi32>, vector<16xi32>], vector<16xi32>,
        %gather3A_861 = tpu.vector_load_idx %arg8[%gather3A_859] : memref<100000xi32, #tpu.memory_space<vmem>>[vector<16xi32>], vector<16xi32>,
        %swap3A_862 = arith.constant 1168 : index
        %swap3A_863 = tpu.vector_load %arg11[%swap3A_862] {strides = array<i32>} : memref<3200xi32, #tpu.memory_space<vmem>>, vector<16xi32>,
        tpu.vector_store %arg11[%swap3A_862], %gather3A_861 {strides = array<i32>} : memref<3200xi32, #tpu.memory_space<vmem>>, vector<16xi32>,
        %gather3A_864 = tpu.vector_load_idx %arg8[%gather3A_860] : memref<100000xi32, #tpu.memory_space<vmem>>[vector<16xi32>], vector<16xi32>,
        %swap3A_865 = arith.constant 1168 : index
        %swap3A_866 = tpu.vector_load %arg12[%swap3A_865] {strides = array<i32>} : memref<3200xi32, #tpu.memory_space<vmem>>, vector<16xi32>,
        tpu.vector_store %arg12[%swap3A_865], %gather3A_864 {strides = array<i32>} : memref<3200xi32, #tpu.memory_space<vmem>>, vector<16xi32>,
        %add3A_867 = arith.constant 1184 : i32
        %add3A_868 = vector.broadcast %add3A_867 : i32 to vector<16xi32>
        %add3A_869 = arith.addi %iota3A, %add3A_868 : vector<16xi32>
        %gather3A_870 = tpu.vector_load_idx %arg9[%broadcast_in_dim3A_1, %add3A_869] : memref<2x3200xi32, #tpu.memory_space<vmem>>[vector<16xi32>, vector<16xi32>], vector<16xi32>,
        %gather3A_871 = tpu.vector_load_idx %arg9[%add3A_4, %add3A_869] : memref<2x3200xi32, #tpu.memory_space<vmem>>[vector<16xi32>, vector<16xi32>], vector<16xi32>,
        %gather3A_872 = tpu.vector_load_idx %arg8[%gather3A_870] : memref<100000xi32, #tpu.memory_space<vmem>>[vector<16xi32>], vector<16xi32>,
        %swap3A_873 = arith.constant 1184 : index
        %swap3A_874 = tpu.vector_load %arg11[%swap3A_873] {strides = array<i32>} : memref<3200xi32, #tpu.memory_space<vmem>>, vector<16xi32>,
        tpu.vector_store %arg11[%swap3A_873], %gather3A_872 {strides = array<i32>} : memref<3200xi32, #tpu.memory_space<vmem>>, vector<16xi32>,
        %gather3A_875 = tpu.vector_load_idx %arg8[%gather3A_871] : memref<100000xi32, #tpu.memory_space<vmem>>[vector<16xi32>], vector<16xi32>,
        %swap3A_876 = arith.constant 1184 : index
        %swap3A_877 = tpu.vector_load %arg12[%swap3A_876] {strides = array<i32>} : memref<3200xi32, #tpu.memory_space<vmem>>, vector<16xi32>,
        tpu.vector_store %arg12[%swap3A_876], %gather3A_875 {strides = array<i32>} : memref<3200xi32, #tpu.memory_space<vmem>>, vector<16xi32>,
        %add3A_878 = arith.constant 1200 : i32
        %add3A_879 = vector.broadcast %add3A_878 : i32 to vector<16xi32>
        %add3A_880 = arith.addi %iota3A, %add3A_879 : vector<16xi32>
        %gather3A_881 = tpu.vector_load_idx %arg9[%broadcast_in_dim3A_1, %add3A_880] : memref<2x3200xi32, #tpu.memory_space<vmem>>[vector<16xi32>, vector<16xi32>], vector<16xi32>,
        %gather3A_882 = tpu.vector_load_idx %arg9[%add3A_4, %add3A_880] : memref<2x3200xi32, #tpu.memory_space<vmem>>[vector<16xi32>, vector<16xi32>], vector<16xi32>,
        %gather3A_883 = tpu.vector_load_idx %arg8[%gather3A_881] : memref<100000xi32, #tpu.memory_space<vmem>>[vector<16xi32>], vector<16xi32>,
        %swap3A_884 = arith.constant 1200 : index
        %swap3A_885 = tpu.vector_load %arg11[%swap3A_884] {strides = array<i32>} : memref<3200xi32, #tpu.memory_space<vmem>>, vector<16xi32>,
        tpu.vector_store %arg11[%swap3A_884], %gather3A_883 {strides = array<i32>} : memref<3200xi32, #tpu.memory_space<vmem>>, vector<16xi32>,
        %gather3A_886 = tpu.vector_load_idx %arg8[%gather3A_882] : memref<100000xi32, #tpu.memory_space<vmem>>[vector<16xi32>], vector<16xi32>,
        %swap3A_887 = arith.constant 1200 : index
        %swap3A_888 = tpu.vector_load %arg12[%swap3A_887] {strides = array<i32>} : memref<3200xi32, #tpu.memory_space<vmem>>, vector<16xi32>,
        tpu.vector_store %arg12[%swap3A_887], %gather3A_886 {strides = array<i32>} : memref<3200xi32, #tpu.memory_space<vmem>>, vector<16xi32>,
        %add3A_889 = arith.constant 1216 : i32
        %add3A_890 = vector.broadcast %add3A_889 : i32 to vector<16xi32>
        %add3A_891 = arith.addi %iota3A, %add3A_890 : vector<16xi32>
        %gather3A_892 = tpu.vector_load_idx %arg9[%broadcast_in_dim3A_1, %add3A_891] : memref<2x3200xi32, #tpu.memory_space<vmem>>[vector<16xi32>, vector<16xi32>], vector<16xi32>,
        %gather3A_893 = tpu.vector_load_idx %arg9[%add3A_4, %add3A_891] : memref<2x3200xi32, #tpu.memory_space<vmem>>[vector<16xi32>, vector<16xi32>], vector<16xi32>,
        %gather3A_894 = tpu.vector_load_idx %arg8[%gather3A_892] : memref<100000xi32, #tpu.memory_space<vmem>>[vector<16xi32>], vector<16xi32>,
        %swap3A_895 = arith.constant 1216 : index
        %swap3A_896 = tpu.vector_load %arg11[%swap3A_895] {strides = array<i32>} : memref<3200xi32, #tpu.memory_space<vmem>>, vector<16xi32>,
        tpu.vector_store %arg11[%swap3A_895], %gather3A_894 {strides = array<i32>} : memref<3200xi32, #tpu.memory_space<vmem>>, vector<16xi32>,
        %gather3A_897 = tpu.vector_load_idx %arg8[%gather3A_893] : memref<100000xi32, #tpu.memory_space<vmem>>[vector<16xi32>], vector<16xi32>,
        %swap3A_898 = arith.constant 1216 : index
        %swap3A_899 = tpu.vector_load %arg12[%swap3A_898] {strides = array<i32>} : memref<3200xi32, #tpu.memory_space<vmem>>, vector<16xi32>,
        tpu.vector_store %arg12[%swap3A_898], %gather3A_897 {strides = array<i32>} : memref<3200xi32, #tpu.memory_space<vmem>>, vector<16xi32>,
        %add3A_900 = arith.constant 1232 : i32
        %add3A_901 = vector.broadcast %add3A_900 : i32 to vector<16xi32>
        %add3A_902 = arith.addi %iota3A, %add3A_901 : vector<16xi32>
        %gather3A_903 = tpu.vector_load_idx %arg9[%broadcast_in_dim3A_1, %add3A_902] : memref<2x3200xi32, #tpu.memory_space<vmem>>[vector<16xi32>, vector<16xi32>], vector<16xi32>,
        %gather3A_904 = tpu.vector_load_idx %arg9[%add3A_4, %add3A_902] : memref<2x3200xi32, #tpu.memory_space<vmem>>[vector<16xi32>, vector<16xi32>], vector<16xi32>,
        %gather3A_905 = tpu.vector_load_idx %arg8[%gather3A_903] : memref<100000xi32, #tpu.memory_space<vmem>>[vector<16xi32>], vector<16xi32>,
        %swap3A_906 = arith.constant 1232 : index
        %swap3A_907 = tpu.vector_load %arg11[%swap3A_906] {strides = array<i32>} : memref<3200xi32, #tpu.memory_space<vmem>>, vector<16xi32>,
        tpu.vector_store %arg11[%swap3A_906], %gather3A_905 {strides = array<i32>} : memref<3200xi32, #tpu.memory_space<vmem>>, vector<16xi32>,
        %gather3A_908 = tpu.vector_load_idx %arg8[%gather3A_904] : memref<100000xi32, #tpu.memory_space<vmem>>[vector<16xi32>], vector<16xi32>,
        %swap3A_909 = arith.constant 1232 : index
        %swap3A_910 = tpu.vector_load %arg12[%swap3A_909] {strides = array<i32>} : memref<3200xi32, #tpu.memory_space<vmem>>, vector<16xi32>,
        tpu.vector_store %arg12[%swap3A_909], %gather3A_908 {strides = array<i32>} : memref<3200xi32, #tpu.memory_space<vmem>>, vector<16xi32>,
        %add3A_911 = arith.constant 1248 : i32
        %add3A_912 = vector.broadcast %add3A_911 : i32 to vector<16xi32>
        %add3A_913 = arith.addi %iota3A, %add3A_912 : vector<16xi32>
        %gather3A_914 = tpu.vector_load_idx %arg9[%broadcast_in_dim3A_1, %add3A_913] : memref<2x3200xi32, #tpu.memory_space<vmem>>[vector<16xi32>, vector<16xi32>], vector<16xi32>,
        %gather3A_915 = tpu.vector_load_idx %arg9[%add3A_4, %add3A_913] : memref<2x3200xi32, #tpu.memory_space<vmem>>[vector<16xi32>, vector<16xi32>], vector<16xi32>,
        %gather3A_916 = tpu.vector_load_idx %arg8[%gather3A_914] : memref<100000xi32, #tpu.memory_space<vmem>>[vector<16xi32>], vector<16xi32>,
        %swap3A_917 = arith.constant 1248 : index
        %swap3A_918 = tpu.vector_load %arg11[%swap3A_917] {strides = array<i32>} : memref<3200xi32, #tpu.memory_space<vmem>>, vector<16xi32>,
        tpu.vector_store %arg11[%swap3A_917], %gather3A_916 {strides = array<i32>} : memref<3200xi32, #tpu.memory_space<vmem>>, vector<16xi32>,
        %gather3A_919 = tpu.vector_load_idx %arg8[%gather3A_915] : memref<100000xi32, #tpu.memory_space<vmem>>[vector<16xi32>], vector<16xi32>,
        %swap3A_920 = arith.constant 1248 : index
        %swap3A_921 = tpu.vector_load %arg12[%swap3A_920] {strides = array<i32>} : memref<3200xi32, #tpu.memory_space<vmem>>, vector<16xi32>,
        tpu.vector_store %arg12[%swap3A_920], %gather3A_919 {strides = array<i32>} : memref<3200xi32, #tpu.memory_space<vmem>>, vector<16xi32>,
        %add3A_922 = arith.constant 1264 : i32
        %add3A_923 = vector.broadcast %add3A_922 : i32 to vector<16xi32>
        %add3A_924 = arith.addi %iota3A, %add3A_923 : vector<16xi32>
        %gather3A_925 = tpu.vector_load_idx %arg9[%broadcast_in_dim3A_1, %add3A_924] : memref<2x3200xi32, #tpu.memory_space<vmem>>[vector<16xi32>, vector<16xi32>], vector<16xi32>,
        %gather3A_926 = tpu.vector_load_idx %arg9[%add3A_4, %add3A_924] : memref<2x3200xi32, #tpu.memory_space<vmem>>[vector<16xi32>, vector<16xi32>], vector<16xi32>,
        %gather3A_927 = tpu.vector_load_idx %arg8[%gather3A_925] : memref<100000xi32, #tpu.memory_space<vmem>>[vector<16xi32>], vector<16xi32>,
        %swap3A_928 = arith.constant 1264 : index
        %swap3A_929 = tpu.vector_load %arg11[%swap3A_928] {strides = array<i32>} : memref<3200xi32, #tpu.memory_space<vmem>>, vector<16xi32>,
        tpu.vector_store %arg11[%swap3A_928], %gather3A_927 {strides = array<i32>} : memref<3200xi32, #tpu.memory_space<vmem>>, vector<16xi32>,
        %gather3A_930 = tpu.vector_load_idx %arg8[%gather3A_926] : memref<100000xi32, #tpu.memory_space<vmem>>[vector<16xi32>], vector<16xi32>,
        %swap3A_931 = arith.constant 1264 : index
        %swap3A_932 = tpu.vector_load %arg12[%swap3A_931] {strides = array<i32>} : memref<3200xi32, #tpu.memory_space<vmem>>, vector<16xi32>,
        tpu.vector_store %arg12[%swap3A_931], %gather3A_930 {strides = array<i32>} : memref<3200xi32, #tpu.memory_space<vmem>>, vector<16xi32>,
        %add3A_933 = arith.constant 1280 : i32
        %add3A_934 = vector.broadcast %add3A_933 : i32 to vector<16xi32>
        %add3A_935 = arith.addi %iota3A, %add3A_934 : vector<16xi32>
        %gather3A_936 = tpu.vector_load_idx %arg9[%broadcast_in_dim3A_1, %add3A_935] : memref<2x3200xi32, #tpu.memory_space<vmem>>[vector<16xi32>, vector<16xi32>], vector<16xi32>,
        %gather3A_937 = tpu.vector_load_idx %arg9[%add3A_4, %add3A_935] : memref<2x3200xi32, #tpu.memory_space<vmem>>[vector<16xi32>, vector<16xi32>], vector<16xi32>,
        %gather3A_938 = tpu.vector_load_idx %arg8[%gather3A_936] : memref<100000xi32, #tpu.memory_space<vmem>>[vector<16xi32>], vector<16xi32>,
        %swap3A_939 = arith.constant 1280 : index
        %swap3A_940 = tpu.vector_load %arg11[%swap3A_939] {strides = array<i32>} : memref<3200xi32, #tpu.memory_space<vmem>>, vector<16xi32>,
        tpu.vector_store %arg11[%swap3A_939], %gather3A_938 {strides = array<i32>} : memref<3200xi32, #tpu.memory_space<vmem>>, vector<16xi32>,
        %gather3A_941 = tpu.vector_load_idx %arg8[%gather3A_937] : memref<100000xi32, #tpu.memory_space<vmem>>[vector<16xi32>], vector<16xi32>,
        %swap3A_942 = arith.constant 1280 : index
        %swap3A_943 = tpu.vector_load %arg12[%swap3A_942] {strides = array<i32>} : memref<3200xi32, #tpu.memory_space<vmem>>, vector<16xi32>,
        tpu.vector_store %arg12[%swap3A_942], %gather3A_941 {strides = array<i32>} : memref<3200xi32, #tpu.memory_space<vmem>>, vector<16xi32>,
        %add3A_944 = arith.constant 1296 : i32
        %add3A_945 = vector.broadcast %add3A_944 : i32 to vector<16xi32>
        %add3A_946 = arith.addi %iota3A, %add3A_945 : vector<16xi32>
        %gather3A_947 = tpu.vector_load_idx %arg9[%broadcast_in_dim3A_1, %add3A_946] : memref<2x3200xi32, #tpu.memory_space<vmem>>[vector<16xi32>, vector<16xi32>], vector<16xi32>,
        %gather3A_948 = tpu.vector_load_idx %arg9[%add3A_4, %add3A_946] : memref<2x3200xi32, #tpu.memory_space<vmem>>[vector<16xi32>, vector<16xi32>], vector<16xi32>,
        %gather3A_949 = tpu.vector_load_idx %arg8[%gather3A_947] : memref<100000xi32, #tpu.memory_space<vmem>>[vector<16xi32>], vector<16xi32>,
        %swap3A_950 = arith.constant 1296 : index
        %swap3A_951 = tpu.vector_load %arg11[%swap3A_950] {strides = array<i32>} : memref<3200xi32, #tpu.memory_space<vmem>>, vector<16xi32>,
        tpu.vector_store %arg11[%swap3A_950], %gather3A_949 {strides = array<i32>} : memref<3200xi32, #tpu.memory_space<vmem>>, vector<16xi32>,
        %gather3A_952 = tpu.vector_load_idx %arg8[%gather3A_948] : memref<100000xi32, #tpu.memory_space<vmem>>[vector<16xi32>], vector<16xi32>,
        %swap3A_953 = arith.constant 1296 : index
        %swap3A_954 = tpu.vector_load %arg12[%swap3A_953] {strides = array<i32>} : memref<3200xi32, #tpu.memory_space<vmem>>, vector<16xi32>,
        tpu.vector_store %arg12[%swap3A_953], %gather3A_952 {strides = array<i32>} : memref<3200xi32, #tpu.memory_space<vmem>>, vector<16xi32>,
        %add3A_955 = arith.constant 1312 : i32
        %add3A_956 = vector.broadcast %add3A_955 : i32 to vector<16xi32>
        %add3A_957 = arith.addi %iota3A, %add3A_956 : vector<16xi32>
        %gather3A_958 = tpu.vector_load_idx %arg9[%broadcast_in_dim3A_1, %add3A_957] : memref<2x3200xi32, #tpu.memory_space<vmem>>[vector<16xi32>, vector<16xi32>], vector<16xi32>,
        %gather3A_959 = tpu.vector_load_idx %arg9[%add3A_4, %add3A_957] : memref<2x3200xi32, #tpu.memory_space<vmem>>[vector<16xi32>, vector<16xi32>], vector<16xi32>,
        %gather3A_960 = tpu.vector_load_idx %arg8[%gather3A_958] : memref<100000xi32, #tpu.memory_space<vmem>>[vector<16xi32>], vector<16xi32>,
        %swap3A_961 = arith.constant 1312 : index
        %swap3A_962 = tpu.vector_load %arg11[%swap3A_961] {strides = array<i32>} : memref<3200xi32, #tpu.memory_space<vmem>>, vector<16xi32>,
        tpu.vector_store %arg11[%swap3A_961], %gather3A_960 {strides = array<i32>} : memref<3200xi32, #tpu.memory_space<vmem>>, vector<16xi32>,
        %gather3A_963 = tpu.vector_load_idx %arg8[%gather3A_959] : memref<100000xi32, #tpu.memory_space<vmem>>[vector<16xi32>], vector<16xi32>,
        %swap3A_964 = arith.constant 1312 : index
        %swap3A_965 = tpu.vector_load %arg12[%swap3A_964] {strides = array<i32>} : memref<3200xi32, #tpu.memory_space<vmem>>, vector<16xi32>,
        tpu.vector_store %arg12[%swap3A_964], %gather3A_963 {strides = array<i32>} : memref<3200xi32, #tpu.memory_space<vmem>>, vector<16xi32>,
        %add3A_966 = arith.constant 1328 : i32
        %add3A_967 = vector.broadcast %add3A_966 : i32 to vector<16xi32>
        %add3A_968 = arith.addi %iota3A, %add3A_967 : vector<16xi32>
        %gather3A_969 = tpu.vector_load_idx %arg9[%broadcast_in_dim3A_1, %add3A_968] : memref<2x3200xi32, #tpu.memory_space<vmem>>[vector<16xi32>, vector<16xi32>], vector<16xi32>,
        %gather3A_970 = tpu.vector_load_idx %arg9[%add3A_4, %add3A_968] : memref<2x3200xi32, #tpu.memory_space<vmem>>[vector<16xi32>, vector<16xi32>], vector<16xi32>,
        %gather3A_971 = tpu.vector_load_idx %arg8[%gather3A_969] : memref<100000xi32, #tpu.memory_space<vmem>>[vector<16xi32>], vector<16xi32>,
        %swap3A_972 = arith.constant 1328 : index
        %swap3A_973 = tpu.vector_load %arg11[%swap3A_972] {strides = array<i32>} : memref<3200xi32, #tpu.memory_space<vmem>>, vector<16xi32>,
        tpu.vector_store %arg11[%swap3A_972], %gather3A_971 {strides = array<i32>} : memref<3200xi32, #tpu.memory_space<vmem>>, vector<16xi32>,
        %gather3A_974 = tpu.vector_load_idx %arg8[%gather3A_970] : memref<100000xi32, #tpu.memory_space<vmem>>[vector<16xi32>], vector<16xi32>,
        %swap3A_975 = arith.constant 1328 : index
        %swap3A_976 = tpu.vector_load %arg12[%swap3A_975] {strides = array<i32>} : memref<3200xi32, #tpu.memory_space<vmem>>, vector<16xi32>,
        tpu.vector_store %arg12[%swap3A_975], %gather3A_974 {strides = array<i32>} : memref<3200xi32, #tpu.memory_space<vmem>>, vector<16xi32>,
        %add3A_977 = arith.constant 1344 : i32
        %add3A_978 = vector.broadcast %add3A_977 : i32 to vector<16xi32>
        %add3A_979 = arith.addi %iota3A, %add3A_978 : vector<16xi32>
        %gather3A_980 = tpu.vector_load_idx %arg9[%broadcast_in_dim3A_1, %add3A_979] : memref<2x3200xi32, #tpu.memory_space<vmem>>[vector<16xi32>, vector<16xi32>], vector<16xi32>,
        %gather3A_981 = tpu.vector_load_idx %arg9[%add3A_4, %add3A_979] : memref<2x3200xi32, #tpu.memory_space<vmem>>[vector<16xi32>, vector<16xi32>], vector<16xi32>,
        %gather3A_982 = tpu.vector_load_idx %arg8[%gather3A_980] : memref<100000xi32, #tpu.memory_space<vmem>>[vector<16xi32>], vector<16xi32>,
        %swap3A_983 = arith.constant 1344 : index
        %swap3A_984 = tpu.vector_load %arg11[%swap3A_983] {strides = array<i32>} : memref<3200xi32, #tpu.memory_space<vmem>>, vector<16xi32>,
        tpu.vector_store %arg11[%swap3A_983], %gather3A_982 {strides = array<i32>} : memref<3200xi32, #tpu.memory_space<vmem>>, vector<16xi32>,
        %gather3A_985 = tpu.vector_load_idx %arg8[%gather3A_981] : memref<100000xi32, #tpu.memory_space<vmem>>[vector<16xi32>], vector<16xi32>,
        %swap3A_986 = arith.constant 1344 : index
        %swap3A_987 = tpu.vector_load %arg12[%swap3A_986] {strides = array<i32>} : memref<3200xi32, #tpu.memory_space<vmem>>, vector<16xi32>,
        tpu.vector_store %arg12[%swap3A_986], %gather3A_985 {strides = array<i32>} : memref<3200xi32, #tpu.memory_space<vmem>>, vector<16xi32>,
        %add3A_988 = arith.constant 1360 : i32
        %add3A_989 = vector.broadcast %add3A_988 : i32 to vector<16xi32>
        %add3A_990 = arith.addi %iota3A, %add3A_989 : vector<16xi32>
        %gather3A_991 = tpu.vector_load_idx %arg9[%broadcast_in_dim3A_1, %add3A_990] : memref<2x3200xi32, #tpu.memory_space<vmem>>[vector<16xi32>, vector<16xi32>], vector<16xi32>,
        %gather3A_992 = tpu.vector_load_idx %arg9[%add3A_4, %add3A_990] : memref<2x3200xi32, #tpu.memory_space<vmem>>[vector<16xi32>, vector<16xi32>], vector<16xi32>,
        %gather3A_993 = tpu.vector_load_idx %arg8[%gather3A_991] : memref<100000xi32, #tpu.memory_space<vmem>>[vector<16xi32>], vector<16xi32>,
        %swap3A_994 = arith.constant 1360 : index
        %swap3A_995 = tpu.vector_load %arg11[%swap3A_994] {strides = array<i32>} : memref<3200xi32, #tpu.memory_space<vmem>>, vector<16xi32>,
        tpu.vector_store %arg11[%swap3A_994], %gather3A_993 {strides = array<i32>} : memref<3200xi32, #tpu.memory_space<vmem>>, vector<16xi32>,
        %gather3A_996 = tpu.vector_load_idx %arg8[%gather3A_992] : memref<100000xi32, #tpu.memory_space<vmem>>[vector<16xi32>], vector<16xi32>,
        %swap3A_997 = arith.constant 1360 : index
        %swap3A_998 = tpu.vector_load %arg12[%swap3A_997] {strides = array<i32>} : memref<3200xi32, #tpu.memory_space<vmem>>, vector<16xi32>,
        tpu.vector_store %arg12[%swap3A_997], %gather3A_996 {strides = array<i32>} : memref<3200xi32, #tpu.memory_space<vmem>>, vector<16xi32>,
        %add3A_999 = arith.constant 1376 : i32
        %add3A_1000 = vector.broadcast %add3A_999 : i32 to vector<16xi32>
        %add3A_1001 = arith.addi %iota3A, %add3A_1000 : vector<16xi32>
        %gather3A_1002 = tpu.vector_load_idx %arg9[%broadcast_in_dim3A_1, %add3A_1001] : memref<2x3200xi32, #tpu.memory_space<vmem>>[vector<16xi32>, vector<16xi32>], vector<16xi32>,
        %gather3A_1003 = tpu.vector_load_idx %arg9[%add3A_4, %add3A_1001] : memref<2x3200xi32, #tpu.memory_space<vmem>>[vector<16xi32>, vector<16xi32>], vector<16xi32>,
        %gather3A_1004 = tpu.vector_load_idx %arg8[%gather3A_1002] : memref<100000xi32, #tpu.memory_space<vmem>>[vector<16xi32>], vector<16xi32>,
        %swap3A_1005 = arith.constant 1376 : index
        %swap3A_1006 = tpu.vector_load %arg11[%swap3A_1005] {strides = array<i32>} : memref<3200xi32, #tpu.memory_space<vmem>>, vector<16xi32>,
        tpu.vector_store %arg11[%swap3A_1005], %gather3A_1004 {strides = array<i32>} : memref<3200xi32, #tpu.memory_space<vmem>>, vector<16xi32>,
        %gather3A_1007 = tpu.vector_load_idx %arg8[%gather3A_1003] : memref<100000xi32, #tpu.memory_space<vmem>>[vector<16xi32>], vector<16xi32>,
        %swap3A_1008 = arith.constant 1376 : index
        %swap3A_1009 = tpu.vector_load %arg12[%swap3A_1008] {strides = array<i32>} : memref<3200xi32, #tpu.memory_space<vmem>>, vector<16xi32>,
        tpu.vector_store %arg12[%swap3A_1008], %gather3A_1007 {strides = array<i32>} : memref<3200xi32, #tpu.memory_space<vmem>>, vector<16xi32>,
        %add3A_1010 = arith.constant 1392 : i32
        %add3A_1011 = vector.broadcast %add3A_1010 : i32 to vector<16xi32>
        %add3A_1012 = arith.addi %iota3A, %add3A_1011 : vector<16xi32>
        %gather3A_1013 = tpu.vector_load_idx %arg9[%broadcast_in_dim3A_1, %add3A_1012] : memref<2x3200xi32, #tpu.memory_space<vmem>>[vector<16xi32>, vector<16xi32>], vector<16xi32>,
        %gather3A_1014 = tpu.vector_load_idx %arg9[%add3A_4, %add3A_1012] : memref<2x3200xi32, #tpu.memory_space<vmem>>[vector<16xi32>, vector<16xi32>], vector<16xi32>,
        %gather3A_1015 = tpu.vector_load_idx %arg8[%gather3A_1013] : memref<100000xi32, #tpu.memory_space<vmem>>[vector<16xi32>], vector<16xi32>,
        %swap3A_1016 = arith.constant 1392 : index
        %swap3A_1017 = tpu.vector_load %arg11[%swap3A_1016] {strides = array<i32>} : memref<3200xi32, #tpu.memory_space<vmem>>, vector<16xi32>,
        tpu.vector_store %arg11[%swap3A_1016], %gather3A_1015 {strides = array<i32>} : memref<3200xi32, #tpu.memory_space<vmem>>, vector<16xi32>,
        %gather3A_1018 = tpu.vector_load_idx %arg8[%gather3A_1014] : memref<100000xi32, #tpu.memory_space<vmem>>[vector<16xi32>], vector<16xi32>,
        %swap3A_1019 = arith.constant 1392 : index
        %swap3A_1020 = tpu.vector_load %arg12[%swap3A_1019] {strides = array<i32>} : memref<3200xi32, #tpu.memory_space<vmem>>, vector<16xi32>,
        tpu.vector_store %arg12[%swap3A_1019], %gather3A_1018 {strides = array<i32>} : memref<3200xi32, #tpu.memory_space<vmem>>, vector<16xi32>,
        %add3A_1021 = arith.constant 1408 : i32
        %add3A_1022 = vector.broadcast %add3A_1021 : i32 to vector<16xi32>
        %add3A_1023 = arith.addi %iota3A, %add3A_1022 : vector<16xi32>
        %gather3A_1024 = tpu.vector_load_idx %arg9[%broadcast_in_dim3A_1, %add3A_1023] : memref<2x3200xi32, #tpu.memory_space<vmem>>[vector<16xi32>, vector<16xi32>], vector<16xi32>,
        %gather3A_1025 = tpu.vector_load_idx %arg9[%add3A_4, %add3A_1023] : memref<2x3200xi32, #tpu.memory_space<vmem>>[vector<16xi32>, vector<16xi32>], vector<16xi32>,
        %gather3A_1026 = tpu.vector_load_idx %arg8[%gather3A_1024] : memref<100000xi32, #tpu.memory_space<vmem>>[vector<16xi32>], vector<16xi32>,
        %swap3A_1027 = arith.constant 1408 : index
        %swap3A_1028 = tpu.vector_load %arg11[%swap3A_1027] {strides = array<i32>} : memref<3200xi32, #tpu.memory_space<vmem>>, vector<16xi32>,
        tpu.vector_store %arg11[%swap3A_1027], %gather3A_1026 {strides = array<i32>} : memref<3200xi32, #tpu.memory_space<vmem>>, vector<16xi32>,
        %gather3A_1029 = tpu.vector_load_idx %arg8[%gather3A_1025] : memref<100000xi32, #tpu.memory_space<vmem>>[vector<16xi32>], vector<16xi32>,
        %swap3A_1030 = arith.constant 1408 : index
        %swap3A_1031 = tpu.vector_load %arg12[%swap3A_1030] {strides = array<i32>} : memref<3200xi32, #tpu.memory_space<vmem>>, vector<16xi32>,
        tpu.vector_store %arg12[%swap3A_1030], %gather3A_1029 {strides = array<i32>} : memref<3200xi32, #tpu.memory_space<vmem>>, vector<16xi32>,
        %add3A_1032 = arith.constant 1424 : i32
        %add3A_1033 = vector.broadcast %add3A_1032 : i32 to vector<16xi32>
        %add3A_1034 = arith.addi %iota3A, %add3A_1033 : vector<16xi32>
        %gather3A_1035 = tpu.vector_load_idx %arg9[%broadcast_in_dim3A_1, %add3A_1034] : memref<2x3200xi32, #tpu.memory_space<vmem>>[vector<16xi32>, vector<16xi32>], vector<16xi32>,
        %gather3A_1036 = tpu.vector_load_idx %arg9[%add3A_4, %add3A_1034] : memref<2x3200xi32, #tpu.memory_space<vmem>>[vector<16xi32>, vector<16xi32>], vector<16xi32>,
        %gather3A_1037 = tpu.vector_load_idx %arg8[%gather3A_1035] : memref<100000xi32, #tpu.memory_space<vmem>>[vector<16xi32>], vector<16xi32>,
        %swap3A_1038 = arith.constant 1424 : index
        %swap3A_1039 = tpu.vector_load %arg11[%swap3A_1038] {strides = array<i32>} : memref<3200xi32, #tpu.memory_space<vmem>>, vector<16xi32>,
        tpu.vector_store %arg11[%swap3A_1038], %gather3A_1037 {strides = array<i32>} : memref<3200xi32, #tpu.memory_space<vmem>>, vector<16xi32>,
        %gather3A_1040 = tpu.vector_load_idx %arg8[%gather3A_1036] : memref<100000xi32, #tpu.memory_space<vmem>>[vector<16xi32>], vector<16xi32>,
        %swap3A_1041 = arith.constant 1424 : index
        %swap3A_1042 = tpu.vector_load %arg12[%swap3A_1041] {strides = array<i32>} : memref<3200xi32, #tpu.memory_space<vmem>>, vector<16xi32>,
        tpu.vector_store %arg12[%swap3A_1041], %gather3A_1040 {strides = array<i32>} : memref<3200xi32, #tpu.memory_space<vmem>>, vector<16xi32>,
        %add3A_1043 = arith.constant 1440 : i32
        %add3A_1044 = vector.broadcast %add3A_1043 : i32 to vector<16xi32>
        %add3A_1045 = arith.addi %iota3A, %add3A_1044 : vector<16xi32>
        %gather3A_1046 = tpu.vector_load_idx %arg9[%broadcast_in_dim3A_1, %add3A_1045] : memref<2x3200xi32, #tpu.memory_space<vmem>>[vector<16xi32>, vector<16xi32>], vector<16xi32>,
        %gather3A_1047 = tpu.vector_load_idx %arg9[%add3A_4, %add3A_1045] : memref<2x3200xi32, #tpu.memory_space<vmem>>[vector<16xi32>, vector<16xi32>], vector<16xi32>,
        %gather3A_1048 = tpu.vector_load_idx %arg8[%gather3A_1046] : memref<100000xi32, #tpu.memory_space<vmem>>[vector<16xi32>], vector<16xi32>,
        %swap3A_1049 = arith.constant 1440 : index
        %swap3A_1050 = tpu.vector_load %arg11[%swap3A_1049] {strides = array<i32>} : memref<3200xi32, #tpu.memory_space<vmem>>, vector<16xi32>,
        tpu.vector_store %arg11[%swap3A_1049], %gather3A_1048 {strides = array<i32>} : memref<3200xi32, #tpu.memory_space<vmem>>, vector<16xi32>,
        %gather3A_1051 = tpu.vector_load_idx %arg8[%gather3A_1047] : memref<100000xi32, #tpu.memory_space<vmem>>[vector<16xi32>], vector<16xi32>,
        %swap3A_1052 = arith.constant 1440 : index
        %swap3A_1053 = tpu.vector_load %arg12[%swap3A_1052] {strides = array<i32>} : memref<3200xi32, #tpu.memory_space<vmem>>, vector<16xi32>,
        tpu.vector_store %arg12[%swap3A_1052], %gather3A_1051 {strides = array<i32>} : memref<3200xi32, #tpu.memory_space<vmem>>, vector<16xi32>,
        %add3A_1054 = arith.constant 1456 : i32
        %add3A_1055 = vector.broadcast %add3A_1054 : i32 to vector<16xi32>
        %add3A_1056 = arith.addi %iota3A, %add3A_1055 : vector<16xi32>
        %gather3A_1057 = tpu.vector_load_idx %arg9[%broadcast_in_dim3A_1, %add3A_1056] : memref<2x3200xi32, #tpu.memory_space<vmem>>[vector<16xi32>, vector<16xi32>], vector<16xi32>,
        %gather3A_1058 = tpu.vector_load_idx %arg9[%add3A_4, %add3A_1056] : memref<2x3200xi32, #tpu.memory_space<vmem>>[vector<16xi32>, vector<16xi32>], vector<16xi32>,
        %gather3A_1059 = tpu.vector_load_idx %arg8[%gather3A_1057] : memref<100000xi32, #tpu.memory_space<vmem>>[vector<16xi32>], vector<16xi32>,
        %swap3A_1060 = arith.constant 1456 : index
        %swap3A_1061 = tpu.vector_load %arg11[%swap3A_1060] {strides = array<i32>} : memref<3200xi32, #tpu.memory_space<vmem>>, vector<16xi32>,
        tpu.vector_store %arg11[%swap3A_1060], %gather3A_1059 {strides = array<i32>} : memref<3200xi32, #tpu.memory_space<vmem>>, vector<16xi32>,
        %gather3A_1062 = tpu.vector_load_idx %arg8[%gather3A_1058] : memref<100000xi32, #tpu.memory_space<vmem>>[vector<16xi32>], vector<16xi32>,
        %swap3A_1063 = arith.constant 1456 : index
        %swap3A_1064 = tpu.vector_load %arg12[%swap3A_1063] {strides = array<i32>} : memref<3200xi32, #tpu.memory_space<vmem>>, vector<16xi32>,
        tpu.vector_store %arg12[%swap3A_1063], %gather3A_1062 {strides = array<i32>} : memref<3200xi32, #tpu.memory_space<vmem>>, vector<16xi32>,
        %add3A_1065 = arith.constant 1472 : i32
        %add3A_1066 = vector.broadcast %add3A_1065 : i32 to vector<16xi32>
        %add3A_1067 = arith.addi %iota3A, %add3A_1066 : vector<16xi32>
        %gather3A_1068 = tpu.vector_load_idx %arg9[%broadcast_in_dim3A_1, %add3A_1067] : memref<2x3200xi32, #tpu.memory_space<vmem>>[vector<16xi32>, vector<16xi32>], vector<16xi32>,
        %gather3A_1069 = tpu.vector_load_idx %arg9[%add3A_4, %add3A_1067] : memref<2x3200xi32, #tpu.memory_space<vmem>>[vector<16xi32>, vector<16xi32>], vector<16xi32>,
        %gather3A_1070 = tpu.vector_load_idx %arg8[%gather3A_1068] : memref<100000xi32, #tpu.memory_space<vmem>>[vector<16xi32>], vector<16xi32>,
        %swap3A_1071 = arith.constant 1472 : index
        %swap3A_1072 = tpu.vector_load %arg11[%swap3A_1071] {strides = array<i32>} : memref<3200xi32, #tpu.memory_space<vmem>>, vector<16xi32>,
        tpu.vector_store %arg11[%swap3A_1071], %gather3A_1070 {strides = array<i32>} : memref<3200xi32, #tpu.memory_space<vmem>>, vector<16xi32>,
        %gather3A_1073 = tpu.vector_load_idx %arg8[%gather3A_1069] : memref<100000xi32, #tpu.memory_space<vmem>>[vector<16xi32>], vector<16xi32>,
        %swap3A_1074 = arith.constant 1472 : index
        %swap3A_1075 = tpu.vector_load %arg12[%swap3A_1074] {strides = array<i32>} : memref<3200xi32, #tpu.memory_space<vmem>>, vector<16xi32>,
        tpu.vector_store %arg12[%swap3A_1074], %gather3A_1073 {strides = array<i32>} : memref<3200xi32, #tpu.memory_space<vmem>>, vector<16xi32>,
        %add3A_1076 = arith.constant 1488 : i32
        %add3A_1077 = vector.broadcast %add3A_1076 : i32 to vector<16xi32>
        %add3A_1078 = arith.addi %iota3A, %add3A_1077 : vector<16xi32>
        %gather3A_1079 = tpu.vector_load_idx %arg9[%broadcast_in_dim3A_1, %add3A_1078] : memref<2x3200xi32, #tpu.memory_space<vmem>>[vector<16xi32>, vector<16xi32>], vector<16xi32>,
        %gather3A_1080 = tpu.vector_load_idx %arg9[%add3A_4, %add3A_1078] : memref<2x3200xi32, #tpu.memory_space<vmem>>[vector<16xi32>, vector<16xi32>], vector<16xi32>,
        %gather3A_1081 = tpu.vector_load_idx %arg8[%gather3A_1079] : memref<100000xi32, #tpu.memory_space<vmem>>[vector<16xi32>], vector<16xi32>,
        %swap3A_1082 = arith.constant 1488 : index
        %swap3A_1083 = tpu.vector_load %arg11[%swap3A_1082] {strides = array<i32>} : memref<3200xi32, #tpu.memory_space<vmem>>, vector<16xi32>,
        tpu.vector_store %arg11[%swap3A_1082], %gather3A_1081 {strides = array<i32>} : memref<3200xi32, #tpu.memory_space<vmem>>, vector<16xi32>,
        %gather3A_1084 = tpu.vector_load_idx %arg8[%gather3A_1080] : memref<100000xi32, #tpu.memory_space<vmem>>[vector<16xi32>], vector<16xi32>,
        %swap3A_1085 = arith.constant 1488 : index
        %swap3A_1086 = tpu.vector_load %arg12[%swap3A_1085] {strides = array<i32>} : memref<3200xi32, #tpu.memory_space<vmem>>, vector<16xi32>,
        tpu.vector_store %arg12[%swap3A_1085], %gather3A_1084 {strides = array<i32>} : memref<3200xi32, #tpu.memory_space<vmem>>, vector<16xi32>,
        %add3A_1087 = arith.constant 1504 : i32
        %add3A_1088 = vector.broadcast %add3A_1087 : i32 to vector<16xi32>
        %add3A_1089 = arith.addi %iota3A, %add3A_1088 : vector<16xi32>
        %gather3A_1090 = tpu.vector_load_idx %arg9[%broadcast_in_dim3A_1, %add3A_1089] : memref<2x3200xi32, #tpu.memory_space<vmem>>[vector<16xi32>, vector<16xi32>], vector<16xi32>,
        %gather3A_1091 = tpu.vector_load_idx %arg9[%add3A_4, %add3A_1089] : memref<2x3200xi32, #tpu.memory_space<vmem>>[vector<16xi32>, vector<16xi32>], vector<16xi32>,
        %gather3A_1092 = tpu.vector_load_idx %arg8[%gather3A_1090] : memref<100000xi32, #tpu.memory_space<vmem>>[vector<16xi32>], vector<16xi32>,
        %swap3A_1093 = arith.constant 1504 : index
        %swap3A_1094 = tpu.vector_load %arg11[%swap3A_1093] {strides = array<i32>} : memref<3200xi32, #tpu.memory_space<vmem>>, vector<16xi32>,
        tpu.vector_store %arg11[%swap3A_1093], %gather3A_1092 {strides = array<i32>} : memref<3200xi32, #tpu.memory_space<vmem>>, vector<16xi32>,
        %gather3A_1095 = tpu.vector_load_idx %arg8[%gather3A_1091] : memref<100000xi32, #tpu.memory_space<vmem>>[vector<16xi32>], vector<16xi32>,
        %swap3A_1096 = arith.constant 1504 : index
        %swap3A_1097 = tpu.vector_load %arg12[%swap3A_1096] {strides = array<i32>} : memref<3200xi32, #tpu.memory_space<vmem>>, vector<16xi32>,
        tpu.vector_store %arg12[%swap3A_1096], %gather3A_1095 {strides = array<i32>} : memref<3200xi32, #tpu.memory_space<vmem>>, vector<16xi32>,
        %add3A_1098 = arith.constant 1520 : i32
        %add3A_1099 = vector.broadcast %add3A_1098 : i32 to vector<16xi32>
        %add3A_1100 = arith.addi %iota3A, %add3A_1099 : vector<16xi32>
        %gather3A_1101 = tpu.vector_load_idx %arg9[%broadcast_in_dim3A_1, %add3A_1100] : memref<2x3200xi32, #tpu.memory_space<vmem>>[vector<16xi32>, vector<16xi32>], vector<16xi32>,
        %gather3A_1102 = tpu.vector_load_idx %arg9[%add3A_4, %add3A_1100] : memref<2x3200xi32, #tpu.memory_space<vmem>>[vector<16xi32>, vector<16xi32>], vector<16xi32>,
        %gather3A_1103 = tpu.vector_load_idx %arg8[%gather3A_1101] : memref<100000xi32, #tpu.memory_space<vmem>>[vector<16xi32>], vector<16xi32>,
        %swap3A_1104 = arith.constant 1520 : index
        %swap3A_1105 = tpu.vector_load %arg11[%swap3A_1104] {strides = array<i32>} : memref<3200xi32, #tpu.memory_space<vmem>>, vector<16xi32>,
        tpu.vector_store %arg11[%swap3A_1104], %gather3A_1103 {strides = array<i32>} : memref<3200xi32, #tpu.memory_space<vmem>>, vector<16xi32>,
        %gather3A_1106 = tpu.vector_load_idx %arg8[%gather3A_1102] : memref<100000xi32, #tpu.memory_space<vmem>>[vector<16xi32>], vector<16xi32>,
        %swap3A_1107 = arith.constant 1520 : index
        %swap3A_1108 = tpu.vector_load %arg12[%swap3A_1107] {strides = array<i32>} : memref<3200xi32, #tpu.memory_space<vmem>>, vector<16xi32>,
        tpu.vector_store %arg12[%swap3A_1107], %gather3A_1106 {strides = array<i32>} : memref<3200xi32, #tpu.memory_space<vmem>>, vector<16xi32>,
        %add3A_1109 = arith.constant 1536 : i32
        %add3A_1110 = vector.broadcast %add3A_1109 : i32 to vector<16xi32>
        %add3A_1111 = arith.addi %iota3A, %add3A_1110 : vector<16xi32>
        %gather3A_1112 = tpu.vector_load_idx %arg9[%broadcast_in_dim3A_1, %add3A_1111] : memref<2x3200xi32, #tpu.memory_space<vmem>>[vector<16xi32>, vector<16xi32>], vector<16xi32>,
        %gather3A_1113 = tpu.vector_load_idx %arg9[%add3A_4, %add3A_1111] : memref<2x3200xi32, #tpu.memory_space<vmem>>[vector<16xi32>, vector<16xi32>], vector<16xi32>,
        %gather3A_1114 = tpu.vector_load_idx %arg8[%gather3A_1112] : memref<100000xi32, #tpu.memory_space<vmem>>[vector<16xi32>], vector<16xi32>,
        %swap3A_1115 = arith.constant 1536 : index
        %swap3A_1116 = tpu.vector_load %arg11[%swap3A_1115] {strides = array<i32>} : memref<3200xi32, #tpu.memory_space<vmem>>, vector<16xi32>,
        tpu.vector_store %arg11[%swap3A_1115], %gather3A_1114 {strides = array<i32>} : memref<3200xi32, #tpu.memory_space<vmem>>, vector<16xi32>,
        %gather3A_1117 = tpu.vector_load_idx %arg8[%gather3A_1113] : memref<100000xi32, #tpu.memory_space<vmem>>[vector<16xi32>], vector<16xi32>,
        %swap3A_1118 = arith.constant 1536 : index
        %swap3A_1119 = tpu.vector_load %arg12[%swap3A_1118] {strides = array<i32>} : memref<3200xi32, #tpu.memory_space<vmem>>, vector<16xi32>,
        tpu.vector_store %arg12[%swap3A_1118], %gather3A_1117 {strides = array<i32>} : memref<3200xi32, #tpu.memory_space<vmem>>, vector<16xi32>,
        %add3A_1120 = arith.constant 1552 : i32
        %add3A_1121 = vector.broadcast %add3A_1120 : i32 to vector<16xi32>
        %add3A_1122 = arith.addi %iota3A, %add3A_1121 : vector<16xi32>
        %gather3A_1123 = tpu.vector_load_idx %arg9[%broadcast_in_dim3A_1, %add3A_1122] : memref<2x3200xi32, #tpu.memory_space<vmem>>[vector<16xi32>, vector<16xi32>], vector<16xi32>,
        %gather3A_1124 = tpu.vector_load_idx %arg9[%add3A_4, %add3A_1122] : memref<2x3200xi32, #tpu.memory_space<vmem>>[vector<16xi32>, vector<16xi32>], vector<16xi32>,
        %gather3A_1125 = tpu.vector_load_idx %arg8[%gather3A_1123] : memref<100000xi32, #tpu.memory_space<vmem>>[vector<16xi32>], vector<16xi32>,
        %swap3A_1126 = arith.constant 1552 : index
        %swap3A_1127 = tpu.vector_load %arg11[%swap3A_1126] {strides = array<i32>} : memref<3200xi32, #tpu.memory_space<vmem>>, vector<16xi32>,
        tpu.vector_store %arg11[%swap3A_1126], %gather3A_1125 {strides = array<i32>} : memref<3200xi32, #tpu.memory_space<vmem>>, vector<16xi32>,
        %gather3A_1128 = tpu.vector_load_idx %arg8[%gather3A_1124] : memref<100000xi32, #tpu.memory_space<vmem>>[vector<16xi32>], vector<16xi32>,
        %swap3A_1129 = arith.constant 1552 : index
        %swap3A_1130 = tpu.vector_load %arg12[%swap3A_1129] {strides = array<i32>} : memref<3200xi32, #tpu.memory_space<vmem>>, vector<16xi32>,
        tpu.vector_store %arg12[%swap3A_1129], %gather3A_1128 {strides = array<i32>} : memref<3200xi32, #tpu.memory_space<vmem>>, vector<16xi32>,
        %add3A_1131 = arith.constant 1568 : i32
        %add3A_1132 = vector.broadcast %add3A_1131 : i32 to vector<16xi32>
        %add3A_1133 = arith.addi %iota3A, %add3A_1132 : vector<16xi32>
        %gather3A_1134 = tpu.vector_load_idx %arg9[%broadcast_in_dim3A_1, %add3A_1133] : memref<2x3200xi32, #tpu.memory_space<vmem>>[vector<16xi32>, vector<16xi32>], vector<16xi32>,
        %gather3A_1135 = tpu.vector_load_idx %arg9[%add3A_4, %add3A_1133] : memref<2x3200xi32, #tpu.memory_space<vmem>>[vector<16xi32>, vector<16xi32>], vector<16xi32>,
        %gather3A_1136 = tpu.vector_load_idx %arg8[%gather3A_1134] : memref<100000xi32, #tpu.memory_space<vmem>>[vector<16xi32>], vector<16xi32>,
        %swap3A_1137 = arith.constant 1568 : index
        %swap3A_1138 = tpu.vector_load %arg11[%swap3A_1137] {strides = array<i32>} : memref<3200xi32, #tpu.memory_space<vmem>>, vector<16xi32>,
        tpu.vector_store %arg11[%swap3A_1137], %gather3A_1136 {strides = array<i32>} : memref<3200xi32, #tpu.memory_space<vmem>>, vector<16xi32>,
        %gather3A_1139 = tpu.vector_load_idx %arg8[%gather3A_1135] : memref<100000xi32, #tpu.memory_space<vmem>>[vector<16xi32>], vector<16xi32>,
        %swap3A_1140 = arith.constant 1568 : index
        %swap3A_1141 = tpu.vector_load %arg12[%swap3A_1140] {strides = array<i32>} : memref<3200xi32, #tpu.memory_space<vmem>>, vector<16xi32>,
        tpu.vector_store %arg12[%swap3A_1140], %gather3A_1139 {strides = array<i32>} : memref<3200xi32, #tpu.memory_space<vmem>>, vector<16xi32>,
        %add3A_1142 = arith.constant 1584 : i32
        %add3A_1143 = vector.broadcast %add3A_1142 : i32 to vector<16xi32>
        %add3A_1144 = arith.addi %iota3A, %add3A_1143 : vector<16xi32>
        %gather3A_1145 = tpu.vector_load_idx %arg9[%broadcast_in_dim3A_1, %add3A_1144] : memref<2x3200xi32, #tpu.memory_space<vmem>>[vector<16xi32>, vector<16xi32>], vector<16xi32>,
        %gather3A_1146 = tpu.vector_load_idx %arg9[%add3A_4, %add3A_1144] : memref<2x3200xi32, #tpu.memory_space<vmem>>[vector<16xi32>, vector<16xi32>], vector<16xi32>,
        %gather3A_1147 = tpu.vector_load_idx %arg8[%gather3A_1145] : memref<100000xi32, #tpu.memory_space<vmem>>[vector<16xi32>], vector<16xi32>,
        %swap3A_1148 = arith.constant 1584 : index
        %swap3A_1149 = tpu.vector_load %arg11[%swap3A_1148] {strides = array<i32>} : memref<3200xi32, #tpu.memory_space<vmem>>, vector<16xi32>,
        tpu.vector_store %arg11[%swap3A_1148], %gather3A_1147 {strides = array<i32>} : memref<3200xi32, #tpu.memory_space<vmem>>, vector<16xi32>,
        %gather3A_1150 = tpu.vector_load_idx %arg8[%gather3A_1146] : memref<100000xi32, #tpu.memory_space<vmem>>[vector<16xi32>], vector<16xi32>,
        %swap3A_1151 = arith.constant 1584 : index
        %swap3A_1152 = tpu.vector_load %arg12[%swap3A_1151] {strides = array<i32>} : memref<3200xi32, #tpu.memory_space<vmem>>, vector<16xi32>,
        tpu.vector_store %arg12[%swap3A_1151], %gather3A_1150 {strides = array<i32>} : memref<3200xi32, #tpu.memory_space<vmem>>, vector<16xi32>,
        %add3A_1153 = arith.constant 1600 : i32
        %add3A_1154 = vector.broadcast %add3A_1153 : i32 to vector<16xi32>
        %add3A_1155 = arith.addi %iota3A, %add3A_1154 : vector<16xi32>
        %gather3A_1156 = tpu.vector_load_idx %arg9[%broadcast_in_dim3A_1, %add3A_1155] : memref<2x3200xi32, #tpu.memory_space<vmem>>[vector<16xi32>, vector<16xi32>], vector<16xi32>,
        %gather3A_1157 = tpu.vector_load_idx %arg9[%add3A_4, %add3A_1155] : memref<2x3200xi32, #tpu.memory_space<vmem>>[vector<16xi32>, vector<16xi32>], vector<16xi32>,
        %gather3A_1158 = tpu.vector_load_idx %arg8[%gather3A_1156] : memref<100000xi32, #tpu.memory_space<vmem>>[vector<16xi32>], vector<16xi32>,
        %swap3A_1159 = arith.constant 1600 : index
        %swap3A_1160 = tpu.vector_load %arg11[%swap3A_1159] {strides = array<i32>} : memref<3200xi32, #tpu.memory_space<vmem>>, vector<16xi32>,
        tpu.vector_store %arg11[%swap3A_1159], %gather3A_1158 {strides = array<i32>} : memref<3200xi32, #tpu.memory_space<vmem>>, vector<16xi32>,
        %gather3A_1161 = tpu.vector_load_idx %arg8[%gather3A_1157] : memref<100000xi32, #tpu.memory_space<vmem>>[vector<16xi32>], vector<16xi32>,
        %swap3A_1162 = arith.constant 1600 : index
        %swap3A_1163 = tpu.vector_load %arg12[%swap3A_1162] {strides = array<i32>} : memref<3200xi32, #tpu.memory_space<vmem>>, vector<16xi32>,
        tpu.vector_store %arg12[%swap3A_1162], %gather3A_1161 {strides = array<i32>} : memref<3200xi32, #tpu.memory_space<vmem>>, vector<16xi32>,
        %add3A_1164 = arith.constant 1616 : i32
        %add3A_1165 = vector.broadcast %add3A_1164 : i32 to vector<16xi32>
        %add3A_1166 = arith.addi %iota3A, %add3A_1165 : vector<16xi32>
        %gather3A_1167 = tpu.vector_load_idx %arg9[%broadcast_in_dim3A_1, %add3A_1166] : memref<2x3200xi32, #tpu.memory_space<vmem>>[vector<16xi32>, vector<16xi32>], vector<16xi32>,
        %gather3A_1168 = tpu.vector_load_idx %arg9[%add3A_4, %add3A_1166] : memref<2x3200xi32, #tpu.memory_space<vmem>>[vector<16xi32>, vector<16xi32>], vector<16xi32>,
        %gather3A_1169 = tpu.vector_load_idx %arg8[%gather3A_1167] : memref<100000xi32, #tpu.memory_space<vmem>>[vector<16xi32>], vector<16xi32>,
        %swap3A_1170 = arith.constant 1616 : index
        %swap3A_1171 = tpu.vector_load %arg11[%swap3A_1170] {strides = array<i32>} : memref<3200xi32, #tpu.memory_space<vmem>>, vector<16xi32>,
        tpu.vector_store %arg11[%swap3A_1170], %gather3A_1169 {strides = array<i32>} : memref<3200xi32, #tpu.memory_space<vmem>>, vector<16xi32>,
        %gather3A_1172 = tpu.vector_load_idx %arg8[%gather3A_1168] : memref<100000xi32, #tpu.memory_space<vmem>>[vector<16xi32>], vector<16xi32>,
        %swap3A_1173 = arith.constant 1616 : index
        %swap3A_1174 = tpu.vector_load %arg12[%swap3A_1173] {strides = array<i32>} : memref<3200xi32, #tpu.memory_space<vmem>>, vector<16xi32>,
        tpu.vector_store %arg12[%swap3A_1173], %gather3A_1172 {strides = array<i32>} : memref<3200xi32, #tpu.memory_space<vmem>>, vector<16xi32>,
        %add3A_1175 = arith.constant 1632 : i32
        %add3A_1176 = vector.broadcast %add3A_1175 : i32 to vector<16xi32>
        %add3A_1177 = arith.addi %iota3A, %add3A_1176 : vector<16xi32>
        %gather3A_1178 = tpu.vector_load_idx %arg9[%broadcast_in_dim3A_1, %add3A_1177] : memref<2x3200xi32, #tpu.memory_space<vmem>>[vector<16xi32>, vector<16xi32>], vector<16xi32>,
        %gather3A_1179 = tpu.vector_load_idx %arg9[%add3A_4, %add3A_1177] : memref<2x3200xi32, #tpu.memory_space<vmem>>[vector<16xi32>, vector<16xi32>], vector<16xi32>,
        %gather3A_1180 = tpu.vector_load_idx %arg8[%gather3A_1178] : memref<100000xi32, #tpu.memory_space<vmem>>[vector<16xi32>], vector<16xi32>,
        %swap3A_1181 = arith.constant 1632 : index
        %swap3A_1182 = tpu.vector_load %arg11[%swap3A_1181] {strides = array<i32>} : memref<3200xi32, #tpu.memory_space<vmem>>, vector<16xi32>,
        tpu.vector_store %arg11[%swap3A_1181], %gather3A_1180 {strides = array<i32>} : memref<3200xi32, #tpu.memory_space<vmem>>, vector<16xi32>,
        %gather3A_1183 = tpu.vector_load_idx %arg8[%gather3A_1179] : memref<100000xi32, #tpu.memory_space<vmem>>[vector<16xi32>], vector<16xi32>,
        %swap3A_1184 = arith.constant 1632 : index
        %swap3A_1185 = tpu.vector_load %arg12[%swap3A_1184] {strides = array<i32>} : memref<3200xi32, #tpu.memory_space<vmem>>, vector<16xi32>,
        tpu.vector_store %arg12[%swap3A_1184], %gather3A_1183 {strides = array<i32>} : memref<3200xi32, #tpu.memory_space<vmem>>, vector<16xi32>,
        %add3A_1186 = arith.constant 1648 : i32
        %add3A_1187 = vector.broadcast %add3A_1186 : i32 to vector<16xi32>
        %add3A_1188 = arith.addi %iota3A, %add3A_1187 : vector<16xi32>
        %gather3A_1189 = tpu.vector_load_idx %arg9[%broadcast_in_dim3A_1, %add3A_1188] : memref<2x3200xi32, #tpu.memory_space<vmem>>[vector<16xi32>, vector<16xi32>], vector<16xi32>,
        %gather3A_1190 = tpu.vector_load_idx %arg9[%add3A_4, %add3A_1188] : memref<2x3200xi32, #tpu.memory_space<vmem>>[vector<16xi32>, vector<16xi32>], vector<16xi32>,
        %gather3A_1191 = tpu.vector_load_idx %arg8[%gather3A_1189] : memref<100000xi32, #tpu.memory_space<vmem>>[vector<16xi32>], vector<16xi32>,
        %swap3A_1192 = arith.constant 1648 : index
        %swap3A_1193 = tpu.vector_load %arg11[%swap3A_1192] {strides = array<i32>} : memref<3200xi32, #tpu.memory_space<vmem>>, vector<16xi32>,
        tpu.vector_store %arg11[%swap3A_1192], %gather3A_1191 {strides = array<i32>} : memref<3200xi32, #tpu.memory_space<vmem>>, vector<16xi32>,
        %gather3A_1194 = tpu.vector_load_idx %arg8[%gather3A_1190] : memref<100000xi32, #tpu.memory_space<vmem>>[vector<16xi32>], vector<16xi32>,
        %swap3A_1195 = arith.constant 1648 : index
        %swap3A_1196 = tpu.vector_load %arg12[%swap3A_1195] {strides = array<i32>} : memref<3200xi32, #tpu.memory_space<vmem>>, vector<16xi32>,
        tpu.vector_store %arg12[%swap3A_1195], %gather3A_1194 {strides = array<i32>} : memref<3200xi32, #tpu.memory_space<vmem>>, vector<16xi32>,
        %add3A_1197 = arith.constant 1664 : i32
        %add3A_1198 = vector.broadcast %add3A_1197 : i32 to vector<16xi32>
        %add3A_1199 = arith.addi %iota3A, %add3A_1198 : vector<16xi32>
        %gather3A_1200 = tpu.vector_load_idx %arg9[%broadcast_in_dim3A_1, %add3A_1199] : memref<2x3200xi32, #tpu.memory_space<vmem>>[vector<16xi32>, vector<16xi32>], vector<16xi32>,
        %gather3A_1201 = tpu.vector_load_idx %arg9[%add3A_4, %add3A_1199] : memref<2x3200xi32, #tpu.memory_space<vmem>>[vector<16xi32>, vector<16xi32>], vector<16xi32>,
        %gather3A_1202 = tpu.vector_load_idx %arg8[%gather3A_1200] : memref<100000xi32, #tpu.memory_space<vmem>>[vector<16xi32>], vector<16xi32>,
        %swap3A_1203 = arith.constant 1664 : index
        %swap3A_1204 = tpu.vector_load %arg11[%swap3A_1203] {strides = array<i32>} : memref<3200xi32, #tpu.memory_space<vmem>>, vector<16xi32>,
        tpu.vector_store %arg11[%swap3A_1203], %gather3A_1202 {strides = array<i32>} : memref<3200xi32, #tpu.memory_space<vmem>>, vector<16xi32>,
        %gather3A_1205 = tpu.vector_load_idx %arg8[%gather3A_1201] : memref<100000xi32, #tpu.memory_space<vmem>>[vector<16xi32>], vector<16xi32>,
        %swap3A_1206 = arith.constant 1664 : index
        %swap3A_1207 = tpu.vector_load %arg12[%swap3A_1206] {strides = array<i32>} : memref<3200xi32, #tpu.memory_space<vmem>>, vector<16xi32>,
        tpu.vector_store %arg12[%swap3A_1206], %gather3A_1205 {strides = array<i32>} : memref<3200xi32, #tpu.memory_space<vmem>>, vector<16xi32>,
        %add3A_1208 = arith.constant 1680 : i32
        %add3A_1209 = vector.broadcast %add3A_1208 : i32 to vector<16xi32>
        %add3A_1210 = arith.addi %iota3A, %add3A_1209 : vector<16xi32>
        %gather3A_1211 = tpu.vector_load_idx %arg9[%broadcast_in_dim3A_1, %add3A_1210] : memref<2x3200xi32, #tpu.memory_space<vmem>>[vector<16xi32>, vector<16xi32>], vector<16xi32>,
        %gather3A_1212 = tpu.vector_load_idx %arg9[%add3A_4, %add3A_1210] : memref<2x3200xi32, #tpu.memory_space<vmem>>[vector<16xi32>, vector<16xi32>], vector<16xi32>,
        %gather3A_1213 = tpu.vector_load_idx %arg8[%gather3A_1211] : memref<100000xi32, #tpu.memory_space<vmem>>[vector<16xi32>], vector<16xi32>,
        %swap3A_1214 = arith.constant 1680 : index
        %swap3A_1215 = tpu.vector_load %arg11[%swap3A_1214] {strides = array<i32>} : memref<3200xi32, #tpu.memory_space<vmem>>, vector<16xi32>,
        tpu.vector_store %arg11[%swap3A_1214], %gather3A_1213 {strides = array<i32>} : memref<3200xi32, #tpu.memory_space<vmem>>, vector<16xi32>,
        %gather3A_1216 = tpu.vector_load_idx %arg8[%gather3A_1212] : memref<100000xi32, #tpu.memory_space<vmem>>[vector<16xi32>], vector<16xi32>,
        %swap3A_1217 = arith.constant 1680 : index
        %swap3A_1218 = tpu.vector_load %arg12[%swap3A_1217] {strides = array<i32>} : memref<3200xi32, #tpu.memory_space<vmem>>, vector<16xi32>,
        tpu.vector_store %arg12[%swap3A_1217], %gather3A_1216 {strides = array<i32>} : memref<3200xi32, #tpu.memory_space<vmem>>, vector<16xi32>,
        %add3A_1219 = arith.constant 1696 : i32
        %add3A_1220 = vector.broadcast %add3A_1219 : i32 to vector<16xi32>
        %add3A_1221 = arith.addi %iota3A, %add3A_1220 : vector<16xi32>
        %gather3A_1222 = tpu.vector_load_idx %arg9[%broadcast_in_dim3A_1, %add3A_1221] : memref<2x3200xi32, #tpu.memory_space<vmem>>[vector<16xi32>, vector<16xi32>], vector<16xi32>,
        %gather3A_1223 = tpu.vector_load_idx %arg9[%add3A_4, %add3A_1221] : memref<2x3200xi32, #tpu.memory_space<vmem>>[vector<16xi32>, vector<16xi32>], vector<16xi32>,
        %gather3A_1224 = tpu.vector_load_idx %arg8[%gather3A_1222] : memref<100000xi32, #tpu.memory_space<vmem>>[vector<16xi32>], vector<16xi32>,
        %swap3A_1225 = arith.constant 1696 : index
        %swap3A_1226 = tpu.vector_load %arg11[%swap3A_1225] {strides = array<i32>} : memref<3200xi32, #tpu.memory_space<vmem>>, vector<16xi32>,
        tpu.vector_store %arg11[%swap3A_1225], %gather3A_1224 {strides = array<i32>} : memref<3200xi32, #tpu.memory_space<vmem>>, vector<16xi32>,
        %gather3A_1227 = tpu.vector_load_idx %arg8[%gather3A_1223] : memref<100000xi32, #tpu.memory_space<vmem>>[vector<16xi32>], vector<16xi32>,
        %swap3A_1228 = arith.constant 1696 : index
        %swap3A_1229 = tpu.vector_load %arg12[%swap3A_1228] {strides = array<i32>} : memref<3200xi32, #tpu.memory_space<vmem>>, vector<16xi32>,
        tpu.vector_store %arg12[%swap3A_1228], %gather3A_1227 {strides = array<i32>} : memref<3200xi32, #tpu.memory_space<vmem>>, vector<16xi32>,
        %add3A_1230 = arith.constant 1712 : i32
        %add3A_1231 = vector.broadcast %add3A_1230 : i32 to vector<16xi32>
        %add3A_1232 = arith.addi %iota3A, %add3A_1231 : vector<16xi32>
        %gather3A_1233 = tpu.vector_load_idx %arg9[%broadcast_in_dim3A_1, %add3A_1232] : memref<2x3200xi32, #tpu.memory_space<vmem>>[vector<16xi32>, vector<16xi32>], vector<16xi32>,
        %gather3A_1234 = tpu.vector_load_idx %arg9[%add3A_4, %add3A_1232] : memref<2x3200xi32, #tpu.memory_space<vmem>>[vector<16xi32>, vector<16xi32>], vector<16xi32>,
        %gather3A_1235 = tpu.vector_load_idx %arg8[%gather3A_1233] : memref<100000xi32, #tpu.memory_space<vmem>>[vector<16xi32>], vector<16xi32>,
        %swap3A_1236 = arith.constant 1712 : index
        %swap3A_1237 = tpu.vector_load %arg11[%swap3A_1236] {strides = array<i32>} : memref<3200xi32, #tpu.memory_space<vmem>>, vector<16xi32>,
        tpu.vector_store %arg11[%swap3A_1236], %gather3A_1235 {strides = array<i32>} : memref<3200xi32, #tpu.memory_space<vmem>>, vector<16xi32>,
        %gather3A_1238 = tpu.vector_load_idx %arg8[%gather3A_1234] : memref<100000xi32, #tpu.memory_space<vmem>>[vector<16xi32>], vector<16xi32>,
        %swap3A_1239 = arith.constant 1712 : index
        %swap3A_1240 = tpu.vector_load %arg12[%swap3A_1239] {strides = array<i32>} : memref<3200xi32, #tpu.memory_space<vmem>>, vector<16xi32>,
        tpu.vector_store %arg12[%swap3A_1239], %gather3A_1238 {strides = array<i32>} : memref<3200xi32, #tpu.memory_space<vmem>>, vector<16xi32>,
        %add3A_1241 = arith.constant 1728 : i32
        %add3A_1242 = vector.broadcast %add3A_1241 : i32 to vector<16xi32>
        %add3A_1243 = arith.addi %iota3A, %add3A_1242 : vector<16xi32>
        %gather3A_1244 = tpu.vector_load_idx %arg9[%broadcast_in_dim3A_1, %add3A_1243] : memref<2x3200xi32, #tpu.memory_space<vmem>>[vector<16xi32>, vector<16xi32>], vector<16xi32>,
        %gather3A_1245 = tpu.vector_load_idx %arg9[%add3A_4, %add3A_1243] : memref<2x3200xi32, #tpu.memory_space<vmem>>[vector<16xi32>, vector<16xi32>], vector<16xi32>,
        %gather3A_1246 = tpu.vector_load_idx %arg8[%gather3A_1244] : memref<100000xi32, #tpu.memory_space<vmem>>[vector<16xi32>], vector<16xi32>,
        %swap3A_1247 = arith.constant 1728 : index
        %swap3A_1248 = tpu.vector_load %arg11[%swap3A_1247] {strides = array<i32>} : memref<3200xi32, #tpu.memory_space<vmem>>, vector<16xi32>,
        tpu.vector_store %arg11[%swap3A_1247], %gather3A_1246 {strides = array<i32>} : memref<3200xi32, #tpu.memory_space<vmem>>, vector<16xi32>,
        %gather3A_1249 = tpu.vector_load_idx %arg8[%gather3A_1245] : memref<100000xi32, #tpu.memory_space<vmem>>[vector<16xi32>], vector<16xi32>,
        %swap3A_1250 = arith.constant 1728 : index
        %swap3A_1251 = tpu.vector_load %arg12[%swap3A_1250] {strides = array<i32>} : memref<3200xi32, #tpu.memory_space<vmem>>, vector<16xi32>,
        tpu.vector_store %arg12[%swap3A_1250], %gather3A_1249 {strides = array<i32>} : memref<3200xi32, #tpu.memory_space<vmem>>, vector<16xi32>,
        %add3A_1252 = arith.constant 1744 : i32
        %add3A_1253 = vector.broadcast %add3A_1252 : i32 to vector<16xi32>
        %add3A_1254 = arith.addi %iota3A, %add3A_1253 : vector<16xi32>
        %gather3A_1255 = tpu.vector_load_idx %arg9[%broadcast_in_dim3A_1, %add3A_1254] : memref<2x3200xi32, #tpu.memory_space<vmem>>[vector<16xi32>, vector<16xi32>], vector<16xi32>,
        %gather3A_1256 = tpu.vector_load_idx %arg9[%add3A_4, %add3A_1254] : memref<2x3200xi32, #tpu.memory_space<vmem>>[vector<16xi32>, vector<16xi32>], vector<16xi32>,
        %gather3A_1257 = tpu.vector_load_idx %arg8[%gather3A_1255] : memref<100000xi32, #tpu.memory_space<vmem>>[vector<16xi32>], vector<16xi32>,
        %swap3A_1258 = arith.constant 1744 : index
        %swap3A_1259 = tpu.vector_load %arg11[%swap3A_1258] {strides = array<i32>} : memref<3200xi32, #tpu.memory_space<vmem>>, vector<16xi32>,
        tpu.vector_store %arg11[%swap3A_1258], %gather3A_1257 {strides = array<i32>} : memref<3200xi32, #tpu.memory_space<vmem>>, vector<16xi32>,
        %gather3A_1260 = tpu.vector_load_idx %arg8[%gather3A_1256] : memref<100000xi32, #tpu.memory_space<vmem>>[vector<16xi32>], vector<16xi32>,
        %swap3A_1261 = arith.constant 1744 : index
        %swap3A_1262 = tpu.vector_load %arg12[%swap3A_1261] {strides = array<i32>} : memref<3200xi32, #tpu.memory_space<vmem>>, vector<16xi32>,
        tpu.vector_store %arg12[%swap3A_1261], %gather3A_1260 {strides = array<i32>} : memref<3200xi32, #tpu.memory_space<vmem>>, vector<16xi32>,
        %add3A_1263 = arith.constant 1760 : i32
        %add3A_1264 = vector.broadcast %add3A_1263 : i32 to vector<16xi32>
        %add3A_1265 = arith.addi %iota3A, %add3A_1264 : vector<16xi32>
        %gather3A_1266 = tpu.vector_load_idx %arg9[%broadcast_in_dim3A_1, %add3A_1265] : memref<2x3200xi32, #tpu.memory_space<vmem>>[vector<16xi32>, vector<16xi32>], vector<16xi32>,
        %gather3A_1267 = tpu.vector_load_idx %arg9[%add3A_4, %add3A_1265] : memref<2x3200xi32, #tpu.memory_space<vmem>>[vector<16xi32>, vector<16xi32>], vector<16xi32>,
        %gather3A_1268 = tpu.vector_load_idx %arg8[%gather3A_1266] : memref<100000xi32, #tpu.memory_space<vmem>>[vector<16xi32>], vector<16xi32>,
        %swap3A_1269 = arith.constant 1760 : index
        %swap3A_1270 = tpu.vector_load %arg11[%swap3A_1269] {strides = array<i32>} : memref<3200xi32, #tpu.memory_space<vmem>>, vector<16xi32>,
        tpu.vector_store %arg11[%swap3A_1269], %gather3A_1268 {strides = array<i32>} : memref<3200xi32, #tpu.memory_space<vmem>>, vector<16xi32>,
        %gather3A_1271 = tpu.vector_load_idx %arg8[%gather3A_1267] : memref<100000xi32, #tpu.memory_space<vmem>>[vector<16xi32>], vector<16xi32>,
        %swap3A_1272 = arith.constant 1760 : index
        %swap3A_1273 = tpu.vector_load %arg12[%swap3A_1272] {strides = array<i32>} : memref<3200xi32, #tpu.memory_space<vmem>>, vector<16xi32>,
        tpu.vector_store %arg12[%swap3A_1272], %gather3A_1271 {strides = array<i32>} : memref<3200xi32, #tpu.memory_space<vmem>>, vector<16xi32>,
        %add3A_1274 = arith.constant 1776 : i32
        %add3A_1275 = vector.broadcast %add3A_1274 : i32 to vector<16xi32>
        %add3A_1276 = arith.addi %iota3A, %add3A_1275 : vector<16xi32>
        %gather3A_1277 = tpu.vector_load_idx %arg9[%broadcast_in_dim3A_1, %add3A_1276] : memref<2x3200xi32, #tpu.memory_space<vmem>>[vector<16xi32>, vector<16xi32>], vector<16xi32>,
        %gather3A_1278 = tpu.vector_load_idx %arg9[%add3A_4, %add3A_1276] : memref<2x3200xi32, #tpu.memory_space<vmem>>[vector<16xi32>, vector<16xi32>], vector<16xi32>,
        %gather3A_1279 = tpu.vector_load_idx %arg8[%gather3A_1277] : memref<100000xi32, #tpu.memory_space<vmem>>[vector<16xi32>], vector<16xi32>,
        %swap3A_1280 = arith.constant 1776 : index
        %swap3A_1281 = tpu.vector_load %arg11[%swap3A_1280] {strides = array<i32>} : memref<3200xi32, #tpu.memory_space<vmem>>, vector<16xi32>,
        tpu.vector_store %arg11[%swap3A_1280], %gather3A_1279 {strides = array<i32>} : memref<3200xi32, #tpu.memory_space<vmem>>, vector<16xi32>,
        %gather3A_1282 = tpu.vector_load_idx %arg8[%gather3A_1278] : memref<100000xi32, #tpu.memory_space<vmem>>[vector<16xi32>], vector<16xi32>,
        %swap3A_1283 = arith.constant 1776 : index
        %swap3A_1284 = tpu.vector_load %arg12[%swap3A_1283] {strides = array<i32>} : memref<3200xi32, #tpu.memory_space<vmem>>, vector<16xi32>,
        tpu.vector_store %arg12[%swap3A_1283], %gather3A_1282 {strides = array<i32>} : memref<3200xi32, #tpu.memory_space<vmem>>, vector<16xi32>,
        %add3A_1285 = arith.constant 1792 : i32
        %add3A_1286 = vector.broadcast %add3A_1285 : i32 to vector<16xi32>
        %add3A_1287 = arith.addi %iota3A, %add3A_1286 : vector<16xi32>
        %gather3A_1288 = tpu.vector_load_idx %arg9[%broadcast_in_dim3A_1, %add3A_1287] : memref<2x3200xi32, #tpu.memory_space<vmem>>[vector<16xi32>, vector<16xi32>], vector<16xi32>,
        %gather3A_1289 = tpu.vector_load_idx %arg9[%add3A_4, %add3A_1287] : memref<2x3200xi32, #tpu.memory_space<vmem>>[vector<16xi32>, vector<16xi32>], vector<16xi32>,
        %gather3A_1290 = tpu.vector_load_idx %arg8[%gather3A_1288] : memref<100000xi32, #tpu.memory_space<vmem>>[vector<16xi32>], vector<16xi32>,
        %swap3A_1291 = arith.constant 1792 : index
        %swap3A_1292 = tpu.vector_load %arg11[%swap3A_1291] {strides = array<i32>} : memref<3200xi32, #tpu.memory_space<vmem>>, vector<16xi32>,
        tpu.vector_store %arg11[%swap3A_1291], %gather3A_1290 {strides = array<i32>} : memref<3200xi32, #tpu.memory_space<vmem>>, vector<16xi32>,
        %gather3A_1293 = tpu.vector_load_idx %arg8[%gather3A_1289] : memref<100000xi32, #tpu.memory_space<vmem>>[vector<16xi32>], vector<16xi32>,
        %swap3A_1294 = arith.constant 1792 : index
        %swap3A_1295 = tpu.vector_load %arg12[%swap3A_1294] {strides = array<i32>} : memref<3200xi32, #tpu.memory_space<vmem>>, vector<16xi32>,
        tpu.vector_store %arg12[%swap3A_1294], %gather3A_1293 {strides = array<i32>} : memref<3200xi32, #tpu.memory_space<vmem>>, vector<16xi32>,
        %add3A_1296 = arith.constant 1808 : i32
        %add3A_1297 = vector.broadcast %add3A_1296 : i32 to vector<16xi32>
        %add3A_1298 = arith.addi %iota3A, %add3A_1297 : vector<16xi32>
        %gather3A_1299 = tpu.vector_load_idx %arg9[%broadcast_in_dim3A_1, %add3A_1298] : memref<2x3200xi32, #tpu.memory_space<vmem>>[vector<16xi32>, vector<16xi32>], vector<16xi32>,
        %gather3A_1300 = tpu.vector_load_idx %arg9[%add3A_4, %add3A_1298] : memref<2x3200xi32, #tpu.memory_space<vmem>>[vector<16xi32>, vector<16xi32>], vector<16xi32>,
        %gather3A_1301 = tpu.vector_load_idx %arg8[%gather3A_1299] : memref<100000xi32, #tpu.memory_space<vmem>>[vector<16xi32>], vector<16xi32>,
        %swap3A_1302 = arith.constant 1808 : index
        %swap3A_1303 = tpu.vector_load %arg11[%swap3A_1302] {strides = array<i32>} : memref<3200xi32, #tpu.memory_space<vmem>>, vector<16xi32>,
        tpu.vector_store %arg11[%swap3A_1302], %gather3A_1301 {strides = array<i32>} : memref<3200xi32, #tpu.memory_space<vmem>>, vector<16xi32>,
        %gather3A_1304 = tpu.vector_load_idx %arg8[%gather3A_1300] : memref<100000xi32, #tpu.memory_space<vmem>>[vector<16xi32>], vector<16xi32>,
        %swap3A_1305 = arith.constant 1808 : index
        %swap3A_1306 = tpu.vector_load %arg12[%swap3A_1305] {strides = array<i32>} : memref<3200xi32, #tpu.memory_space<vmem>>, vector<16xi32>,
        tpu.vector_store %arg12[%swap3A_1305], %gather3A_1304 {strides = array<i32>} : memref<3200xi32, #tpu.memory_space<vmem>>, vector<16xi32>,
        %add3A_1307 = arith.constant 1824 : i32
        %add3A_1308 = vector.broadcast %add3A_1307 : i32 to vector<16xi32>
        %add3A_1309 = arith.addi %iota3A, %add3A_1308 : vector<16xi32>
        %gather3A_1310 = tpu.vector_load_idx %arg9[%broadcast_in_dim3A_1, %add3A_1309] : memref<2x3200xi32, #tpu.memory_space<vmem>>[vector<16xi32>, vector<16xi32>], vector<16xi32>,
        %gather3A_1311 = tpu.vector_load_idx %arg9[%add3A_4, %add3A_1309] : memref<2x3200xi32, #tpu.memory_space<vmem>>[vector<16xi32>, vector<16xi32>], vector<16xi32>,
        %gather3A_1312 = tpu.vector_load_idx %arg8[%gather3A_1310] : memref<100000xi32, #tpu.memory_space<vmem>>[vector<16xi32>], vector<16xi32>,
        %swap3A_1313 = arith.constant 1824 : index
        %swap3A_1314 = tpu.vector_load %arg11[%swap3A_1313] {strides = array<i32>} : memref<3200xi32, #tpu.memory_space<vmem>>, vector<16xi32>,
        tpu.vector_store %arg11[%swap3A_1313], %gather3A_1312 {strides = array<i32>} : memref<3200xi32, #tpu.memory_space<vmem>>, vector<16xi32>,
        %gather3A_1315 = tpu.vector_load_idx %arg8[%gather3A_1311] : memref<100000xi32, #tpu.memory_space<vmem>>[vector<16xi32>], vector<16xi32>,
        %swap3A_1316 = arith.constant 1824 : index
        %swap3A_1317 = tpu.vector_load %arg12[%swap3A_1316] {strides = array<i32>} : memref<3200xi32, #tpu.memory_space<vmem>>, vector<16xi32>,
        tpu.vector_store %arg12[%swap3A_1316], %gather3A_1315 {strides = array<i32>} : memref<3200xi32, #tpu.memory_space<vmem>>, vector<16xi32>,
        %add3A_1318 = arith.constant 1840 : i32
        %add3A_1319 = vector.broadcast %add3A_1318 : i32 to vector<16xi32>
        %add3A_1320 = arith.addi %iota3A, %add3A_1319 : vector<16xi32>
        %gather3A_1321 = tpu.vector_load_idx %arg9[%broadcast_in_dim3A_1, %add3A_1320] : memref<2x3200xi32, #tpu.memory_space<vmem>>[vector<16xi32>, vector<16xi32>], vector<16xi32>,
        %gather3A_1322 = tpu.vector_load_idx %arg9[%add3A_4, %add3A_1320] : memref<2x3200xi32, #tpu.memory_space<vmem>>[vector<16xi32>, vector<16xi32>], vector<16xi32>,
        %gather3A_1323 = tpu.vector_load_idx %arg8[%gather3A_1321] : memref<100000xi32, #tpu.memory_space<vmem>>[vector<16xi32>], vector<16xi32>,
        %swap3A_1324 = arith.constant 1840 : index
        %swap3A_1325 = tpu.vector_load %arg11[%swap3A_1324] {strides = array<i32>} : memref<3200xi32, #tpu.memory_space<vmem>>, vector<16xi32>,
        tpu.vector_store %arg11[%swap3A_1324], %gather3A_1323 {strides = array<i32>} : memref<3200xi32, #tpu.memory_space<vmem>>, vector<16xi32>,
        %gather3A_1326 = tpu.vector_load_idx %arg8[%gather3A_1322] : memref<100000xi32, #tpu.memory_space<vmem>>[vector<16xi32>], vector<16xi32>,
        %swap3A_1327 = arith.constant 1840 : index
        %swap3A_1328 = tpu.vector_load %arg12[%swap3A_1327] {strides = array<i32>} : memref<3200xi32, #tpu.memory_space<vmem>>, vector<16xi32>,
        tpu.vector_store %arg12[%swap3A_1327], %gather3A_1326 {strides = array<i32>} : memref<3200xi32, #tpu.memory_space<vmem>>, vector<16xi32>,
        %add3A_1329 = arith.constant 1856 : i32
        %add3A_1330 = vector.broadcast %add3A_1329 : i32 to vector<16xi32>
        %add3A_1331 = arith.addi %iota3A, %add3A_1330 : vector<16xi32>
        %gather3A_1332 = tpu.vector_load_idx %arg9[%broadcast_in_dim3A_1, %add3A_1331] : memref<2x3200xi32, #tpu.memory_space<vmem>>[vector<16xi32>, vector<16xi32>], vector<16xi32>,
        %gather3A_1333 = tpu.vector_load_idx %arg9[%add3A_4, %add3A_1331] : memref<2x3200xi32, #tpu.memory_space<vmem>>[vector<16xi32>, vector<16xi32>], vector<16xi32>,
        %gather3A_1334 = tpu.vector_load_idx %arg8[%gather3A_1332] : memref<100000xi32, #tpu.memory_space<vmem>>[vector<16xi32>], vector<16xi32>,
        %swap3A_1335 = arith.constant 1856 : index
        %swap3A_1336 = tpu.vector_load %arg11[%swap3A_1335] {strides = array<i32>} : memref<3200xi32, #tpu.memory_space<vmem>>, vector<16xi32>,
        tpu.vector_store %arg11[%swap3A_1335], %gather3A_1334 {strides = array<i32>} : memref<3200xi32, #tpu.memory_space<vmem>>, vector<16xi32>,
        %gather3A_1337 = tpu.vector_load_idx %arg8[%gather3A_1333] : memref<100000xi32, #tpu.memory_space<vmem>>[vector<16xi32>], vector<16xi32>,
        %swap3A_1338 = arith.constant 1856 : index
        %swap3A_1339 = tpu.vector_load %arg12[%swap3A_1338] {strides = array<i32>} : memref<3200xi32, #tpu.memory_space<vmem>>, vector<16xi32>,
        tpu.vector_store %arg12[%swap3A_1338], %gather3A_1337 {strides = array<i32>} : memref<3200xi32, #tpu.memory_space<vmem>>, vector<16xi32>,
        %add3A_1340 = arith.constant 1872 : i32
        %add3A_1341 = vector.broadcast %add3A_1340 : i32 to vector<16xi32>
        %add3A_1342 = arith.addi %iota3A, %add3A_1341 : vector<16xi32>
        %gather3A_1343 = tpu.vector_load_idx %arg9[%broadcast_in_dim3A_1, %add3A_1342] : memref<2x3200xi32, #tpu.memory_space<vmem>>[vector<16xi32>, vector<16xi32>], vector<16xi32>,
        %gather3A_1344 = tpu.vector_load_idx %arg9[%add3A_4, %add3A_1342] : memref<2x3200xi32, #tpu.memory_space<vmem>>[vector<16xi32>, vector<16xi32>], vector<16xi32>,
        %gather3A_1345 = tpu.vector_load_idx %arg8[%gather3A_1343] : memref<100000xi32, #tpu.memory_space<vmem>>[vector<16xi32>], vector<16xi32>,
        %swap3A_1346 = arith.constant 1872 : index
        %swap3A_1347 = tpu.vector_load %arg11[%swap3A_1346] {strides = array<i32>} : memref<3200xi32, #tpu.memory_space<vmem>>, vector<16xi32>,
        tpu.vector_store %arg11[%swap3A_1346], %gather3A_1345 {strides = array<i32>} : memref<3200xi32, #tpu.memory_space<vmem>>, vector<16xi32>,
        %gather3A_1348 = tpu.vector_load_idx %arg8[%gather3A_1344] : memref<100000xi32, #tpu.memory_space<vmem>>[vector<16xi32>], vector<16xi32>,
        %swap3A_1349 = arith.constant 1872 : index
        %swap3A_1350 = tpu.vector_load %arg12[%swap3A_1349] {strides = array<i32>} : memref<3200xi32, #tpu.memory_space<vmem>>, vector<16xi32>,
        tpu.vector_store %arg12[%swap3A_1349], %gather3A_1348 {strides = array<i32>} : memref<3200xi32, #tpu.memory_space<vmem>>, vector<16xi32>,
        %add3A_1351 = arith.constant 1888 : i32
        %add3A_1352 = vector.broadcast %add3A_1351 : i32 to vector<16xi32>
        %add3A_1353 = arith.addi %iota3A, %add3A_1352 : vector<16xi32>
        %gather3A_1354 = tpu.vector_load_idx %arg9[%broadcast_in_dim3A_1, %add3A_1353] : memref<2x3200xi32, #tpu.memory_space<vmem>>[vector<16xi32>, vector<16xi32>], vector<16xi32>,
        %gather3A_1355 = tpu.vector_load_idx %arg9[%add3A_4, %add3A_1353] : memref<2x3200xi32, #tpu.memory_space<vmem>>[vector<16xi32>, vector<16xi32>], vector<16xi32>,
        %gather3A_1356 = tpu.vector_load_idx %arg8[%gather3A_1354] : memref<100000xi32, #tpu.memory_space<vmem>>[vector<16xi32>], vector<16xi32>,
        %swap3A_1357 = arith.constant 1888 : index
        %swap3A_1358 = tpu.vector_load %arg11[%swap3A_1357] {strides = array<i32>} : memref<3200xi32, #tpu.memory_space<vmem>>, vector<16xi32>,
        tpu.vector_store %arg11[%swap3A_1357], %gather3A_1356 {strides = array<i32>} : memref<3200xi32, #tpu.memory_space<vmem>>, vector<16xi32>,
        %gather3A_1359 = tpu.vector_load_idx %arg8[%gather3A_1355] : memref<100000xi32, #tpu.memory_space<vmem>>[vector<16xi32>], vector<16xi32>,
        %swap3A_1360 = arith.constant 1888 : index
        %swap3A_1361 = tpu.vector_load %arg12[%swap3A_1360] {strides = array<i32>} : memref<3200xi32, #tpu.memory_space<vmem>>, vector<16xi32>,
        tpu.vector_store %arg12[%swap3A_1360], %gather3A_1359 {strides = array<i32>} : memref<3200xi32, #tpu.memory_space<vmem>>, vector<16xi32>,
        %add3A_1362 = arith.constant 1904 : i32
        %add3A_1363 = vector.broadcast %add3A_1362 : i32 to vector<16xi32>
        %add3A_1364 = arith.addi %iota3A, %add3A_1363 : vector<16xi32>
        %gather3A_1365 = tpu.vector_load_idx %arg9[%broadcast_in_dim3A_1, %add3A_1364] : memref<2x3200xi32, #tpu.memory_space<vmem>>[vector<16xi32>, vector<16xi32>], vector<16xi32>,
        %gather3A_1366 = tpu.vector_load_idx %arg9[%add3A_4, %add3A_1364] : memref<2x3200xi32, #tpu.memory_space<vmem>>[vector<16xi32>, vector<16xi32>], vector<16xi32>,
        %gather3A_1367 = tpu.vector_load_idx %arg8[%gather3A_1365] : memref<100000xi32, #tpu.memory_space<vmem>>[vector<16xi32>], vector<16xi32>,
        %swap3A_1368 = arith.constant 1904 : index
        %swap3A_1369 = tpu.vector_load %arg11[%swap3A_1368] {strides = array<i32>} : memref<3200xi32, #tpu.memory_space<vmem>>, vector<16xi32>,
        tpu.vector_store %arg11[%swap3A_1368], %gather3A_1367 {strides = array<i32>} : memref<3200xi32, #tpu.memory_space<vmem>>, vector<16xi32>,
        %gather3A_1370 = tpu.vector_load_idx %arg8[%gather3A_1366] : memref<100000xi32, #tpu.memory_space<vmem>>[vector<16xi32>], vector<16xi32>,
        %swap3A_1371 = arith.constant 1904 : index
        %swap3A_1372 = tpu.vector_load %arg12[%swap3A_1371] {strides = array<i32>} : memref<3200xi32, #tpu.memory_space<vmem>>, vector<16xi32>,
        tpu.vector_store %arg12[%swap3A_1371], %gather3A_1370 {strides = array<i32>} : memref<3200xi32, #tpu.memory_space<vmem>>, vector<16xi32>,
        %add3A_1373 = arith.constant 1920 : i32
        %add3A_1374 = vector.broadcast %add3A_1373 : i32 to vector<16xi32>
        %add3A_1375 = arith.addi %iota3A, %add3A_1374 : vector<16xi32>
        %gather3A_1376 = tpu.vector_load_idx %arg9[%broadcast_in_dim3A_1, %add3A_1375] : memref<2x3200xi32, #tpu.memory_space<vmem>>[vector<16xi32>, vector<16xi32>], vector<16xi32>,
        %gather3A_1377 = tpu.vector_load_idx %arg9[%add3A_4, %add3A_1375] : memref<2x3200xi32, #tpu.memory_space<vmem>>[vector<16xi32>, vector<16xi32>], vector<16xi32>,
        %gather3A_1378 = tpu.vector_load_idx %arg8[%gather3A_1376] : memref<100000xi32, #tpu.memory_space<vmem>>[vector<16xi32>], vector<16xi32>,
        %swap3A_1379 = arith.constant 1920 : index
        %swap3A_1380 = tpu.vector_load %arg11[%swap3A_1379] {strides = array<i32>} : memref<3200xi32, #tpu.memory_space<vmem>>, vector<16xi32>,
        tpu.vector_store %arg11[%swap3A_1379], %gather3A_1378 {strides = array<i32>} : memref<3200xi32, #tpu.memory_space<vmem>>, vector<16xi32>,
        %gather3A_1381 = tpu.vector_load_idx %arg8[%gather3A_1377] : memref<100000xi32, #tpu.memory_space<vmem>>[vector<16xi32>], vector<16xi32>,
        %swap3A_1382 = arith.constant 1920 : index
        %swap3A_1383 = tpu.vector_load %arg12[%swap3A_1382] {strides = array<i32>} : memref<3200xi32, #tpu.memory_space<vmem>>, vector<16xi32>,
        tpu.vector_store %arg12[%swap3A_1382], %gather3A_1381 {strides = array<i32>} : memref<3200xi32, #tpu.memory_space<vmem>>, vector<16xi32>,
        %add3A_1384 = arith.constant 1936 : i32
        %add3A_1385 = vector.broadcast %add3A_1384 : i32 to vector<16xi32>
        %add3A_1386 = arith.addi %iota3A, %add3A_1385 : vector<16xi32>
        %gather3A_1387 = tpu.vector_load_idx %arg9[%broadcast_in_dim3A_1, %add3A_1386] : memref<2x3200xi32, #tpu.memory_space<vmem>>[vector<16xi32>, vector<16xi32>], vector<16xi32>,
        %gather3A_1388 = tpu.vector_load_idx %arg9[%add3A_4, %add3A_1386] : memref<2x3200xi32, #tpu.memory_space<vmem>>[vector<16xi32>, vector<16xi32>], vector<16xi32>,
        %gather3A_1389 = tpu.vector_load_idx %arg8[%gather3A_1387] : memref<100000xi32, #tpu.memory_space<vmem>>[vector<16xi32>], vector<16xi32>,
        %swap3A_1390 = arith.constant 1936 : index
        %swap3A_1391 = tpu.vector_load %arg11[%swap3A_1390] {strides = array<i32>} : memref<3200xi32, #tpu.memory_space<vmem>>, vector<16xi32>,
        tpu.vector_store %arg11[%swap3A_1390], %gather3A_1389 {strides = array<i32>} : memref<3200xi32, #tpu.memory_space<vmem>>, vector<16xi32>,
        %gather3A_1392 = tpu.vector_load_idx %arg8[%gather3A_1388] : memref<100000xi32, #tpu.memory_space<vmem>>[vector<16xi32>], vector<16xi32>,
        %swap3A_1393 = arith.constant 1936 : index
        %swap3A_1394 = tpu.vector_load %arg12[%swap3A_1393] {strides = array<i32>} : memref<3200xi32, #tpu.memory_space<vmem>>, vector<16xi32>,
        tpu.vector_store %arg12[%swap3A_1393], %gather3A_1392 {strides = array<i32>} : memref<3200xi32, #tpu.memory_space<vmem>>, vector<16xi32>,
        %add3A_1395 = arith.constant 1952 : i32
        %add3A_1396 = vector.broadcast %add3A_1395 : i32 to vector<16xi32>
        %add3A_1397 = arith.addi %iota3A, %add3A_1396 : vector<16xi32>
        %gather3A_1398 = tpu.vector_load_idx %arg9[%broadcast_in_dim3A_1, %add3A_1397] : memref<2x3200xi32, #tpu.memory_space<vmem>>[vector<16xi32>, vector<16xi32>], vector<16xi32>,
        %gather3A_1399 = tpu.vector_load_idx %arg9[%add3A_4, %add3A_1397] : memref<2x3200xi32, #tpu.memory_space<vmem>>[vector<16xi32>, vector<16xi32>], vector<16xi32>,
        %gather3A_1400 = tpu.vector_load_idx %arg8[%gather3A_1398] : memref<100000xi32, #tpu.memory_space<vmem>>[vector<16xi32>], vector<16xi32>,
        %swap3A_1401 = arith.constant 1952 : index
        %swap3A_1402 = tpu.vector_load %arg11[%swap3A_1401] {strides = array<i32>} : memref<3200xi32, #tpu.memory_space<vmem>>, vector<16xi32>,
        tpu.vector_store %arg11[%swap3A_1401], %gather3A_1400 {strides = array<i32>} : memref<3200xi32, #tpu.memory_space<vmem>>, vector<16xi32>,
        %gather3A_1403 = tpu.vector_load_idx %arg8[%gather3A_1399] : memref<100000xi32, #tpu.memory_space<vmem>>[vector<16xi32>], vector<16xi32>,
        %swap3A_1404 = arith.constant 1952 : index
        %swap3A_1405 = tpu.vector_load %arg12[%swap3A_1404] {strides = array<i32>} : memref<3200xi32, #tpu.memory_space<vmem>>, vector<16xi32>,
        tpu.vector_store %arg12[%swap3A_1404], %gather3A_1403 {strides = array<i32>} : memref<3200xi32, #tpu.memory_space<vmem>>, vector<16xi32>,
        %add3A_1406 = arith.constant 1968 : i32
        %add3A_1407 = vector.broadcast %add3A_1406 : i32 to vector<16xi32>
        %add3A_1408 = arith.addi %iota3A, %add3A_1407 : vector<16xi32>
        %gather3A_1409 = tpu.vector_load_idx %arg9[%broadcast_in_dim3A_1, %add3A_1408] : memref<2x3200xi32, #tpu.memory_space<vmem>>[vector<16xi32>, vector<16xi32>], vector<16xi32>,
        %gather3A_1410 = tpu.vector_load_idx %arg9[%add3A_4, %add3A_1408] : memref<2x3200xi32, #tpu.memory_space<vmem>>[vector<16xi32>, vector<16xi32>], vector<16xi32>,
        %gather3A_1411 = tpu.vector_load_idx %arg8[%gather3A_1409] : memref<100000xi32, #tpu.memory_space<vmem>>[vector<16xi32>], vector<16xi32>,
        %swap3A_1412 = arith.constant 1968 : index
        %swap3A_1413 = tpu.vector_load %arg11[%swap3A_1412] {strides = array<i32>} : memref<3200xi32, #tpu.memory_space<vmem>>, vector<16xi32>,
        tpu.vector_store %arg11[%swap3A_1412], %gather3A_1411 {strides = array<i32>} : memref<3200xi32, #tpu.memory_space<vmem>>, vector<16xi32>,
        %gather3A_1414 = tpu.vector_load_idx %arg8[%gather3A_1410] : memref<100000xi32, #tpu.memory_space<vmem>>[vector<16xi32>], vector<16xi32>,
        %swap3A_1415 = arith.constant 1968 : index
        %swap3A_1416 = tpu.vector_load %arg12[%swap3A_1415] {strides = array<i32>} : memref<3200xi32, #tpu.memory_space<vmem>>, vector<16xi32>,
        tpu.vector_store %arg12[%swap3A_1415], %gather3A_1414 {strides = array<i32>} : memref<3200xi32, #tpu.memory_space<vmem>>, vector<16xi32>,
        %add3A_1417 = arith.constant 1984 : i32
        %add3A_1418 = vector.broadcast %add3A_1417 : i32 to vector<16xi32>
        %add3A_1419 = arith.addi %iota3A, %add3A_1418 : vector<16xi32>
        %gather3A_1420 = tpu.vector_load_idx %arg9[%broadcast_in_dim3A_1, %add3A_1419] : memref<2x3200xi32, #tpu.memory_space<vmem>>[vector<16xi32>, vector<16xi32>], vector<16xi32>,
        %gather3A_1421 = tpu.vector_load_idx %arg9[%add3A_4, %add3A_1419] : memref<2x3200xi32, #tpu.memory_space<vmem>>[vector<16xi32>, vector<16xi32>], vector<16xi32>,
        %gather3A_1422 = tpu.vector_load_idx %arg8[%gather3A_1420] : memref<100000xi32, #tpu.memory_space<vmem>>[vector<16xi32>], vector<16xi32>,
        %swap3A_1423 = arith.constant 1984 : index
        %swap3A_1424 = tpu.vector_load %arg11[%swap3A_1423] {strides = array<i32>} : memref<3200xi32, #tpu.memory_space<vmem>>, vector<16xi32>,
        tpu.vector_store %arg11[%swap3A_1423], %gather3A_1422 {strides = array<i32>} : memref<3200xi32, #tpu.memory_space<vmem>>, vector<16xi32>,
        %gather3A_1425 = tpu.vector_load_idx %arg8[%gather3A_1421] : memref<100000xi32, #tpu.memory_space<vmem>>[vector<16xi32>], vector<16xi32>,
        %swap3A_1426 = arith.constant 1984 : index
        %swap3A_1427 = tpu.vector_load %arg12[%swap3A_1426] {strides = array<i32>} : memref<3200xi32, #tpu.memory_space<vmem>>, vector<16xi32>,
        tpu.vector_store %arg12[%swap3A_1426], %gather3A_1425 {strides = array<i32>} : memref<3200xi32, #tpu.memory_space<vmem>>, vector<16xi32>,
        %add3A_1428 = arith.constant 2000 : i32
        %add3A_1429 = vector.broadcast %add3A_1428 : i32 to vector<16xi32>
        %add3A_1430 = arith.addi %iota3A, %add3A_1429 : vector<16xi32>
        %gather3A_1431 = tpu.vector_load_idx %arg9[%broadcast_in_dim3A_1, %add3A_1430] : memref<2x3200xi32, #tpu.memory_space<vmem>>[vector<16xi32>, vector<16xi32>], vector<16xi32>,
        %gather3A_1432 = tpu.vector_load_idx %arg9[%add3A_4, %add3A_1430] : memref<2x3200xi32, #tpu.memory_space<vmem>>[vector<16xi32>, vector<16xi32>], vector<16xi32>,
        %gather3A_1433 = tpu.vector_load_idx %arg8[%gather3A_1431] : memref<100000xi32, #tpu.memory_space<vmem>>[vector<16xi32>], vector<16xi32>,
        %swap3A_1434 = arith.constant 2000 : index
        %swap3A_1435 = tpu.vector_load %arg11[%swap3A_1434] {strides = array<i32>} : memref<3200xi32, #tpu.memory_space<vmem>>, vector<16xi32>,
        tpu.vector_store %arg11[%swap3A_1434], %gather3A_1433 {strides = array<i32>} : memref<3200xi32, #tpu.memory_space<vmem>>, vector<16xi32>,
        %gather3A_1436 = tpu.vector_load_idx %arg8[%gather3A_1432] : memref<100000xi32, #tpu.memory_space<vmem>>[vector<16xi32>], vector<16xi32>,
        %swap3A_1437 = arith.constant 2000 : index
        %swap3A_1438 = tpu.vector_load %arg12[%swap3A_1437] {strides = array<i32>} : memref<3200xi32, #tpu.memory_space<vmem>>, vector<16xi32>,
        tpu.vector_store %arg12[%swap3A_1437], %gather3A_1436 {strides = array<i32>} : memref<3200xi32, #tpu.memory_space<vmem>>, vector<16xi32>,
        %add3A_1439 = arith.constant 2016 : i32
        %add3A_1440 = vector.broadcast %add3A_1439 : i32 to vector<16xi32>
        %add3A_1441 = arith.addi %iota3A, %add3A_1440 : vector<16xi32>
        %gather3A_1442 = tpu.vector_load_idx %arg9[%broadcast_in_dim3A_1, %add3A_1441] : memref<2x3200xi32, #tpu.memory_space<vmem>>[vector<16xi32>, vector<16xi32>], vector<16xi32>,
        %gather3A_1443 = tpu.vector_load_idx %arg9[%add3A_4, %add3A_1441] : memref<2x3200xi32, #tpu.memory_space<vmem>>[vector<16xi32>, vector<16xi32>], vector<16xi32>,
        %gather3A_1444 = tpu.vector_load_idx %arg8[%gather3A_1442] : memref<100000xi32, #tpu.memory_space<vmem>>[vector<16xi32>], vector<16xi32>,
        %swap3A_1445 = arith.constant 2016 : index
        %swap3A_1446 = tpu.vector_load %arg11[%swap3A_1445] {strides = array<i32>} : memref<3200xi32, #tpu.memory_space<vmem>>, vector<16xi32>,
        tpu.vector_store %arg11[%swap3A_1445], %gather3A_1444 {strides = array<i32>} : memref<3200xi32, #tpu.memory_space<vmem>>, vector<16xi32>,
        %gather3A_1447 = tpu.vector_load_idx %arg8[%gather3A_1443] : memref<100000xi32, #tpu.memory_space<vmem>>[vector<16xi32>], vector<16xi32>,
        %swap3A_1448 = arith.constant 2016 : index
        %swap3A_1449 = tpu.vector_load %arg12[%swap3A_1448] {strides = array<i32>} : memref<3200xi32, #tpu.memory_space<vmem>>, vector<16xi32>,
        tpu.vector_store %arg12[%swap3A_1448], %gather3A_1447 {strides = array<i32>} : memref<3200xi32, #tpu.memory_space<vmem>>, vector<16xi32>,
        %add3A_1450 = arith.constant 2032 : i32
        %add3A_1451 = vector.broadcast %add3A_1450 : i32 to vector<16xi32>
        %add3A_1452 = arith.addi %iota3A, %add3A_1451 : vector<16xi32>
        %gather3A_1453 = tpu.vector_load_idx %arg9[%broadcast_in_dim3A_1, %add3A_1452] : memref<2x3200xi32, #tpu.memory_space<vmem>>[vector<16xi32>, vector<16xi32>], vector<16xi32>,
        %gather3A_1454 = tpu.vector_load_idx %arg9[%add3A_4, %add3A_1452] : memref<2x3200xi32, #tpu.memory_space<vmem>>[vector<16xi32>, vector<16xi32>], vector<16xi32>,
        %gather3A_1455 = tpu.vector_load_idx %arg8[%gather3A_1453] : memref<100000xi32, #tpu.memory_space<vmem>>[vector<16xi32>], vector<16xi32>,
        %swap3A_1456 = arith.constant 2032 : index
        %swap3A_1457 = tpu.vector_load %arg11[%swap3A_1456] {strides = array<i32>} : memref<3200xi32, #tpu.memory_space<vmem>>, vector<16xi32>,
        tpu.vector_store %arg11[%swap3A_1456], %gather3A_1455 {strides = array<i32>} : memref<3200xi32, #tpu.memory_space<vmem>>, vector<16xi32>,
        %gather3A_1458 = tpu.vector_load_idx %arg8[%gather3A_1454] : memref<100000xi32, #tpu.memory_space<vmem>>[vector<16xi32>], vector<16xi32>,
        %swap3A_1459 = arith.constant 2032 : index
        %swap3A_1460 = tpu.vector_load %arg12[%swap3A_1459] {strides = array<i32>} : memref<3200xi32, #tpu.memory_space<vmem>>, vector<16xi32>,
        tpu.vector_store %arg12[%swap3A_1459], %gather3A_1458 {strides = array<i32>} : memref<3200xi32, #tpu.memory_space<vmem>>, vector<16xi32>,
        %add3A_1461 = arith.constant 2048 : i32
        %add3A_1462 = vector.broadcast %add3A_1461 : i32 to vector<16xi32>
        %add3A_1463 = arith.addi %iota3A, %add3A_1462 : vector<16xi32>
        %gather3A_1464 = tpu.vector_load_idx %arg9[%broadcast_in_dim3A_1, %add3A_1463] : memref<2x3200xi32, #tpu.memory_space<vmem>>[vector<16xi32>, vector<16xi32>], vector<16xi32>,
        %gather3A_1465 = tpu.vector_load_idx %arg9[%add3A_4, %add3A_1463] : memref<2x3200xi32, #tpu.memory_space<vmem>>[vector<16xi32>, vector<16xi32>], vector<16xi32>,
        %gather3A_1466 = tpu.vector_load_idx %arg8[%gather3A_1464] : memref<100000xi32, #tpu.memory_space<vmem>>[vector<16xi32>], vector<16xi32>,
        %swap3A_1467 = arith.constant 2048 : index
        %swap3A_1468 = tpu.vector_load %arg11[%swap3A_1467] {strides = array<i32>} : memref<3200xi32, #tpu.memory_space<vmem>>, vector<16xi32>,
        tpu.vector_store %arg11[%swap3A_1467], %gather3A_1466 {strides = array<i32>} : memref<3200xi32, #tpu.memory_space<vmem>>, vector<16xi32>,
        %gather3A_1469 = tpu.vector_load_idx %arg8[%gather3A_1465] : memref<100000xi32, #tpu.memory_space<vmem>>[vector<16xi32>], vector<16xi32>,
        %swap3A_1470 = arith.constant 2048 : index
        %swap3A_1471 = tpu.vector_load %arg12[%swap3A_1470] {strides = array<i32>} : memref<3200xi32, #tpu.memory_space<vmem>>, vector<16xi32>,
        tpu.vector_store %arg12[%swap3A_1470], %gather3A_1469 {strides = array<i32>} : memref<3200xi32, #tpu.memory_space<vmem>>, vector<16xi32>,
        %add3A_1472 = arith.constant 2064 : i32
        %add3A_1473 = vector.broadcast %add3A_1472 : i32 to vector<16xi32>
        %add3A_1474 = arith.addi %iota3A, %add3A_1473 : vector<16xi32>
        %gather3A_1475 = tpu.vector_load_idx %arg9[%broadcast_in_dim3A_1, %add3A_1474] : memref<2x3200xi32, #tpu.memory_space<vmem>>[vector<16xi32>, vector<16xi32>], vector<16xi32>,
        %gather3A_1476 = tpu.vector_load_idx %arg9[%add3A_4, %add3A_1474] : memref<2x3200xi32, #tpu.memory_space<vmem>>[vector<16xi32>, vector<16xi32>], vector<16xi32>,
        %gather3A_1477 = tpu.vector_load_idx %arg8[%gather3A_1475] : memref<100000xi32, #tpu.memory_space<vmem>>[vector<16xi32>], vector<16xi32>,
        %swap3A_1478 = arith.constant 2064 : index
        %swap3A_1479 = tpu.vector_load %arg11[%swap3A_1478] {strides = array<i32>} : memref<3200xi32, #tpu.memory_space<vmem>>, vector<16xi32>,
        tpu.vector_store %arg11[%swap3A_1478], %gather3A_1477 {strides = array<i32>} : memref<3200xi32, #tpu.memory_space<vmem>>, vector<16xi32>,
        %gather3A_1480 = tpu.vector_load_idx %arg8[%gather3A_1476] : memref<100000xi32, #tpu.memory_space<vmem>>[vector<16xi32>], vector<16xi32>,
        %swap3A_1481 = arith.constant 2064 : index
        %swap3A_1482 = tpu.vector_load %arg12[%swap3A_1481] {strides = array<i32>} : memref<3200xi32, #tpu.memory_space<vmem>>, vector<16xi32>,
        tpu.vector_store %arg12[%swap3A_1481], %gather3A_1480 {strides = array<i32>} : memref<3200xi32, #tpu.memory_space<vmem>>, vector<16xi32>,
        %add3A_1483 = arith.constant 2080 : i32
        %add3A_1484 = vector.broadcast %add3A_1483 : i32 to vector<16xi32>
        %add3A_1485 = arith.addi %iota3A, %add3A_1484 : vector<16xi32>
        %gather3A_1486 = tpu.vector_load_idx %arg9[%broadcast_in_dim3A_1, %add3A_1485] : memref<2x3200xi32, #tpu.memory_space<vmem>>[vector<16xi32>, vector<16xi32>], vector<16xi32>,
        %gather3A_1487 = tpu.vector_load_idx %arg9[%add3A_4, %add3A_1485] : memref<2x3200xi32, #tpu.memory_space<vmem>>[vector<16xi32>, vector<16xi32>], vector<16xi32>,
        %gather3A_1488 = tpu.vector_load_idx %arg8[%gather3A_1486] : memref<100000xi32, #tpu.memory_space<vmem>>[vector<16xi32>], vector<16xi32>,
        %swap3A_1489 = arith.constant 2080 : index
        %swap3A_1490 = tpu.vector_load %arg11[%swap3A_1489] {strides = array<i32>} : memref<3200xi32, #tpu.memory_space<vmem>>, vector<16xi32>,
        tpu.vector_store %arg11[%swap3A_1489], %gather3A_1488 {strides = array<i32>} : memref<3200xi32, #tpu.memory_space<vmem>>, vector<16xi32>,
        %gather3A_1491 = tpu.vector_load_idx %arg8[%gather3A_1487] : memref<100000xi32, #tpu.memory_space<vmem>>[vector<16xi32>], vector<16xi32>,
        %swap3A_1492 = arith.constant 2080 : index
        %swap3A_1493 = tpu.vector_load %arg12[%swap3A_1492] {strides = array<i32>} : memref<3200xi32, #tpu.memory_space<vmem>>, vector<16xi32>,
        tpu.vector_store %arg12[%swap3A_1492], %gather3A_1491 {strides = array<i32>} : memref<3200xi32, #tpu.memory_space<vmem>>, vector<16xi32>,
        %add3A_1494 = arith.constant 2096 : i32
        %add3A_1495 = vector.broadcast %add3A_1494 : i32 to vector<16xi32>
        %add3A_1496 = arith.addi %iota3A, %add3A_1495 : vector<16xi32>
        %gather3A_1497 = tpu.vector_load_idx %arg9[%broadcast_in_dim3A_1, %add3A_1496] : memref<2x3200xi32, #tpu.memory_space<vmem>>[vector<16xi32>, vector<16xi32>], vector<16xi32>,
        %gather3A_1498 = tpu.vector_load_idx %arg9[%add3A_4, %add3A_1496] : memref<2x3200xi32, #tpu.memory_space<vmem>>[vector<16xi32>, vector<16xi32>], vector<16xi32>,
        %gather3A_1499 = tpu.vector_load_idx %arg8[%gather3A_1497] : memref<100000xi32, #tpu.memory_space<vmem>>[vector<16xi32>], vector<16xi32>,
        %swap3A_1500 = arith.constant 2096 : index
        %swap3A_1501 = tpu.vector_load %arg11[%swap3A_1500] {strides = array<i32>} : memref<3200xi32, #tpu.memory_space<vmem>>, vector<16xi32>,
        tpu.vector_store %arg11[%swap3A_1500], %gather3A_1499 {strides = array<i32>} : memref<3200xi32, #tpu.memory_space<vmem>>, vector<16xi32>,
        %gather3A_1502 = tpu.vector_load_idx %arg8[%gather3A_1498] : memref<100000xi32, #tpu.memory_space<vmem>>[vector<16xi32>], vector<16xi32>,
        %swap3A_1503 = arith.constant 2096 : index
        %swap3A_1504 = tpu.vector_load %arg12[%swap3A_1503] {strides = array<i32>} : memref<3200xi32, #tpu.memory_space<vmem>>, vector<16xi32>,
        tpu.vector_store %arg12[%swap3A_1503], %gather3A_1502 {strides = array<i32>} : memref<3200xi32, #tpu.memory_space<vmem>>, vector<16xi32>,
        %add3A_1505 = arith.constant 2112 : i32
        %add3A_1506 = vector.broadcast %add3A_1505 : i32 to vector<16xi32>
        %add3A_1507 = arith.addi %iota3A, %add3A_1506 : vector<16xi32>
        %gather3A_1508 = tpu.vector_load_idx %arg9[%broadcast_in_dim3A_1, %add3A_1507] : memref<2x3200xi32, #tpu.memory_space<vmem>>[vector<16xi32>, vector<16xi32>], vector<16xi32>,
        %gather3A_1509 = tpu.vector_load_idx %arg9[%add3A_4, %add3A_1507] : memref<2x3200xi32, #tpu.memory_space<vmem>>[vector<16xi32>, vector<16xi32>], vector<16xi32>,
        %gather3A_1510 = tpu.vector_load_idx %arg8[%gather3A_1508] : memref<100000xi32, #tpu.memory_space<vmem>>[vector<16xi32>], vector<16xi32>,
        %swap3A_1511 = arith.constant 2112 : index
        %swap3A_1512 = tpu.vector_load %arg11[%swap3A_1511] {strides = array<i32>} : memref<3200xi32, #tpu.memory_space<vmem>>, vector<16xi32>,
        tpu.vector_store %arg11[%swap3A_1511], %gather3A_1510 {strides = array<i32>} : memref<3200xi32, #tpu.memory_space<vmem>>, vector<16xi32>,
        %gather3A_1513 = tpu.vector_load_idx %arg8[%gather3A_1509] : memref<100000xi32, #tpu.memory_space<vmem>>[vector<16xi32>], vector<16xi32>,
        %swap3A_1514 = arith.constant 2112 : index
        %swap3A_1515 = tpu.vector_load %arg12[%swap3A_1514] {strides = array<i32>} : memref<3200xi32, #tpu.memory_space<vmem>>, vector<16xi32>,
        tpu.vector_store %arg12[%swap3A_1514], %gather3A_1513 {strides = array<i32>} : memref<3200xi32, #tpu.memory_space<vmem>>, vector<16xi32>,
        %add3A_1516 = arith.constant 2128 : i32
        %add3A_1517 = vector.broadcast %add3A_1516 : i32 to vector<16xi32>
        %add3A_1518 = arith.addi %iota3A, %add3A_1517 : vector<16xi32>
        %gather3A_1519 = tpu.vector_load_idx %arg9[%broadcast_in_dim3A_1, %add3A_1518] : memref<2x3200xi32, #tpu.memory_space<vmem>>[vector<16xi32>, vector<16xi32>], vector<16xi32>,
        %gather3A_1520 = tpu.vector_load_idx %arg9[%add3A_4, %add3A_1518] : memref<2x3200xi32, #tpu.memory_space<vmem>>[vector<16xi32>, vector<16xi32>], vector<16xi32>,
        %gather3A_1521 = tpu.vector_load_idx %arg8[%gather3A_1519] : memref<100000xi32, #tpu.memory_space<vmem>>[vector<16xi32>], vector<16xi32>,
        %swap3A_1522 = arith.constant 2128 : index
        %swap3A_1523 = tpu.vector_load %arg11[%swap3A_1522] {strides = array<i32>} : memref<3200xi32, #tpu.memory_space<vmem>>, vector<16xi32>,
        tpu.vector_store %arg11[%swap3A_1522], %gather3A_1521 {strides = array<i32>} : memref<3200xi32, #tpu.memory_space<vmem>>, vector<16xi32>,
        %gather3A_1524 = tpu.vector_load_idx %arg8[%gather3A_1520] : memref<100000xi32, #tpu.memory_space<vmem>>[vector<16xi32>], vector<16xi32>,
        %swap3A_1525 = arith.constant 2128 : index
        %swap3A_1526 = tpu.vector_load %arg12[%swap3A_1525] {strides = array<i32>} : memref<3200xi32, #tpu.memory_space<vmem>>, vector<16xi32>,
        tpu.vector_store %arg12[%swap3A_1525], %gather3A_1524 {strides = array<i32>} : memref<3200xi32, #tpu.memory_space<vmem>>, vector<16xi32>,
        %add3A_1527 = arith.constant 2144 : i32
        %add3A_1528 = vector.broadcast %add3A_1527 : i32 to vector<16xi32>
        %add3A_1529 = arith.addi %iota3A, %add3A_1528 : vector<16xi32>
        %gather3A_1530 = tpu.vector_load_idx %arg9[%broadcast_in_dim3A_1, %add3A_1529] : memref<2x3200xi32, #tpu.memory_space<vmem>>[vector<16xi32>, vector<16xi32>], vector<16xi32>,
        %gather3A_1531 = tpu.vector_load_idx %arg9[%add3A_4, %add3A_1529] : memref<2x3200xi32, #tpu.memory_space<vmem>>[vector<16xi32>, vector<16xi32>], vector<16xi32>,
        %gather3A_1532 = tpu.vector_load_idx %arg8[%gather3A_1530] : memref<100000xi32, #tpu.memory_space<vmem>>[vector<16xi32>], vector<16xi32>,
        %swap3A_1533 = arith.constant 2144 : index
        %swap3A_1534 = tpu.vector_load %arg11[%swap3A_1533] {strides = array<i32>} : memref<3200xi32, #tpu.memory_space<vmem>>, vector<16xi32>,
        tpu.vector_store %arg11[%swap3A_1533], %gather3A_1532 {strides = array<i32>} : memref<3200xi32, #tpu.memory_space<vmem>>, vector<16xi32>,
        %gather3A_1535 = tpu.vector_load_idx %arg8[%gather3A_1531] : memref<100000xi32, #tpu.memory_space<vmem>>[vector<16xi32>], vector<16xi32>,
        %swap3A_1536 = arith.constant 2144 : index
        %swap3A_1537 = tpu.vector_load %arg12[%swap3A_1536] {strides = array<i32>} : memref<3200xi32, #tpu.memory_space<vmem>>, vector<16xi32>,
        tpu.vector_store %arg12[%swap3A_1536], %gather3A_1535 {strides = array<i32>} : memref<3200xi32, #tpu.memory_space<vmem>>, vector<16xi32>,
        %add3A_1538 = arith.constant 2160 : i32
        %add3A_1539 = vector.broadcast %add3A_1538 : i32 to vector<16xi32>
        %add3A_1540 = arith.addi %iota3A, %add3A_1539 : vector<16xi32>
        %gather3A_1541 = tpu.vector_load_idx %arg9[%broadcast_in_dim3A_1, %add3A_1540] : memref<2x3200xi32, #tpu.memory_space<vmem>>[vector<16xi32>, vector<16xi32>], vector<16xi32>,
        %gather3A_1542 = tpu.vector_load_idx %arg9[%add3A_4, %add3A_1540] : memref<2x3200xi32, #tpu.memory_space<vmem>>[vector<16xi32>, vector<16xi32>], vector<16xi32>,
        %gather3A_1543 = tpu.vector_load_idx %arg8[%gather3A_1541] : memref<100000xi32, #tpu.memory_space<vmem>>[vector<16xi32>], vector<16xi32>,
        %swap3A_1544 = arith.constant 2160 : index
        %swap3A_1545 = tpu.vector_load %arg11[%swap3A_1544] {strides = array<i32>} : memref<3200xi32, #tpu.memory_space<vmem>>, vector<16xi32>,
        tpu.vector_store %arg11[%swap3A_1544], %gather3A_1543 {strides = array<i32>} : memref<3200xi32, #tpu.memory_space<vmem>>, vector<16xi32>,
        %gather3A_1546 = tpu.vector_load_idx %arg8[%gather3A_1542] : memref<100000xi32, #tpu.memory_space<vmem>>[vector<16xi32>], vector<16xi32>,
        %swap3A_1547 = arith.constant 2160 : index
        %swap3A_1548 = tpu.vector_load %arg12[%swap3A_1547] {strides = array<i32>} : memref<3200xi32, #tpu.memory_space<vmem>>, vector<16xi32>,
        tpu.vector_store %arg12[%swap3A_1547], %gather3A_1546 {strides = array<i32>} : memref<3200xi32, #tpu.memory_space<vmem>>, vector<16xi32>,
        %add3A_1549 = arith.constant 2176 : i32
        %add3A_1550 = vector.broadcast %add3A_1549 : i32 to vector<16xi32>
        %add3A_1551 = arith.addi %iota3A, %add3A_1550 : vector<16xi32>
        %gather3A_1552 = tpu.vector_load_idx %arg9[%broadcast_in_dim3A_1, %add3A_1551] : memref<2x3200xi32, #tpu.memory_space<vmem>>[vector<16xi32>, vector<16xi32>], vector<16xi32>,
        %gather3A_1553 = tpu.vector_load_idx %arg9[%add3A_4, %add3A_1551] : memref<2x3200xi32, #tpu.memory_space<vmem>>[vector<16xi32>, vector<16xi32>], vector<16xi32>,
        %gather3A_1554 = tpu.vector_load_idx %arg8[%gather3A_1552] : memref<100000xi32, #tpu.memory_space<vmem>>[vector<16xi32>], vector<16xi32>,
        %swap3A_1555 = arith.constant 2176 : index
        %swap3A_1556 = tpu.vector_load %arg11[%swap3A_1555] {strides = array<i32>} : memref<3200xi32, #tpu.memory_space<vmem>>, vector<16xi32>,
        tpu.vector_store %arg11[%swap3A_1555], %gather3A_1554 {strides = array<i32>} : memref<3200xi32, #tpu.memory_space<vmem>>, vector<16xi32>,
        %gather3A_1557 = tpu.vector_load_idx %arg8[%gather3A_1553] : memref<100000xi32, #tpu.memory_space<vmem>>[vector<16xi32>], vector<16xi32>,
        %swap3A_1558 = arith.constant 2176 : index
        %swap3A_1559 = tpu.vector_load %arg12[%swap3A_1558] {strides = array<i32>} : memref<3200xi32, #tpu.memory_space<vmem>>, vector<16xi32>,
        tpu.vector_store %arg12[%swap3A_1558], %gather3A_1557 {strides = array<i32>} : memref<3200xi32, #tpu.memory_space<vmem>>, vector<16xi32>,
        %add3A_1560 = arith.constant 2192 : i32
        %add3A_1561 = vector.broadcast %add3A_1560 : i32 to vector<16xi32>
        %add3A_1562 = arith.addi %iota3A, %add3A_1561 : vector<16xi32>
        %gather3A_1563 = tpu.vector_load_idx %arg9[%broadcast_in_dim3A_1, %add3A_1562] : memref<2x3200xi32, #tpu.memory_space<vmem>>[vector<16xi32>, vector<16xi32>], vector<16xi32>,
        %gather3A_1564 = tpu.vector_load_idx %arg9[%add3A_4, %add3A_1562] : memref<2x3200xi32, #tpu.memory_space<vmem>>[vector<16xi32>, vector<16xi32>], vector<16xi32>,
        %gather3A_1565 = tpu.vector_load_idx %arg8[%gather3A_1563] : memref<100000xi32, #tpu.memory_space<vmem>>[vector<16xi32>], vector<16xi32>,
        %swap3A_1566 = arith.constant 2192 : index
        %swap3A_1567 = tpu.vector_load %arg11[%swap3A_1566] {strides = array<i32>} : memref<3200xi32, #tpu.memory_space<vmem>>, vector<16xi32>,
        tpu.vector_store %arg11[%swap3A_1566], %gather3A_1565 {strides = array<i32>} : memref<3200xi32, #tpu.memory_space<vmem>>, vector<16xi32>,
        %gather3A_1568 = tpu.vector_load_idx %arg8[%gather3A_1564] : memref<100000xi32, #tpu.memory_space<vmem>>[vector<16xi32>], vector<16xi32>,
        %swap3A_1569 = arith.constant 2192 : index
        %swap3A_1570 = tpu.vector_load %arg12[%swap3A_1569] {strides = array<i32>} : memref<3200xi32, #tpu.memory_space<vmem>>, vector<16xi32>,
        tpu.vector_store %arg12[%swap3A_1569], %gather3A_1568 {strides = array<i32>} : memref<3200xi32, #tpu.memory_space<vmem>>, vector<16xi32>,
        %add3A_1571 = arith.constant 2208 : i32
        %add3A_1572 = vector.broadcast %add3A_1571 : i32 to vector<16xi32>
        %add3A_1573 = arith.addi %iota3A, %add3A_1572 : vector<16xi32>
        %gather3A_1574 = tpu.vector_load_idx %arg9[%broadcast_in_dim3A_1, %add3A_1573] : memref<2x3200xi32, #tpu.memory_space<vmem>>[vector<16xi32>, vector<16xi32>], vector<16xi32>,
        %gather3A_1575 = tpu.vector_load_idx %arg9[%add3A_4, %add3A_1573] : memref<2x3200xi32, #tpu.memory_space<vmem>>[vector<16xi32>, vector<16xi32>], vector<16xi32>,
        %gather3A_1576 = tpu.vector_load_idx %arg8[%gather3A_1574] : memref<100000xi32, #tpu.memory_space<vmem>>[vector<16xi32>], vector<16xi32>,
        %swap3A_1577 = arith.constant 2208 : index
        %swap3A_1578 = tpu.vector_load %arg11[%swap3A_1577] {strides = array<i32>} : memref<3200xi32, #tpu.memory_space<vmem>>, vector<16xi32>,
        tpu.vector_store %arg11[%swap3A_1577], %gather3A_1576 {strides = array<i32>} : memref<3200xi32, #tpu.memory_space<vmem>>, vector<16xi32>,
        %gather3A_1579 = tpu.vector_load_idx %arg8[%gather3A_1575] : memref<100000xi32, #tpu.memory_space<vmem>>[vector<16xi32>], vector<16xi32>,
        %swap3A_1580 = arith.constant 2208 : index
        %swap3A_1581 = tpu.vector_load %arg12[%swap3A_1580] {strides = array<i32>} : memref<3200xi32, #tpu.memory_space<vmem>>, vector<16xi32>,
        tpu.vector_store %arg12[%swap3A_1580], %gather3A_1579 {strides = array<i32>} : memref<3200xi32, #tpu.memory_space<vmem>>, vector<16xi32>,
        %add3A_1582 = arith.constant 2224 : i32
        %add3A_1583 = vector.broadcast %add3A_1582 : i32 to vector<16xi32>
        %add3A_1584 = arith.addi %iota3A, %add3A_1583 : vector<16xi32>
        %gather3A_1585 = tpu.vector_load_idx %arg9[%broadcast_in_dim3A_1, %add3A_1584] : memref<2x3200xi32, #tpu.memory_space<vmem>>[vector<16xi32>, vector<16xi32>], vector<16xi32>,
        %gather3A_1586 = tpu.vector_load_idx %arg9[%add3A_4, %add3A_1584] : memref<2x3200xi32, #tpu.memory_space<vmem>>[vector<16xi32>, vector<16xi32>], vector<16xi32>,
        %gather3A_1587 = tpu.vector_load_idx %arg8[%gather3A_1585] : memref<100000xi32, #tpu.memory_space<vmem>>[vector<16xi32>], vector<16xi32>,
        %swap3A_1588 = arith.constant 2224 : index
        %swap3A_1589 = tpu.vector_load %arg11[%swap3A_1588] {strides = array<i32>} : memref<3200xi32, #tpu.memory_space<vmem>>, vector<16xi32>,
        tpu.vector_store %arg11[%swap3A_1588], %gather3A_1587 {strides = array<i32>} : memref<3200xi32, #tpu.memory_space<vmem>>, vector<16xi32>,
        %gather3A_1590 = tpu.vector_load_idx %arg8[%gather3A_1586] : memref<100000xi32, #tpu.memory_space<vmem>>[vector<16xi32>], vector<16xi32>,
        %swap3A_1591 = arith.constant 2224 : index
        %swap3A_1592 = tpu.vector_load %arg12[%swap3A_1591] {strides = array<i32>} : memref<3200xi32, #tpu.memory_space<vmem>>, vector<16xi32>,
        tpu.vector_store %arg12[%swap3A_1591], %gather3A_1590 {strides = array<i32>} : memref<3200xi32, #tpu.memory_space<vmem>>, vector<16xi32>,
        %add3A_1593 = arith.constant 2240 : i32
        %add3A_1594 = vector.broadcast %add3A_1593 : i32 to vector<16xi32>
        %add3A_1595 = arith.addi %iota3A, %add3A_1594 : vector<16xi32>
        %gather3A_1596 = tpu.vector_load_idx %arg9[%broadcast_in_dim3A_1, %add3A_1595] : memref<2x3200xi32, #tpu.memory_space<vmem>>[vector<16xi32>, vector<16xi32>], vector<16xi32>,
        %gather3A_1597 = tpu.vector_load_idx %arg9[%add3A_4, %add3A_1595] : memref<2x3200xi32, #tpu.memory_space<vmem>>[vector<16xi32>, vector<16xi32>], vector<16xi32>,
        %gather3A_1598 = tpu.vector_load_idx %arg8[%gather3A_1596] : memref<100000xi32, #tpu.memory_space<vmem>>[vector<16xi32>], vector<16xi32>,
        %swap3A_1599 = arith.constant 2240 : index
        %swap3A_1600 = tpu.vector_load %arg11[%swap3A_1599] {strides = array<i32>} : memref<3200xi32, #tpu.memory_space<vmem>>, vector<16xi32>,
        tpu.vector_store %arg11[%swap3A_1599], %gather3A_1598 {strides = array<i32>} : memref<3200xi32, #tpu.memory_space<vmem>>, vector<16xi32>,
        %gather3A_1601 = tpu.vector_load_idx %arg8[%gather3A_1597] : memref<100000xi32, #tpu.memory_space<vmem>>[vector<16xi32>], vector<16xi32>,
        %swap3A_1602 = arith.constant 2240 : index
        %swap3A_1603 = tpu.vector_load %arg12[%swap3A_1602] {strides = array<i32>} : memref<3200xi32, #tpu.memory_space<vmem>>, vector<16xi32>,
        tpu.vector_store %arg12[%swap3A_1602], %gather3A_1601 {strides = array<i32>} : memref<3200xi32, #tpu.memory_space<vmem>>, vector<16xi32>,
        %add3A_1604 = arith.constant 2256 : i32
        %add3A_1605 = vector.broadcast %add3A_1604 : i32 to vector<16xi32>
        %add3A_1606 = arith.addi %iota3A, %add3A_1605 : vector<16xi32>
        %gather3A_1607 = tpu.vector_load_idx %arg9[%broadcast_in_dim3A_1, %add3A_1606] : memref<2x3200xi32, #tpu.memory_space<vmem>>[vector<16xi32>, vector<16xi32>], vector<16xi32>,
        %gather3A_1608 = tpu.vector_load_idx %arg9[%add3A_4, %add3A_1606] : memref<2x3200xi32, #tpu.memory_space<vmem>>[vector<16xi32>, vector<16xi32>], vector<16xi32>,
        %gather3A_1609 = tpu.vector_load_idx %arg8[%gather3A_1607] : memref<100000xi32, #tpu.memory_space<vmem>>[vector<16xi32>], vector<16xi32>,
        %swap3A_1610 = arith.constant 2256 : index
        %swap3A_1611 = tpu.vector_load %arg11[%swap3A_1610] {strides = array<i32>} : memref<3200xi32, #tpu.memory_space<vmem>>, vector<16xi32>,
        tpu.vector_store %arg11[%swap3A_1610], %gather3A_1609 {strides = array<i32>} : memref<3200xi32, #tpu.memory_space<vmem>>, vector<16xi32>,
        %gather3A_1612 = tpu.vector_load_idx %arg8[%gather3A_1608] : memref<100000xi32, #tpu.memory_space<vmem>>[vector<16xi32>], vector<16xi32>,
        %swap3A_1613 = arith.constant 2256 : index
        %swap3A_1614 = tpu.vector_load %arg12[%swap3A_1613] {strides = array<i32>} : memref<3200xi32, #tpu.memory_space<vmem>>, vector<16xi32>,
        tpu.vector_store %arg12[%swap3A_1613], %gather3A_1612 {strides = array<i32>} : memref<3200xi32, #tpu.memory_space<vmem>>, vector<16xi32>,
        %add3A_1615 = arith.constant 2272 : i32
        %add3A_1616 = vector.broadcast %add3A_1615 : i32 to vector<16xi32>
        %add3A_1617 = arith.addi %iota3A, %add3A_1616 : vector<16xi32>
        %gather3A_1618 = tpu.vector_load_idx %arg9[%broadcast_in_dim3A_1, %add3A_1617] : memref<2x3200xi32, #tpu.memory_space<vmem>>[vector<16xi32>, vector<16xi32>], vector<16xi32>,
        %gather3A_1619 = tpu.vector_load_idx %arg9[%add3A_4, %add3A_1617] : memref<2x3200xi32, #tpu.memory_space<vmem>>[vector<16xi32>, vector<16xi32>], vector<16xi32>,
        %gather3A_1620 = tpu.vector_load_idx %arg8[%gather3A_1618] : memref<100000xi32, #tpu.memory_space<vmem>>[vector<16xi32>], vector<16xi32>,
        %swap3A_1621 = arith.constant 2272 : index
        %swap3A_1622 = tpu.vector_load %arg11[%swap3A_1621] {strides = array<i32>} : memref<3200xi32, #tpu.memory_space<vmem>>, vector<16xi32>,
        tpu.vector_store %arg11[%swap3A_1621], %gather3A_1620 {strides = array<i32>} : memref<3200xi32, #tpu.memory_space<vmem>>, vector<16xi32>,
        %gather3A_1623 = tpu.vector_load_idx %arg8[%gather3A_1619] : memref<100000xi32, #tpu.memory_space<vmem>>[vector<16xi32>], vector<16xi32>,
        %swap3A_1624 = arith.constant 2272 : index
        %swap3A_1625 = tpu.vector_load %arg12[%swap3A_1624] {strides = array<i32>} : memref<3200xi32, #tpu.memory_space<vmem>>, vector<16xi32>,
        tpu.vector_store %arg12[%swap3A_1624], %gather3A_1623 {strides = array<i32>} : memref<3200xi32, #tpu.memory_space<vmem>>, vector<16xi32>,
        %add3A_1626 = arith.constant 2288 : i32
        %add3A_1627 = vector.broadcast %add3A_1626 : i32 to vector<16xi32>
        %add3A_1628 = arith.addi %iota3A, %add3A_1627 : vector<16xi32>
        %gather3A_1629 = tpu.vector_load_idx %arg9[%broadcast_in_dim3A_1, %add3A_1628] : memref<2x3200xi32, #tpu.memory_space<vmem>>[vector<16xi32>, vector<16xi32>], vector<16xi32>,
        %gather3A_1630 = tpu.vector_load_idx %arg9[%add3A_4, %add3A_1628] : memref<2x3200xi32, #tpu.memory_space<vmem>>[vector<16xi32>, vector<16xi32>], vector<16xi32>,
        %gather3A_1631 = tpu.vector_load_idx %arg8[%gather3A_1629] : memref<100000xi32, #tpu.memory_space<vmem>>[vector<16xi32>], vector<16xi32>,
        %swap3A_1632 = arith.constant 2288 : index
        %swap3A_1633 = tpu.vector_load %arg11[%swap3A_1632] {strides = array<i32>} : memref<3200xi32, #tpu.memory_space<vmem>>, vector<16xi32>,
        tpu.vector_store %arg11[%swap3A_1632], %gather3A_1631 {strides = array<i32>} : memref<3200xi32, #tpu.memory_space<vmem>>, vector<16xi32>,
        %gather3A_1634 = tpu.vector_load_idx %arg8[%gather3A_1630] : memref<100000xi32, #tpu.memory_space<vmem>>[vector<16xi32>], vector<16xi32>,
        %swap3A_1635 = arith.constant 2288 : index
        %swap3A_1636 = tpu.vector_load %arg12[%swap3A_1635] {strides = array<i32>} : memref<3200xi32, #tpu.memory_space<vmem>>, vector<16xi32>,
        tpu.vector_store %arg12[%swap3A_1635], %gather3A_1634 {strides = array<i32>} : memref<3200xi32, #tpu.memory_space<vmem>>, vector<16xi32>,
        %add3A_1637 = arith.constant 2304 : i32
        %add3A_1638 = vector.broadcast %add3A_1637 : i32 to vector<16xi32>
        %add3A_1639 = arith.addi %iota3A, %add3A_1638 : vector<16xi32>
        %gather3A_1640 = tpu.vector_load_idx %arg9[%broadcast_in_dim3A_1, %add3A_1639] : memref<2x3200xi32, #tpu.memory_space<vmem>>[vector<16xi32>, vector<16xi32>], vector<16xi32>,
        %gather3A_1641 = tpu.vector_load_idx %arg9[%add3A_4, %add3A_1639] : memref<2x3200xi32, #tpu.memory_space<vmem>>[vector<16xi32>, vector<16xi32>], vector<16xi32>,
        %gather3A_1642 = tpu.vector_load_idx %arg8[%gather3A_1640] : memref<100000xi32, #tpu.memory_space<vmem>>[vector<16xi32>], vector<16xi32>,
        %swap3A_1643 = arith.constant 2304 : index
        %swap3A_1644 = tpu.vector_load %arg11[%swap3A_1643] {strides = array<i32>} : memref<3200xi32, #tpu.memory_space<vmem>>, vector<16xi32>,
        tpu.vector_store %arg11[%swap3A_1643], %gather3A_1642 {strides = array<i32>} : memref<3200xi32, #tpu.memory_space<vmem>>, vector<16xi32>,
        %gather3A_1645 = tpu.vector_load_idx %arg8[%gather3A_1641] : memref<100000xi32, #tpu.memory_space<vmem>>[vector<16xi32>], vector<16xi32>,
        %swap3A_1646 = arith.constant 2304 : index
        %swap3A_1647 = tpu.vector_load %arg12[%swap3A_1646] {strides = array<i32>} : memref<3200xi32, #tpu.memory_space<vmem>>, vector<16xi32>,
        tpu.vector_store %arg12[%swap3A_1646], %gather3A_1645 {strides = array<i32>} : memref<3200xi32, #tpu.memory_space<vmem>>, vector<16xi32>,
        %add3A_1648 = arith.constant 2320 : i32
        %add3A_1649 = vector.broadcast %add3A_1648 : i32 to vector<16xi32>
        %add3A_1650 = arith.addi %iota3A, %add3A_1649 : vector<16xi32>
        %gather3A_1651 = tpu.vector_load_idx %arg9[%broadcast_in_dim3A_1, %add3A_1650] : memref<2x3200xi32, #tpu.memory_space<vmem>>[vector<16xi32>, vector<16xi32>], vector<16xi32>,
        %gather3A_1652 = tpu.vector_load_idx %arg9[%add3A_4, %add3A_1650] : memref<2x3200xi32, #tpu.memory_space<vmem>>[vector<16xi32>, vector<16xi32>], vector<16xi32>,
        %gather3A_1653 = tpu.vector_load_idx %arg8[%gather3A_1651] : memref<100000xi32, #tpu.memory_space<vmem>>[vector<16xi32>], vector<16xi32>,
        %swap3A_1654 = arith.constant 2320 : index
        %swap3A_1655 = tpu.vector_load %arg11[%swap3A_1654] {strides = array<i32>} : memref<3200xi32, #tpu.memory_space<vmem>>, vector<16xi32>,
        tpu.vector_store %arg11[%swap3A_1654], %gather3A_1653 {strides = array<i32>} : memref<3200xi32, #tpu.memory_space<vmem>>, vector<16xi32>,
        %gather3A_1656 = tpu.vector_load_idx %arg8[%gather3A_1652] : memref<100000xi32, #tpu.memory_space<vmem>>[vector<16xi32>], vector<16xi32>,
        %swap3A_1657 = arith.constant 2320 : index
        %swap3A_1658 = tpu.vector_load %arg12[%swap3A_1657] {strides = array<i32>} : memref<3200xi32, #tpu.memory_space<vmem>>, vector<16xi32>,
        tpu.vector_store %arg12[%swap3A_1657], %gather3A_1656 {strides = array<i32>} : memref<3200xi32, #tpu.memory_space<vmem>>, vector<16xi32>,
        %add3A_1659 = arith.constant 2336 : i32
        %add3A_1660 = vector.broadcast %add3A_1659 : i32 to vector<16xi32>
        %add3A_1661 = arith.addi %iota3A, %add3A_1660 : vector<16xi32>
        %gather3A_1662 = tpu.vector_load_idx %arg9[%broadcast_in_dim3A_1, %add3A_1661] : memref<2x3200xi32, #tpu.memory_space<vmem>>[vector<16xi32>, vector<16xi32>], vector<16xi32>,
        %gather3A_1663 = tpu.vector_load_idx %arg9[%add3A_4, %add3A_1661] : memref<2x3200xi32, #tpu.memory_space<vmem>>[vector<16xi32>, vector<16xi32>], vector<16xi32>,
        %gather3A_1664 = tpu.vector_load_idx %arg8[%gather3A_1662] : memref<100000xi32, #tpu.memory_space<vmem>>[vector<16xi32>], vector<16xi32>,
        %swap3A_1665 = arith.constant 2336 : index
        %swap3A_1666 = tpu.vector_load %arg11[%swap3A_1665] {strides = array<i32>} : memref<3200xi32, #tpu.memory_space<vmem>>, vector<16xi32>,
        tpu.vector_store %arg11[%swap3A_1665], %gather3A_1664 {strides = array<i32>} : memref<3200xi32, #tpu.memory_space<vmem>>, vector<16xi32>,
        %gather3A_1667 = tpu.vector_load_idx %arg8[%gather3A_1663] : memref<100000xi32, #tpu.memory_space<vmem>>[vector<16xi32>], vector<16xi32>,
        %swap3A_1668 = arith.constant 2336 : index
        %swap3A_1669 = tpu.vector_load %arg12[%swap3A_1668] {strides = array<i32>} : memref<3200xi32, #tpu.memory_space<vmem>>, vector<16xi32>,
        tpu.vector_store %arg12[%swap3A_1668], %gather3A_1667 {strides = array<i32>} : memref<3200xi32, #tpu.memory_space<vmem>>, vector<16xi32>,
        %add3A_1670 = arith.constant 2352 : i32
        %add3A_1671 = vector.broadcast %add3A_1670 : i32 to vector<16xi32>
        %add3A_1672 = arith.addi %iota3A, %add3A_1671 : vector<16xi32>
        %gather3A_1673 = tpu.vector_load_idx %arg9[%broadcast_in_dim3A_1, %add3A_1672] : memref<2x3200xi32, #tpu.memory_space<vmem>>[vector<16xi32>, vector<16xi32>], vector<16xi32>,
        %gather3A_1674 = tpu.vector_load_idx %arg9[%add3A_4, %add3A_1672] : memref<2x3200xi32, #tpu.memory_space<vmem>>[vector<16xi32>, vector<16xi32>], vector<16xi32>,
        %gather3A_1675 = tpu.vector_load_idx %arg8[%gather3A_1673] : memref<100000xi32, #tpu.memory_space<vmem>>[vector<16xi32>], vector<16xi32>,
        %swap3A_1676 = arith.constant 2352 : index
        %swap3A_1677 = tpu.vector_load %arg11[%swap3A_1676] {strides = array<i32>} : memref<3200xi32, #tpu.memory_space<vmem>>, vector<16xi32>,
        tpu.vector_store %arg11[%swap3A_1676], %gather3A_1675 {strides = array<i32>} : memref<3200xi32, #tpu.memory_space<vmem>>, vector<16xi32>,
        %gather3A_1678 = tpu.vector_load_idx %arg8[%gather3A_1674] : memref<100000xi32, #tpu.memory_space<vmem>>[vector<16xi32>], vector<16xi32>,
        %swap3A_1679 = arith.constant 2352 : index
        %swap3A_1680 = tpu.vector_load %arg12[%swap3A_1679] {strides = array<i32>} : memref<3200xi32, #tpu.memory_space<vmem>>, vector<16xi32>,
        tpu.vector_store %arg12[%swap3A_1679], %gather3A_1678 {strides = array<i32>} : memref<3200xi32, #tpu.memory_space<vmem>>, vector<16xi32>,
        %add3A_1681 = arith.constant 2368 : i32
        %add3A_1682 = vector.broadcast %add3A_1681 : i32 to vector<16xi32>
        %add3A_1683 = arith.addi %iota3A, %add3A_1682 : vector<16xi32>
        %gather3A_1684 = tpu.vector_load_idx %arg9[%broadcast_in_dim3A_1, %add3A_1683] : memref<2x3200xi32, #tpu.memory_space<vmem>>[vector<16xi32>, vector<16xi32>], vector<16xi32>,
        %gather3A_1685 = tpu.vector_load_idx %arg9[%add3A_4, %add3A_1683] : memref<2x3200xi32, #tpu.memory_space<vmem>>[vector<16xi32>, vector<16xi32>], vector<16xi32>,
        %gather3A_1686 = tpu.vector_load_idx %arg8[%gather3A_1684] : memref<100000xi32, #tpu.memory_space<vmem>>[vector<16xi32>], vector<16xi32>,
        %swap3A_1687 = arith.constant 2368 : index
        %swap3A_1688 = tpu.vector_load %arg11[%swap3A_1687] {strides = array<i32>} : memref<3200xi32, #tpu.memory_space<vmem>>, vector<16xi32>,
        tpu.vector_store %arg11[%swap3A_1687], %gather3A_1686 {strides = array<i32>} : memref<3200xi32, #tpu.memory_space<vmem>>, vector<16xi32>,
        %gather3A_1689 = tpu.vector_load_idx %arg8[%gather3A_1685] : memref<100000xi32, #tpu.memory_space<vmem>>[vector<16xi32>], vector<16xi32>,
        %swap3A_1690 = arith.constant 2368 : index
        %swap3A_1691 = tpu.vector_load %arg12[%swap3A_1690] {strides = array<i32>} : memref<3200xi32, #tpu.memory_space<vmem>>, vector<16xi32>,
        tpu.vector_store %arg12[%swap3A_1690], %gather3A_1689 {strides = array<i32>} : memref<3200xi32, #tpu.memory_space<vmem>>, vector<16xi32>,
        %add3A_1692 = arith.constant 2384 : i32
        %add3A_1693 = vector.broadcast %add3A_1692 : i32 to vector<16xi32>
        %add3A_1694 = arith.addi %iota3A, %add3A_1693 : vector<16xi32>
        %gather3A_1695 = tpu.vector_load_idx %arg9[%broadcast_in_dim3A_1, %add3A_1694] : memref<2x3200xi32, #tpu.memory_space<vmem>>[vector<16xi32>, vector<16xi32>], vector<16xi32>,
        %gather3A_1696 = tpu.vector_load_idx %arg9[%add3A_4, %add3A_1694] : memref<2x3200xi32, #tpu.memory_space<vmem>>[vector<16xi32>, vector<16xi32>], vector<16xi32>,
        %gather3A_1697 = tpu.vector_load_idx %arg8[%gather3A_1695] : memref<100000xi32, #tpu.memory_space<vmem>>[vector<16xi32>], vector<16xi32>,
        %swap3A_1698 = arith.constant 2384 : index
        %swap3A_1699 = tpu.vector_load %arg11[%swap3A_1698] {strides = array<i32>} : memref<3200xi32, #tpu.memory_space<vmem>>, vector<16xi32>,
        tpu.vector_store %arg11[%swap3A_1698], %gather3A_1697 {strides = array<i32>} : memref<3200xi32, #tpu.memory_space<vmem>>, vector<16xi32>,
        %gather3A_1700 = tpu.vector_load_idx %arg8[%gather3A_1696] : memref<100000xi32, #tpu.memory_space<vmem>>[vector<16xi32>], vector<16xi32>,
        %swap3A_1701 = arith.constant 2384 : index
        %swap3A_1702 = tpu.vector_load %arg12[%swap3A_1701] {strides = array<i32>} : memref<3200xi32, #tpu.memory_space<vmem>>, vector<16xi32>,
        tpu.vector_store %arg12[%swap3A_1701], %gather3A_1700 {strides = array<i32>} : memref<3200xi32, #tpu.memory_space<vmem>>, vector<16xi32>,
        %add3A_1703 = arith.constant 2400 : i32
        %add3A_1704 = vector.broadcast %add3A_1703 : i32 to vector<16xi32>
        %add3A_1705 = arith.addi %iota3A, %add3A_1704 : vector<16xi32>
        %gather3A_1706 = tpu.vector_load_idx %arg9[%broadcast_in_dim3A_1, %add3A_1705] : memref<2x3200xi32, #tpu.memory_space<vmem>>[vector<16xi32>, vector<16xi32>], vector<16xi32>,
        %gather3A_1707 = tpu.vector_load_idx %arg9[%add3A_4, %add3A_1705] : memref<2x3200xi32, #tpu.memory_space<vmem>>[vector<16xi32>, vector<16xi32>], vector<16xi32>,
        %gather3A_1708 = tpu.vector_load_idx %arg8[%gather3A_1706] : memref<100000xi32, #tpu.memory_space<vmem>>[vector<16xi32>], vector<16xi32>,
        %swap3A_1709 = arith.constant 2400 : index
        %swap3A_1710 = tpu.vector_load %arg11[%swap3A_1709] {strides = array<i32>} : memref<3200xi32, #tpu.memory_space<vmem>>, vector<16xi32>,
        tpu.vector_store %arg11[%swap3A_1709], %gather3A_1708 {strides = array<i32>} : memref<3200xi32, #tpu.memory_space<vmem>>, vector<16xi32>,
        %gather3A_1711 = tpu.vector_load_idx %arg8[%gather3A_1707] : memref<100000xi32, #tpu.memory_space<vmem>>[vector<16xi32>], vector<16xi32>,
        %swap3A_1712 = arith.constant 2400 : index
        %swap3A_1713 = tpu.vector_load %arg12[%swap3A_1712] {strides = array<i32>} : memref<3200xi32, #tpu.memory_space<vmem>>, vector<16xi32>,
        tpu.vector_store %arg12[%swap3A_1712], %gather3A_1711 {strides = array<i32>} : memref<3200xi32, #tpu.memory_space<vmem>>, vector<16xi32>,
        %add3A_1714 = arith.constant 2416 : i32
        %add3A_1715 = vector.broadcast %add3A_1714 : i32 to vector<16xi32>
        %add3A_1716 = arith.addi %iota3A, %add3A_1715 : vector<16xi32>
        %gather3A_1717 = tpu.vector_load_idx %arg9[%broadcast_in_dim3A_1, %add3A_1716] : memref<2x3200xi32, #tpu.memory_space<vmem>>[vector<16xi32>, vector<16xi32>], vector<16xi32>,
        %gather3A_1718 = tpu.vector_load_idx %arg9[%add3A_4, %add3A_1716] : memref<2x3200xi32, #tpu.memory_space<vmem>>[vector<16xi32>, vector<16xi32>], vector<16xi32>,
        %gather3A_1719 = tpu.vector_load_idx %arg8[%gather3A_1717] : memref<100000xi32, #tpu.memory_space<vmem>>[vector<16xi32>], vector<16xi32>,
        %swap3A_1720 = arith.constant 2416 : index
        %swap3A_1721 = tpu.vector_load %arg11[%swap3A_1720] {strides = array<i32>} : memref<3200xi32, #tpu.memory_space<vmem>>, vector<16xi32>,
        tpu.vector_store %arg11[%swap3A_1720], %gather3A_1719 {strides = array<i32>} : memref<3200xi32, #tpu.memory_space<vmem>>, vector<16xi32>,
        %gather3A_1722 = tpu.vector_load_idx %arg8[%gather3A_1718] : memref<100000xi32, #tpu.memory_space<vmem>>[vector<16xi32>], vector<16xi32>,
        %swap3A_1723 = arith.constant 2416 : index
        %swap3A_1724 = tpu.vector_load %arg12[%swap3A_1723] {strides = array<i32>} : memref<3200xi32, #tpu.memory_space<vmem>>, vector<16xi32>,
        tpu.vector_store %arg12[%swap3A_1723], %gather3A_1722 {strides = array<i32>} : memref<3200xi32, #tpu.memory_space<vmem>>, vector<16xi32>,
        %add3A_1725 = arith.constant 2432 : i32
        %add3A_1726 = vector.broadcast %add3A_1725 : i32 to vector<16xi32>
        %add3A_1727 = arith.addi %iota3A, %add3A_1726 : vector<16xi32>
        %gather3A_1728 = tpu.vector_load_idx %arg9[%broadcast_in_dim3A_1, %add3A_1727] : memref<2x3200xi32, #tpu.memory_space<vmem>>[vector<16xi32>, vector<16xi32>], vector<16xi32>,
        %gather3A_1729 = tpu.vector_load_idx %arg9[%add3A_4, %add3A_1727] : memref<2x3200xi32, #tpu.memory_space<vmem>>[vector<16xi32>, vector<16xi32>], vector<16xi32>,
        %gather3A_1730 = tpu.vector_load_idx %arg8[%gather3A_1728] : memref<100000xi32, #tpu.memory_space<vmem>>[vector<16xi32>], vector<16xi32>,
        %swap3A_1731 = arith.constant 2432 : index
        %swap3A_1732 = tpu.vector_load %arg11[%swap3A_1731] {strides = array<i32>} : memref<3200xi32, #tpu.memory_space<vmem>>, vector<16xi32>,
        tpu.vector_store %arg11[%swap3A_1731], %gather3A_1730 {strides = array<i32>} : memref<3200xi32, #tpu.memory_space<vmem>>, vector<16xi32>,
        %gather3A_1733 = tpu.vector_load_idx %arg8[%gather3A_1729] : memref<100000xi32, #tpu.memory_space<vmem>>[vector<16xi32>], vector<16xi32>,
        %swap3A_1734 = arith.constant 2432 : index
        %swap3A_1735 = tpu.vector_load %arg12[%swap3A_1734] {strides = array<i32>} : memref<3200xi32, #tpu.memory_space<vmem>>, vector<16xi32>,
        tpu.vector_store %arg12[%swap3A_1734], %gather3A_1733 {strides = array<i32>} : memref<3200xi32, #tpu.memory_space<vmem>>, vector<16xi32>,
        %add3A_1736 = arith.constant 2448 : i32
        %add3A_1737 = vector.broadcast %add3A_1736 : i32 to vector<16xi32>
        %add3A_1738 = arith.addi %iota3A, %add3A_1737 : vector<16xi32>
        %gather3A_1739 = tpu.vector_load_idx %arg9[%broadcast_in_dim3A_1, %add3A_1738] : memref<2x3200xi32, #tpu.memory_space<vmem>>[vector<16xi32>, vector<16xi32>], vector<16xi32>,
        %gather3A_1740 = tpu.vector_load_idx %arg9[%add3A_4, %add3A_1738] : memref<2x3200xi32, #tpu.memory_space<vmem>>[vector<16xi32>, vector<16xi32>], vector<16xi32>,
        %gather3A_1741 = tpu.vector_load_idx %arg8[%gather3A_1739] : memref<100000xi32, #tpu.memory_space<vmem>>[vector<16xi32>], vector<16xi32>,
        %swap3A_1742 = arith.constant 2448 : index
        %swap3A_1743 = tpu.vector_load %arg11[%swap3A_1742] {strides = array<i32>} : memref<3200xi32, #tpu.memory_space<vmem>>, vector<16xi32>,
        tpu.vector_store %arg11[%swap3A_1742], %gather3A_1741 {strides = array<i32>} : memref<3200xi32, #tpu.memory_space<vmem>>, vector<16xi32>,
        %gather3A_1744 = tpu.vector_load_idx %arg8[%gather3A_1740] : memref<100000xi32, #tpu.memory_space<vmem>>[vector<16xi32>], vector<16xi32>,
        %swap3A_1745 = arith.constant 2448 : index
        %swap3A_1746 = tpu.vector_load %arg12[%swap3A_1745] {strides = array<i32>} : memref<3200xi32, #tpu.memory_space<vmem>>, vector<16xi32>,
        tpu.vector_store %arg12[%swap3A_1745], %gather3A_1744 {strides = array<i32>} : memref<3200xi32, #tpu.memory_space<vmem>>, vector<16xi32>,
        %add3A_1747 = arith.constant 2464 : i32
        %add3A_1748 = vector.broadcast %add3A_1747 : i32 to vector<16xi32>
        %add3A_1749 = arith.addi %iota3A, %add3A_1748 : vector<16xi32>
        %gather3A_1750 = tpu.vector_load_idx %arg9[%broadcast_in_dim3A_1, %add3A_1749] : memref<2x3200xi32, #tpu.memory_space<vmem>>[vector<16xi32>, vector<16xi32>], vector<16xi32>,
        %gather3A_1751 = tpu.vector_load_idx %arg9[%add3A_4, %add3A_1749] : memref<2x3200xi32, #tpu.memory_space<vmem>>[vector<16xi32>, vector<16xi32>], vector<16xi32>,
        %gather3A_1752 = tpu.vector_load_idx %arg8[%gather3A_1750] : memref<100000xi32, #tpu.memory_space<vmem>>[vector<16xi32>], vector<16xi32>,
        %swap3A_1753 = arith.constant 2464 : index
        %swap3A_1754 = tpu.vector_load %arg11[%swap3A_1753] {strides = array<i32>} : memref<3200xi32, #tpu.memory_space<vmem>>, vector<16xi32>,
        tpu.vector_store %arg11[%swap3A_1753], %gather3A_1752 {strides = array<i32>} : memref<3200xi32, #tpu.memory_space<vmem>>, vector<16xi32>,
        %gather3A_1755 = tpu.vector_load_idx %arg8[%gather3A_1751] : memref<100000xi32, #tpu.memory_space<vmem>>[vector<16xi32>], vector<16xi32>,
        %swap3A_1756 = arith.constant 2464 : index
        %swap3A_1757 = tpu.vector_load %arg12[%swap3A_1756] {strides = array<i32>} : memref<3200xi32, #tpu.memory_space<vmem>>, vector<16xi32>,
        tpu.vector_store %arg12[%swap3A_1756], %gather3A_1755 {strides = array<i32>} : memref<3200xi32, #tpu.memory_space<vmem>>, vector<16xi32>,
        %add3A_1758 = arith.constant 2480 : i32
        %add3A_1759 = vector.broadcast %add3A_1758 : i32 to vector<16xi32>
        %add3A_1760 = arith.addi %iota3A, %add3A_1759 : vector<16xi32>
        %gather3A_1761 = tpu.vector_load_idx %arg9[%broadcast_in_dim3A_1, %add3A_1760] : memref<2x3200xi32, #tpu.memory_space<vmem>>[vector<16xi32>, vector<16xi32>], vector<16xi32>,
        %gather3A_1762 = tpu.vector_load_idx %arg9[%add3A_4, %add3A_1760] : memref<2x3200xi32, #tpu.memory_space<vmem>>[vector<16xi32>, vector<16xi32>], vector<16xi32>,
        %gather3A_1763 = tpu.vector_load_idx %arg8[%gather3A_1761] : memref<100000xi32, #tpu.memory_space<vmem>>[vector<16xi32>], vector<16xi32>,
        %swap3A_1764 = arith.constant 2480 : index
        %swap3A_1765 = tpu.vector_load %arg11[%swap3A_1764] {strides = array<i32>} : memref<3200xi32, #tpu.memory_space<vmem>>, vector<16xi32>,
        tpu.vector_store %arg11[%swap3A_1764], %gather3A_1763 {strides = array<i32>} : memref<3200xi32, #tpu.memory_space<vmem>>, vector<16xi32>,
        %gather3A_1766 = tpu.vector_load_idx %arg8[%gather3A_1762] : memref<100000xi32, #tpu.memory_space<vmem>>[vector<16xi32>], vector<16xi32>,
        %swap3A_1767 = arith.constant 2480 : index
        %swap3A_1768 = tpu.vector_load %arg12[%swap3A_1767] {strides = array<i32>} : memref<3200xi32, #tpu.memory_space<vmem>>, vector<16xi32>,
        tpu.vector_store %arg12[%swap3A_1767], %gather3A_1766 {strides = array<i32>} : memref<3200xi32, #tpu.memory_space<vmem>>, vector<16xi32>,
        %add3A_1769 = arith.constant 2496 : i32
        %add3A_1770 = vector.broadcast %add3A_1769 : i32 to vector<16xi32>
        %add3A_1771 = arith.addi %iota3A, %add3A_1770 : vector<16xi32>
        %gather3A_1772 = tpu.vector_load_idx %arg9[%broadcast_in_dim3A_1, %add3A_1771] : memref<2x3200xi32, #tpu.memory_space<vmem>>[vector<16xi32>, vector<16xi32>], vector<16xi32>,
        %gather3A_1773 = tpu.vector_load_idx %arg9[%add3A_4, %add3A_1771] : memref<2x3200xi32, #tpu.memory_space<vmem>>[vector<16xi32>, vector<16xi32>], vector<16xi32>,
        %gather3A_1774 = tpu.vector_load_idx %arg8[%gather3A_1772] : memref<100000xi32, #tpu.memory_space<vmem>>[vector<16xi32>], vector<16xi32>,
        %swap3A_1775 = arith.constant 2496 : index
        %swap3A_1776 = tpu.vector_load %arg11[%swap3A_1775] {strides = array<i32>} : memref<3200xi32, #tpu.memory_space<vmem>>, vector<16xi32>,
        tpu.vector_store %arg11[%swap3A_1775], %gather3A_1774 {strides = array<i32>} : memref<3200xi32, #tpu.memory_space<vmem>>, vector<16xi32>,
        %gather3A_1777 = tpu.vector_load_idx %arg8[%gather3A_1773] : memref<100000xi32, #tpu.memory_space<vmem>>[vector<16xi32>], vector<16xi32>,
        %swap3A_1778 = arith.constant 2496 : index
        %swap3A_1779 = tpu.vector_load %arg12[%swap3A_1778] {strides = array<i32>} : memref<3200xi32, #tpu.memory_space<vmem>>, vector<16xi32>,
        tpu.vector_store %arg12[%swap3A_1778], %gather3A_1777 {strides = array<i32>} : memref<3200xi32, #tpu.memory_space<vmem>>, vector<16xi32>,
        %add3A_1780 = arith.constant 2512 : i32
        %add3A_1781 = vector.broadcast %add3A_1780 : i32 to vector<16xi32>
        %add3A_1782 = arith.addi %iota3A, %add3A_1781 : vector<16xi32>
        %gather3A_1783 = tpu.vector_load_idx %arg9[%broadcast_in_dim3A_1, %add3A_1782] : memref<2x3200xi32, #tpu.memory_space<vmem>>[vector<16xi32>, vector<16xi32>], vector<16xi32>,
        %gather3A_1784 = tpu.vector_load_idx %arg9[%add3A_4, %add3A_1782] : memref<2x3200xi32, #tpu.memory_space<vmem>>[vector<16xi32>, vector<16xi32>], vector<16xi32>,
        %gather3A_1785 = tpu.vector_load_idx %arg8[%gather3A_1783] : memref<100000xi32, #tpu.memory_space<vmem>>[vector<16xi32>], vector<16xi32>,
        %swap3A_1786 = arith.constant 2512 : index
        %swap3A_1787 = tpu.vector_load %arg11[%swap3A_1786] {strides = array<i32>} : memref<3200xi32, #tpu.memory_space<vmem>>, vector<16xi32>,
        tpu.vector_store %arg11[%swap3A_1786], %gather3A_1785 {strides = array<i32>} : memref<3200xi32, #tpu.memory_space<vmem>>, vector<16xi32>,
        %gather3A_1788 = tpu.vector_load_idx %arg8[%gather3A_1784] : memref<100000xi32, #tpu.memory_space<vmem>>[vector<16xi32>], vector<16xi32>,
        %swap3A_1789 = arith.constant 2512 : index
        %swap3A_1790 = tpu.vector_load %arg12[%swap3A_1789] {strides = array<i32>} : memref<3200xi32, #tpu.memory_space<vmem>>, vector<16xi32>,
        tpu.vector_store %arg12[%swap3A_1789], %gather3A_1788 {strides = array<i32>} : memref<3200xi32, #tpu.memory_space<vmem>>, vector<16xi32>,
        %add3A_1791 = arith.constant 2528 : i32
        %add3A_1792 = vector.broadcast %add3A_1791 : i32 to vector<16xi32>
        %add3A_1793 = arith.addi %iota3A, %add3A_1792 : vector<16xi32>
        %gather3A_1794 = tpu.vector_load_idx %arg9[%broadcast_in_dim3A_1, %add3A_1793] : memref<2x3200xi32, #tpu.memory_space<vmem>>[vector<16xi32>, vector<16xi32>], vector<16xi32>,
        %gather3A_1795 = tpu.vector_load_idx %arg9[%add3A_4, %add3A_1793] : memref<2x3200xi32, #tpu.memory_space<vmem>>[vector<16xi32>, vector<16xi32>], vector<16xi32>,
        %gather3A_1796 = tpu.vector_load_idx %arg8[%gather3A_1794] : memref<100000xi32, #tpu.memory_space<vmem>>[vector<16xi32>], vector<16xi32>,
        %swap3A_1797 = arith.constant 2528 : index
        %swap3A_1798 = tpu.vector_load %arg11[%swap3A_1797] {strides = array<i32>} : memref<3200xi32, #tpu.memory_space<vmem>>, vector<16xi32>,
        tpu.vector_store %arg11[%swap3A_1797], %gather3A_1796 {strides = array<i32>} : memref<3200xi32, #tpu.memory_space<vmem>>, vector<16xi32>,
        %gather3A_1799 = tpu.vector_load_idx %arg8[%gather3A_1795] : memref<100000xi32, #tpu.memory_space<vmem>>[vector<16xi32>], vector<16xi32>,
        %swap3A_1800 = arith.constant 2528 : index
        %swap3A_1801 = tpu.vector_load %arg12[%swap3A_1800] {strides = array<i32>} : memref<3200xi32, #tpu.memory_space<vmem>>, vector<16xi32>,
        tpu.vector_store %arg12[%swap3A_1800], %gather3A_1799 {strides = array<i32>} : memref<3200xi32, #tpu.memory_space<vmem>>, vector<16xi32>,
        %add3A_1802 = arith.constant 2544 : i32
        %add3A_1803 = vector.broadcast %add3A_1802 : i32 to vector<16xi32>
        %add3A_1804 = arith.addi %iota3A, %add3A_1803 : vector<16xi32>
        %gather3A_1805 = tpu.vector_load_idx %arg9[%broadcast_in_dim3A_1, %add3A_1804] : memref<2x3200xi32, #tpu.memory_space<vmem>>[vector<16xi32>, vector<16xi32>], vector<16xi32>,
        %gather3A_1806 = tpu.vector_load_idx %arg9[%add3A_4, %add3A_1804] : memref<2x3200xi32, #tpu.memory_space<vmem>>[vector<16xi32>, vector<16xi32>], vector<16xi32>,
        %gather3A_1807 = tpu.vector_load_idx %arg8[%gather3A_1805] : memref<100000xi32, #tpu.memory_space<vmem>>[vector<16xi32>], vector<16xi32>,
        %swap3A_1808 = arith.constant 2544 : index
        %swap3A_1809 = tpu.vector_load %arg11[%swap3A_1808] {strides = array<i32>} : memref<3200xi32, #tpu.memory_space<vmem>>, vector<16xi32>,
        tpu.vector_store %arg11[%swap3A_1808], %gather3A_1807 {strides = array<i32>} : memref<3200xi32, #tpu.memory_space<vmem>>, vector<16xi32>,
        %gather3A_1810 = tpu.vector_load_idx %arg8[%gather3A_1806] : memref<100000xi32, #tpu.memory_space<vmem>>[vector<16xi32>], vector<16xi32>,
        %swap3A_1811 = arith.constant 2544 : index
        %swap3A_1812 = tpu.vector_load %arg12[%swap3A_1811] {strides = array<i32>} : memref<3200xi32, #tpu.memory_space<vmem>>, vector<16xi32>,
        tpu.vector_store %arg12[%swap3A_1811], %gather3A_1810 {strides = array<i32>} : memref<3200xi32, #tpu.memory_space<vmem>>, vector<16xi32>,
        %add3A_1813 = arith.constant 2560 : i32
        %add3A_1814 = vector.broadcast %add3A_1813 : i32 to vector<16xi32>
        %add3A_1815 = arith.addi %iota3A, %add3A_1814 : vector<16xi32>
        %gather3A_1816 = tpu.vector_load_idx %arg9[%broadcast_in_dim3A_1, %add3A_1815] : memref<2x3200xi32, #tpu.memory_space<vmem>>[vector<16xi32>, vector<16xi32>], vector<16xi32>,
        %gather3A_1817 = tpu.vector_load_idx %arg9[%add3A_4, %add3A_1815] : memref<2x3200xi32, #tpu.memory_space<vmem>>[vector<16xi32>, vector<16xi32>], vector<16xi32>,
        %gather3A_1818 = tpu.vector_load_idx %arg8[%gather3A_1816] : memref<100000xi32, #tpu.memory_space<vmem>>[vector<16xi32>], vector<16xi32>,
        %swap3A_1819 = arith.constant 2560 : index
        %swap3A_1820 = tpu.vector_load %arg11[%swap3A_1819] {strides = array<i32>} : memref<3200xi32, #tpu.memory_space<vmem>>, vector<16xi32>,
        tpu.vector_store %arg11[%swap3A_1819], %gather3A_1818 {strides = array<i32>} : memref<3200xi32, #tpu.memory_space<vmem>>, vector<16xi32>,
        %gather3A_1821 = tpu.vector_load_idx %arg8[%gather3A_1817] : memref<100000xi32, #tpu.memory_space<vmem>>[vector<16xi32>], vector<16xi32>,
        %swap3A_1822 = arith.constant 2560 : index
        %swap3A_1823 = tpu.vector_load %arg12[%swap3A_1822] {strides = array<i32>} : memref<3200xi32, #tpu.memory_space<vmem>>, vector<16xi32>,
        tpu.vector_store %arg12[%swap3A_1822], %gather3A_1821 {strides = array<i32>} : memref<3200xi32, #tpu.memory_space<vmem>>, vector<16xi32>,
        %add3A_1824 = arith.constant 2576 : i32
        %add3A_1825 = vector.broadcast %add3A_1824 : i32 to vector<16xi32>
        %add3A_1826 = arith.addi %iota3A, %add3A_1825 : vector<16xi32>
        %gather3A_1827 = tpu.vector_load_idx %arg9[%broadcast_in_dim3A_1, %add3A_1826] : memref<2x3200xi32, #tpu.memory_space<vmem>>[vector<16xi32>, vector<16xi32>], vector<16xi32>,
        %gather3A_1828 = tpu.vector_load_idx %arg9[%add3A_4, %add3A_1826] : memref<2x3200xi32, #tpu.memory_space<vmem>>[vector<16xi32>, vector<16xi32>], vector<16xi32>,
        %gather3A_1829 = tpu.vector_load_idx %arg8[%gather3A_1827] : memref<100000xi32, #tpu.memory_space<vmem>>[vector<16xi32>], vector<16xi32>,
        %swap3A_1830 = arith.constant 2576 : index
        %swap3A_1831 = tpu.vector_load %arg11[%swap3A_1830] {strides = array<i32>} : memref<3200xi32, #tpu.memory_space<vmem>>, vector<16xi32>,
        tpu.vector_store %arg11[%swap3A_1830], %gather3A_1829 {strides = array<i32>} : memref<3200xi32, #tpu.memory_space<vmem>>, vector<16xi32>,
        %gather3A_1832 = tpu.vector_load_idx %arg8[%gather3A_1828] : memref<100000xi32, #tpu.memory_space<vmem>>[vector<16xi32>], vector<16xi32>,
        %swap3A_1833 = arith.constant 2576 : index
        %swap3A_1834 = tpu.vector_load %arg12[%swap3A_1833] {strides = array<i32>} : memref<3200xi32, #tpu.memory_space<vmem>>, vector<16xi32>,
        tpu.vector_store %arg12[%swap3A_1833], %gather3A_1832 {strides = array<i32>} : memref<3200xi32, #tpu.memory_space<vmem>>, vector<16xi32>,
        %add3A_1835 = arith.constant 2592 : i32
        %add3A_1836 = vector.broadcast %add3A_1835 : i32 to vector<16xi32>
        %add3A_1837 = arith.addi %iota3A, %add3A_1836 : vector<16xi32>
        %gather3A_1838 = tpu.vector_load_idx %arg9[%broadcast_in_dim3A_1, %add3A_1837] : memref<2x3200xi32, #tpu.memory_space<vmem>>[vector<16xi32>, vector<16xi32>], vector<16xi32>,
        %gather3A_1839 = tpu.vector_load_idx %arg9[%add3A_4, %add3A_1837] : memref<2x3200xi32, #tpu.memory_space<vmem>>[vector<16xi32>, vector<16xi32>], vector<16xi32>,
        %gather3A_1840 = tpu.vector_load_idx %arg8[%gather3A_1838] : memref<100000xi32, #tpu.memory_space<vmem>>[vector<16xi32>], vector<16xi32>,
        %swap3A_1841 = arith.constant 2592 : index
        %swap3A_1842 = tpu.vector_load %arg11[%swap3A_1841] {strides = array<i32>} : memref<3200xi32, #tpu.memory_space<vmem>>, vector<16xi32>,
        tpu.vector_store %arg11[%swap3A_1841], %gather3A_1840 {strides = array<i32>} : memref<3200xi32, #tpu.memory_space<vmem>>, vector<16xi32>,
        %gather3A_1843 = tpu.vector_load_idx %arg8[%gather3A_1839] : memref<100000xi32, #tpu.memory_space<vmem>>[vector<16xi32>], vector<16xi32>,
        %swap3A_1844 = arith.constant 2592 : index
        %swap3A_1845 = tpu.vector_load %arg12[%swap3A_1844] {strides = array<i32>} : memref<3200xi32, #tpu.memory_space<vmem>>, vector<16xi32>,
        tpu.vector_store %arg12[%swap3A_1844], %gather3A_1843 {strides = array<i32>} : memref<3200xi32, #tpu.memory_space<vmem>>, vector<16xi32>,
        %add3A_1846 = arith.constant 2608 : i32
        %add3A_1847 = vector.broadcast %add3A_1846 : i32 to vector<16xi32>
        %add3A_1848 = arith.addi %iota3A, %add3A_1847 : vector<16xi32>
        %gather3A_1849 = tpu.vector_load_idx %arg9[%broadcast_in_dim3A_1, %add3A_1848] : memref<2x3200xi32, #tpu.memory_space<vmem>>[vector<16xi32>, vector<16xi32>], vector<16xi32>,
        %gather3A_1850 = tpu.vector_load_idx %arg9[%add3A_4, %add3A_1848] : memref<2x3200xi32, #tpu.memory_space<vmem>>[vector<16xi32>, vector<16xi32>], vector<16xi32>,
        %gather3A_1851 = tpu.vector_load_idx %arg8[%gather3A_1849] : memref<100000xi32, #tpu.memory_space<vmem>>[vector<16xi32>], vector<16xi32>,
        %swap3A_1852 = arith.constant 2608 : index
        %swap3A_1853 = tpu.vector_load %arg11[%swap3A_1852] {strides = array<i32>} : memref<3200xi32, #tpu.memory_space<vmem>>, vector<16xi32>,
        tpu.vector_store %arg11[%swap3A_1852], %gather3A_1851 {strides = array<i32>} : memref<3200xi32, #tpu.memory_space<vmem>>, vector<16xi32>,
        %gather3A_1854 = tpu.vector_load_idx %arg8[%gather3A_1850] : memref<100000xi32, #tpu.memory_space<vmem>>[vector<16xi32>], vector<16xi32>,
        %swap3A_1855 = arith.constant 2608 : index
        %swap3A_1856 = tpu.vector_load %arg12[%swap3A_1855] {strides = array<i32>} : memref<3200xi32, #tpu.memory_space<vmem>>, vector<16xi32>,
        tpu.vector_store %arg12[%swap3A_1855], %gather3A_1854 {strides = array<i32>} : memref<3200xi32, #tpu.memory_space<vmem>>, vector<16xi32>,
        %add3A_1857 = arith.constant 2624 : i32
        %add3A_1858 = vector.broadcast %add3A_1857 : i32 to vector<16xi32>
        %add3A_1859 = arith.addi %iota3A, %add3A_1858 : vector<16xi32>
        %gather3A_1860 = tpu.vector_load_idx %arg9[%broadcast_in_dim3A_1, %add3A_1859] : memref<2x3200xi32, #tpu.memory_space<vmem>>[vector<16xi32>, vector<16xi32>], vector<16xi32>,
        %gather3A_1861 = tpu.vector_load_idx %arg9[%add3A_4, %add3A_1859] : memref<2x3200xi32, #tpu.memory_space<vmem>>[vector<16xi32>, vector<16xi32>], vector<16xi32>,
        %gather3A_1862 = tpu.vector_load_idx %arg8[%gather3A_1860] : memref<100000xi32, #tpu.memory_space<vmem>>[vector<16xi32>], vector<16xi32>,
        %swap3A_1863 = arith.constant 2624 : index
        %swap3A_1864 = tpu.vector_load %arg11[%swap3A_1863] {strides = array<i32>} : memref<3200xi32, #tpu.memory_space<vmem>>, vector<16xi32>,
        tpu.vector_store %arg11[%swap3A_1863], %gather3A_1862 {strides = array<i32>} : memref<3200xi32, #tpu.memory_space<vmem>>, vector<16xi32>,
        %gather3A_1865 = tpu.vector_load_idx %arg8[%gather3A_1861] : memref<100000xi32, #tpu.memory_space<vmem>>[vector<16xi32>], vector<16xi32>,
        %swap3A_1866 = arith.constant 2624 : index
        %swap3A_1867 = tpu.vector_load %arg12[%swap3A_1866] {strides = array<i32>} : memref<3200xi32, #tpu.memory_space<vmem>>, vector<16xi32>,
        tpu.vector_store %arg12[%swap3A_1866], %gather3A_1865 {strides = array<i32>} : memref<3200xi32, #tpu.memory_space<vmem>>, vector<16xi32>,
        %add3A_1868 = arith.constant 2640 : i32
        %add3A_1869 = vector.broadcast %add3A_1868 : i32 to vector<16xi32>
        %add3A_1870 = arith.addi %iota3A, %add3A_1869 : vector<16xi32>
        %gather3A_1871 = tpu.vector_load_idx %arg9[%broadcast_in_dim3A_1, %add3A_1870] : memref<2x3200xi32, #tpu.memory_space<vmem>>[vector<16xi32>, vector<16xi32>], vector<16xi32>,
        %gather3A_1872 = tpu.vector_load_idx %arg9[%add3A_4, %add3A_1870] : memref<2x3200xi32, #tpu.memory_space<vmem>>[vector<16xi32>, vector<16xi32>], vector<16xi32>,
        %gather3A_1873 = tpu.vector_load_idx %arg8[%gather3A_1871] : memref<100000xi32, #tpu.memory_space<vmem>>[vector<16xi32>], vector<16xi32>,
        %swap3A_1874 = arith.constant 2640 : index
        %swap3A_1875 = tpu.vector_load %arg11[%swap3A_1874] {strides = array<i32>} : memref<3200xi32, #tpu.memory_space<vmem>>, vector<16xi32>,
        tpu.vector_store %arg11[%swap3A_1874], %gather3A_1873 {strides = array<i32>} : memref<3200xi32, #tpu.memory_space<vmem>>, vector<16xi32>,
        %gather3A_1876 = tpu.vector_load_idx %arg8[%gather3A_1872] : memref<100000xi32, #tpu.memory_space<vmem>>[vector<16xi32>], vector<16xi32>,
        %swap3A_1877 = arith.constant 2640 : index
        %swap3A_1878 = tpu.vector_load %arg12[%swap3A_1877] {strides = array<i32>} : memref<3200xi32, #tpu.memory_space<vmem>>, vector<16xi32>,
        tpu.vector_store %arg12[%swap3A_1877], %gather3A_1876 {strides = array<i32>} : memref<3200xi32, #tpu.memory_space<vmem>>, vector<16xi32>,
        %add3A_1879 = arith.constant 2656 : i32
        %add3A_1880 = vector.broadcast %add3A_1879 : i32 to vector<16xi32>
        %add3A_1881 = arith.addi %iota3A, %add3A_1880 : vector<16xi32>
        %gather3A_1882 = tpu.vector_load_idx %arg9[%broadcast_in_dim3A_1, %add3A_1881] : memref<2x3200xi32, #tpu.memory_space<vmem>>[vector<16xi32>, vector<16xi32>], vector<16xi32>,
        %gather3A_1883 = tpu.vector_load_idx %arg9[%add3A_4, %add3A_1881] : memref<2x3200xi32, #tpu.memory_space<vmem>>[vector<16xi32>, vector<16xi32>], vector<16xi32>,
        %gather3A_1884 = tpu.vector_load_idx %arg8[%gather3A_1882] : memref<100000xi32, #tpu.memory_space<vmem>>[vector<16xi32>], vector<16xi32>,
        %swap3A_1885 = arith.constant 2656 : index
        %swap3A_1886 = tpu.vector_load %arg11[%swap3A_1885] {strides = array<i32>} : memref<3200xi32, #tpu.memory_space<vmem>>, vector<16xi32>,
        tpu.vector_store %arg11[%swap3A_1885], %gather3A_1884 {strides = array<i32>} : memref<3200xi32, #tpu.memory_space<vmem>>, vector<16xi32>,
        %gather3A_1887 = tpu.vector_load_idx %arg8[%gather3A_1883] : memref<100000xi32, #tpu.memory_space<vmem>>[vector<16xi32>], vector<16xi32>,
        %swap3A_1888 = arith.constant 2656 : index
        %swap3A_1889 = tpu.vector_load %arg12[%swap3A_1888] {strides = array<i32>} : memref<3200xi32, #tpu.memory_space<vmem>>, vector<16xi32>,
        tpu.vector_store %arg12[%swap3A_1888], %gather3A_1887 {strides = array<i32>} : memref<3200xi32, #tpu.memory_space<vmem>>, vector<16xi32>,
        %add3A_1890 = arith.constant 2672 : i32
        %add3A_1891 = vector.broadcast %add3A_1890 : i32 to vector<16xi32>
        %add3A_1892 = arith.addi %iota3A, %add3A_1891 : vector<16xi32>
        %gather3A_1893 = tpu.vector_load_idx %arg9[%broadcast_in_dim3A_1, %add3A_1892] : memref<2x3200xi32, #tpu.memory_space<vmem>>[vector<16xi32>, vector<16xi32>], vector<16xi32>,
        %gather3A_1894 = tpu.vector_load_idx %arg9[%add3A_4, %add3A_1892] : memref<2x3200xi32, #tpu.memory_space<vmem>>[vector<16xi32>, vector<16xi32>], vector<16xi32>,
        %gather3A_1895 = tpu.vector_load_idx %arg8[%gather3A_1893] : memref<100000xi32, #tpu.memory_space<vmem>>[vector<16xi32>], vector<16xi32>,
        %swap3A_1896 = arith.constant 2672 : index
        %swap3A_1897 = tpu.vector_load %arg11[%swap3A_1896] {strides = array<i32>} : memref<3200xi32, #tpu.memory_space<vmem>>, vector<16xi32>,
        tpu.vector_store %arg11[%swap3A_1896], %gather3A_1895 {strides = array<i32>} : memref<3200xi32, #tpu.memory_space<vmem>>, vector<16xi32>,
        %gather3A_1898 = tpu.vector_load_idx %arg8[%gather3A_1894] : memref<100000xi32, #tpu.memory_space<vmem>>[vector<16xi32>], vector<16xi32>,
        %swap3A_1899 = arith.constant 2672 : index
        %swap3A_1900 = tpu.vector_load %arg12[%swap3A_1899] {strides = array<i32>} : memref<3200xi32, #tpu.memory_space<vmem>>, vector<16xi32>,
        tpu.vector_store %arg12[%swap3A_1899], %gather3A_1898 {strides = array<i32>} : memref<3200xi32, #tpu.memory_space<vmem>>, vector<16xi32>,
        %add3A_1901 = arith.constant 2688 : i32
        %add3A_1902 = vector.broadcast %add3A_1901 : i32 to vector<16xi32>
        %add3A_1903 = arith.addi %iota3A, %add3A_1902 : vector<16xi32>
        %gather3A_1904 = tpu.vector_load_idx %arg9[%broadcast_in_dim3A_1, %add3A_1903] : memref<2x3200xi32, #tpu.memory_space<vmem>>[vector<16xi32>, vector<16xi32>], vector<16xi32>,
        %gather3A_1905 = tpu.vector_load_idx %arg9[%add3A_4, %add3A_1903] : memref<2x3200xi32, #tpu.memory_space<vmem>>[vector<16xi32>, vector<16xi32>], vector<16xi32>,
        %gather3A_1906 = tpu.vector_load_idx %arg8[%gather3A_1904] : memref<100000xi32, #tpu.memory_space<vmem>>[vector<16xi32>], vector<16xi32>,
        %swap3A_1907 = arith.constant 2688 : index
        %swap3A_1908 = tpu.vector_load %arg11[%swap3A_1907] {strides = array<i32>} : memref<3200xi32, #tpu.memory_space<vmem>>, vector<16xi32>,
        tpu.vector_store %arg11[%swap3A_1907], %gather3A_1906 {strides = array<i32>} : memref<3200xi32, #tpu.memory_space<vmem>>, vector<16xi32>,
        %gather3A_1909 = tpu.vector_load_idx %arg8[%gather3A_1905] : memref<100000xi32, #tpu.memory_space<vmem>>[vector<16xi32>], vector<16xi32>,
        %swap3A_1910 = arith.constant 2688 : index
        %swap3A_1911 = tpu.vector_load %arg12[%swap3A_1910] {strides = array<i32>} : memref<3200xi32, #tpu.memory_space<vmem>>, vector<16xi32>,
        tpu.vector_store %arg12[%swap3A_1910], %gather3A_1909 {strides = array<i32>} : memref<3200xi32, #tpu.memory_space<vmem>>, vector<16xi32>,
        %add3A_1912 = arith.constant 2704 : i32
        %add3A_1913 = vector.broadcast %add3A_1912 : i32 to vector<16xi32>
        %add3A_1914 = arith.addi %iota3A, %add3A_1913 : vector<16xi32>
        %gather3A_1915 = tpu.vector_load_idx %arg9[%broadcast_in_dim3A_1, %add3A_1914] : memref<2x3200xi32, #tpu.memory_space<vmem>>[vector<16xi32>, vector<16xi32>], vector<16xi32>,
        %gather3A_1916 = tpu.vector_load_idx %arg9[%add3A_4, %add3A_1914] : memref<2x3200xi32, #tpu.memory_space<vmem>>[vector<16xi32>, vector<16xi32>], vector<16xi32>,
        %gather3A_1917 = tpu.vector_load_idx %arg8[%gather3A_1915] : memref<100000xi32, #tpu.memory_space<vmem>>[vector<16xi32>], vector<16xi32>,
        %swap3A_1918 = arith.constant 2704 : index
        %swap3A_1919 = tpu.vector_load %arg11[%swap3A_1918] {strides = array<i32>} : memref<3200xi32, #tpu.memory_space<vmem>>, vector<16xi32>,
        tpu.vector_store %arg11[%swap3A_1918], %gather3A_1917 {strides = array<i32>} : memref<3200xi32, #tpu.memory_space<vmem>>, vector<16xi32>,
        %gather3A_1920 = tpu.vector_load_idx %arg8[%gather3A_1916] : memref<100000xi32, #tpu.memory_space<vmem>>[vector<16xi32>], vector<16xi32>,
        %swap3A_1921 = arith.constant 2704 : index
        %swap3A_1922 = tpu.vector_load %arg12[%swap3A_1921] {strides = array<i32>} : memref<3200xi32, #tpu.memory_space<vmem>>, vector<16xi32>,
        tpu.vector_store %arg12[%swap3A_1921], %gather3A_1920 {strides = array<i32>} : memref<3200xi32, #tpu.memory_space<vmem>>, vector<16xi32>,
        %add3A_1923 = arith.constant 2720 : i32
        %add3A_1924 = vector.broadcast %add3A_1923 : i32 to vector<16xi32>
        %add3A_1925 = arith.addi %iota3A, %add3A_1924 : vector<16xi32>
        %gather3A_1926 = tpu.vector_load_idx %arg9[%broadcast_in_dim3A_1, %add3A_1925] : memref<2x3200xi32, #tpu.memory_space<vmem>>[vector<16xi32>, vector<16xi32>], vector<16xi32>,
        %gather3A_1927 = tpu.vector_load_idx %arg9[%add3A_4, %add3A_1925] : memref<2x3200xi32, #tpu.memory_space<vmem>>[vector<16xi32>, vector<16xi32>], vector<16xi32>,
        %gather3A_1928 = tpu.vector_load_idx %arg8[%gather3A_1926] : memref<100000xi32, #tpu.memory_space<vmem>>[vector<16xi32>], vector<16xi32>,
        %swap3A_1929 = arith.constant 2720 : index
        %swap3A_1930 = tpu.vector_load %arg11[%swap3A_1929] {strides = array<i32>} : memref<3200xi32, #tpu.memory_space<vmem>>, vector<16xi32>,
        tpu.vector_store %arg11[%swap3A_1929], %gather3A_1928 {strides = array<i32>} : memref<3200xi32, #tpu.memory_space<vmem>>, vector<16xi32>,
        %gather3A_1931 = tpu.vector_load_idx %arg8[%gather3A_1927] : memref<100000xi32, #tpu.memory_space<vmem>>[vector<16xi32>], vector<16xi32>,
        %swap3A_1932 = arith.constant 2720 : index
        %swap3A_1933 = tpu.vector_load %arg12[%swap3A_1932] {strides = array<i32>} : memref<3200xi32, #tpu.memory_space<vmem>>, vector<16xi32>,
        tpu.vector_store %arg12[%swap3A_1932], %gather3A_1931 {strides = array<i32>} : memref<3200xi32, #tpu.memory_space<vmem>>, vector<16xi32>,
        %add3A_1934 = arith.constant 2736 : i32
        %add3A_1935 = vector.broadcast %add3A_1934 : i32 to vector<16xi32>
        %add3A_1936 = arith.addi %iota3A, %add3A_1935 : vector<16xi32>
        %gather3A_1937 = tpu.vector_load_idx %arg9[%broadcast_in_dim3A_1, %add3A_1936] : memref<2x3200xi32, #tpu.memory_space<vmem>>[vector<16xi32>, vector<16xi32>], vector<16xi32>,
        %gather3A_1938 = tpu.vector_load_idx %arg9[%add3A_4, %add3A_1936] : memref<2x3200xi32, #tpu.memory_space<vmem>>[vector<16xi32>, vector<16xi32>], vector<16xi32>,
        %gather3A_1939 = tpu.vector_load_idx %arg8[%gather3A_1937] : memref<100000xi32, #tpu.memory_space<vmem>>[vector<16xi32>], vector<16xi32>,
        %swap3A_1940 = arith.constant 2736 : index
        %swap3A_1941 = tpu.vector_load %arg11[%swap3A_1940] {strides = array<i32>} : memref<3200xi32, #tpu.memory_space<vmem>>, vector<16xi32>,
        tpu.vector_store %arg11[%swap3A_1940], %gather3A_1939 {strides = array<i32>} : memref<3200xi32, #tpu.memory_space<vmem>>, vector<16xi32>,
        %gather3A_1942 = tpu.vector_load_idx %arg8[%gather3A_1938] : memref<100000xi32, #tpu.memory_space<vmem>>[vector<16xi32>], vector<16xi32>,
        %swap3A_1943 = arith.constant 2736 : index
        %swap3A_1944 = tpu.vector_load %arg12[%swap3A_1943] {strides = array<i32>} : memref<3200xi32, #tpu.memory_space<vmem>>, vector<16xi32>,
        tpu.vector_store %arg12[%swap3A_1943], %gather3A_1942 {strides = array<i32>} : memref<3200xi32, #tpu.memory_space<vmem>>, vector<16xi32>,
        %add3A_1945 = arith.constant 2752 : i32
        %add3A_1946 = vector.broadcast %add3A_1945 : i32 to vector<16xi32>
        %add3A_1947 = arith.addi %iota3A, %add3A_1946 : vector<16xi32>
        %gather3A_1948 = tpu.vector_load_idx %arg9[%broadcast_in_dim3A_1, %add3A_1947] : memref<2x3200xi32, #tpu.memory_space<vmem>>[vector<16xi32>, vector<16xi32>], vector<16xi32>,
        %gather3A_1949 = tpu.vector_load_idx %arg9[%add3A_4, %add3A_1947] : memref<2x3200xi32, #tpu.memory_space<vmem>>[vector<16xi32>, vector<16xi32>], vector<16xi32>,
        %gather3A_1950 = tpu.vector_load_idx %arg8[%gather3A_1948] : memref<100000xi32, #tpu.memory_space<vmem>>[vector<16xi32>], vector<16xi32>,
        %swap3A_1951 = arith.constant 2752 : index
        %swap3A_1952 = tpu.vector_load %arg11[%swap3A_1951] {strides = array<i32>} : memref<3200xi32, #tpu.memory_space<vmem>>, vector<16xi32>,
        tpu.vector_store %arg11[%swap3A_1951], %gather3A_1950 {strides = array<i32>} : memref<3200xi32, #tpu.memory_space<vmem>>, vector<16xi32>,
        %gather3A_1953 = tpu.vector_load_idx %arg8[%gather3A_1949] : memref<100000xi32, #tpu.memory_space<vmem>>[vector<16xi32>], vector<16xi32>,
        %swap3A_1954 = arith.constant 2752 : index
        %swap3A_1955 = tpu.vector_load %arg12[%swap3A_1954] {strides = array<i32>} : memref<3200xi32, #tpu.memory_space<vmem>>, vector<16xi32>,
        tpu.vector_store %arg12[%swap3A_1954], %gather3A_1953 {strides = array<i32>} : memref<3200xi32, #tpu.memory_space<vmem>>, vector<16xi32>,
        %add3A_1956 = arith.constant 2768 : i32
        %add3A_1957 = vector.broadcast %add3A_1956 : i32 to vector<16xi32>
        %add3A_1958 = arith.addi %iota3A, %add3A_1957 : vector<16xi32>
        %gather3A_1959 = tpu.vector_load_idx %arg9[%broadcast_in_dim3A_1, %add3A_1958] : memref<2x3200xi32, #tpu.memory_space<vmem>>[vector<16xi32>, vector<16xi32>], vector<16xi32>,
        %gather3A_1960 = tpu.vector_load_idx %arg9[%add3A_4, %add3A_1958] : memref<2x3200xi32, #tpu.memory_space<vmem>>[vector<16xi32>, vector<16xi32>], vector<16xi32>,
        %gather3A_1961 = tpu.vector_load_idx %arg8[%gather3A_1959] : memref<100000xi32, #tpu.memory_space<vmem>>[vector<16xi32>], vector<16xi32>,
        %swap3A_1962 = arith.constant 2768 : index
        %swap3A_1963 = tpu.vector_load %arg11[%swap3A_1962] {strides = array<i32>} : memref<3200xi32, #tpu.memory_space<vmem>>, vector<16xi32>,
        tpu.vector_store %arg11[%swap3A_1962], %gather3A_1961 {strides = array<i32>} : memref<3200xi32, #tpu.memory_space<vmem>>, vector<16xi32>,
        %gather3A_1964 = tpu.vector_load_idx %arg8[%gather3A_1960] : memref<100000xi32, #tpu.memory_space<vmem>>[vector<16xi32>], vector<16xi32>,
        %swap3A_1965 = arith.constant 2768 : index
        %swap3A_1966 = tpu.vector_load %arg12[%swap3A_1965] {strides = array<i32>} : memref<3200xi32, #tpu.memory_space<vmem>>, vector<16xi32>,
        tpu.vector_store %arg12[%swap3A_1965], %gather3A_1964 {strides = array<i32>} : memref<3200xi32, #tpu.memory_space<vmem>>, vector<16xi32>,
        %add3A_1967 = arith.constant 2784 : i32
        %add3A_1968 = vector.broadcast %add3A_1967 : i32 to vector<16xi32>
        %add3A_1969 = arith.addi %iota3A, %add3A_1968 : vector<16xi32>
        %gather3A_1970 = tpu.vector_load_idx %arg9[%broadcast_in_dim3A_1, %add3A_1969] : memref<2x3200xi32, #tpu.memory_space<vmem>>[vector<16xi32>, vector<16xi32>], vector<16xi32>,
        %gather3A_1971 = tpu.vector_load_idx %arg9[%add3A_4, %add3A_1969] : memref<2x3200xi32, #tpu.memory_space<vmem>>[vector<16xi32>, vector<16xi32>], vector<16xi32>,
        %gather3A_1972 = tpu.vector_load_idx %arg8[%gather3A_1970] : memref<100000xi32, #tpu.memory_space<vmem>>[vector<16xi32>], vector<16xi32>,
        %swap3A_1973 = arith.constant 2784 : index
        %swap3A_1974 = tpu.vector_load %arg11[%swap3A_1973] {strides = array<i32>} : memref<3200xi32, #tpu.memory_space<vmem>>, vector<16xi32>,
        tpu.vector_store %arg11[%swap3A_1973], %gather3A_1972 {strides = array<i32>} : memref<3200xi32, #tpu.memory_space<vmem>>, vector<16xi32>,
        %gather3A_1975 = tpu.vector_load_idx %arg8[%gather3A_1971] : memref<100000xi32, #tpu.memory_space<vmem>>[vector<16xi32>], vector<16xi32>,
        %swap3A_1976 = arith.constant 2784 : index
        %swap3A_1977 = tpu.vector_load %arg12[%swap3A_1976] {strides = array<i32>} : memref<3200xi32, #tpu.memory_space<vmem>>, vector<16xi32>,
        tpu.vector_store %arg12[%swap3A_1976], %gather3A_1975 {strides = array<i32>} : memref<3200xi32, #tpu.memory_space<vmem>>, vector<16xi32>,
        %add3A_1978 = arith.constant 2800 : i32
        %add3A_1979 = vector.broadcast %add3A_1978 : i32 to vector<16xi32>
        %add3A_1980 = arith.addi %iota3A, %add3A_1979 : vector<16xi32>
        %gather3A_1981 = tpu.vector_load_idx %arg9[%broadcast_in_dim3A_1, %add3A_1980] : memref<2x3200xi32, #tpu.memory_space<vmem>>[vector<16xi32>, vector<16xi32>], vector<16xi32>,
        %gather3A_1982 = tpu.vector_load_idx %arg9[%add3A_4, %add3A_1980] : memref<2x3200xi32, #tpu.memory_space<vmem>>[vector<16xi32>, vector<16xi32>], vector<16xi32>,
        %gather3A_1983 = tpu.vector_load_idx %arg8[%gather3A_1981] : memref<100000xi32, #tpu.memory_space<vmem>>[vector<16xi32>], vector<16xi32>,
        %swap3A_1984 = arith.constant 2800 : index
        %swap3A_1985 = tpu.vector_load %arg11[%swap3A_1984] {strides = array<i32>} : memref<3200xi32, #tpu.memory_space<vmem>>, vector<16xi32>,
        tpu.vector_store %arg11[%swap3A_1984], %gather3A_1983 {strides = array<i32>} : memref<3200xi32, #tpu.memory_space<vmem>>, vector<16xi32>,
        %gather3A_1986 = tpu.vector_load_idx %arg8[%gather3A_1982] : memref<100000xi32, #tpu.memory_space<vmem>>[vector<16xi32>], vector<16xi32>,
        %swap3A_1987 = arith.constant 2800 : index
        %swap3A_1988 = tpu.vector_load %arg12[%swap3A_1987] {strides = array<i32>} : memref<3200xi32, #tpu.memory_space<vmem>>, vector<16xi32>,
        tpu.vector_store %arg12[%swap3A_1987], %gather3A_1986 {strides = array<i32>} : memref<3200xi32, #tpu.memory_space<vmem>>, vector<16xi32>,
        %add3A_1989 = arith.constant 2816 : i32
        %add3A_1990 = vector.broadcast %add3A_1989 : i32 to vector<16xi32>
        %add3A_1991 = arith.addi %iota3A, %add3A_1990 : vector<16xi32>
        %gather3A_1992 = tpu.vector_load_idx %arg9[%broadcast_in_dim3A_1, %add3A_1991] : memref<2x3200xi32, #tpu.memory_space<vmem>>[vector<16xi32>, vector<16xi32>], vector<16xi32>,
        %gather3A_1993 = tpu.vector_load_idx %arg9[%add3A_4, %add3A_1991] : memref<2x3200xi32, #tpu.memory_space<vmem>>[vector<16xi32>, vector<16xi32>], vector<16xi32>,
        %gather3A_1994 = tpu.vector_load_idx %arg8[%gather3A_1992] : memref<100000xi32, #tpu.memory_space<vmem>>[vector<16xi32>], vector<16xi32>,
        %swap3A_1995 = arith.constant 2816 : index
        %swap3A_1996 = tpu.vector_load %arg11[%swap3A_1995] {strides = array<i32>} : memref<3200xi32, #tpu.memory_space<vmem>>, vector<16xi32>,
        tpu.vector_store %arg11[%swap3A_1995], %gather3A_1994 {strides = array<i32>} : memref<3200xi32, #tpu.memory_space<vmem>>, vector<16xi32>,
        %gather3A_1997 = tpu.vector_load_idx %arg8[%gather3A_1993] : memref<100000xi32, #tpu.memory_space<vmem>>[vector<16xi32>], vector<16xi32>,
        %swap3A_1998 = arith.constant 2816 : index
        %swap3A_1999 = tpu.vector_load %arg12[%swap3A_1998] {strides = array<i32>} : memref<3200xi32, #tpu.memory_space<vmem>>, vector<16xi32>,
        tpu.vector_store %arg12[%swap3A_1998], %gather3A_1997 {strides = array<i32>} : memref<3200xi32, #tpu.memory_space<vmem>>, vector<16xi32>,
        %add3A_2000 = arith.constant 2832 : i32
        %add3A_2001 = vector.broadcast %add3A_2000 : i32 to vector<16xi32>
        %add3A_2002 = arith.addi %iota3A, %add3A_2001 : vector<16xi32>
        %gather3A_2003 = tpu.vector_load_idx %arg9[%broadcast_in_dim3A_1, %add3A_2002] : memref<2x3200xi32, #tpu.memory_space<vmem>>[vector<16xi32>, vector<16xi32>], vector<16xi32>,
        %gather3A_2004 = tpu.vector_load_idx %arg9[%add3A_4, %add3A_2002] : memref<2x3200xi32, #tpu.memory_space<vmem>>[vector<16xi32>, vector<16xi32>], vector<16xi32>,
        %gather3A_2005 = tpu.vector_load_idx %arg8[%gather3A_2003] : memref<100000xi32, #tpu.memory_space<vmem>>[vector<16xi32>], vector<16xi32>,
        %swap3A_2006 = arith.constant 2832 : index
        %swap3A_2007 = tpu.vector_load %arg11[%swap3A_2006] {strides = array<i32>} : memref<3200xi32, #tpu.memory_space<vmem>>, vector<16xi32>,
        tpu.vector_store %arg11[%swap3A_2006], %gather3A_2005 {strides = array<i32>} : memref<3200xi32, #tpu.memory_space<vmem>>, vector<16xi32>,
        %gather3A_2008 = tpu.vector_load_idx %arg8[%gather3A_2004] : memref<100000xi32, #tpu.memory_space<vmem>>[vector<16xi32>], vector<16xi32>,
        %swap3A_2009 = arith.constant 2832 : index
        %swap3A_2010 = tpu.vector_load %arg12[%swap3A_2009] {strides = array<i32>} : memref<3200xi32, #tpu.memory_space<vmem>>, vector<16xi32>,
        tpu.vector_store %arg12[%swap3A_2009], %gather3A_2008 {strides = array<i32>} : memref<3200xi32, #tpu.memory_space<vmem>>, vector<16xi32>,
        %add3A_2011 = arith.constant 2848 : i32
        %add3A_2012 = vector.broadcast %add3A_2011 : i32 to vector<16xi32>
        %add3A_2013 = arith.addi %iota3A, %add3A_2012 : vector<16xi32>
        %gather3A_2014 = tpu.vector_load_idx %arg9[%broadcast_in_dim3A_1, %add3A_2013] : memref<2x3200xi32, #tpu.memory_space<vmem>>[vector<16xi32>, vector<16xi32>], vector<16xi32>,
        %gather3A_2015 = tpu.vector_load_idx %arg9[%add3A_4, %add3A_2013] : memref<2x3200xi32, #tpu.memory_space<vmem>>[vector<16xi32>, vector<16xi32>], vector<16xi32>,
        %gather3A_2016 = tpu.vector_load_idx %arg8[%gather3A_2014] : memref<100000xi32, #tpu.memory_space<vmem>>[vector<16xi32>], vector<16xi32>,
        %swap3A_2017 = arith.constant 2848 : index
        %swap3A_2018 = tpu.vector_load %arg11[%swap3A_2017] {strides = array<i32>} : memref<3200xi32, #tpu.memory_space<vmem>>, vector<16xi32>,
        tpu.vector_store %arg11[%swap3A_2017], %gather3A_2016 {strides = array<i32>} : memref<3200xi32, #tpu.memory_space<vmem>>, vector<16xi32>,
        %gather3A_2019 = tpu.vector_load_idx %arg8[%gather3A_2015] : memref<100000xi32, #tpu.memory_space<vmem>>[vector<16xi32>], vector<16xi32>,
        %swap3A_2020 = arith.constant 2848 : index
        %swap3A_2021 = tpu.vector_load %arg12[%swap3A_2020] {strides = array<i32>} : memref<3200xi32, #tpu.memory_space<vmem>>, vector<16xi32>,
        tpu.vector_store %arg12[%swap3A_2020], %gather3A_2019 {strides = array<i32>} : memref<3200xi32, #tpu.memory_space<vmem>>, vector<16xi32>,
        %add3A_2022 = arith.constant 2864 : i32
        %add3A_2023 = vector.broadcast %add3A_2022 : i32 to vector<16xi32>
        %add3A_2024 = arith.addi %iota3A, %add3A_2023 : vector<16xi32>
        %gather3A_2025 = tpu.vector_load_idx %arg9[%broadcast_in_dim3A_1, %add3A_2024] : memref<2x3200xi32, #tpu.memory_space<vmem>>[vector<16xi32>, vector<16xi32>], vector<16xi32>,
        %gather3A_2026 = tpu.vector_load_idx %arg9[%add3A_4, %add3A_2024] : memref<2x3200xi32, #tpu.memory_space<vmem>>[vector<16xi32>, vector<16xi32>], vector<16xi32>,
        %gather3A_2027 = tpu.vector_load_idx %arg8[%gather3A_2025] : memref<100000xi32, #tpu.memory_space<vmem>>[vector<16xi32>], vector<16xi32>,
        %swap3A_2028 = arith.constant 2864 : index
        %swap3A_2029 = tpu.vector_load %arg11[%swap3A_2028] {strides = array<i32>} : memref<3200xi32, #tpu.memory_space<vmem>>, vector<16xi32>,
        tpu.vector_store %arg11[%swap3A_2028], %gather3A_2027 {strides = array<i32>} : memref<3200xi32, #tpu.memory_space<vmem>>, vector<16xi32>,
        %gather3A_2030 = tpu.vector_load_idx %arg8[%gather3A_2026] : memref<100000xi32, #tpu.memory_space<vmem>>[vector<16xi32>], vector<16xi32>,
        %swap3A_2031 = arith.constant 2864 : index
        %swap3A_2032 = tpu.vector_load %arg12[%swap3A_2031] {strides = array<i32>} : memref<3200xi32, #tpu.memory_space<vmem>>, vector<16xi32>,
        tpu.vector_store %arg12[%swap3A_2031], %gather3A_2030 {strides = array<i32>} : memref<3200xi32, #tpu.memory_space<vmem>>, vector<16xi32>,
        %add3A_2033 = arith.constant 2880 : i32
        %add3A_2034 = vector.broadcast %add3A_2033 : i32 to vector<16xi32>
        %add3A_2035 = arith.addi %iota3A, %add3A_2034 : vector<16xi32>
        %gather3A_2036 = tpu.vector_load_idx %arg9[%broadcast_in_dim3A_1, %add3A_2035] : memref<2x3200xi32, #tpu.memory_space<vmem>>[vector<16xi32>, vector<16xi32>], vector<16xi32>,
        %gather3A_2037 = tpu.vector_load_idx %arg9[%add3A_4, %add3A_2035] : memref<2x3200xi32, #tpu.memory_space<vmem>>[vector<16xi32>, vector<16xi32>], vector<16xi32>,
        %gather3A_2038 = tpu.vector_load_idx %arg8[%gather3A_2036] : memref<100000xi32, #tpu.memory_space<vmem>>[vector<16xi32>], vector<16xi32>,
        %swap3A_2039 = arith.constant 2880 : index
        %swap3A_2040 = tpu.vector_load %arg11[%swap3A_2039] {strides = array<i32>} : memref<3200xi32, #tpu.memory_space<vmem>>, vector<16xi32>,
        tpu.vector_store %arg11[%swap3A_2039], %gather3A_2038 {strides = array<i32>} : memref<3200xi32, #tpu.memory_space<vmem>>, vector<16xi32>,
        %gather3A_2041 = tpu.vector_load_idx %arg8[%gather3A_2037] : memref<100000xi32, #tpu.memory_space<vmem>>[vector<16xi32>], vector<16xi32>,
        %swap3A_2042 = arith.constant 2880 : index
        %swap3A_2043 = tpu.vector_load %arg12[%swap3A_2042] {strides = array<i32>} : memref<3200xi32, #tpu.memory_space<vmem>>, vector<16xi32>,
        tpu.vector_store %arg12[%swap3A_2042], %gather3A_2041 {strides = array<i32>} : memref<3200xi32, #tpu.memory_space<vmem>>, vector<16xi32>,
        %add3A_2044 = arith.constant 2896 : i32
        %add3A_2045 = vector.broadcast %add3A_2044 : i32 to vector<16xi32>
        %add3A_2046 = arith.addi %iota3A, %add3A_2045 : vector<16xi32>
        %gather3A_2047 = tpu.vector_load_idx %arg9[%broadcast_in_dim3A_1, %add3A_2046] : memref<2x3200xi32, #tpu.memory_space<vmem>>[vector<16xi32>, vector<16xi32>], vector<16xi32>,
        %gather3A_2048 = tpu.vector_load_idx %arg9[%add3A_4, %add3A_2046] : memref<2x3200xi32, #tpu.memory_space<vmem>>[vector<16xi32>, vector<16xi32>], vector<16xi32>,
        %gather3A_2049 = tpu.vector_load_idx %arg8[%gather3A_2047] : memref<100000xi32, #tpu.memory_space<vmem>>[vector<16xi32>], vector<16xi32>,
        %swap3A_2050 = arith.constant 2896 : index
        %swap3A_2051 = tpu.vector_load %arg11[%swap3A_2050] {strides = array<i32>} : memref<3200xi32, #tpu.memory_space<vmem>>, vector<16xi32>,
        tpu.vector_store %arg11[%swap3A_2050], %gather3A_2049 {strides = array<i32>} : memref<3200xi32, #tpu.memory_space<vmem>>, vector<16xi32>,
        %gather3A_2052 = tpu.vector_load_idx %arg8[%gather3A_2048] : memref<100000xi32, #tpu.memory_space<vmem>>[vector<16xi32>], vector<16xi32>,
        %swap3A_2053 = arith.constant 2896 : index
        %swap3A_2054 = tpu.vector_load %arg12[%swap3A_2053] {strides = array<i32>} : memref<3200xi32, #tpu.memory_space<vmem>>, vector<16xi32>,
        tpu.vector_store %arg12[%swap3A_2053], %gather3A_2052 {strides = array<i32>} : memref<3200xi32, #tpu.memory_space<vmem>>, vector<16xi32>,
        %add3A_2055 = arith.constant 2912 : i32
        %add3A_2056 = vector.broadcast %add3A_2055 : i32 to vector<16xi32>
        %add3A_2057 = arith.addi %iota3A, %add3A_2056 : vector<16xi32>
        %gather3A_2058 = tpu.vector_load_idx %arg9[%broadcast_in_dim3A_1, %add3A_2057] : memref<2x3200xi32, #tpu.memory_space<vmem>>[vector<16xi32>, vector<16xi32>], vector<16xi32>,
        %gather3A_2059 = tpu.vector_load_idx %arg9[%add3A_4, %add3A_2057] : memref<2x3200xi32, #tpu.memory_space<vmem>>[vector<16xi32>, vector<16xi32>], vector<16xi32>,
        %gather3A_2060 = tpu.vector_load_idx %arg8[%gather3A_2058] : memref<100000xi32, #tpu.memory_space<vmem>>[vector<16xi32>], vector<16xi32>,
        %swap3A_2061 = arith.constant 2912 : index
        %swap3A_2062 = tpu.vector_load %arg11[%swap3A_2061] {strides = array<i32>} : memref<3200xi32, #tpu.memory_space<vmem>>, vector<16xi32>,
        tpu.vector_store %arg11[%swap3A_2061], %gather3A_2060 {strides = array<i32>} : memref<3200xi32, #tpu.memory_space<vmem>>, vector<16xi32>,
        %gather3A_2063 = tpu.vector_load_idx %arg8[%gather3A_2059] : memref<100000xi32, #tpu.memory_space<vmem>>[vector<16xi32>], vector<16xi32>,
        %swap3A_2064 = arith.constant 2912 : index
        %swap3A_2065 = tpu.vector_load %arg12[%swap3A_2064] {strides = array<i32>} : memref<3200xi32, #tpu.memory_space<vmem>>, vector<16xi32>,
        tpu.vector_store %arg12[%swap3A_2064], %gather3A_2063 {strides = array<i32>} : memref<3200xi32, #tpu.memory_space<vmem>>, vector<16xi32>,
        %add3A_2066 = arith.constant 2928 : i32
        %add3A_2067 = vector.broadcast %add3A_2066 : i32 to vector<16xi32>
        %add3A_2068 = arith.addi %iota3A, %add3A_2067 : vector<16xi32>
        %gather3A_2069 = tpu.vector_load_idx %arg9[%broadcast_in_dim3A_1, %add3A_2068] : memref<2x3200xi32, #tpu.memory_space<vmem>>[vector<16xi32>, vector<16xi32>], vector<16xi32>,
        %gather3A_2070 = tpu.vector_load_idx %arg9[%add3A_4, %add3A_2068] : memref<2x3200xi32, #tpu.memory_space<vmem>>[vector<16xi32>, vector<16xi32>], vector<16xi32>,
        %gather3A_2071 = tpu.vector_load_idx %arg8[%gather3A_2069] : memref<100000xi32, #tpu.memory_space<vmem>>[vector<16xi32>], vector<16xi32>,
        %swap3A_2072 = arith.constant 2928 : index
        %swap3A_2073 = tpu.vector_load %arg11[%swap3A_2072] {strides = array<i32>} : memref<3200xi32, #tpu.memory_space<vmem>>, vector<16xi32>,
        tpu.vector_store %arg11[%swap3A_2072], %gather3A_2071 {strides = array<i32>} : memref<3200xi32, #tpu.memory_space<vmem>>, vector<16xi32>,
        %gather3A_2074 = tpu.vector_load_idx %arg8[%gather3A_2070] : memref<100000xi32, #tpu.memory_space<vmem>>[vector<16xi32>], vector<16xi32>,
        %swap3A_2075 = arith.constant 2928 : index
        %swap3A_2076 = tpu.vector_load %arg12[%swap3A_2075] {strides = array<i32>} : memref<3200xi32, #tpu.memory_space<vmem>>, vector<16xi32>,
        tpu.vector_store %arg12[%swap3A_2075], %gather3A_2074 {strides = array<i32>} : memref<3200xi32, #tpu.memory_space<vmem>>, vector<16xi32>,
        %add3A_2077 = arith.constant 2944 : i32
        %add3A_2078 = vector.broadcast %add3A_2077 : i32 to vector<16xi32>
        %add3A_2079 = arith.addi %iota3A, %add3A_2078 : vector<16xi32>
        %gather3A_2080 = tpu.vector_load_idx %arg9[%broadcast_in_dim3A_1, %add3A_2079] : memref<2x3200xi32, #tpu.memory_space<vmem>>[vector<16xi32>, vector<16xi32>], vector<16xi32>,
        %gather3A_2081 = tpu.vector_load_idx %arg9[%add3A_4, %add3A_2079] : memref<2x3200xi32, #tpu.memory_space<vmem>>[vector<16xi32>, vector<16xi32>], vector<16xi32>,
        %gather3A_2082 = tpu.vector_load_idx %arg8[%gather3A_2080] : memref<100000xi32, #tpu.memory_space<vmem>>[vector<16xi32>], vector<16xi32>,
        %swap3A_2083 = arith.constant 2944 : index
        %swap3A_2084 = tpu.vector_load %arg11[%swap3A_2083] {strides = array<i32>} : memref<3200xi32, #tpu.memory_space<vmem>>, vector<16xi32>,
        tpu.vector_store %arg11[%swap3A_2083], %gather3A_2082 {strides = array<i32>} : memref<3200xi32, #tpu.memory_space<vmem>>, vector<16xi32>,
        %gather3A_2085 = tpu.vector_load_idx %arg8[%gather3A_2081] : memref<100000xi32, #tpu.memory_space<vmem>>[vector<16xi32>], vector<16xi32>,
        %swap3A_2086 = arith.constant 2944 : index
        %swap3A_2087 = tpu.vector_load %arg12[%swap3A_2086] {strides = array<i32>} : memref<3200xi32, #tpu.memory_space<vmem>>, vector<16xi32>,
        tpu.vector_store %arg12[%swap3A_2086], %gather3A_2085 {strides = array<i32>} : memref<3200xi32, #tpu.memory_space<vmem>>, vector<16xi32>,
        %add3A_2088 = arith.constant 2960 : i32
        %add3A_2089 = vector.broadcast %add3A_2088 : i32 to vector<16xi32>
        %add3A_2090 = arith.addi %iota3A, %add3A_2089 : vector<16xi32>
        %gather3A_2091 = tpu.vector_load_idx %arg9[%broadcast_in_dim3A_1, %add3A_2090] : memref<2x3200xi32, #tpu.memory_space<vmem>>[vector<16xi32>, vector<16xi32>], vector<16xi32>,
        %gather3A_2092 = tpu.vector_load_idx %arg9[%add3A_4, %add3A_2090] : memref<2x3200xi32, #tpu.memory_space<vmem>>[vector<16xi32>, vector<16xi32>], vector<16xi32>,
        %gather3A_2093 = tpu.vector_load_idx %arg8[%gather3A_2091] : memref<100000xi32, #tpu.memory_space<vmem>>[vector<16xi32>], vector<16xi32>,
        %swap3A_2094 = arith.constant 2960 : index
        %swap3A_2095 = tpu.vector_load %arg11[%swap3A_2094] {strides = array<i32>} : memref<3200xi32, #tpu.memory_space<vmem>>, vector<16xi32>,
        tpu.vector_store %arg11[%swap3A_2094], %gather3A_2093 {strides = array<i32>} : memref<3200xi32, #tpu.memory_space<vmem>>, vector<16xi32>,
        %gather3A_2096 = tpu.vector_load_idx %arg8[%gather3A_2092] : memref<100000xi32, #tpu.memory_space<vmem>>[vector<16xi32>], vector<16xi32>,
        %swap3A_2097 = arith.constant 2960 : index
        %swap3A_2098 = tpu.vector_load %arg12[%swap3A_2097] {strides = array<i32>} : memref<3200xi32, #tpu.memory_space<vmem>>, vector<16xi32>,
        tpu.vector_store %arg12[%swap3A_2097], %gather3A_2096 {strides = array<i32>} : memref<3200xi32, #tpu.memory_space<vmem>>, vector<16xi32>,
        %add3A_2099 = arith.constant 2976 : i32
        %add3A_2100 = vector.broadcast %add3A_2099 : i32 to vector<16xi32>
        %add3A_2101 = arith.addi %iota3A, %add3A_2100 : vector<16xi32>
        %gather3A_2102 = tpu.vector_load_idx %arg9[%broadcast_in_dim3A_1, %add3A_2101] : memref<2x3200xi32, #tpu.memory_space<vmem>>[vector<16xi32>, vector<16xi32>], vector<16xi32>,
        %gather3A_2103 = tpu.vector_load_idx %arg9[%add3A_4, %add3A_2101] : memref<2x3200xi32, #tpu.memory_space<vmem>>[vector<16xi32>, vector<16xi32>], vector<16xi32>,
        %gather3A_2104 = tpu.vector_load_idx %arg8[%gather3A_2102] : memref<100000xi32, #tpu.memory_space<vmem>>[vector<16xi32>], vector<16xi32>,
        %swap3A_2105 = arith.constant 2976 : index
        %swap3A_2106 = tpu.vector_load %arg11[%swap3A_2105] {strides = array<i32>} : memref<3200xi32, #tpu.memory_space<vmem>>, vector<16xi32>,
        tpu.vector_store %arg11[%swap3A_2105], %gather3A_2104 {strides = array<i32>} : memref<3200xi32, #tpu.memory_space<vmem>>, vector<16xi32>,
        %gather3A_2107 = tpu.vector_load_idx %arg8[%gather3A_2103] : memref<100000xi32, #tpu.memory_space<vmem>>[vector<16xi32>], vector<16xi32>,
        %swap3A_2108 = arith.constant 2976 : index
        %swap3A_2109 = tpu.vector_load %arg12[%swap3A_2108] {strides = array<i32>} : memref<3200xi32, #tpu.memory_space<vmem>>, vector<16xi32>,
        tpu.vector_store %arg12[%swap3A_2108], %gather3A_2107 {strides = array<i32>} : memref<3200xi32, #tpu.memory_space<vmem>>, vector<16xi32>,
        %add3A_2110 = arith.constant 2992 : i32
        %add3A_2111 = vector.broadcast %add3A_2110 : i32 to vector<16xi32>
        %add3A_2112 = arith.addi %iota3A, %add3A_2111 : vector<16xi32>
        %gather3A_2113 = tpu.vector_load_idx %arg9[%broadcast_in_dim3A_1, %add3A_2112] : memref<2x3200xi32, #tpu.memory_space<vmem>>[vector<16xi32>, vector<16xi32>], vector<16xi32>,
        %gather3A_2114 = tpu.vector_load_idx %arg9[%add3A_4, %add3A_2112] : memref<2x3200xi32, #tpu.memory_space<vmem>>[vector<16xi32>, vector<16xi32>], vector<16xi32>,
        %gather3A_2115 = tpu.vector_load_idx %arg8[%gather3A_2113] : memref<100000xi32, #tpu.memory_space<vmem>>[vector<16xi32>], vector<16xi32>,
        %swap3A_2116 = arith.constant 2992 : index
        %swap3A_2117 = tpu.vector_load %arg11[%swap3A_2116] {strides = array<i32>} : memref<3200xi32, #tpu.memory_space<vmem>>, vector<16xi32>,
        tpu.vector_store %arg11[%swap3A_2116], %gather3A_2115 {strides = array<i32>} : memref<3200xi32, #tpu.memory_space<vmem>>, vector<16xi32>,
        %gather3A_2118 = tpu.vector_load_idx %arg8[%gather3A_2114] : memref<100000xi32, #tpu.memory_space<vmem>>[vector<16xi32>], vector<16xi32>,
        %swap3A_2119 = arith.constant 2992 : index
        %swap3A_2120 = tpu.vector_load %arg12[%swap3A_2119] {strides = array<i32>} : memref<3200xi32, #tpu.memory_space<vmem>>, vector<16xi32>,
        tpu.vector_store %arg12[%swap3A_2119], %gather3A_2118 {strides = array<i32>} : memref<3200xi32, #tpu.memory_space<vmem>>, vector<16xi32>,
        %add3A_2121 = arith.constant 3008 : i32
        %add3A_2122 = vector.broadcast %add3A_2121 : i32 to vector<16xi32>
        %add3A_2123 = arith.addi %iota3A, %add3A_2122 : vector<16xi32>
        %gather3A_2124 = tpu.vector_load_idx %arg9[%broadcast_in_dim3A_1, %add3A_2123] : memref<2x3200xi32, #tpu.memory_space<vmem>>[vector<16xi32>, vector<16xi32>], vector<16xi32>,
        %gather3A_2125 = tpu.vector_load_idx %arg9[%add3A_4, %add3A_2123] : memref<2x3200xi32, #tpu.memory_space<vmem>>[vector<16xi32>, vector<16xi32>], vector<16xi32>,
        %gather3A_2126 = tpu.vector_load_idx %arg8[%gather3A_2124] : memref<100000xi32, #tpu.memory_space<vmem>>[vector<16xi32>], vector<16xi32>,
        %swap3A_2127 = arith.constant 3008 : index
        %swap3A_2128 = tpu.vector_load %arg11[%swap3A_2127] {strides = array<i32>} : memref<3200xi32, #tpu.memory_space<vmem>>, vector<16xi32>,
        tpu.vector_store %arg11[%swap3A_2127], %gather3A_2126 {strides = array<i32>} : memref<3200xi32, #tpu.memory_space<vmem>>, vector<16xi32>,
        %gather3A_2129 = tpu.vector_load_idx %arg8[%gather3A_2125] : memref<100000xi32, #tpu.memory_space<vmem>>[vector<16xi32>], vector<16xi32>,
        %swap3A_2130 = arith.constant 3008 : index
        %swap3A_2131 = tpu.vector_load %arg12[%swap3A_2130] {strides = array<i32>} : memref<3200xi32, #tpu.memory_space<vmem>>, vector<16xi32>,
        tpu.vector_store %arg12[%swap3A_2130], %gather3A_2129 {strides = array<i32>} : memref<3200xi32, #tpu.memory_space<vmem>>, vector<16xi32>,
        %add3A_2132 = arith.constant 3024 : i32
        %add3A_2133 = vector.broadcast %add3A_2132 : i32 to vector<16xi32>
        %add3A_2134 = arith.addi %iota3A, %add3A_2133 : vector<16xi32>
        %gather3A_2135 = tpu.vector_load_idx %arg9[%broadcast_in_dim3A_1, %add3A_2134] : memref<2x3200xi32, #tpu.memory_space<vmem>>[vector<16xi32>, vector<16xi32>], vector<16xi32>,
        %gather3A_2136 = tpu.vector_load_idx %arg9[%add3A_4, %add3A_2134] : memref<2x3200xi32, #tpu.memory_space<vmem>>[vector<16xi32>, vector<16xi32>], vector<16xi32>,
        %gather3A_2137 = tpu.vector_load_idx %arg8[%gather3A_2135] : memref<100000xi32, #tpu.memory_space<vmem>>[vector<16xi32>], vector<16xi32>,
        %swap3A_2138 = arith.constant 3024 : index
        %swap3A_2139 = tpu.vector_load %arg11[%swap3A_2138] {strides = array<i32>} : memref<3200xi32, #tpu.memory_space<vmem>>, vector<16xi32>,
        tpu.vector_store %arg11[%swap3A_2138], %gather3A_2137 {strides = array<i32>} : memref<3200xi32, #tpu.memory_space<vmem>>, vector<16xi32>,
        %gather3A_2140 = tpu.vector_load_idx %arg8[%gather3A_2136] : memref<100000xi32, #tpu.memory_space<vmem>>[vector<16xi32>], vector<16xi32>,
        %swap3A_2141 = arith.constant 3024 : index
        %swap3A_2142 = tpu.vector_load %arg12[%swap3A_2141] {strides = array<i32>} : memref<3200xi32, #tpu.memory_space<vmem>>, vector<16xi32>,
        tpu.vector_store %arg12[%swap3A_2141], %gather3A_2140 {strides = array<i32>} : memref<3200xi32, #tpu.memory_space<vmem>>, vector<16xi32>,
        %add3A_2143 = arith.constant 3040 : i32
        %add3A_2144 = vector.broadcast %add3A_2143 : i32 to vector<16xi32>
        %add3A_2145 = arith.addi %iota3A, %add3A_2144 : vector<16xi32>
        %gather3A_2146 = tpu.vector_load_idx %arg9[%broadcast_in_dim3A_1, %add3A_2145] : memref<2x3200xi32, #tpu.memory_space<vmem>>[vector<16xi32>, vector<16xi32>], vector<16xi32>,
        %gather3A_2147 = tpu.vector_load_idx %arg9[%add3A_4, %add3A_2145] : memref<2x3200xi32, #tpu.memory_space<vmem>>[vector<16xi32>, vector<16xi32>], vector<16xi32>,
        %gather3A_2148 = tpu.vector_load_idx %arg8[%gather3A_2146] : memref<100000xi32, #tpu.memory_space<vmem>>[vector<16xi32>], vector<16xi32>,
        %swap3A_2149 = arith.constant 3040 : index
        %swap3A_2150 = tpu.vector_load %arg11[%swap3A_2149] {strides = array<i32>} : memref<3200xi32, #tpu.memory_space<vmem>>, vector<16xi32>,
        tpu.vector_store %arg11[%swap3A_2149], %gather3A_2148 {strides = array<i32>} : memref<3200xi32, #tpu.memory_space<vmem>>, vector<16xi32>,
        %gather3A_2151 = tpu.vector_load_idx %arg8[%gather3A_2147] : memref<100000xi32, #tpu.memory_space<vmem>>[vector<16xi32>], vector<16xi32>,
        %swap3A_2152 = arith.constant 3040 : index
        %swap3A_2153 = tpu.vector_load %arg12[%swap3A_2152] {strides = array<i32>} : memref<3200xi32, #tpu.memory_space<vmem>>, vector<16xi32>,
        tpu.vector_store %arg12[%swap3A_2152], %gather3A_2151 {strides = array<i32>} : memref<3200xi32, #tpu.memory_space<vmem>>, vector<16xi32>,
        %add3A_2154 = arith.constant 3056 : i32
        %add3A_2155 = vector.broadcast %add3A_2154 : i32 to vector<16xi32>
        %add3A_2156 = arith.addi %iota3A, %add3A_2155 : vector<16xi32>
        %gather3A_2157 = tpu.vector_load_idx %arg9[%broadcast_in_dim3A_1, %add3A_2156] : memref<2x3200xi32, #tpu.memory_space<vmem>>[vector<16xi32>, vector<16xi32>], vector<16xi32>,
        %gather3A_2158 = tpu.vector_load_idx %arg9[%add3A_4, %add3A_2156] : memref<2x3200xi32, #tpu.memory_space<vmem>>[vector<16xi32>, vector<16xi32>], vector<16xi32>,
        %gather3A_2159 = tpu.vector_load_idx %arg8[%gather3A_2157] : memref<100000xi32, #tpu.memory_space<vmem>>[vector<16xi32>], vector<16xi32>,
        %swap3A_2160 = arith.constant 3056 : index
        %swap3A_2161 = tpu.vector_load %arg11[%swap3A_2160] {strides = array<i32>} : memref<3200xi32, #tpu.memory_space<vmem>>, vector<16xi32>,
        tpu.vector_store %arg11[%swap3A_2160], %gather3A_2159 {strides = array<i32>} : memref<3200xi32, #tpu.memory_space<vmem>>, vector<16xi32>,
        %gather3A_2162 = tpu.vector_load_idx %arg8[%gather3A_2158] : memref<100000xi32, #tpu.memory_space<vmem>>[vector<16xi32>], vector<16xi32>,
        %swap3A_2163 = arith.constant 3056 : index
        %swap3A_2164 = tpu.vector_load %arg12[%swap3A_2163] {strides = array<i32>} : memref<3200xi32, #tpu.memory_space<vmem>>, vector<16xi32>,
        tpu.vector_store %arg12[%swap3A_2163], %gather3A_2162 {strides = array<i32>} : memref<3200xi32, #tpu.memory_space<vmem>>, vector<16xi32>,
        %add3A_2165 = arith.constant 3072 : i32
        %add3A_2166 = vector.broadcast %add3A_2165 : i32 to vector<16xi32>
        %add3A_2167 = arith.addi %iota3A, %add3A_2166 : vector<16xi32>
        %gather3A_2168 = tpu.vector_load_idx %arg9[%broadcast_in_dim3A_1, %add3A_2167] : memref<2x3200xi32, #tpu.memory_space<vmem>>[vector<16xi32>, vector<16xi32>], vector<16xi32>,
        %gather3A_2169 = tpu.vector_load_idx %arg9[%add3A_4, %add3A_2167] : memref<2x3200xi32, #tpu.memory_space<vmem>>[vector<16xi32>, vector<16xi32>], vector<16xi32>,
        %gather3A_2170 = tpu.vector_load_idx %arg8[%gather3A_2168] : memref<100000xi32, #tpu.memory_space<vmem>>[vector<16xi32>], vector<16xi32>,
        %swap3A_2171 = arith.constant 3072 : index
        %swap3A_2172 = tpu.vector_load %arg11[%swap3A_2171] {strides = array<i32>} : memref<3200xi32, #tpu.memory_space<vmem>>, vector<16xi32>,
        tpu.vector_store %arg11[%swap3A_2171], %gather3A_2170 {strides = array<i32>} : memref<3200xi32, #tpu.memory_space<vmem>>, vector<16xi32>,
        %gather3A_2173 = tpu.vector_load_idx %arg8[%gather3A_2169] : memref<100000xi32, #tpu.memory_space<vmem>>[vector<16xi32>], vector<16xi32>,
        %swap3A_2174 = arith.constant 3072 : index
        %swap3A_2175 = tpu.vector_load %arg12[%swap3A_2174] {strides = array<i32>} : memref<3200xi32, #tpu.memory_space<vmem>>, vector<16xi32>,
        tpu.vector_store %arg12[%swap3A_2174], %gather3A_2173 {strides = array<i32>} : memref<3200xi32, #tpu.memory_space<vmem>>, vector<16xi32>,
        %add3A_2176 = arith.constant 3088 : i32
        %add3A_2177 = vector.broadcast %add3A_2176 : i32 to vector<16xi32>
        %add3A_2178 = arith.addi %iota3A, %add3A_2177 : vector<16xi32>
        %gather3A_2179 = tpu.vector_load_idx %arg9[%broadcast_in_dim3A_1, %add3A_2178] : memref<2x3200xi32, #tpu.memory_space<vmem>>[vector<16xi32>, vector<16xi32>], vector<16xi32>,
        %gather3A_2180 = tpu.vector_load_idx %arg9[%add3A_4, %add3A_2178] : memref<2x3200xi32, #tpu.memory_space<vmem>>[vector<16xi32>, vector<16xi32>], vector<16xi32>,
        %gather3A_2181 = tpu.vector_load_idx %arg8[%gather3A_2179] : memref<100000xi32, #tpu.memory_space<vmem>>[vector<16xi32>], vector<16xi32>,
        %swap3A_2182 = arith.constant 3088 : index
        %swap3A_2183 = tpu.vector_load %arg11[%swap3A_2182] {strides = array<i32>} : memref<3200xi32, #tpu.memory_space<vmem>>, vector<16xi32>,
        tpu.vector_store %arg11[%swap3A_2182], %gather3A_2181 {strides = array<i32>} : memref<3200xi32, #tpu.memory_space<vmem>>, vector<16xi32>,
        %gather3A_2184 = tpu.vector_load_idx %arg8[%gather3A_2180] : memref<100000xi32, #tpu.memory_space<vmem>>[vector<16xi32>], vector<16xi32>,
        %swap3A_2185 = arith.constant 3088 : index
        %swap3A_2186 = tpu.vector_load %arg12[%swap3A_2185] {strides = array<i32>} : memref<3200xi32, #tpu.memory_space<vmem>>, vector<16xi32>,
        tpu.vector_store %arg12[%swap3A_2185], %gather3A_2184 {strides = array<i32>} : memref<3200xi32, #tpu.memory_space<vmem>>, vector<16xi32>,
        %add3A_2187 = arith.constant 3104 : i32
        %add3A_2188 = vector.broadcast %add3A_2187 : i32 to vector<16xi32>
        %add3A_2189 = arith.addi %iota3A, %add3A_2188 : vector<16xi32>
        %gather3A_2190 = tpu.vector_load_idx %arg9[%broadcast_in_dim3A_1, %add3A_2189] : memref<2x3200xi32, #tpu.memory_space<vmem>>[vector<16xi32>, vector<16xi32>], vector<16xi32>,
        %gather3A_2191 = tpu.vector_load_idx %arg9[%add3A_4, %add3A_2189] : memref<2x3200xi32, #tpu.memory_space<vmem>>[vector<16xi32>, vector<16xi32>], vector<16xi32>,
        %gather3A_2192 = tpu.vector_load_idx %arg8[%gather3A_2190] : memref<100000xi32, #tpu.memory_space<vmem>>[vector<16xi32>], vector<16xi32>,
        %swap3A_2193 = arith.constant 3104 : index
        %swap3A_2194 = tpu.vector_load %arg11[%swap3A_2193] {strides = array<i32>} : memref<3200xi32, #tpu.memory_space<vmem>>, vector<16xi32>,
        tpu.vector_store %arg11[%swap3A_2193], %gather3A_2192 {strides = array<i32>} : memref<3200xi32, #tpu.memory_space<vmem>>, vector<16xi32>,
        %gather3A_2195 = tpu.vector_load_idx %arg8[%gather3A_2191] : memref<100000xi32, #tpu.memory_space<vmem>>[vector<16xi32>], vector<16xi32>,
        %swap3A_2196 = arith.constant 3104 : index
        %swap3A_2197 = tpu.vector_load %arg12[%swap3A_2196] {strides = array<i32>} : memref<3200xi32, #tpu.memory_space<vmem>>, vector<16xi32>,
        tpu.vector_store %arg12[%swap3A_2196], %gather3A_2195 {strides = array<i32>} : memref<3200xi32, #tpu.memory_space<vmem>>, vector<16xi32>,
        %add3A_2198 = arith.constant 3120 : i32
        %add3A_2199 = vector.broadcast %add3A_2198 : i32 to vector<16xi32>
        %add3A_2200 = arith.addi %iota3A, %add3A_2199 : vector<16xi32>
        %gather3A_2201 = tpu.vector_load_idx %arg9[%broadcast_in_dim3A_1, %add3A_2200] : memref<2x3200xi32, #tpu.memory_space<vmem>>[vector<16xi32>, vector<16xi32>], vector<16xi32>,
        %gather3A_2202 = tpu.vector_load_idx %arg9[%add3A_4, %add3A_2200] : memref<2x3200xi32, #tpu.memory_space<vmem>>[vector<16xi32>, vector<16xi32>], vector<16xi32>,
        %gather3A_2203 = tpu.vector_load_idx %arg8[%gather3A_2201] : memref<100000xi32, #tpu.memory_space<vmem>>[vector<16xi32>], vector<16xi32>,
        %swap3A_2204 = arith.constant 3120 : index
        %swap3A_2205 = tpu.vector_load %arg11[%swap3A_2204] {strides = array<i32>} : memref<3200xi32, #tpu.memory_space<vmem>>, vector<16xi32>,
        tpu.vector_store %arg11[%swap3A_2204], %gather3A_2203 {strides = array<i32>} : memref<3200xi32, #tpu.memory_space<vmem>>, vector<16xi32>,
        %gather3A_2206 = tpu.vector_load_idx %arg8[%gather3A_2202] : memref<100000xi32, #tpu.memory_space<vmem>>[vector<16xi32>], vector<16xi32>,
        %swap3A_2207 = arith.constant 3120 : index
        %swap3A_2208 = tpu.vector_load %arg12[%swap3A_2207] {strides = array<i32>} : memref<3200xi32, #tpu.memory_space<vmem>>, vector<16xi32>,
        tpu.vector_store %arg12[%swap3A_2207], %gather3A_2206 {strides = array<i32>} : memref<3200xi32, #tpu.memory_space<vmem>>, vector<16xi32>,
        %add3A_2209 = arith.constant 3136 : i32
        %add3A_2210 = vector.broadcast %add3A_2209 : i32 to vector<16xi32>
        %add3A_2211 = arith.addi %iota3A, %add3A_2210 : vector<16xi32>
        %gather3A_2212 = tpu.vector_load_idx %arg9[%broadcast_in_dim3A_1, %add3A_2211] : memref<2x3200xi32, #tpu.memory_space<vmem>>[vector<16xi32>, vector<16xi32>], vector<16xi32>,
        %gather3A_2213 = tpu.vector_load_idx %arg9[%add3A_4, %add3A_2211] : memref<2x3200xi32, #tpu.memory_space<vmem>>[vector<16xi32>, vector<16xi32>], vector<16xi32>,
        %gather3A_2214 = tpu.vector_load_idx %arg8[%gather3A_2212] : memref<100000xi32, #tpu.memory_space<vmem>>[vector<16xi32>], vector<16xi32>,
        %swap3A_2215 = arith.constant 3136 : index
        %swap3A_2216 = tpu.vector_load %arg11[%swap3A_2215] {strides = array<i32>} : memref<3200xi32, #tpu.memory_space<vmem>>, vector<16xi32>,
        tpu.vector_store %arg11[%swap3A_2215], %gather3A_2214 {strides = array<i32>} : memref<3200xi32, #tpu.memory_space<vmem>>, vector<16xi32>,
        %gather3A_2217 = tpu.vector_load_idx %arg8[%gather3A_2213] : memref<100000xi32, #tpu.memory_space<vmem>>[vector<16xi32>], vector<16xi32>,
        %swap3A_2218 = arith.constant 3136 : index
        %swap3A_2219 = tpu.vector_load %arg12[%swap3A_2218] {strides = array<i32>} : memref<3200xi32, #tpu.memory_space<vmem>>, vector<16xi32>,
        tpu.vector_store %arg12[%swap3A_2218], %gather3A_2217 {strides = array<i32>} : memref<3200xi32, #tpu.memory_space<vmem>>, vector<16xi32>,
        %add3A_2220 = arith.constant 3152 : i32
        %add3A_2221 = vector.broadcast %add3A_2220 : i32 to vector<16xi32>
        %add3A_2222 = arith.addi %iota3A, %add3A_2221 : vector<16xi32>
        %gather3A_2223 = tpu.vector_load_idx %arg9[%broadcast_in_dim3A_1, %add3A_2222] : memref<2x3200xi32, #tpu.memory_space<vmem>>[vector<16xi32>, vector<16xi32>], vector<16xi32>,
        %gather3A_2224 = tpu.vector_load_idx %arg9[%add3A_4, %add3A_2222] : memref<2x3200xi32, #tpu.memory_space<vmem>>[vector<16xi32>, vector<16xi32>], vector<16xi32>,
        %gather3A_2225 = tpu.vector_load_idx %arg8[%gather3A_2223] : memref<100000xi32, #tpu.memory_space<vmem>>[vector<16xi32>], vector<16xi32>,
        %swap3A_2226 = arith.constant 3152 : index
        %swap3A_2227 = tpu.vector_load %arg11[%swap3A_2226] {strides = array<i32>} : memref<3200xi32, #tpu.memory_space<vmem>>, vector<16xi32>,
        tpu.vector_store %arg11[%swap3A_2226], %gather3A_2225 {strides = array<i32>} : memref<3200xi32, #tpu.memory_space<vmem>>, vector<16xi32>,
        %gather3A_2228 = tpu.vector_load_idx %arg8[%gather3A_2224] : memref<100000xi32, #tpu.memory_space<vmem>>[vector<16xi32>], vector<16xi32>,
        %swap3A_2229 = arith.constant 3152 : index
        %swap3A_2230 = tpu.vector_load %arg12[%swap3A_2229] {strides = array<i32>} : memref<3200xi32, #tpu.memory_space<vmem>>, vector<16xi32>,
        tpu.vector_store %arg12[%swap3A_2229], %gather3A_2228 {strides = array<i32>} : memref<3200xi32, #tpu.memory_space<vmem>>, vector<16xi32>,
        %add3A_2231 = arith.constant 3168 : i32
        %add3A_2232 = vector.broadcast %add3A_2231 : i32 to vector<16xi32>
        %add3A_2233 = arith.addi %iota3A, %add3A_2232 : vector<16xi32>
        %gather3A_2234 = tpu.vector_load_idx %arg9[%broadcast_in_dim3A_1, %add3A_2233] : memref<2x3200xi32, #tpu.memory_space<vmem>>[vector<16xi32>, vector<16xi32>], vector<16xi32>,
        %gather3A_2235 = tpu.vector_load_idx %arg9[%add3A_4, %add3A_2233] : memref<2x3200xi32, #tpu.memory_space<vmem>>[vector<16xi32>, vector<16xi32>], vector<16xi32>,
        %gather3A_2236 = tpu.vector_load_idx %arg8[%gather3A_2234] : memref<100000xi32, #tpu.memory_space<vmem>>[vector<16xi32>], vector<16xi32>,
        %swap3A_2237 = arith.constant 3168 : index
        %swap3A_2238 = tpu.vector_load %arg11[%swap3A_2237] {strides = array<i32>} : memref<3200xi32, #tpu.memory_space<vmem>>, vector<16xi32>,
        tpu.vector_store %arg11[%swap3A_2237], %gather3A_2236 {strides = array<i32>} : memref<3200xi32, #tpu.memory_space<vmem>>, vector<16xi32>,
        %gather3A_2239 = tpu.vector_load_idx %arg8[%gather3A_2235] : memref<100000xi32, #tpu.memory_space<vmem>>[vector<16xi32>], vector<16xi32>,
        %swap3A_2240 = arith.constant 3168 : index
        %swap3A_2241 = tpu.vector_load %arg12[%swap3A_2240] {strides = array<i32>} : memref<3200xi32, #tpu.memory_space<vmem>>, vector<16xi32>,
        tpu.vector_store %arg12[%swap3A_2240], %gather3A_2239 {strides = array<i32>} : memref<3200xi32, #tpu.memory_space<vmem>>, vector<16xi32>,
        %add3A_2242 = arith.constant 3184 : i32
        %add3A_2243 = vector.broadcast %add3A_2242 : i32 to vector<16xi32>
        %add3A_2244 = arith.addi %iota3A, %add3A_2243 : vector<16xi32>
        %gather3A_2245 = tpu.vector_load_idx %arg9[%broadcast_in_dim3A_1, %add3A_2244] : memref<2x3200xi32, #tpu.memory_space<vmem>>[vector<16xi32>, vector<16xi32>], vector<16xi32>,
        %gather3A_2246 = tpu.vector_load_idx %arg9[%add3A_4, %add3A_2244] : memref<2x3200xi32, #tpu.memory_space<vmem>>[vector<16xi32>, vector<16xi32>], vector<16xi32>,
        %gather3A_2247 = tpu.vector_load_idx %arg8[%gather3A_2245] : memref<100000xi32, #tpu.memory_space<vmem>>[vector<16xi32>], vector<16xi32>,
        %swap3A_2248 = arith.constant 3184 : index
        %swap3A_2249 = tpu.vector_load %arg11[%swap3A_2248] {strides = array<i32>} : memref<3200xi32, #tpu.memory_space<vmem>>, vector<16xi32>,
        tpu.vector_store %arg11[%swap3A_2248], %gather3A_2247 {strides = array<i32>} : memref<3200xi32, #tpu.memory_space<vmem>>, vector<16xi32>,
        %gather3A_2250 = tpu.vector_load_idx %arg8[%gather3A_2246] : memref<100000xi32, #tpu.memory_space<vmem>>[vector<16xi32>], vector<16xi32>,
        %swap3A_2251 = arith.constant 3184 : index
        %swap3A_2252 = tpu.vector_load %arg12[%swap3A_2251] {strides = array<i32>} : memref<3200xi32, #tpu.memory_space<vmem>>, vector<16xi32>,
        tpu.vector_store %arg12[%swap3A_2251], %gather3A_2250 {strides = array<i32>} : memref<3200xi32, #tpu.memory_space<vmem>>, vector<16xi32>,
        "tpu.region"() ({
          %run_scoped3A = tpu.sem_alloc : memref<!tpu.dma_semaphore, #tpu.memory_space<semaphore_mem>>
          %dma_start3A = tpu.memref_slice %arg5[%add3A_54] : memref<1600000xi32, #tpu.memory_space<hbm>> -> memref<3200xi32, #tpu.memory_space<hbm>>
          %dma_start3A_2253 = tpu.memref_slice %arg5[%add3A_54] : memref<1600000xi32, #tpu.memory_space<hbm>> -> memref<3200xi32, #tpu.memory_space<hbm>>
          tpu.enqueue_dma source(%arg11 : memref<3200xi32, #tpu.memory_space<vmem>>) target(%dma_start3A_2253 : memref<3200xi32, #tpu.memory_space<hbm>>) target_semaphore(%run_scoped3A : memref<!tpu.dma_semaphore, #tpu.memory_space<semaphore_mem>>)
          %dma_wait3A = tpu.memref_slice %arg5[%add3A_54] : memref<1600000xi32, #tpu.memory_space<hbm>> -> memref<3200xi32, #tpu.memory_space<hbm>>
          %dma_wait3A_2254 = tpu.memref_slice %arg5[%add3A_54] : memref<1600000xi32, #tpu.memory_space<hbm>> -> memref<3200xi32, #tpu.memory_space<hbm>>
          tpu.wait_dma2 semaphore(%run_scoped3A : memref<!tpu.dma_semaphore, #tpu.memory_space<semaphore_mem>>) src(%arg11 : memref<3200xi32, #tpu.memory_space<vmem>>) dst(%dma_wait3A_2254 : memref<3200xi32, #tpu.memory_space<hbm>>)
          tpu.yield
        }) : () -> ()
        "tpu.region"() ({
          %run_scoped3A = tpu.sem_alloc : memref<!tpu.dma_semaphore, #tpu.memory_space<semaphore_mem>>
          %dma_start3A = tpu.memref_slice %arg6[%add3A_54] : memref<1600000xi32, #tpu.memory_space<hbm>> -> memref<3200xi32, #tpu.memory_space<hbm>>
          %dma_start3A_2253 = tpu.memref_slice %arg6[%add3A_54] : memref<1600000xi32, #tpu.memory_space<hbm>> -> memref<3200xi32, #tpu.memory_space<hbm>>
          tpu.enqueue_dma source(%arg12 : memref<3200xi32, #tpu.memory_space<vmem>>) target(%dma_start3A_2253 : memref<3200xi32, #tpu.memory_space<hbm>>) target_semaphore(%run_scoped3A : memref<!tpu.dma_semaphore, #tpu.memory_space<semaphore_mem>>)
          %dma_wait3A = tpu.memref_slice %arg6[%add3A_54] : memref<1600000xi32, #tpu.memory_space<hbm>> -> memref<3200xi32, #tpu.memory_space<hbm>>
          %dma_wait3A_2254 = tpu.memref_slice %arg6[%add3A_54] : memref<1600000xi32, #tpu.memory_space<hbm>> -> memref<3200xi32, #tpu.memory_space<hbm>>
          tpu.wait_dma2 semaphore(%run_scoped3A : memref<!tpu.dma_semaphore, #tpu.memory_space<semaphore_mem>>) src(%arg12 : memref<3200xi32, #tpu.memory_space<vmem>>) dst(%dma_wait3A_2254 : memref<3200xi32, #tpu.memory_space<hbm>>)
          tpu.yield
        }) : () -> ()
        "tpu.region"() ({
          %run_scoped3A = tpu.sem_alloc : memref<!tpu.dma_semaphore, #tpu.memory_space<semaphore_mem>>
          %dma_start3A = tpu.memref_slice %arg7[%add3A_54] : memref<1600000xf32, #tpu.memory_space<hbm>> -> memref<3200xf32, #tpu.memory_space<hbm>>
          %dma_start3A_2253 = tpu.memref_slice %arg7[%add3A_54] : memref<1600000xf32, #tpu.memory_space<hbm>> -> memref<3200xf32, #tpu.memory_space<hbm>>
          tpu.enqueue_dma source(%arg10 : memref<3200xf32, #tpu.memory_space<vmem>>) target(%dma_start3A_2253 : memref<3200xf32, #tpu.memory_space<hbm>>) target_semaphore(%run_scoped3A : memref<!tpu.dma_semaphore, #tpu.memory_space<semaphore_mem>>)
          %dma_wait3A = tpu.memref_slice %arg7[%add3A_54] : memref<1600000xf32, #tpu.memory_space<hbm>> -> memref<3200xf32, #tpu.memory_space<hbm>>
          %dma_wait3A_2254 = tpu.memref_slice %arg7[%add3A_54] : memref<1600000xf32, #tpu.memory_space<hbm>> -> memref<3200xf32, #tpu.memory_space<hbm>>
          tpu.wait_dma2 semaphore(%run_scoped3A : memref<!tpu.dma_semaphore, #tpu.memory_space<semaphore_mem>>) src(%arg10 : memref<3200xf32, #tpu.memory_space<vmem>>) dst(%dma_wait3A_2254 : memref<3200xf32, #tpu.memory_space<hbm>>)
          tpu.yield
        }) : () -> ()
      } else {
      }
      %scan3A_49 = arith.constant 0 : i32
      scf.yield %scan3A_49 : i32
    }
    %scan3A_10 = arith.constant 16 : i32
    return
  }
}

module attributes {stable_mosaic.version = 14 : i64} {
  func.func @_tc_body(%arg0: i32, %arg1: memref<1x4x3200xf32, #tpu.memory_space<vmem>>, %arg2: memref<1x4x3200xi32, #tpu.memory_space<vmem>>, %arg3: memref<1x4x3200xi32, #tpu.memory_space<vmem>>, %arg4: memref<16x1xf32, #tpu.memory_space<vmem>>, %arg5: memref<96x32xbf16, #tpu.memory_space<vmem>>, %arg6: memref<16x32xbf16, #tpu.memory_space<vmem>>, %arg7: memref<32x1xf32, #tpu.memory_space<vmem>>, %arg8: memref<96x32xbf16, #tpu.memory_space<vmem>>, %arg9: memref<32x1xf32, #tpu.memory_space<vmem>>, %arg10: memref<12800x32xf32, #tpu.memory_space<vmem>>) attributes {dimension_semantics = [#tpu.dimension_semantics<arbitrary>], iteration_bounds = array<i64: 125>, scalar_prefetch = 0 : i64, scratch_operands = 0 : i64, tpu.core_type = #tpu.core_type<tc>, window_params = [{transform_indices = @transform_0, window_bounds = array<i64: 1, 4, 3200>}, {transform_indices = @transform_1, window_bounds = array<i64: 1, 4, 3200>}, {transform_indices = @transform_2, window_bounds = array<i64: 1, 4, 3200>}, {pipeline_mode = #tpu.pipeline_mode<synchronous>, transform_indices = @transform_3, window_bounds = array<i64: 16, 1>}, {pipeline_mode = #tpu.pipeline_mode<synchronous>, transform_indices = @transform_4, window_bounds = array<i64: 96, 32>}, {pipeline_mode = #tpu.pipeline_mode<synchronous>, transform_indices = @transform_5, window_bounds = array<i64: 16, 32>}, {pipeline_mode = #tpu.pipeline_mode<synchronous>, transform_indices = @transform_6, window_bounds = array<i64: 32, 1>}, {pipeline_mode = #tpu.pipeline_mode<synchronous>, transform_indices = @transform_7, window_bounds = array<i64: 96, 32>}, {pipeline_mode = #tpu.pipeline_mode<synchronous>, transform_indices = @transform_8, window_bounds = array<i64: 32, 1>}, {transform_indices = @transform_9, window_bounds = array<i64: 12800, 32>}]} {
    %get3A = arith.constant 0 : index
    %get3A_0 = arith.constant 0 : index
    %get3A_1 = vector.load %arg5[%get3A, %get3A_0] : memref<96x32xbf16, #tpu.memory_space<vmem>>, vector<96x32xbf16>
    %get3A_2 = arith.constant 0 : index
    %get3A_3 = arith.constant 0 : index
    %get3A_4 = vector.load %arg8[%get3A_2, %get3A_3] : memref<96x32xbf16, #tpu.memory_space<vmem>>, vector<32x32xbf16>
    %dot_general3A = arith.constant dense<0.000000e+00> : vector<96x32xf32>
    %dot_general3A_5 = tpu.matmul %get3A_1, %get3A_4, %dot_general3A {dimension_numbers = #tpu.dot_dimension_numbers<[1], [0], [0], [1], [0, 0, 1, 1], [], []>, transpose_lhs_hint = false} : vector<96x32xbf16>, vector<32x32xbf16>, vector<96x32xf32> -> vector<96x32xf32>
    %convert_element_type3A = arith.truncf %dot_general3A_5 : vector<96x32xf32> to vector<96x32xbf16>
    %get3A_6 = arith.constant 32 : index
    %get3A_7 = arith.constant 0 : index
    %get3A_8 = vector.load %arg8[%get3A_6, %get3A_7] : memref<96x32xbf16, #tpu.memory_space<vmem>>, vector<32x32xbf16>
    %dot_general3A_9 = arith.constant dense<0.000000e+00> : vector<96x32xf32>
    %dot_general3A_10 = tpu.matmul %get3A_1, %get3A_8, %dot_general3A_9 {dimension_numbers = #tpu.dot_dimension_numbers<[1], [0], [0], [1], [0, 0, 1, 1], [], []>, transpose_lhs_hint = false} : vector<96x32xbf16>, vector<32x32xbf16>, vector<96x32xf32> -> vector<96x32xf32>
    %convert_element_type3A_11 = arith.truncf %dot_general3A_10 : vector<96x32xf32> to vector<96x32xbf16>
    %iota3A = tpu.iota {dimensions = array<i32: 0>} : vector<96x3200xi32>
    %get3A_12 = arith.constant 0 : index
    %get3A_13 = arith.constant 0 : index
    %get3A_14 = arith.constant 0 : index
    %get3A_15 = vector.load %arg1[%get3A_12, %get3A_13, %get3A_14] : memref<1x4x3200xf32, #tpu.memory_space<vmem>>, vector<1x1x3200xf32>
    %get3A_16 = vector.shape_cast %get3A_15 : vector<1x1x3200xf32> to vector<1x3200xf32>
    %mul3A = arith.constant 2.000000e-01 : f32
    %mul3A_17 = vector.broadcast %mul3A : f32 to vector<1x3200xf32>
    %mul3A_18 = arith.mulf %get3A_16, %mul3A_17 : vector<1x3200xf32>
    %mul3A_19 = arith.mulf %mul3A_18, %mul3A_18 : vector<1x3200xf32>
    %mul3A_20 = arith.mulf %mul3A_19, %mul3A_19 : vector<1x3200xf32>
    %mul3A_21 = arith.mulf %mul3A_20, %mul3A_18 : vector<1x3200xf32>
    %div3A = arith.constant 1.000000e+00 : f32
    %div3A_22 = vector.broadcast %div3A : f32 to vector<1x3200xf32>
    %div3A_23 = arith.divf %div3A_22, %mul3A_18 : vector<1x3200xf32>
    %mul3A_24 = arith.constant -2.100000e+01 : f32
    %mul3A_25 = vector.broadcast %mul3A_24 : f32 to vector<1x3200xf32>
    %mul3A_26 = arith.mulf %mul3A_18, %mul3A_25 : vector<1x3200xf32>
    %add3A = arith.constant 4.800000e+01 : f32
    %add3A_27 = vector.broadcast %add3A : f32 to vector<1x3200xf32>
    %add3A_28 = arith.addf %add3A_27, %mul3A_26 : vector<1x3200xf32>
    %mul3A_29 = arith.mulf %mul3A_18, %add3A_28 : vector<1x3200xf32>
    %add3A_30 = arith.constant -2.800000e+01 : f32
    %add3A_31 = vector.broadcast %add3A_30 : f32 to vector<1x3200xf32>
    %add3A_32 = arith.addf %add3A_31, %mul3A_29 : vector<1x3200xf32>
    %mul3A_33 = arith.mulf %mul3A_21, %add3A_32 : vector<1x3200xf32>
    %add3A_34 = arith.addf %div3A_23, %mul3A_33 : vector<1x3200xf32>
    %lt3A = arith.constant 1.000000e+00 : f32
    %lt3A_35 = vector.broadcast %lt3A : f32 to vector<1x3200xf32>
    %lt3A_36 = arith.cmpf olt, %mul3A_18, %lt3A_35 : vector<1x3200xf32>
    %broadcast_in_dim3A = arith.constant 0.000000e+00 : f32
    %broadcast_in_dim3A_37 = vector.broadcast %broadcast_in_dim3A : f32 to vector<1x3200xf32>
    %select_n3A = arith.select %lt3A_36, %add3A_34, %broadcast_in_dim3A_37 : vector<1x3200xi1>, vector<1x3200xf32>
    %broadcast_in_dim3A_38 = vector.shape_cast %mul3A_18 : vector<1x3200xf32> to vector<1x3200xf32>
    %broadcast_in_dim3A_39 = vector.broadcast %broadcast_in_dim3A_38 : vector<1x3200xf32> to vector<16x3200xf32>
    %get3A_40 = arith.constant 0 : index
    %get3A_41 = arith.constant 0 : index
    %get3A_42 = vector.load %arg4[%get3A_40, %get3A_41] : memref<16x1xf32, #tpu.memory_space<vmem>>, vector<16x1xf32>
    %mul3A_43 = vector.broadcast %get3A_42 : vector<16x1xf32> to vector<16x3200xf32>
    %mul3A_44 = arith.mulf %broadcast_in_dim3A_39, %mul3A_43 : vector<16x3200xf32>
    %mul3A_45 = arith.constant 0.318309873 : f32
    %mul3A_46 = vector.broadcast %mul3A_45 : f32 to vector<16x3200xf32>
    %mul3A_47 = arith.mulf %mul3A_44, %mul3A_46 : vector<16x3200xf32>
    %add3A_48 = arith.constant 5.000000e-01 : f32
    %add3A_49 = vector.broadcast %add3A_48 : f32 to vector<16x3200xf32>
    %add3A_50 = arith.addf %mul3A_47, %add3A_49 : vector<16x3200xf32>
    %convert_element_type3A_51 = arith.fptosi %add3A_50 : vector<16x3200xf32> to vector<16x3200xi32>
    %convert_element_type3A_52 = arith.sitofp %convert_element_type3A_51 : vector<16x3200xi32> to vector<16x3200xf32>
    %mul3A_53 = arith.constant 3.14159274 : f32
    %mul3A_54 = vector.broadcast %mul3A_53 : f32 to vector<16x3200xf32>
    %mul3A_55 = arith.mulf %convert_element_type3A_52, %mul3A_54 : vector<16x3200xf32>
    %sub3A = arith.subf %mul3A_44, %mul3A_55 : vector<16x3200xf32>
    %mul3A_56 = arith.mulf %sub3A, %sub3A : vector<16x3200xf32>
    %mul3A_57 = arith.constant 0.00768981269 : f32
    %mul3A_58 = vector.broadcast %mul3A_57 : f32 to vector<16x3200xf32>
    %mul3A_59 = arith.mulf %mul3A_56, %mul3A_58 : vector<16x3200xf32>
    %add3A_60 = arith.constant -0.166143909 : f32
    %add3A_61 = vector.broadcast %add3A_60 : f32 to vector<16x3200xf32>
    %add3A_62 = arith.addf %add3A_61, %mul3A_59 : vector<16x3200xf32>
    %mul3A_63 = arith.mulf %mul3A_56, %add3A_62 : vector<16x3200xf32>
    %add3A_64 = arith.constant 0.999938964 : f32
    %add3A_65 = vector.broadcast %add3A_64 : f32 to vector<16x3200xf32>
    %add3A_66 = arith.addf %add3A_65, %mul3A_63 : vector<16x3200xf32>
    %mul3A_67 = arith.mulf %sub3A, %add3A_66 : vector<16x3200xf32>
    %and3A = arith.constant 1 : i32
    %and3A_68 = vector.broadcast %and3A : i32 to vector<16x3200xi32>
    %and3A_69 = arith.andi %convert_element_type3A_51, %and3A_68 : vector<16x3200xi32>
    %eq3A = arith.constant 0 : i32
    %eq3A_70 = vector.broadcast %eq3A : i32 to vector<16x3200xi32>
    %eq3A_71 = arith.cmpi eq, %and3A_69, %eq3A_70 : vector<16x3200xi32>
    %neg3A = arith.constant 0.000000e+00 : f32
    %neg3A_72 = vector.broadcast %neg3A : f32 to vector<16x3200xf32>
    %neg3A_73 = arith.subf %neg3A_72, %mul3A_67 : vector<16x3200xf32>
    %select_n3A_74 = arith.select %eq3A_71, %mul3A_67, %neg3A_73 : vector<16x3200xi1>, vector<16x3200xf32>
    %broadcast_in_dim3A_75 = vector.shape_cast %select_n3A : vector<1x3200xf32> to vector<1x3200xf32>
    %broadcast_in_dim3A_76 = vector.broadcast %broadcast_in_dim3A_75 : vector<1x3200xf32> to vector<16x3200xf32>
    %mul3A_77 = arith.mulf %broadcast_in_dim3A_76, %select_n3A_74 : vector<16x3200xf32>
    %convert_element_type3A_78 = arith.truncf %mul3A_77 : vector<16x3200xf32> to vector<16x3200xbf16>
    %get3A_79 = arith.constant 0 : index
    %get3A_80 = arith.constant 0 : index
    %get3A_81 = vector.load %arg6[%get3A_79, %get3A_80] : memref<16x32xbf16, #tpu.memory_space<vmem>>, vector<16x32xbf16>
    %dot_general3A_82 = arith.constant dense<0.000000e+00> : vector<32x3200xf32>
    %dot_general3A_83 = tpu.matmul %get3A_81, %convert_element_type3A_78, %dot_general3A_82 {dimension_numbers = #tpu.dot_dimension_numbers<[0], [0], [1], [1], [0, 1, 1, 1], [], []>, transpose_lhs_hint = false} : vector<16x32xbf16>, vector<16x3200xbf16>, vector<32x3200xf32> -> vector<32x3200xf32>
    %get3A_84 = arith.constant 0 : index
    %get3A_85 = arith.constant 0 : index
    %get3A_86 = vector.load %arg7[%get3A_84, %get3A_85] : memref<32x1xf32, #tpu.memory_space<vmem>>, vector<32x1xf32>
    %add3A_87 = vector.broadcast %get3A_86 : vector<32x1xf32> to vector<32x3200xf32>
    %add3A_88 = arith.addf %dot_general3A_83, %add3A_87 : vector<32x3200xf32>
    %mul3A_89 = arith.constant 5.000000e-01 : f32
    %mul3A_90 = vector.broadcast %mul3A_89 : f32 to vector<32x3200xf32>
    %mul3A_91 = arith.mulf %mul3A_90, %add3A_88 : vector<32x3200xf32>
    %mul3A_92 = arith.constant 5.000000e-01 : f32
    %mul3A_93 = vector.broadcast %mul3A_92 : f32 to vector<32x3200xf32>
    %mul3A_94 = arith.mulf %mul3A_93, %add3A_88 : vector<32x3200xf32>
    %tanh3A = math.tanh %mul3A_94 : vector<32x3200xf32>
    %add3A_95 = arith.constant 1.000000e+00 : f32
    %add3A_96 = vector.broadcast %add3A_95 : f32 to vector<32x3200xf32>
    %add3A_97 = arith.addf %add3A_96, %tanh3A : vector<32x3200xf32>
    %mul3A_98 = arith.mulf %mul3A_91, %add3A_97 : vector<32x3200xf32>
    %get3A_99 = arith.constant 0 : index
    %get3A_100 = arith.constant 0 : index
    %get3A_101 = arith.constant 0 : index
    %get3A_102 = vector.load %arg2[%get3A_99, %get3A_100, %get3A_101] : memref<1x4x3200xi32, #tpu.memory_space<vmem>>, vector<1x1x3200xi32>
    %get3A_103 = vector.shape_cast %get3A_102 : vector<1x1x3200xi32> to vector<1x3200xi32>
    %eq3A_104 = vector.broadcast %get3A_103 : vector<1x3200xi32> to vector<96x3200xi32>
    %eq3A_105 = arith.cmpi eq, %eq3A_104, %iota3A : vector<96x3200xi32>
    %convert_element_type3A_106 = arith.extui %eq3A_105 : vector<96x3200xi1> to vector<96x3200xi32>
    %convert_element_type3A_107 = arith.sitofp %convert_element_type3A_106 : vector<96x3200xi32> to vector<96x3200xf32>
    %convert_element_type3A_108 = arith.truncf %convert_element_type3A_107 : vector<96x3200xf32> to vector<96x3200xbf16>
    %get3A_109 = arith.constant 0 : index
    %get3A_110 = arith.constant 0 : index
    %get3A_111 = arith.constant 0 : index
    %get3A_112 = vector.load %arg3[%get3A_109, %get3A_110, %get3A_111] : memref<1x4x3200xi32, #tpu.memory_space<vmem>>, vector<1x1x3200xi32>
    %get3A_113 = vector.shape_cast %get3A_112 : vector<1x1x3200xi32> to vector<1x3200xi32>
    %eq3A_114 = vector.broadcast %get3A_113 : vector<1x3200xi32> to vector<96x3200xi32>
    %eq3A_115 = arith.cmpi eq, %eq3A_114, %iota3A : vector<96x3200xi32>
    %convert_element_type3A_116 = arith.extui %eq3A_115 : vector<96x3200xi1> to vector<96x3200xi32>
    %convert_element_type3A_117 = arith.sitofp %convert_element_type3A_116 : vector<96x3200xi32> to vector<96x3200xf32>
    %convert_element_type3A_118 = arith.truncf %convert_element_type3A_117 : vector<96x3200xf32> to vector<96x3200xbf16>
    %dot_general3A_119 = arith.constant dense<0.000000e+00> : vector<32x3200xf32>
    %dot_general3A_120 = tpu.matmul %convert_element_type3A, %convert_element_type3A_108, %dot_general3A_119 {dimension_numbers = #tpu.dot_dimension_numbers<[0], [0], [1], [1], [0, 1, 1, 1], [], []>, transpose_lhs_hint = false} : vector<96x32xbf16>, vector<96x3200xbf16>, vector<32x3200xf32> -> vector<32x3200xf32>
    %dot_general3A_121 = arith.constant dense<0.000000e+00> : vector<32x3200xf32>
    %dot_general3A_122 = tpu.matmul %convert_element_type3A_11, %convert_element_type3A_118, %dot_general3A_121 {dimension_numbers = #tpu.dot_dimension_numbers<[0], [0], [1], [1], [0, 1, 1, 1], [], []>, transpose_lhs_hint = false} : vector<96x32xbf16>, vector<96x3200xbf16>, vector<32x3200xf32> -> vector<32x3200xf32>
    %add3A_123 = arith.addf %dot_general3A_120, %dot_general3A_122 : vector<32x3200xf32>
    %get3A_124 = arith.constant 64 : index
    %get3A_125 = arith.constant 0 : index
    %get3A_126 = vector.load %arg8[%get3A_124, %get3A_125] : memref<96x32xbf16, #tpu.memory_space<vmem>>, vector<32x32xbf16>
    %convert_element_type3A_127 = arith.truncf %mul3A_98 : vector<32x3200xf32> to vector<32x3200xbf16>
    %dot_general3A_128 = arith.constant dense<0.000000e+00> : vector<32x3200xf32>
    %dot_general3A_129 = tpu.matmul %get3A_126, %convert_element_type3A_127, %dot_general3A_128 {dimension_numbers = #tpu.dot_dimension_numbers<[0], [0], [1], [1], [0, 1, 1, 1], [], []>, transpose_lhs_hint = false} : vector<32x32xbf16>, vector<32x3200xbf16>, vector<32x3200xf32> -> vector<32x3200xf32>
    %add3A_130 = arith.addf %add3A_123, %dot_general3A_129 : vector<32x3200xf32>
    %get3A_131 = arith.constant 0 : index
    %get3A_132 = arith.constant 0 : index
    %get3A_133 = vector.load %arg9[%get3A_131, %get3A_132] : memref<32x1xf32, #tpu.memory_space<vmem>>, vector<32x1xf32>
    %add3A_134 = vector.broadcast %get3A_133 : vector<32x1xf32> to vector<32x3200xf32>
    %add3A_135 = arith.addf %add3A_130, %add3A_134 : vector<32x3200xf32>
    %mul3A_136 = arith.constant 5.000000e-01 : f32
    %mul3A_137 = vector.broadcast %mul3A_136 : f32 to vector<32x3200xf32>
    %mul3A_138 = arith.mulf %mul3A_137, %add3A_135 : vector<32x3200xf32>
    %mul3A_139 = arith.constant 5.000000e-01 : f32
    %mul3A_140 = vector.broadcast %mul3A_139 : f32 to vector<32x3200xf32>
    %mul3A_141 = arith.mulf %mul3A_140, %add3A_135 : vector<32x3200xf32>
    %tanh3A_142 = math.tanh %mul3A_141 : vector<32x3200xf32>
    %add3A_143 = arith.constant 1.000000e+00 : f32
    %add3A_144 = vector.broadcast %add3A_143 : f32 to vector<32x3200xf32>
    %add3A_145 = arith.addf %add3A_144, %tanh3A_142 : vector<32x3200xf32>
    %mul3A_146 = arith.mulf %mul3A_138, %add3A_145 : vector<32x3200xf32>
    %get3A_147 = arith.constant 0 : index
    %get3A_148 = arith.constant 1 : index
    %get3A_149 = arith.constant 0 : index
    %get3A_150 = vector.load %arg1[%get3A_147, %get3A_148, %get3A_149] : memref<1x4x3200xf32, #tpu.memory_space<vmem>>, vector<1x1x3200xf32>
    %get3A_151 = vector.shape_cast %get3A_150 : vector<1x1x3200xf32> to vector<1x3200xf32>
    %mul3A_152 = arith.constant 2.000000e-01 : f32
    %mul3A_153 = vector.broadcast %mul3A_152 : f32 to vector<1x3200xf32>
    %mul3A_154 = arith.mulf %get3A_151, %mul3A_153 : vector<1x3200xf32>
    %mul3A_155 = arith.mulf %mul3A_154, %mul3A_154 : vector<1x3200xf32>
    %mul3A_156 = arith.mulf %mul3A_155, %mul3A_155 : vector<1x3200xf32>
    %mul3A_157 = arith.mulf %mul3A_156, %mul3A_154 : vector<1x3200xf32>
    %div3A_158 = arith.constant 1.000000e+00 : f32
    %div3A_159 = vector.broadcast %div3A_158 : f32 to vector<1x3200xf32>
    %div3A_160 = arith.divf %div3A_159, %mul3A_154 : vector<1x3200xf32>
    %mul3A_161 = arith.constant -2.100000e+01 : f32
    %mul3A_162 = vector.broadcast %mul3A_161 : f32 to vector<1x3200xf32>
    %mul3A_163 = arith.mulf %mul3A_154, %mul3A_162 : vector<1x3200xf32>
    %add3A_164 = arith.constant 4.800000e+01 : f32
    %add3A_165 = vector.broadcast %add3A_164 : f32 to vector<1x3200xf32>
    %add3A_166 = arith.addf %add3A_165, %mul3A_163 : vector<1x3200xf32>
    %mul3A_167 = arith.mulf %mul3A_154, %add3A_166 : vector<1x3200xf32>
    %add3A_168 = arith.constant -2.800000e+01 : f32
    %add3A_169 = vector.broadcast %add3A_168 : f32 to vector<1x3200xf32>
    %add3A_170 = arith.addf %add3A_169, %mul3A_167 : vector<1x3200xf32>
    %mul3A_171 = arith.mulf %mul3A_157, %add3A_170 : vector<1x3200xf32>
    %add3A_172 = arith.addf %div3A_160, %mul3A_171 : vector<1x3200xf32>
    %lt3A_173 = arith.constant 1.000000e+00 : f32
    %lt3A_174 = vector.broadcast %lt3A_173 : f32 to vector<1x3200xf32>
    %lt3A_175 = arith.cmpf olt, %mul3A_154, %lt3A_174 : vector<1x3200xf32>
    %broadcast_in_dim3A_176 = arith.constant 0.000000e+00 : f32
    %broadcast_in_dim3A_177 = vector.broadcast %broadcast_in_dim3A_176 : f32 to vector<1x3200xf32>
    %select_n3A_178 = arith.select %lt3A_175, %add3A_172, %broadcast_in_dim3A_177 : vector<1x3200xi1>, vector<1x3200xf32>
    %broadcast_in_dim3A_179 = vector.shape_cast %mul3A_154 : vector<1x3200xf32> to vector<1x3200xf32>
    %broadcast_in_dim3A_180 = vector.broadcast %broadcast_in_dim3A_179 : vector<1x3200xf32> to vector<16x3200xf32>
    %get3A_181 = arith.constant 0 : index
    %get3A_182 = arith.constant 0 : index
    %get3A_183 = vector.load %arg4[%get3A_181, %get3A_182] : memref<16x1xf32, #tpu.memory_space<vmem>>, vector<16x1xf32>
    %mul3A_184 = vector.broadcast %get3A_183 : vector<16x1xf32> to vector<16x3200xf32>
    %mul3A_185 = arith.mulf %broadcast_in_dim3A_180, %mul3A_184 : vector<16x3200xf32>
    %mul3A_186 = arith.constant 0.318309873 : f32
    %mul3A_187 = vector.broadcast %mul3A_186 : f32 to vector<16x3200xf32>
    %mul3A_188 = arith.mulf %mul3A_185, %mul3A_187 : vector<16x3200xf32>
    %add3A_189 = arith.constant 5.000000e-01 : f32
    %add3A_190 = vector.broadcast %add3A_189 : f32 to vector<16x3200xf32>
    %add3A_191 = arith.addf %mul3A_188, %add3A_190 : vector<16x3200xf32>
    %convert_element_type3A_192 = arith.fptosi %add3A_191 : vector<16x3200xf32> to vector<16x3200xi32>
    %convert_element_type3A_193 = arith.sitofp %convert_element_type3A_192 : vector<16x3200xi32> to vector<16x3200xf32>
    %mul3A_194 = arith.constant 3.14159274 : f32
    %mul3A_195 = vector.broadcast %mul3A_194 : f32 to vector<16x3200xf32>
    %mul3A_196 = arith.mulf %convert_element_type3A_193, %mul3A_195 : vector<16x3200xf32>
    %sub3A_197 = arith.subf %mul3A_185, %mul3A_196 : vector<16x3200xf32>
    %mul3A_198 = arith.mulf %sub3A_197, %sub3A_197 : vector<16x3200xf32>
    %mul3A_199 = arith.constant 0.00768981269 : f32
    %mul3A_200 = vector.broadcast %mul3A_199 : f32 to vector<16x3200xf32>
    %mul3A_201 = arith.mulf %mul3A_198, %mul3A_200 : vector<16x3200xf32>
    %add3A_202 = arith.constant -0.166143909 : f32
    %add3A_203 = vector.broadcast %add3A_202 : f32 to vector<16x3200xf32>
    %add3A_204 = arith.addf %add3A_203, %mul3A_201 : vector<16x3200xf32>
    %mul3A_205 = arith.mulf %mul3A_198, %add3A_204 : vector<16x3200xf32>
    %add3A_206 = arith.constant 0.999938964 : f32
    %add3A_207 = vector.broadcast %add3A_206 : f32 to vector<16x3200xf32>
    %add3A_208 = arith.addf %add3A_207, %mul3A_205 : vector<16x3200xf32>
    %mul3A_209 = arith.mulf %sub3A_197, %add3A_208 : vector<16x3200xf32>
    %and3A_210 = arith.constant 1 : i32
    %and3A_211 = vector.broadcast %and3A_210 : i32 to vector<16x3200xi32>
    %and3A_212 = arith.andi %convert_element_type3A_192, %and3A_211 : vector<16x3200xi32>
    %eq3A_213 = arith.constant 0 : i32
    %eq3A_214 = vector.broadcast %eq3A_213 : i32 to vector<16x3200xi32>
    %eq3A_215 = arith.cmpi eq, %and3A_212, %eq3A_214 : vector<16x3200xi32>
    %neg3A_216 = arith.constant 0.000000e+00 : f32
    %neg3A_217 = vector.broadcast %neg3A_216 : f32 to vector<16x3200xf32>
    %neg3A_218 = arith.subf %neg3A_217, %mul3A_209 : vector<16x3200xf32>
    %select_n3A_219 = arith.select %eq3A_215, %mul3A_209, %neg3A_218 : vector<16x3200xi1>, vector<16x3200xf32>
    %broadcast_in_dim3A_220 = vector.shape_cast %select_n3A_178 : vector<1x3200xf32> to vector<1x3200xf32>
    %broadcast_in_dim3A_221 = vector.broadcast %broadcast_in_dim3A_220 : vector<1x3200xf32> to vector<16x3200xf32>
    %mul3A_222 = arith.mulf %broadcast_in_dim3A_221, %select_n3A_219 : vector<16x3200xf32>
    %convert_element_type3A_223 = arith.truncf %mul3A_222 : vector<16x3200xf32> to vector<16x3200xbf16>
    %get3A_224 = arith.constant 0 : index
    %get3A_225 = arith.constant 0 : index
    %get3A_226 = vector.load %arg6[%get3A_224, %get3A_225] : memref<16x32xbf16, #tpu.memory_space<vmem>>, vector<16x32xbf16>
    %dot_general3A_227 = arith.constant dense<0.000000e+00> : vector<32x3200xf32>
    %dot_general3A_228 = tpu.matmul %get3A_226, %convert_element_type3A_223, %dot_general3A_227 {dimension_numbers = #tpu.dot_dimension_numbers<[0], [0], [1], [1], [0, 1, 1, 1], [], []>, transpose_lhs_hint = false} : vector<16x32xbf16>, vector<16x3200xbf16>, vector<32x3200xf32> -> vector<32x3200xf32>
    %get3A_229 = arith.constant 0 : index
    %get3A_230 = arith.constant 0 : index
    %get3A_231 = vector.load %arg7[%get3A_229, %get3A_230] : memref<32x1xf32, #tpu.memory_space<vmem>>, vector<32x1xf32>
    %add3A_232 = vector.broadcast %get3A_231 : vector<32x1xf32> to vector<32x3200xf32>
    %add3A_233 = arith.addf %dot_general3A_228, %add3A_232 : vector<32x3200xf32>
    %mul3A_234 = arith.constant 5.000000e-01 : f32
    %mul3A_235 = vector.broadcast %mul3A_234 : f32 to vector<32x3200xf32>
    %mul3A_236 = arith.mulf %mul3A_235, %add3A_233 : vector<32x3200xf32>
    %mul3A_237 = arith.constant 5.000000e-01 : f32
    %mul3A_238 = vector.broadcast %mul3A_237 : f32 to vector<32x3200xf32>
    %mul3A_239 = arith.mulf %mul3A_238, %add3A_233 : vector<32x3200xf32>
    %tanh3A_240 = math.tanh %mul3A_239 : vector<32x3200xf32>
    %add3A_241 = arith.constant 1.000000e+00 : f32
    %add3A_242 = vector.broadcast %add3A_241 : f32 to vector<32x3200xf32>
    %add3A_243 = arith.addf %add3A_242, %tanh3A_240 : vector<32x3200xf32>
    %mul3A_244 = arith.mulf %mul3A_236, %add3A_243 : vector<32x3200xf32>
    %get3A_245 = arith.constant 0 : index
    %get3A_246 = arith.constant 1 : index
    %get3A_247 = arith.constant 0 : index
    %get3A_248 = vector.load %arg2[%get3A_245, %get3A_246, %get3A_247] : memref<1x4x3200xi32, #tpu.memory_space<vmem>>, vector<1x1x3200xi32>
    %get3A_249 = vector.shape_cast %get3A_248 : vector<1x1x3200xi32> to vector<1x3200xi32>
    %eq3A_250 = vector.broadcast %get3A_249 : vector<1x3200xi32> to vector<96x3200xi32>
    %eq3A_251 = arith.cmpi eq, %eq3A_250, %iota3A : vector<96x3200xi32>
    %convert_element_type3A_252 = arith.extui %eq3A_251 : vector<96x3200xi1> to vector<96x3200xi32>
    %convert_element_type3A_253 = arith.sitofp %convert_element_type3A_252 : vector<96x3200xi32> to vector<96x3200xf32>
    %convert_element_type3A_254 = arith.truncf %convert_element_type3A_253 : vector<96x3200xf32> to vector<96x3200xbf16>
    %get3A_255 = arith.constant 0 : index
    %get3A_256 = arith.constant 1 : index
    %get3A_257 = arith.constant 0 : index
    %get3A_258 = vector.load %arg3[%get3A_255, %get3A_256, %get3A_257] : memref<1x4x3200xi32, #tpu.memory_space<vmem>>, vector<1x1x3200xi32>
    %get3A_259 = vector.shape_cast %get3A_258 : vector<1x1x3200xi32> to vector<1x3200xi32>
    %eq3A_260 = vector.broadcast %get3A_259 : vector<1x3200xi32> to vector<96x3200xi32>
    %eq3A_261 = arith.cmpi eq, %eq3A_260, %iota3A : vector<96x3200xi32>
    %convert_element_type3A_262 = arith.extui %eq3A_261 : vector<96x3200xi1> to vector<96x3200xi32>
    %convert_element_type3A_263 = arith.sitofp %convert_element_type3A_262 : vector<96x3200xi32> to vector<96x3200xf32>
    %convert_element_type3A_264 = arith.truncf %convert_element_type3A_263 : vector<96x3200xf32> to vector<96x3200xbf16>
    %dot_general3A_265 = arith.constant dense<0.000000e+00> : vector<32x3200xf32>
    %dot_general3A_266 = tpu.matmul %convert_element_type3A, %convert_element_type3A_254, %dot_general3A_265 {dimension_numbers = #tpu.dot_dimension_numbers<[0], [0], [1], [1], [0, 1, 1, 1], [], []>, transpose_lhs_hint = false} : vector<96x32xbf16>, vector<96x3200xbf16>, vector<32x3200xf32> -> vector<32x3200xf32>
    %dot_general3A_267 = arith.constant dense<0.000000e+00> : vector<32x3200xf32>
    %dot_general3A_268 = tpu.matmul %convert_element_type3A_11, %convert_element_type3A_264, %dot_general3A_267 {dimension_numbers = #tpu.dot_dimension_numbers<[0], [0], [1], [1], [0, 1, 1, 1], [], []>, transpose_lhs_hint = false} : vector<96x32xbf16>, vector<96x3200xbf16>, vector<32x3200xf32> -> vector<32x3200xf32>
    %add3A_269 = arith.addf %dot_general3A_266, %dot_general3A_268 : vector<32x3200xf32>
    %get3A_270 = arith.constant 64 : index
    %get3A_271 = arith.constant 0 : index
    %get3A_272 = vector.load %arg8[%get3A_270, %get3A_271] : memref<96x32xbf16, #tpu.memory_space<vmem>>, vector<32x32xbf16>
    %convert_element_type3A_273 = arith.truncf %mul3A_244 : vector<32x3200xf32> to vector<32x3200xbf16>
    %dot_general3A_274 = arith.constant dense<0.000000e+00> : vector<32x3200xf32>
    %dot_general3A_275 = tpu.matmul %get3A_272, %convert_element_type3A_273, %dot_general3A_274 {dimension_numbers = #tpu.dot_dimension_numbers<[0], [0], [1], [1], [0, 1, 1, 1], [], []>, transpose_lhs_hint = false} : vector<32x32xbf16>, vector<32x3200xbf16>, vector<32x3200xf32> -> vector<32x3200xf32>
    %add3A_276 = arith.addf %add3A_269, %dot_general3A_275 : vector<32x3200xf32>
    %get3A_277 = arith.constant 0 : index
    %get3A_278 = arith.constant 0 : index
    %get3A_279 = vector.load %arg9[%get3A_277, %get3A_278] : memref<32x1xf32, #tpu.memory_space<vmem>>, vector<32x1xf32>
    %add3A_280 = vector.broadcast %get3A_279 : vector<32x1xf32> to vector<32x3200xf32>
    %add3A_281 = arith.addf %add3A_276, %add3A_280 : vector<32x3200xf32>
    %mul3A_282 = arith.constant 5.000000e-01 : f32
    %mul3A_283 = vector.broadcast %mul3A_282 : f32 to vector<32x3200xf32>
    %mul3A_284 = arith.mulf %mul3A_283, %add3A_281 : vector<32x3200xf32>
    %mul3A_285 = arith.constant 5.000000e-01 : f32
    %mul3A_286 = vector.broadcast %mul3A_285 : f32 to vector<32x3200xf32>
    %mul3A_287 = arith.mulf %mul3A_286, %add3A_281 : vector<32x3200xf32>
    %tanh3A_288 = math.tanh %mul3A_287 : vector<32x3200xf32>
    %add3A_289 = arith.constant 1.000000e+00 : f32
    %add3A_290 = vector.broadcast %add3A_289 : f32 to vector<32x3200xf32>
    %add3A_291 = arith.addf %add3A_290, %tanh3A_288 : vector<32x3200xf32>
    %mul3A_292 = arith.mulf %mul3A_284, %add3A_291 : vector<32x3200xf32>
    %get3A_293 = arith.constant 0 : index
    %get3A_294 = arith.constant 2 : index
    %get3A_295 = arith.constant 0 : index
    %get3A_296 = vector.load %arg1[%get3A_293, %get3A_294, %get3A_295] : memref<1x4x3200xf32, #tpu.memory_space<vmem>>, vector<1x1x3200xf32>
    %get3A_297 = vector.shape_cast %get3A_296 : vector<1x1x3200xf32> to vector<1x3200xf32>
    %mul3A_298 = arith.constant 2.000000e-01 : f32
    %mul3A_299 = vector.broadcast %mul3A_298 : f32 to vector<1x3200xf32>
    %mul3A_300 = arith.mulf %get3A_297, %mul3A_299 : vector<1x3200xf32>
    %mul3A_301 = arith.mulf %mul3A_300, %mul3A_300 : vector<1x3200xf32>
    %mul3A_302 = arith.mulf %mul3A_301, %mul3A_301 : vector<1x3200xf32>
    %mul3A_303 = arith.mulf %mul3A_302, %mul3A_300 : vector<1x3200xf32>
    %div3A_304 = arith.constant 1.000000e+00 : f32
    %div3A_305 = vector.broadcast %div3A_304 : f32 to vector<1x3200xf32>
    %div3A_306 = arith.divf %div3A_305, %mul3A_300 : vector<1x3200xf32>
    %mul3A_307 = arith.constant -2.100000e+01 : f32
    %mul3A_308 = vector.broadcast %mul3A_307 : f32 to vector<1x3200xf32>
    %mul3A_309 = arith.mulf %mul3A_300, %mul3A_308 : vector<1x3200xf32>
    %add3A_310 = arith.constant 4.800000e+01 : f32
    %add3A_311 = vector.broadcast %add3A_310 : f32 to vector<1x3200xf32>
    %add3A_312 = arith.addf %add3A_311, %mul3A_309 : vector<1x3200xf32>
    %mul3A_313 = arith.mulf %mul3A_300, %add3A_312 : vector<1x3200xf32>
    %add3A_314 = arith.constant -2.800000e+01 : f32
    %add3A_315 = vector.broadcast %add3A_314 : f32 to vector<1x3200xf32>
    %add3A_316 = arith.addf %add3A_315, %mul3A_313 : vector<1x3200xf32>
    %mul3A_317 = arith.mulf %mul3A_303, %add3A_316 : vector<1x3200xf32>
    %add3A_318 = arith.addf %div3A_306, %mul3A_317 : vector<1x3200xf32>
    %lt3A_319 = arith.constant 1.000000e+00 : f32
    %lt3A_320 = vector.broadcast %lt3A_319 : f32 to vector<1x3200xf32>
    %lt3A_321 = arith.cmpf olt, %mul3A_300, %lt3A_320 : vector<1x3200xf32>
    %broadcast_in_dim3A_322 = arith.constant 0.000000e+00 : f32
    %broadcast_in_dim3A_323 = vector.broadcast %broadcast_in_dim3A_322 : f32 to vector<1x3200xf32>
    %select_n3A_324 = arith.select %lt3A_321, %add3A_318, %broadcast_in_dim3A_323 : vector<1x3200xi1>, vector<1x3200xf32>
    %broadcast_in_dim3A_325 = vector.shape_cast %mul3A_300 : vector<1x3200xf32> to vector<1x3200xf32>
    %broadcast_in_dim3A_326 = vector.broadcast %broadcast_in_dim3A_325 : vector<1x3200xf32> to vector<16x3200xf32>
    %get3A_327 = arith.constant 0 : index
    %get3A_328 = arith.constant 0 : index
    %get3A_329 = vector.load %arg4[%get3A_327, %get3A_328] : memref<16x1xf32, #tpu.memory_space<vmem>>, vector<16x1xf32>
    %mul3A_330 = vector.broadcast %get3A_329 : vector<16x1xf32> to vector<16x3200xf32>
    %mul3A_331 = arith.mulf %broadcast_in_dim3A_326, %mul3A_330 : vector<16x3200xf32>
    %mul3A_332 = arith.constant 0.318309873 : f32
    %mul3A_333 = vector.broadcast %mul3A_332 : f32 to vector<16x3200xf32>
    %mul3A_334 = arith.mulf %mul3A_331, %mul3A_333 : vector<16x3200xf32>
    %add3A_335 = arith.constant 5.000000e-01 : f32
    %add3A_336 = vector.broadcast %add3A_335 : f32 to vector<16x3200xf32>
    %add3A_337 = arith.addf %mul3A_334, %add3A_336 : vector<16x3200xf32>
    %convert_element_type3A_338 = arith.fptosi %add3A_337 : vector<16x3200xf32> to vector<16x3200xi32>
    %convert_element_type3A_339 = arith.sitofp %convert_element_type3A_338 : vector<16x3200xi32> to vector<16x3200xf32>
    %mul3A_340 = arith.constant 3.14159274 : f32
    %mul3A_341 = vector.broadcast %mul3A_340 : f32 to vector<16x3200xf32>
    %mul3A_342 = arith.mulf %convert_element_type3A_339, %mul3A_341 : vector<16x3200xf32>
    %sub3A_343 = arith.subf %mul3A_331, %mul3A_342 : vector<16x3200xf32>
    %mul3A_344 = arith.mulf %sub3A_343, %sub3A_343 : vector<16x3200xf32>
    %mul3A_345 = arith.constant 0.00768981269 : f32
    %mul3A_346 = vector.broadcast %mul3A_345 : f32 to vector<16x3200xf32>
    %mul3A_347 = arith.mulf %mul3A_344, %mul3A_346 : vector<16x3200xf32>
    %add3A_348 = arith.constant -0.166143909 : f32
    %add3A_349 = vector.broadcast %add3A_348 : f32 to vector<16x3200xf32>
    %add3A_350 = arith.addf %add3A_349, %mul3A_347 : vector<16x3200xf32>
    %mul3A_351 = arith.mulf %mul3A_344, %add3A_350 : vector<16x3200xf32>
    %add3A_352 = arith.constant 0.999938964 : f32
    %add3A_353 = vector.broadcast %add3A_352 : f32 to vector<16x3200xf32>
    %add3A_354 = arith.addf %add3A_353, %mul3A_351 : vector<16x3200xf32>
    %mul3A_355 = arith.mulf %sub3A_343, %add3A_354 : vector<16x3200xf32>
    %and3A_356 = arith.constant 1 : i32
    %and3A_357 = vector.broadcast %and3A_356 : i32 to vector<16x3200xi32>
    %and3A_358 = arith.andi %convert_element_type3A_338, %and3A_357 : vector<16x3200xi32>
    %eq3A_359 = arith.constant 0 : i32
    %eq3A_360 = vector.broadcast %eq3A_359 : i32 to vector<16x3200xi32>
    %eq3A_361 = arith.cmpi eq, %and3A_358, %eq3A_360 : vector<16x3200xi32>
    %neg3A_362 = arith.constant 0.000000e+00 : f32
    %neg3A_363 = vector.broadcast %neg3A_362 : f32 to vector<16x3200xf32>
    %neg3A_364 = arith.subf %neg3A_363, %mul3A_355 : vector<16x3200xf32>
    %select_n3A_365 = arith.select %eq3A_361, %mul3A_355, %neg3A_364 : vector<16x3200xi1>, vector<16x3200xf32>
    %broadcast_in_dim3A_366 = vector.shape_cast %select_n3A_324 : vector<1x3200xf32> to vector<1x3200xf32>
    %broadcast_in_dim3A_367 = vector.broadcast %broadcast_in_dim3A_366 : vector<1x3200xf32> to vector<16x3200xf32>
    %mul3A_368 = arith.mulf %broadcast_in_dim3A_367, %select_n3A_365 : vector<16x3200xf32>
    %convert_element_type3A_369 = arith.truncf %mul3A_368 : vector<16x3200xf32> to vector<16x3200xbf16>
    %get3A_370 = arith.constant 0 : index
    %get3A_371 = arith.constant 0 : index
    %get3A_372 = vector.load %arg6[%get3A_370, %get3A_371] : memref<16x32xbf16, #tpu.memory_space<vmem>>, vector<16x32xbf16>
    %dot_general3A_373 = arith.constant dense<0.000000e+00> : vector<32x3200xf32>
    %dot_general3A_374 = tpu.matmul %get3A_372, %convert_element_type3A_369, %dot_general3A_373 {dimension_numbers = #tpu.dot_dimension_numbers<[0], [0], [1], [1], [0, 1, 1, 1], [], []>, transpose_lhs_hint = false} : vector<16x32xbf16>, vector<16x3200xbf16>, vector<32x3200xf32> -> vector<32x3200xf32>
    %get3A_375 = arith.constant 0 : index
    %get3A_376 = arith.constant 0 : index
    %get3A_377 = vector.load %arg7[%get3A_375, %get3A_376] : memref<32x1xf32, #tpu.memory_space<vmem>>, vector<32x1xf32>
    %add3A_378 = vector.broadcast %get3A_377 : vector<32x1xf32> to vector<32x3200xf32>
    %add3A_379 = arith.addf %dot_general3A_374, %add3A_378 : vector<32x3200xf32>
    %mul3A_380 = arith.constant 5.000000e-01 : f32
    %mul3A_381 = vector.broadcast %mul3A_380 : f32 to vector<32x3200xf32>
    %mul3A_382 = arith.mulf %mul3A_381, %add3A_379 : vector<32x3200xf32>
    %mul3A_383 = arith.constant 5.000000e-01 : f32
    %mul3A_384 = vector.broadcast %mul3A_383 : f32 to vector<32x3200xf32>
    %mul3A_385 = arith.mulf %mul3A_384, %add3A_379 : vector<32x3200xf32>
    %tanh3A_386 = math.tanh %mul3A_385 : vector<32x3200xf32>
    %add3A_387 = arith.constant 1.000000e+00 : f32
    %add3A_388 = vector.broadcast %add3A_387 : f32 to vector<32x3200xf32>
    %add3A_389 = arith.addf %add3A_388, %tanh3A_386 : vector<32x3200xf32>
    %mul3A_390 = arith.mulf %mul3A_382, %add3A_389 : vector<32x3200xf32>
    %get3A_391 = arith.constant 0 : index
    %get3A_392 = arith.constant 2 : index
    %get3A_393 = arith.constant 0 : index
    %get3A_394 = vector.load %arg2[%get3A_391, %get3A_392, %get3A_393] : memref<1x4x3200xi32, #tpu.memory_space<vmem>>, vector<1x1x3200xi32>
    %get3A_395 = vector.shape_cast %get3A_394 : vector<1x1x3200xi32> to vector<1x3200xi32>
    %eq3A_396 = vector.broadcast %get3A_395 : vector<1x3200xi32> to vector<96x3200xi32>
    %eq3A_397 = arith.cmpi eq, %eq3A_396, %iota3A : vector<96x3200xi32>
    %convert_element_type3A_398 = arith.extui %eq3A_397 : vector<96x3200xi1> to vector<96x3200xi32>
    %convert_element_type3A_399 = arith.sitofp %convert_element_type3A_398 : vector<96x3200xi32> to vector<96x3200xf32>
    %convert_element_type3A_400 = arith.truncf %convert_element_type3A_399 : vector<96x3200xf32> to vector<96x3200xbf16>
    %get3A_401 = arith.constant 0 : index
    %get3A_402 = arith.constant 2 : index
    %get3A_403 = arith.constant 0 : index
    %get3A_404 = vector.load %arg3[%get3A_401, %get3A_402, %get3A_403] : memref<1x4x3200xi32, #tpu.memory_space<vmem>>, vector<1x1x3200xi32>
    %get3A_405 = vector.shape_cast %get3A_404 : vector<1x1x3200xi32> to vector<1x3200xi32>
    %eq3A_406 = vector.broadcast %get3A_405 : vector<1x3200xi32> to vector<96x3200xi32>
    %eq3A_407 = arith.cmpi eq, %eq3A_406, %iota3A : vector<96x3200xi32>
    %convert_element_type3A_408 = arith.extui %eq3A_407 : vector<96x3200xi1> to vector<96x3200xi32>
    %convert_element_type3A_409 = arith.sitofp %convert_element_type3A_408 : vector<96x3200xi32> to vector<96x3200xf32>
    %convert_element_type3A_410 = arith.truncf %convert_element_type3A_409 : vector<96x3200xf32> to vector<96x3200xbf16>
    %dot_general3A_411 = arith.constant dense<0.000000e+00> : vector<32x3200xf32>
    %dot_general3A_412 = tpu.matmul %convert_element_type3A, %convert_element_type3A_400, %dot_general3A_411 {dimension_numbers = #tpu.dot_dimension_numbers<[0], [0], [1], [1], [0, 1, 1, 1], [], []>, transpose_lhs_hint = false} : vector<96x32xbf16>, vector<96x3200xbf16>, vector<32x3200xf32> -> vector<32x3200xf32>
    %dot_general3A_413 = arith.constant dense<0.000000e+00> : vector<32x3200xf32>
    %dot_general3A_414 = tpu.matmul %convert_element_type3A_11, %convert_element_type3A_410, %dot_general3A_413 {dimension_numbers = #tpu.dot_dimension_numbers<[0], [0], [1], [1], [0, 1, 1, 1], [], []>, transpose_lhs_hint = false} : vector<96x32xbf16>, vector<96x3200xbf16>, vector<32x3200xf32> -> vector<32x3200xf32>
    %add3A_415 = arith.addf %dot_general3A_412, %dot_general3A_414 : vector<32x3200xf32>
    %get3A_416 = arith.constant 64 : index
    %get3A_417 = arith.constant 0 : index
    %get3A_418 = vector.load %arg8[%get3A_416, %get3A_417] : memref<96x32xbf16, #tpu.memory_space<vmem>>, vector<32x32xbf16>
    %convert_element_type3A_419 = arith.truncf %mul3A_390 : vector<32x3200xf32> to vector<32x3200xbf16>
    %dot_general3A_420 = arith.constant dense<0.000000e+00> : vector<32x3200xf32>
    %dot_general3A_421 = tpu.matmul %get3A_418, %convert_element_type3A_419, %dot_general3A_420 {dimension_numbers = #tpu.dot_dimension_numbers<[0], [0], [1], [1], [0, 1, 1, 1], [], []>, transpose_lhs_hint = false} : vector<32x32xbf16>, vector<32x3200xbf16>, vector<32x3200xf32> -> vector<32x3200xf32>
    %add3A_422 = arith.addf %add3A_415, %dot_general3A_421 : vector<32x3200xf32>
    %get3A_423 = arith.constant 0 : index
    %get3A_424 = arith.constant 0 : index
    %get3A_425 = vector.load %arg9[%get3A_423, %get3A_424] : memref<32x1xf32, #tpu.memory_space<vmem>>, vector<32x1xf32>
    %add3A_426 = vector.broadcast %get3A_425 : vector<32x1xf32> to vector<32x3200xf32>
    %add3A_427 = arith.addf %add3A_422, %add3A_426 : vector<32x3200xf32>
    %mul3A_428 = arith.constant 5.000000e-01 : f32
    %mul3A_429 = vector.broadcast %mul3A_428 : f32 to vector<32x3200xf32>
    %mul3A_430 = arith.mulf %mul3A_429, %add3A_427 : vector<32x3200xf32>
    %mul3A_431 = arith.constant 5.000000e-01 : f32
    %mul3A_432 = vector.broadcast %mul3A_431 : f32 to vector<32x3200xf32>
    %mul3A_433 = arith.mulf %mul3A_432, %add3A_427 : vector<32x3200xf32>
    %tanh3A_434 = math.tanh %mul3A_433 : vector<32x3200xf32>
    %add3A_435 = arith.constant 1.000000e+00 : f32
    %add3A_436 = vector.broadcast %add3A_435 : f32 to vector<32x3200xf32>
    %add3A_437 = arith.addf %add3A_436, %tanh3A_434 : vector<32x3200xf32>
    %mul3A_438 = arith.mulf %mul3A_430, %add3A_437 : vector<32x3200xf32>
    %get3A_439 = arith.constant 0 : index
    %get3A_440 = arith.constant 3 : index
    %get3A_441 = arith.constant 0 : index
    %get3A_442 = vector.load %arg1[%get3A_439, %get3A_440, %get3A_441] : memref<1x4x3200xf32, #tpu.memory_space<vmem>>, vector<1x1x3200xf32>
    %get3A_443 = vector.shape_cast %get3A_442 : vector<1x1x3200xf32> to vector<1x3200xf32>
    %mul3A_444 = arith.constant 2.000000e-01 : f32
    %mul3A_445 = vector.broadcast %mul3A_444 : f32 to vector<1x3200xf32>
    %mul3A_446 = arith.mulf %get3A_443, %mul3A_445 : vector<1x3200xf32>
    %mul3A_447 = arith.mulf %mul3A_446, %mul3A_446 : vector<1x3200xf32>
    %mul3A_448 = arith.mulf %mul3A_447, %mul3A_447 : vector<1x3200xf32>
    %mul3A_449 = arith.mulf %mul3A_448, %mul3A_446 : vector<1x3200xf32>
    %div3A_450 = arith.constant 1.000000e+00 : f32
    %div3A_451 = vector.broadcast %div3A_450 : f32 to vector<1x3200xf32>
    %div3A_452 = arith.divf %div3A_451, %mul3A_446 : vector<1x3200xf32>
    %mul3A_453 = arith.constant -2.100000e+01 : f32
    %mul3A_454 = vector.broadcast %mul3A_453 : f32 to vector<1x3200xf32>
    %mul3A_455 = arith.mulf %mul3A_446, %mul3A_454 : vector<1x3200xf32>
    %add3A_456 = arith.constant 4.800000e+01 : f32
    %add3A_457 = vector.broadcast %add3A_456 : f32 to vector<1x3200xf32>
    %add3A_458 = arith.addf %add3A_457, %mul3A_455 : vector<1x3200xf32>
    %mul3A_459 = arith.mulf %mul3A_446, %add3A_458 : vector<1x3200xf32>
    %add3A_460 = arith.constant -2.800000e+01 : f32
    %add3A_461 = vector.broadcast %add3A_460 : f32 to vector<1x3200xf32>
    %add3A_462 = arith.addf %add3A_461, %mul3A_459 : vector<1x3200xf32>
    %mul3A_463 = arith.mulf %mul3A_449, %add3A_462 : vector<1x3200xf32>
    %add3A_464 = arith.addf %div3A_452, %mul3A_463 : vector<1x3200xf32>
    %lt3A_465 = arith.constant 1.000000e+00 : f32
    %lt3A_466 = vector.broadcast %lt3A_465 : f32 to vector<1x3200xf32>
    %lt3A_467 = arith.cmpf olt, %mul3A_446, %lt3A_466 : vector<1x3200xf32>
    %broadcast_in_dim3A_468 = arith.constant 0.000000e+00 : f32
    %broadcast_in_dim3A_469 = vector.broadcast %broadcast_in_dim3A_468 : f32 to vector<1x3200xf32>
    %select_n3A_470 = arith.select %lt3A_467, %add3A_464, %broadcast_in_dim3A_469 : vector<1x3200xi1>, vector<1x3200xf32>
    %broadcast_in_dim3A_471 = vector.shape_cast %mul3A_446 : vector<1x3200xf32> to vector<1x3200xf32>
    %broadcast_in_dim3A_472 = vector.broadcast %broadcast_in_dim3A_471 : vector<1x3200xf32> to vector<16x3200xf32>
    %get3A_473 = arith.constant 0 : index
    %get3A_474 = arith.constant 0 : index
    %get3A_475 = vector.load %arg4[%get3A_473, %get3A_474] : memref<16x1xf32, #tpu.memory_space<vmem>>, vector<16x1xf32>
    %mul3A_476 = vector.broadcast %get3A_475 : vector<16x1xf32> to vector<16x3200xf32>
    %mul3A_477 = arith.mulf %broadcast_in_dim3A_472, %mul3A_476 : vector<16x3200xf32>
    %mul3A_478 = arith.constant 0.318309873 : f32
    %mul3A_479 = vector.broadcast %mul3A_478 : f32 to vector<16x3200xf32>
    %mul3A_480 = arith.mulf %mul3A_477, %mul3A_479 : vector<16x3200xf32>
    %add3A_481 = arith.constant 5.000000e-01 : f32
    %add3A_482 = vector.broadcast %add3A_481 : f32 to vector<16x3200xf32>
    %add3A_483 = arith.addf %mul3A_480, %add3A_482 : vector<16x3200xf32>
    %convert_element_type3A_484 = arith.fptosi %add3A_483 : vector<16x3200xf32> to vector<16x3200xi32>
    %convert_element_type3A_485 = arith.sitofp %convert_element_type3A_484 : vector<16x3200xi32> to vector<16x3200xf32>
    %mul3A_486 = arith.constant 3.14159274 : f32
    %mul3A_487 = vector.broadcast %mul3A_486 : f32 to vector<16x3200xf32>
    %mul3A_488 = arith.mulf %convert_element_type3A_485, %mul3A_487 : vector<16x3200xf32>
    %sub3A_489 = arith.subf %mul3A_477, %mul3A_488 : vector<16x3200xf32>
    %mul3A_490 = arith.mulf %sub3A_489, %sub3A_489 : vector<16x3200xf32>
    %mul3A_491 = arith.constant 0.00768981269 : f32
    %mul3A_492 = vector.broadcast %mul3A_491 : f32 to vector<16x3200xf32>
    %mul3A_493 = arith.mulf %mul3A_490, %mul3A_492 : vector<16x3200xf32>
    %add3A_494 = arith.constant -0.166143909 : f32
    %add3A_495 = vector.broadcast %add3A_494 : f32 to vector<16x3200xf32>
    %add3A_496 = arith.addf %add3A_495, %mul3A_493 : vector<16x3200xf32>
    %mul3A_497 = arith.mulf %mul3A_490, %add3A_496 : vector<16x3200xf32>
    %add3A_498 = arith.constant 0.999938964 : f32
    %add3A_499 = vector.broadcast %add3A_498 : f32 to vector<16x3200xf32>
    %add3A_500 = arith.addf %add3A_499, %mul3A_497 : vector<16x3200xf32>
    %mul3A_501 = arith.mulf %sub3A_489, %add3A_500 : vector<16x3200xf32>
    %and3A_502 = arith.constant 1 : i32
    %and3A_503 = vector.broadcast %and3A_502 : i32 to vector<16x3200xi32>
    %and3A_504 = arith.andi %convert_element_type3A_484, %and3A_503 : vector<16x3200xi32>
    %eq3A_505 = arith.constant 0 : i32
    %eq3A_506 = vector.broadcast %eq3A_505 : i32 to vector<16x3200xi32>
    %eq3A_507 = arith.cmpi eq, %and3A_504, %eq3A_506 : vector<16x3200xi32>
    %neg3A_508 = arith.constant 0.000000e+00 : f32
    %neg3A_509 = vector.broadcast %neg3A_508 : f32 to vector<16x3200xf32>
    %neg3A_510 = arith.subf %neg3A_509, %mul3A_501 : vector<16x3200xf32>
    %select_n3A_511 = arith.select %eq3A_507, %mul3A_501, %neg3A_510 : vector<16x3200xi1>, vector<16x3200xf32>
    %broadcast_in_dim3A_512 = vector.shape_cast %select_n3A_470 : vector<1x3200xf32> to vector<1x3200xf32>
    %broadcast_in_dim3A_513 = vector.broadcast %broadcast_in_dim3A_512 : vector<1x3200xf32> to vector<16x3200xf32>
    %mul3A_514 = arith.mulf %broadcast_in_dim3A_513, %select_n3A_511 : vector<16x3200xf32>
    %convert_element_type3A_515 = arith.truncf %mul3A_514 : vector<16x3200xf32> to vector<16x3200xbf16>
    %get3A_516 = arith.constant 0 : index
    %get3A_517 = arith.constant 0 : index
    %get3A_518 = vector.load %arg6[%get3A_516, %get3A_517] : memref<16x32xbf16, #tpu.memory_space<vmem>>, vector<16x32xbf16>
    %dot_general3A_519 = arith.constant dense<0.000000e+00> : vector<32x3200xf32>
    %dot_general3A_520 = tpu.matmul %get3A_518, %convert_element_type3A_515, %dot_general3A_519 {dimension_numbers = #tpu.dot_dimension_numbers<[0], [0], [1], [1], [0, 1, 1, 1], [], []>, transpose_lhs_hint = false} : vector<16x32xbf16>, vector<16x3200xbf16>, vector<32x3200xf32> -> vector<32x3200xf32>
    %get3A_521 = arith.constant 0 : index
    %get3A_522 = arith.constant 0 : index
    %get3A_523 = vector.load %arg7[%get3A_521, %get3A_522] : memref<32x1xf32, #tpu.memory_space<vmem>>, vector<32x1xf32>
    %add3A_524 = vector.broadcast %get3A_523 : vector<32x1xf32> to vector<32x3200xf32>
    %add3A_525 = arith.addf %dot_general3A_520, %add3A_524 : vector<32x3200xf32>
    %mul3A_526 = arith.constant 5.000000e-01 : f32
    %mul3A_527 = vector.broadcast %mul3A_526 : f32 to vector<32x3200xf32>
    %mul3A_528 = arith.mulf %mul3A_527, %add3A_525 : vector<32x3200xf32>
    %mul3A_529 = arith.constant 5.000000e-01 : f32
    %mul3A_530 = vector.broadcast %mul3A_529 : f32 to vector<32x3200xf32>
    %mul3A_531 = arith.mulf %mul3A_530, %add3A_525 : vector<32x3200xf32>
    %tanh3A_532 = math.tanh %mul3A_531 : vector<32x3200xf32>
    %add3A_533 = arith.constant 1.000000e+00 : f32
    %add3A_534 = vector.broadcast %add3A_533 : f32 to vector<32x3200xf32>
    %add3A_535 = arith.addf %add3A_534, %tanh3A_532 : vector<32x3200xf32>
    %mul3A_536 = arith.mulf %mul3A_528, %add3A_535 : vector<32x3200xf32>
    %get3A_537 = arith.constant 0 : index
    %get3A_538 = arith.constant 3 : index
    %get3A_539 = arith.constant 0 : index
    %get3A_540 = vector.load %arg2[%get3A_537, %get3A_538, %get3A_539] : memref<1x4x3200xi32, #tpu.memory_space<vmem>>, vector<1x1x3200xi32>
    %get3A_541 = vector.shape_cast %get3A_540 : vector<1x1x3200xi32> to vector<1x3200xi32>
    %eq3A_542 = vector.broadcast %get3A_541 : vector<1x3200xi32> to vector<96x3200xi32>
    %eq3A_543 = arith.cmpi eq, %eq3A_542, %iota3A : vector<96x3200xi32>
    %convert_element_type3A_544 = arith.extui %eq3A_543 : vector<96x3200xi1> to vector<96x3200xi32>
    %convert_element_type3A_545 = arith.sitofp %convert_element_type3A_544 : vector<96x3200xi32> to vector<96x3200xf32>
    %convert_element_type3A_546 = arith.truncf %convert_element_type3A_545 : vector<96x3200xf32> to vector<96x3200xbf16>
    %get3A_547 = arith.constant 0 : index
    %get3A_548 = arith.constant 3 : index
    %get3A_549 = arith.constant 0 : index
    %get3A_550 = vector.load %arg3[%get3A_547, %get3A_548, %get3A_549] : memref<1x4x3200xi32, #tpu.memory_space<vmem>>, vector<1x1x3200xi32>
    %get3A_551 = vector.shape_cast %get3A_550 : vector<1x1x3200xi32> to vector<1x3200xi32>
    %eq3A_552 = vector.broadcast %get3A_551 : vector<1x3200xi32> to vector<96x3200xi32>
    %eq3A_553 = arith.cmpi eq, %eq3A_552, %iota3A : vector<96x3200xi32>
    %convert_element_type3A_554 = arith.extui %eq3A_553 : vector<96x3200xi1> to vector<96x3200xi32>
    %convert_element_type3A_555 = arith.sitofp %convert_element_type3A_554 : vector<96x3200xi32> to vector<96x3200xf32>
    %convert_element_type3A_556 = arith.truncf %convert_element_type3A_555 : vector<96x3200xf32> to vector<96x3200xbf16>
    %dot_general3A_557 = arith.constant dense<0.000000e+00> : vector<32x3200xf32>
    %dot_general3A_558 = tpu.matmul %convert_element_type3A, %convert_element_type3A_546, %dot_general3A_557 {dimension_numbers = #tpu.dot_dimension_numbers<[0], [0], [1], [1], [0, 1, 1, 1], [], []>, transpose_lhs_hint = false} : vector<96x32xbf16>, vector<96x3200xbf16>, vector<32x3200xf32> -> vector<32x3200xf32>
    %dot_general3A_559 = arith.constant dense<0.000000e+00> : vector<32x3200xf32>
    %dot_general3A_560 = tpu.matmul %convert_element_type3A_11, %convert_element_type3A_556, %dot_general3A_559 {dimension_numbers = #tpu.dot_dimension_numbers<[0], [0], [1], [1], [0, 1, 1, 1], [], []>, transpose_lhs_hint = false} : vector<96x32xbf16>, vector<96x3200xbf16>, vector<32x3200xf32> -> vector<32x3200xf32>
    %add3A_561 = arith.addf %dot_general3A_558, %dot_general3A_560 : vector<32x3200xf32>
    %get3A_562 = arith.constant 64 : index
    %get3A_563 = arith.constant 0 : index
    %get3A_564 = vector.load %arg8[%get3A_562, %get3A_563] : memref<96x32xbf16, #tpu.memory_space<vmem>>, vector<32x32xbf16>
    %convert_element_type3A_565 = arith.truncf %mul3A_536 : vector<32x3200xf32> to vector<32x3200xbf16>
    %dot_general3A_566 = arith.constant dense<0.000000e+00> : vector<32x3200xf32>
    %dot_general3A_567 = tpu.matmul %get3A_564, %convert_element_type3A_565, %dot_general3A_566 {dimension_numbers = #tpu.dot_dimension_numbers<[0], [0], [1], [1], [0, 1, 1, 1], [], []>, transpose_lhs_hint = false} : vector<32x32xbf16>, vector<32x3200xbf16>, vector<32x3200xf32> -> vector<32x3200xf32>
    %add3A_568 = arith.addf %add3A_561, %dot_general3A_567 : vector<32x3200xf32>
    %get3A_569 = arith.constant 0 : index
    %get3A_570 = arith.constant 0 : index
    %get3A_571 = vector.load %arg9[%get3A_569, %get3A_570] : memref<32x1xf32, #tpu.memory_space<vmem>>, vector<32x1xf32>
    %add3A_572 = vector.broadcast %get3A_571 : vector<32x1xf32> to vector<32x3200xf32>
    %add3A_573 = arith.addf %add3A_568, %add3A_572 : vector<32x3200xf32>
    %mul3A_574 = arith.constant 5.000000e-01 : f32
    %mul3A_575 = vector.broadcast %mul3A_574 : f32 to vector<32x3200xf32>
    %mul3A_576 = arith.mulf %mul3A_575, %add3A_573 : vector<32x3200xf32>
    %mul3A_577 = arith.constant 5.000000e-01 : f32
    %mul3A_578 = vector.broadcast %mul3A_577 : f32 to vector<32x3200xf32>
    %mul3A_579 = arith.mulf %mul3A_578, %add3A_573 : vector<32x3200xf32>
    %tanh3A_580 = math.tanh %mul3A_579 : vector<32x3200xf32>
    %add3A_581 = arith.constant 1.000000e+00 : f32
    %add3A_582 = vector.broadcast %add3A_581 : f32 to vector<32x3200xf32>
    %add3A_583 = arith.addf %add3A_582, %tanh3A_580 : vector<32x3200xf32>
    %mul3A_584 = arith.mulf %mul3A_576, %add3A_583 : vector<32x3200xf32>
    %transpose3A = tpu.transpose %mul3A_146, [1, 0] : vector<32x3200xf32> -> vector<3200x32xf32>
    %swap3A = arith.constant 0 : index
    %swap3A_585 = arith.constant 0 : index
    %swap3A_586 = vector.load %arg10[%swap3A, %swap3A_585] : memref<12800x32xf32, #tpu.memory_space<vmem>>, vector<3200x32xf32>
    tpu.vector_store %arg10[%swap3A, %swap3A_585], %transpose3A {strides = array<i32>} : memref<12800x32xf32, #tpu.memory_space<vmem>>, vector<3200x32xf32>,
    %transpose3A_587 = tpu.transpose %mul3A_292, [1, 0] : vector<32x3200xf32> -> vector<3200x32xf32>
    %swap3A_588 = arith.constant 3200 : index
    %swap3A_589 = arith.constant 0 : index
    %swap3A_590 = vector.load %arg10[%swap3A_588, %swap3A_589] : memref<12800x32xf32, #tpu.memory_space<vmem>>, vector<3200x32xf32>
    tpu.vector_store %arg10[%swap3A_588, %swap3A_589], %transpose3A_587 {strides = array<i32>} : memref<12800x32xf32, #tpu.memory_space<vmem>>, vector<3200x32xf32>,
    %transpose3A_591 = tpu.transpose %mul3A_438, [1, 0] : vector<32x3200xf32> -> vector<3200x32xf32>
    %swap3A_592 = arith.constant 6400 : index
    %swap3A_593 = arith.constant 0 : index
    %swap3A_594 = vector.load %arg10[%swap3A_592, %swap3A_593] : memref<12800x32xf32, #tpu.memory_space<vmem>>, vector<3200x32xf32>
    tpu.vector_store %arg10[%swap3A_592, %swap3A_593], %transpose3A_591 {strides = array<i32>} : memref<12800x32xf32, #tpu.memory_space<vmem>>, vector<3200x32xf32>,
    %transpose3A_595 = tpu.transpose %mul3A_584, [1, 0] : vector<32x3200xf32> -> vector<3200x32xf32>
    %swap3A_596 = arith.constant 9600 : index
    %swap3A_597 = arith.constant 0 : index
    %swap3A_598 = vector.load %arg10[%swap3A_596, %swap3A_597] : memref<12800x32xf32, #tpu.memory_space<vmem>>, vector<3200x32xf32>
    tpu.vector_store %arg10[%swap3A_596, %swap3A_597], %transpose3A_595 {strides = array<i32>} : memref<12800x32xf32, #tpu.memory_space<vmem>>, vector<3200x32xf32>,
    return
  }
  func.func @transform_0(%arg0: i32) -> (i32, i32, i32) {
    %c0_i32 = arith.constant 0 : i32
    %c0_i32_0 = arith.constant 0 : i32
    %c0_i32_1 = arith.constant 0 : i32
    return %arg0, %c0_i32, %c0_i32_0 : i32, i32, i32
  }
  func.func @transform_1(%arg0: i32) -> (i32, i32, i32) {
    %c0_i32 = arith.constant 0 : i32
    %c0_i32_0 = arith.constant 0 : i32
    %c0_i32_1 = arith.constant 0 : i32
    return %arg0, %c0_i32, %c0_i32_0 : i32, i32, i32
  }
  func.func @transform_2(%arg0: i32) -> (i32, i32, i32) {
    %c0_i32 = arith.constant 0 : i32
    %c0_i32_0 = arith.constant 0 : i32
    %c0_i32_1 = arith.constant 0 : i32
    return %arg0, %c0_i32, %c0_i32_0 : i32, i32, i32
  }
  func.func @transform_3(%arg0: i32) -> (i32, i32) {
    %c0_i32 = arith.constant 0 : i32
    %c0_i32_0 = arith.constant 0 : i32
    %c0_i32_1 = arith.constant 0 : i32
    return %c0_i32, %c0_i32_0 : i32, i32
  }
  func.func @transform_4(%arg0: i32) -> (i32, i32) {
    %c0_i32 = arith.constant 0 : i32
    %c0_i32_0 = arith.constant 0 : i32
    %c0_i32_1 = arith.constant 0 : i32
    return %c0_i32, %c0_i32_0 : i32, i32
  }
  func.func @transform_5(%arg0: i32) -> (i32, i32) {
    %c0_i32 = arith.constant 0 : i32
    %c0_i32_0 = arith.constant 0 : i32
    %c0_i32_1 = arith.constant 0 : i32
    return %c0_i32, %c0_i32_0 : i32, i32
  }
  func.func @transform_6(%arg0: i32) -> (i32, i32) {
    %c0_i32 = arith.constant 0 : i32
    %c0_i32_0 = arith.constant 0 : i32
    %c0_i32_1 = arith.constant 0 : i32
    return %c0_i32, %c0_i32_0 : i32, i32
  }
  func.func @transform_7(%arg0: i32) -> (i32, i32) {
    %c0_i32 = arith.constant 0 : i32
    %c0_i32_0 = arith.constant 0 : i32
    %c0_i32_1 = arith.constant 0 : i32
    return %c0_i32, %c0_i32_0 : i32, i32
  }
  func.func @transform_8(%arg0: i32) -> (i32, i32) {
    %c0_i32 = arith.constant 0 : i32
    %c0_i32_0 = arith.constant 0 : i32
    %c0_i32_1 = arith.constant 0 : i32
    return %c0_i32, %c0_i32_0 : i32, i32
  }
  func.func @transform_9(%arg0: i32) -> (i32, i32) {
    %c0_i32 = arith.constant 0 : i32
    %c0_i32_0 = arith.constant 0 : i32
    return %arg0, %c0_i32 : i32, i32
  }
}

</mosaic_0001>

<sc_bundles>
// kernel: kernel.4.cloned.1.call-start
scs
__scs_entry_jumppad:
0x0: {  	(pc) =	sbr.rel $0x88, $3  }
0x1: {  	(tag) =	ssettag $0x0;
	lr =	simm.s32 $0x1  }
0x2: {  	[smem:$0x3F98] =	sst lr;
	_ =	strace $0xD0000000  }
0x3: {  	_ = 	snop  }
0x4: {  	_ = 	snop  }
0x5: {  	_ = 	snop  }
0x6: {  	_ = 	snop  }
0x7: {  	_ = 	snop  }
__scs_overlays_trampoline_lowered:
0x8: {  	[smem:$0x3FA7] =	sst s0  }
0x9: {  	[smem:$0x3FA8] =	sst s1  }
0xa: {  	[smem:$0x3FA9] =	sst s2  }
0xb: {  	[smem:$0x3FAA] =	sst s3  }
0xc: {  	[smem:$0x3FAB] =	sst s4  }
0xd: {  	[smem:$0x3FAC] =	sst s5  }
0xe: {  	[smem:$0x3FAD] =	sst s6  }
0xf: {  	[smem:$0x3FAE] =	sst s7  }
0x10: {  	[smem:$0x3FAF] =	sst s8  }
0x11: {  	[smem:$0x3FB0] =	sst s9;
	s0 =	simm.s32 @!p0 $0x0  }
0x12: {  	s1 =	sld [smem:$0x3F96];
	s0 =	simm.s32 @p0 $0x1  }
0x13: {  	[smem:$0x3FB1] =	sst s0;
	s0 =	simm.s32 @!p1 $0x0  }
0x14: {  	s2 =	sld [smem:$0x3F95];
	s0 =	simm.s32 @p1 $0x1  }
0x15: {  	[smem:$0x3FB2] =	sst s0;
	s0 =	simm.s32 @!p2 $0x0  }
0x16: {  	s3 =	sld [smem:$0x3FDB];
	s0 =	simm.s32 @p2 $0x1  }
0x17: {  	s4 =	simm.s32 $0x1BF5;
	[smem:$0x3FB4] =	sst s0  }
0x18: {  	s0 =	sld [smem:$0x3F97];
	_ =	swait.ge [sflag:s4], $0x0  }
0x19: {  	s7 =	sld [smem:$0x3F98]  }
0x1a: {  	s8 =	sadd.s32 $0xFFFFE003, lr  }
0x1b: {  	s9 =	sadd.s32 $0xFFFFFEF7, lr;
	s5 =	simm.s32 $0xFFFFFFFF;
	p2 =	slt.u32 s8, $0xFFFFF086  }
0x1c: {  	p1 =	slt.u32 s9, $0xF7A;
	s5 =	simm.s32 @!p2 $0x0  }
0x1d: {  	s5 =	simm.s32 @p1 $0x1;
	p0 =	seq.s32 s7, s2  }
0x1e: {  	s7 =	smul.u32 @!p0 $0xF7A, s2;
	p2 =	seq.s32 @!p0 s5, $0x0  }
0x1f: {  	s9 =	smul.u32 $0xF7A, s1;
	s8 =	simm.s32 @!p0 $0x1BF5;
	p2 =	por !p2, p0  }
0x20: {  	[sflag:s8] =	ssyncset.s32 @!p0 $0xFFFFF086;
	s6 =	sadd.s32 @!p0 s3, s7;
	s7 =	simm.s32 @!p0 $0x108  }
0x21: {  	s3 =	sadd.s32 s3, s9;
	s6 =	sadd.s32 @!p0 $0x88, s6;
	s7 =	simm.s32 @p2 $0x1082  }
0x22: {  	[simem:s7], [sflag:s8] =	dma.local @!p0 [hbm:s6], $0xF7A  }
0x23: {  	s9 =	sor.u32 $0xD0000000, s2;
	s6 =	simm.s32 $0x108;
	_ =	swait.ge @!p0 [sflag:s8], $0x0  }
0x24: {  	s3 =	sadd.s32 $0x88, s3;
	s6 =	simm.s32 @!p1 $0x1082;
	[sflag:s4] =	ssyncset.s32 $0xFFFFF086  }
0x25: {  	[simem:s6], [sflag:s4] =	dma.local [hbm:s3], $0xF7A  }
0x26: {  	[smem:$0x3F98] =	sst s1;
	(tag) =	ssettag s2;
	_ =	strace s9  }
0x27: {  	s1 =	sld [smem:$0x3FA8]  }
0x28: {  	s2 =	sld [smem:$0x3FA9]  }
0x29: {  	s4 =	sld [smem:$0x3FAB]  }
0x2a: {  	p0 =	seq.s32 s5, $0x0;
	s5 =	sld [smem:$0x3FAC]  }
0x2b: {  	s6 =	sld [smem:$0x3FAD]  }
0x2c: {  	s7 =	sld [smem:$0x3FAE]  }
0x2d: {  	s3 =	simm.s32 $0x108;
	s8 =	sld [smem:$0x3FAF]  }
0x2e: {  	s3 =	simm.s32 @!p0 $0x1082;
	s9 =	sld [smem:$0x3FB0]  }
0x2f: {  	lr =	sadd.s32 s0, s3;
	s0 =	sld [smem:$0x3FA7]  }
0x30: {  	s3 =	sld [smem:$0x3FAA]  }
0x31: {  	[smem:$0x3FB3] =	sst s10  }
0x32: {  	s10 =	sld [smem:$0x3FB1];
	_ =	sdelay $0x3  }
0x33: {  	p0 =	seq.s32 s10, $0x1;
	s10 =	sld [smem:$0x3FB3];
	_ =	sdelay $0x3  }
0x34: {  	[smem:$0x3FB3] =	sst s10  }
0x35: {  	s10 =	sld [smem:$0x3FB2];
	_ =	sdelay $0x3  }
0x36: {  	p1 =	seq.s32 s10, $0x1;
	s10 =	sld [smem:$0x3FB3];
	_ =	sdelay $0x3  }
0x37: {  	[smem:$0x3FB3] =	sst s10  }
0x38: {  	s10 =	sld [smem:$0x3FB4]  }
0x39: {  	_ = 	snop;
	(pc) =	sbr.ind lr, $3  }
0x3a: {  	_ = 	snop  }
0x3b: {  	_ = 	snop  }
0x3c: {  	p2 =	seq.s32 s10, $0x1;
	s10 =	sld [smem:$0x3FB3]  }
0x3d: {  	_ =	shalt  }
0x3e: {  	_ =	shalt  }
0x3f: {  	_ =	shalt  }
0x40: {  	_ =	shalt  }
0x41: {  	_ =	shalt  }
0x42: {  	_ =	shalt  }
0x43: {  	_ =	shalt  }
0x44: {  	_ =	shalt  }
0x45: {  	_ =	shalt  }
0x46: {  	_ =	shalt  }
0x47: {  	_ =	shalt  }
0x48: {  	_ =	shalt  }
0x49: {  	_ =	shalt  }
0x4a: {  	_ =	shalt  }
0x4b: {  	_ =	shalt  }
0x4c: {  	_ =	shalt  }
0x4d: {  	_ =	shalt  }
0x4e: {  	_ =	shalt  }
0x4f: {  	_ =	shalt  }
0x50: {  	_ =	shalt  }
0x51: {  	_ =	shalt  }
0x52: {  	_ =	shalt  }
0x53: {  	_ =	shalt  }
0x54: {  	_ =	shalt  }
0x55: {  	_ =	shalt  }
0x56: {  	_ =	shalt  }
0x57: {  	_ =	shalt  }
0x58: {  	_ =	shalt  }
0x59: {  	_ =	shalt  }
0x5a: {  	_ =	shalt  }
0x5b: {  	_ =	shalt  }
0x5c: {  	_ =	shalt  }
0x5d: {  	_ =	shalt  }
0x5e: {  	_ =	shalt  }
0x5f: {  	_ =	shalt  }
0x60: {  	_ =	shalt  }
0x61: {  	_ =	shalt  }
0x62: {  	_ =	shalt  }
0x63: {  	_ =	shalt  }
0x64: {  	_ =	shalt  }
0x65: {  	_ =	shalt  }
0x66: {  	_ =	shalt  }
0x67: {  	_ =	shalt  }
0x68: {  	_ =	shalt  }
0x69: {  	_ =	shalt  }
0x6a: {  	_ =	shalt  }
0x6b: {  	_ =	shalt  }
0x6c: {  	_ =	shalt  }
0x6d: {  	_ =	shalt  }
0x6e: {  	_ =	shalt  }
0x6f: {  	_ =	shalt  }
0x70: {  	_ =	shalt  }
0x71: {  	_ =	shalt  }
0x72: {  	_ =	shalt  }
0x73: {  	_ =	shalt  }
0x74: {  	_ =	shalt  }
0x75: {  	_ =	shalt  }
0x76: {  	_ =	shalt  }
0x77: {  	_ =	shalt  }
0x78: {  	_ =	shalt  }
0x79: {  	_ =	shalt  }
0x7a: {  	_ =	shalt  }
0x7b: {  	_ =	shalt  }
0x7c: {  	_ =	shalt  }
0x7d: {  	_ =	shalt  }
0x7e: {  	_ =	shalt  }
0x7f: {  	_ =	shalt  }
0x80: {  	_ =	shalt  }
0x81: {  	_ =	shalt  }
0x82: {  	_ =	shalt  }
0x83: {  	_ =	shalt  }
0x84: {  	_ =	shalt  }
0x85: {  	_ =	shalt  }
0x86: {  	_ =	shalt  }
0x87: {  	_ =	shalt  }
.Lfunc_end0:
.L_simem_size_0:
called_computation_lowered:
.L_overlay_start_0:
0x88: {  	s2 =	sld [smem:$0x3FD9]  }
0x89: {  	s3 =	sld [smem:$0x3FFE];
	_ =	sdelay $0x1  }
0x8a: {  	s1 =	srdreg.scid  }
0x8b: {  	s0 =	sand.u32 $0x1, s1  }
0x8c: {  	s17 =	sshll.u32 s0, $0xA;
	s2 =	sadd.s32 s3, s2  }
0x8d: {  	s2 =	sadd.s32 s2, s17  }
0x8e: {  	[smem:$0x3FBF] =	sst s2  }
0x8f: {  	_ = 	snop  }
0x90: {  	s2 =	sld [smem:$0x3FC9]  }
0x91: {  	s18 =	sld [smem:$0x3FC7]  }
0x92: {  	s4 =	sld [smem:$0x3FD0];
	(tm) =	ssettm $0x1  }
0x93: {  	s5 =	sld [smem:$0x3FFB];
	_ =	sdelay $0x3  }
0x94: {  	_ =	strace s5  }
0x95: {  	s5 =	sld [smem:$0x3FFC];
	_ =	sdelay $0x3  }
0x96: {  	_ =	strace s5  }
0x97: {  	s5 =	sld [smem:$0x3FFD];
	_ =	sdelay $0x3  }
0x98: {  	_ =	strace s5  }
0x99: {  	_ =	strace $0x8FFFFFFF  }
0x9a: {  	s19 =	sld [smem:$0x3FDB];
	_ =	sdelay $0x1  }
0x9b: {  	s6 =	simm.s32 $_scs_section_size  }
0x9c: {  	s7 =	simm.s32 $_size__tile_overlayer_lowered;
	s8 =	simm.s32 $_tile_overlayer_lowered  }
0x9d: {  	s22 =	simm.s32 $0x1BFF;
	s21 =	sshll.u32 s8, $0x1;
	s5 =	sadd.s32 s6, s19  }
0x9e: {  	s9 =	simm.s32 $0x0;
	s20 =	sshll.u32 s7, $0x1;
	s7 =	sadd.s32 s21, s5  }
0x9f: {  	[timem:s9], [sflag:s22] =	dma.local [hbm:s7], s20  }
0xa0: {  	_ =	swait.ge [sflag:s22], s20  }
0xa1: {  	s6 =	ssub.s32 $0x0, s20;
	[sflag:s22] =	ssyncset.done $0x0  }
0xa2: {  	[sflag:s22] =	ssyncadd.s32 s6;
	_ =	sdelay $0x1  }
0xa3: {  	s23 =	simm.s32 $0x1B8B  }
0xa4: {  	_ =	swait.ge [sflag:s23], $0x1  }
0xa5: {  	[sflag:s23] =	ssyncset.done $0x0  }
0xa6: {  	s25 =	simm.s32 $0x1B8E;
	s24 =	sld [smem:$0x3FFE];
	[sflag:s23] =	ssyncadd.s32 $0xFFFFFFFF  }
0xa7: {  	s26 =	simm.s32 $execute0_lowered;
	[smem:$0x3FD2] =	sst s25  }
0xa8: {  	s7 =	sshll.u32 s26, $0x1;
	_ =	strace $0x80000046;
	[dreg:$0x1] =	wrdreg $0xFFFFFFFF  }
0xa9: {  	s28 =	simm.s32 $_size_execute0_lowered;
	s5 =	sadd.s32 s5, s7;
	[dreg:$0x0] =	wrdreg $0x0  }
0xaa: {  	s7 =	sshll.u32 s28, $0x1;
	[dreg:$0x2] =	wrdreg s5  }
0xab: {  	[dreg:$0x3] =	wrdreg s7  }
0xac: {  	[dreg:$0x4] =	wrdreg $0xC0  }
0xad: {  	_ =	task [dreg:s9], $0x5FFFF  }
0xae: {  	[dreg:$0x1] =	wrdreg $0xFFFFFFFF  }
0xaf: {  	[dreg:$0x0] =	wrdreg $0x60  }
0xb0: {  	[dreg:$0x2] =	wrdreg s18  }
0xb1: {  	[dreg:$0x3] =	wrdreg s4  }
0xb2: {  	[dreg:$0x4] =	wrdreg s2  }
0xb3: {  	[dreg:$0x5] =	wrdreg s24  }
0xb4: {  	[dreg:$0x6] =	wrdreg $0x9  }
0xb5: {  	_ =	task.clear_ibuf [dreg:s9], $0x7FFFF;
	_ =	strace $0x90000046  }
0xb6: {  	s29 =	simm.s32 $0x9;
	_ =	strace $0x80000048  }
0xb7: {  	_ =	swait.ge [sflag:s29], $0x1  }
0xb8: {  	[sflag:s29] =	ssyncadd.s32 $0xFFFFFFFF  }
0xb9: {  	_ =	strace $0x90000048  }
0xba: {  	_ =	sfence  }
0xbb: {  	s30 =	sld [smem:$0x0];
	_ =	sdelay $0x2  }
0xbc: {  	s31 =	sshll.u32 s1, $0xD;
	s1 =	sshrl.u32 s1, $0x2  }
0xbd: {  	s3 =	sand.u32 $0x4000, s31;
	s1 =	sadd.s32 s1, s30  }
0xbe: {  	s0 =	sor.u32 s3, s0;
	s1 =	sshll.u32 s1, $0x11  }
0xbf: {  	s0 =	sor.u32 s1, s0  }
0xc0: {  	s0 =	sadd.s32 $0x8F2B, s0  }
0xc1: {  	[sflag:s0] =	ssyncadd.remote.s32 $0x1  }
0xc2: {  	_ =	sfence.sel $0xFFFF  }
0xc3: {  	[dreg:$0x0] =	wrdreg $0xFFFFFFFF;
	(pc) =	sbr.abs _section_cstart, $3  }
0xc4: {  	[dreg:$0x1] =	wrdreg $0xFFFFFFFF  }
0xc5: {  	_ =	task.clear_ibuf [dreg:s9], $0x2FFFF;
	_ =	strace $0x9FFFFFFF  }
0xc6: {  	(tm) =	ssettm $0x7FFFFFFF  }
0xc7: {  	_ =	shalt  }
tec
execute0_lowered:
.L_overlay_start_1:
0x0: {  	(tag) =	ssettag $0x1  }
0x1: {  	v0 =	vlaneseq.u32  }
0x2: {  	v1 =	vor.u32 $0x80, v0;
	v3 =	vor.u32 $0x90, v0;
	v4 =	vor.u32 $0x20, v0  }
0x3: {  	v5 =	vor.u32 $0xA0, v0;
	v6 =	vor.u32 $0x30, v0;
	v7 =	vor.u32 $0xB0, v0  }
0x4: {  	v8 =	vor.u32 $0x40, v0;
	v9 =	vor.u32 $0xC0, v0;
	v10 =	vor.u32 $0x50, v0  }
0x5: {  	v11 =	vor.u32 $0xD0, v0;
	v12 =	vor.u32 $0x60, v0;
	v13 =	vor.u32 $0xE0, v0  }
0x6: {  	v14 =	vor.u32 $0x70, v0;
	v15 =	vor.u32 $0xF0, v0;
	v16 =	vor.u32 $0x100, v0  }
0x7: {  	v17 =	vor.u32 $0x180, v0;
	v18 =	vor.u32 $0x110, v0;
	v19 =	vor.u32 $0x190, v0  }
0x8: {  	v20 =	vor.u32 $0x120, v0;
	v21 =	vor.u32 $0x1A0, v0;
	v22 =	vor.u32 $0x130, v0  }
0x9: {  	v23 =	vor.u32 $0x1B0, v0;
	v24 =	vor.u32 $0x140, v0;
	v25 =	vor.u32 $0x1C0, v0  }
0xa: {  	v26 =	vor.u32 $0x150, v0;
	v27 =	vor.u32 $0x1D0, v0;
	v28 =	vor.u32 $0x160, v0  }
0xb: {  	s0 =	rddreg [dreg:$0x0];
	v29 =	vor.u32 $0x1E0, v0;
	v30 =	vor.u32 $0x170, v0;
	v31 =	vor.u32 $0x1F0, v0  }
0xc: {  	s1 =	rddreg [dreg:$0x1];
	v32 =	vor.u32 $0x200, v0;
	v33 =	vor.u32 $0x280, v0;
	v34 =	vor.u32 $0x210, v0  }
0xd: {  	s2 =	rddreg [dreg:$0x2];
	v35 =	vor.u32 $0x290, v0;
	v36 =	vor.u32 $0x220, v0;
	v37 =	vor.u32 $0x2A0, v0  }
0xe: {  	s8 =	rddreg [dreg:$0x3];
	v38 =	vor.u32 $0x230, v0;
	v39 =	vor.u32 $0x2B0, v0;
	v40 =	vor.u32 $0x240, v0  }
0xf: {  	s3 =	rddreg [dreg:$0x4];
	s4 =	simm.s32 $0x0;
	v41 =	vor.u32 $0x2C0, v0;
	v42 =	vor.u32 $0x250, v0;
	v43 =	vor.u32 $0x2D0, v0  }
0x10: {  	s5 =	srdreg.scid;
	s12 =	simm.s32 $0x1;
	s13 =	simm.s32 $0x18700;
	v44 =	vor.u32 $0x260, v0;
	v45 =	vor.u32 $0x2E0, v0;
	v46 =	vor.u32 $0x270, v0  }
0x11: {  	s14 =	simm.s32 $0x2;
	s15 =	simm.s32 $0x1A000;
	s16 =	simm.s32 $0x1AC80;
	v47 =	vor.u32 $0x2F0, v0;
	v48 =	vor.u32 $0x300, v0;
	v49 =	vor.u32 $0x380, v0  }
.Ltmp0:
0x12: {  	s17 =	simm.s32 $0x1B900;
	s5 =	sand.u32 $0x1, s5;
	v50 =	vor.u32 $0x310, v0;
	v51 =	vor.u32 $0x390, v0;
	v52 =	vor.u32 $0x320, v0;
	(pc) =	sbr.rel .LBB2_1-.Ltmp0, $4  }
0x13: {  	s18 =	simm.s32 $0x0;
	[smem:$0x7FF] =	sst s4;
	v53 =	vor.u32 $0x3A0, v0;
	v54 =	vor.u32 $0x330, v0;
	v55 =	vor.u32 $0x3B0, v0;
	s10 =	ssub.s32 $0x2, s5  }
0x14: {  	s6 =	sadd.s32 $0x32800, s8;
	s7 =	sadd.s32 $0x63600, s8;
	v56 =	vor.u32 $0x340, v0;
	v57 =	vor.u32 $0x3C0, v0;
	[tilespmem:$0x1FFE0] =	vst v1;
	v1 =	vor.u32 $0x10, v0;
	s11 =	sshrl.u32 s10, $0x1  }
0x15: {  	s9 =	sadd.s32 $0x1A00, s8;
	s8 =	stileid.u32;
	v58 =	vor.u32 $0x350, v0;
	v59 =	vor.u32 $0x3D0, v0;
	v60 =	vor.u32 $0x360, v0;
	[tilespmem:$0x1FFF0] =	vst v1;
	s11 =	ssub.s32 s10, s11  }
0x16: {  	v61 =	vor.u32 $0x3E0, v0;
	v62 =	vor.u32 $0x370, v0;
	v63 =	vor.u32 $0x3F0, v0;
	_ =	strace $0x80000047;
	s10 =	sshll.u32 s8, $0x1;
	s11 =	smax.u32 s11, $0x1  }
.LBB2_5:
0x17: {  	s18 =	sadd.s32 $0x1, s18  }
0x18: {  	p0 =	sne.s32 s18, s11  }
.Ltmp1:
0x19: {  	_ = 	snop;
	(pc) =	sbr.rel @!p0 .LBB2_6-.Ltmp1, $1  }
0x1a: {  	_ =	sdelay $0x3  }
.LBB2_1:
.Ltmp2:
0x1b: {  	(pc) =	sbr.rel .LBB2_2-.Ltmp2, $4  }
0x1c: {  	[tilespmem:s4], [sflag:$0x1] =	stream.linear.gather [hbm4b:s2+s4], $0x18700, $0x38;
	[tilespmem:$0x1C580] =	vst v63  }
0x1d: {  	_ =	swait.ge [sflag:s12], $0x18700  }
0x1e: {  	[sflag:s12] =	ssyncset.done $0x0  }
0x1f: {  	s19 =	simm.s32 $0x0;
	s20 =	simm.s32 $0x0;
	[sflag:s12] =	ssyncadd.s32 $0xFFFE7900  }
.LBB2_4:
0x20: {  	s20 =	sadd.s32 $0x1, s20  }
0x21: {  	p0 =	sne.s32 s20, $0x10  }
.Ltmp3:
0x22: {  	_ = 	snop;
	(pc) =	sbr.rel @!p0 .LBB2_5-.Ltmp3, $2  }
0x23: {  	_ =	sdelay $0x2  }
0x24: {  	s19 =	sadd.s32 $0x8, s19  }
.LBB2_2:
0x25: {  	s21 =	sand.u32 $0x60, s19  }
0x26: {  	s21 =	sor.u32 s21, s10  }
0x27: {  	s21 =	sor.u32 s5, s21  }
0x28: {  	p0 =	sgt.u32 s21, $0x7C  }
.Ltmp4:
0x29: {  	_ = 	snop;
	(pc) =	sbr.rel @p0 .LBB2_4-.Ltmp4, $1  }
0x2a: {  	_ =	sdelay $0x3  }
0x2b: {  	s22 =	sand.u32 $0x3, s20;
	s21 =	smul.u32 $0x3200, s21  }
0x2c: {  	s22 =	smul.u32 $0xC80, s22;
	_ =	sdelay $0x1  }
0x2d: {  	s21 =	sadd.s32 s22, s21  }
0x2e: {  	s22 =	sshrl.u32 s21, $0x2  }
0x2f: {  	s22 =	sadd.s32 s0, s22  }
0x30: {  	[tilespmem:s13], [sflag:$0x2] =	stream.linear.gather [hbm4b:s22+s4], $0x1900, $0x38;
	[tilespmem:$0x1C580] =	vst v63  }
0x31: {  	_ =	swait.ge [sflag:s14], $0x1900  }
0x32: {  	s21 =	sshrl.u32 s21, $0x3;
	[sflag:s14] =	ssyncset.done $0x0  }
0x33: {  	s29 =	sadd.s32 s1, s21;
	[sflag:s14] =	ssyncadd.s32 $0xFFFFE700  }
0x34: {  	[tilespmem:s15], [sflag:$0x2] =	stream.linear.gather [hbm4b:s29+s4], $0xC80, $0x38;
	[tilespmem:$0x1C580] =	vst v63  }
0x35: {  	_ =	swait.ge [sflag:s14], $0xC80  }
0x36: {  	[sflag:s14] =	ssyncset.done $0x0;
	v2 =	vld [tilespmem:$0x1FFE0]  }
0x37: {  	[sflag:s14] =	ssyncadd.s32 $0xFFFFF380  }
0x38: {  	v1 =	vld.idx.msk [tilespmem:v0+s13+$0x0], $0xffff;
	_ =	sdelay $0x5  }
0x39: {  	v2 =	vld.idx.msk [tilespmem:v2+s13+$0x0], $0xffff;
	_ =	sdelay $0x1  }
0x3a: {  	v1 =	vld.idx.msk [tilespmem:v1+s4+$0x0], $0xffff;
	_ =	sdelay $0x4  }
0x3b: {  	[tilespmem:$0x1AC80] =	vst v1  }
0x3c: {  	v1 =	vld.idx.msk [tilespmem:v2+s4+$0x0], $0xffff;
	_ =	sdelay $0x4  }
0x3d: {  	[tilespmem:$0x1B900] =	vst v1;
	v1 =	vld [tilespmem:$0x1FFF0];
	_ =	sdelay $0x7  }
0x3e: {  	v1 =	vld.idx.msk [tilespmem:v1+s13+$0x0], $0xffff;
	_ =	sdelay $0x5  }
0x3f: {  	v2 =	vld.idx.msk [tilespmem:v3+s13+$0x0], $0xffff;
	_ =	sdelay $0x1  }
0x40: {  	v1 =	vld.idx.msk [tilespmem:v1+s4+$0x0], $0xffff;
	_ =	sdelay $0x4  }
0x41: {  	[tilespmem:$0x1AC90] =	vst v1  }
0x42: {  	v1 =	vld.idx.msk [tilespmem:v2+s4+$0x0], $0xffff;
	_ =	sdelay $0x4  }
0x43: {  	[tilespmem:$0x1B910] =	vst v1  }
0x44: {  	v1 =	vld.idx.msk [tilespmem:v4+s13+$0x0], $0xffff;
	_ =	sdelay $0x5  }
0x45: {  	v2 =	vld.idx.msk [tilespmem:v5+s13+$0x0], $0xffff;
	_ =	sdelay $0x1  }
0x46: {  	v1 =	vld.idx.msk [tilespmem:v1+s4+$0x0], $0xffff;
	_ =	sdelay $0x4  }
0x47: {  	[tilespmem:$0x1ACA0] =	vst v1  }
0x48: {  	v1 =	vld.idx.msk [tilespmem:v2+s4+$0x0], $0xffff;
	_ =	sdelay $0x4  }
0x49: {  	[tilespmem:$0x1B920] =	vst v1  }
0x4a: {  	v1 =	vld.idx.msk [tilespmem:v6+s13+$0x0], $0xffff;
	_ =	sdelay $0x5  }
0x4b: {  	v2 =	vld.idx.msk [tilespmem:v7+s13+$0x0], $0xffff;
	_ =	sdelay $0x1  }
0x4c: {  	v1 =	vld.idx.msk [tilespmem:v1+s4+$0x0], $0xffff;
	_ =	sdelay $0x4  }
0x4d: {  	[tilespmem:$0x1ACB0] =	vst v1  }
0x4e: {  	v1 =	vld.idx.msk [tilespmem:v2+s4+$0x0], $0xffff;
	_ =	sdelay $0x4  }
0x4f: {  	[tilespmem:$0x1B930] =	vst v1  }
0x50: {  	v1 =	vld.idx.msk [tilespmem:v8+s13+$0x0], $0xffff;
	_ =	sdelay $0x5  }
0x51: {  	v2 =	vld.idx.msk [tilespmem:v9+s13+$0x0], $0xffff;
	_ =	sdelay $0x1  }
0x52: {  	v1 =	vld.idx.msk [tilespmem:v1+s4+$0x0], $0xffff;
	_ =	sdelay $0x4  }
0x53: {  	[tilespmem:$0x1ACC0] =	vst v1  }
0x54: {  	v1 =	vld.idx.msk [tilespmem:v2+s4+$0x0], $0xffff;
	_ =	sdelay $0x4  }
0x55: {  	[tilespmem:$0x1B940] =	vst v1  }
0x56: {  	v1 =	vld.idx.msk [tilespmem:v10+s13+$0x0], $0xffff;
	_ =	sdelay $0x5  }
0x57: {  	v2 =	vld.idx.msk [tilespmem:v11+s13+$0x0], $0xffff;
	_ =	sdelay $0x1  }
0x58: {  	v1 =	vld.idx.msk [tilespmem:v1+s4+$0x0], $0xffff;
	_ =	sdelay $0x4  }
0x59: {  	[tilespmem:$0x1ACD0] =	vst v1  }
0x5a: {  	v1 =	vld.idx.msk [tilespmem:v2+s4+$0x0], $0xffff;
	_ =	sdelay $0x4  }
0x5b: {  	[tilespmem:$0x1B950] =	vst v1  }
0x5c: {  	v1 =	vld.idx.msk [tilespmem:v12+s13+$0x0], $0xffff;
	_ =	sdelay $0x5  }
0x5d: {  	v2 =	vld.idx.msk [tilespmem:v13+s13+$0x0], $0xffff;
	_ =	sdelay $0x1  }
0x5e: {  	v1 =	vld.idx.msk [tilespmem:v1+s4+$0x0], $0xffff;
	_ =	sdelay $0x4  }
0x5f: {  	[tilespmem:$0x1ACE0] =	vst v1  }
0x60: {  	v1 =	vld.idx.msk [tilespmem:v2+s4+$0x0], $0xffff;
	_ =	sdelay $0x4  }
0x61: {  	[tilespmem:$0x1B960] =	vst v1  }
0x62: {  	v1 =	vld.idx.msk [tilespmem:v14+s13+$0x0], $0xffff;
	_ =	sdelay $0x5  }
0x63: {  	v2 =	vld.idx.msk [tilespmem:v15+s13+$0x0], $0xffff;
	_ =	sdelay $0x1  }
0x64: {  	v1 =	vld.idx.msk [tilespmem:v1+s4+$0x0], $0xffff;
	_ =	sdelay $0x4  }
0x65: {  	[tilespmem:$0x1ACF0] =	vst v1  }
0x66: {  	v1 =	vld.idx.msk [tilespmem:v2+s4+$0x0], $0xffff;
	_ =	sdelay $0x4  }
0x67: {  	[tilespmem:$0x1B970] =	vst v1  }
0x68: {  	v1 =	vld.idx.msk [tilespmem:v16+s13+$0x0], $0xffff;
	_ =	sdelay $0x5  }
0x69: {  	v2 =	vld.idx.msk [tilespmem:v17+s13+$0x0], $0xffff;
	_ =	sdelay $0x1  }
0x6a: {  	v1 =	vld.idx.msk [tilespmem:v1+s4+$0x0], $0xffff;
	_ =	sdelay $0x4  }
0x6b: {  	[tilespmem:$0x1AD00] =	vst v1  }
0x6c: {  	v1 =	vld.idx.msk [tilespmem:v2+s4+$0x0], $0xffff;
	_ =	sdelay $0x4  }
0x6d: {  	[tilespmem:$0x1B980] =	vst v1  }
0x6e: {  	v1 =	vld.idx.msk [tilespmem:v18+s13+$0x0], $0xffff;
	_ =	sdelay $0x5  }
0x6f: {  	v2 =	vld.idx.msk [tilespmem:v19+s13+$0x0], $0xffff;
	_ =	sdelay $0x1  }
0x70: {  	v1 =	vld.idx.msk [tilespmem:v1+s4+$0x0], $0xffff;
	_ =	sdelay $0x4  }
0x71: {  	[tilespmem:$0x1AD10] =	vst v1  }
0x72: {  	v1 =	vld.idx.msk [tilespmem:v2+s4+$0x0], $0xffff;
	_ =	sdelay $0x4  }
0x73: {  	[tilespmem:$0x1B990] =	vst v1  }
0x74: {  	v1 =	vld.idx.msk [tilespmem:v20+s13+$0x0], $0xffff;
	_ =	sdelay $0x5  }
0x75: {  	v2 =	vld.idx.msk [tilespmem:v21+s13+$0x0], $0xffff;
	_ =	sdelay $0x1  }
0x76: {  	v1 =	vld.idx.msk [tilespmem:v1+s4+$0x0], $0xffff;
	_ =	sdelay $0x4  }
0x77: {  	[tilespmem:$0x1AD20] =	vst v1  }
0x78: {  	v1 =	vld.idx.msk [tilespmem:v2+s4+$0x0], $0xffff;
	_ =	sdelay $0x4  }
0x79: {  	[tilespmem:$0x1B9A0] =	vst v1  }
0x7a: {  	v1 =	vld.idx.msk [tilespmem:v22+s13+$0x0], $0xffff;
	_ =	sdelay $0x5  }
0x7b: {  	v2 =	vld.idx.msk [tilespmem:v23+s13+$0x0], $0xffff;
	_ =	sdelay $0x1  }
0x7c: {  	v1 =	vld.idx.msk [tilespmem:v1+s4+$0x0], $0xffff;
	_ =	sdelay $0x4  }
0x7d: {  	[tilespmem:$0x1AD30] =	vst v1  }
0x7e: {  	v1 =	vld.idx.msk [tilespmem:v2+s4+$0x0], $0xffff;
	_ =	sdelay $0x4  }
0x7f: {  	[tilespmem:$0x1B9B0] =	vst v1  }
0x80: {  	v1 =	vld.idx.msk [tilespmem:v24+s13+$0x0], $0xffff;
	_ =	sdelay $0x5  }
0x81: {  	v2 =	vld.idx.msk [tilespmem:v25+s13+$0x0], $0xffff;
	_ =	sdelay $0x1  }
0x82: {  	v1 =	vld.idx.msk [tilespmem:v1+s4+$0x0], $0xffff;
	_ =	sdelay $0x4  }
0x83: {  	[tilespmem:$0x1AD40] =	vst v1  }
0x84: {  	v1 =	vld.idx.msk [tilespmem:v2+s4+$0x0], $0xffff;
	_ =	sdelay $0x4  }
0x85: {  	[tilespmem:$0x1B9C0] =	vst v1  }
0x86: {  	v1 =	vld.idx.msk [tilespmem:v26+s13+$0x0], $0xffff;
	_ =	sdelay $0x5  }
0x87: {  	v2 =	vld.idx.msk [tilespmem:v27+s13+$0x0], $0xffff;
	_ =	sdelay $0x1  }
0x88: {  	v1 =	vld.idx.msk [tilespmem:v1+s4+$0x0], $0xffff;
	_ =	sdelay $0x4  }
0x89: {  	[tilespmem:$0x1AD50] =	vst v1  }
0x8a: {  	v1 =	vld.idx.msk [tilespmem:v2+s4+$0x0], $0xffff;
	_ =	sdelay $0x4  }
0x8b: {  	[tilespmem:$0x1B9D0] =	vst v1  }
0x8c: {  	v1 =	vld.idx.msk [tilespmem:v28+s13+$0x0], $0xffff;
	_ =	sdelay $0x5  }
0x8d: {  	v2 =	vld.idx.msk [tilespmem:v29+s13+$0x0], $0xffff;
	_ =	sdelay $0x1  }
0x8e: {  	v1 =	vld.idx.msk [tilespmem:v1+s4+$0x0], $0xffff;
	_ =	sdelay $0x4  }
0x8f: {  	[tilespmem:$0x1AD60] =	vst v1  }
0x90: {  	v1 =	vld.idx.msk [tilespmem:v2+s4+$0x0], $0xffff;
	_ =	sdelay $0x4  }
0x91: {  	[tilespmem:$0x1B9E0] =	vst v1  }
0x92: {  	v1 =	vld.idx.msk [tilespmem:v30+s13+$0x0], $0xffff;
	_ =	sdelay $0x5  }
0x93: {  	v2 =	vld.idx.msk [tilespmem:v31+s13+$0x0], $0xffff;
	_ =	sdelay $0x1  }
0x94: {  	v1 =	vld.idx.msk [tilespmem:v1+s4+$0x0], $0xffff;
	_ =	sdelay $0x4  }
0x95: {  	[tilespmem:$0x1AD70] =	vst v1  }
0x96: {  	v1 =	vld.idx.msk [tilespmem:v2+s4+$0x0], $0xffff;
	_ =	sdelay $0x4  }
0x97: {  	[tilespmem:$0x1B9F0] =	vst v1  }
0x98: {  	v1 =	vld.idx.msk [tilespmem:v32+s13+$0x0], $0xffff;
	_ =	sdelay $0x5  }
0x99: {  	v2 =	vld.idx.msk [tilespmem:v33+s13+$0x0], $0xffff;
	_ =	sdelay $0x1  }
0x9a: {  	v1 =	vld.idx.msk [tilespmem:v1+s4+$0x0], $0xffff;
	_ =	sdelay $0x4  }
0x9b: {  	[tilespmem:$0x1AD80] =	vst v1  }
0x9c: {  	v1 =	vld.idx.msk [tilespmem:v2+s4+$0x0], $0xffff;
	_ =	sdelay $0x4  }
0x9d: {  	[tilespmem:$0x1BA00] =	vst v1  }
0x9e: {  	v1 =	vld.idx.msk [tilespmem:v34+s13+$0x0], $0xffff;
	_ =	sdelay $0x5  }
0x9f: {  	v2 =	vld.idx.msk [tilespmem:v35+s13+$0x0], $0xffff;
	_ =	sdelay $0x1  }
0xa0: {  	v1 =	vld.idx.msk [tilespmem:v1+s4+$0x0], $0xffff;
	_ =	sdelay $0x4  }
0xa1: {  	[tilespmem:$0x1AD90] =	vst v1  }
0xa2: {  	v1 =	vld.idx.msk [tilespmem:v2+s4+$0x0], $0xffff;
	_ =	sdelay $0x4  }
0xa3: {  	[tilespmem:$0x1BA10] =	vst v1  }
0xa4: {  	v1 =	vld.idx.msk [tilespmem:v36+s13+$0x0], $0xffff;
	_ =	sdelay $0x5  }
0xa5: {  	v2 =	vld.idx.msk [tilespmem:v37+s13+$0x0], $0xffff;
	_ =	sdelay $0x1  }
0xa6: {  	v1 =	vld.idx.msk [tilespmem:v1+s4+$0x0], $0xffff;
	_ =	sdelay $0x4  }
0xa7: {  	[tilespmem:$0x1ADA0] =	vst v1  }
0xa8: {  	v1 =	vld.idx.msk [tilespmem:v2+s4+$0x0], $0xffff;
	_ =	sdelay $0x4  }
0xa9: {  	[tilespmem:$0x1BA20] =	vst v1  }
0xaa: {  	v1 =	vld.idx.msk [tilespmem:v38+s13+$0x0], $0xffff;
	_ =	sdelay $0x5  }
0xab: {  	v2 =	vld.idx.msk [tilespmem:v39+s13+$0x0], $0xffff;
	_ =	sdelay $0x1  }
0xac: {  	v1 =	vld.idx.msk [tilespmem:v1+s4+$0x0], $0xffff;
	_ =	sdelay $0x4  }
0xad: {  	[tilespmem:$0x1ADB0] =	vst v1  }
0xae: {  	v1 =	vld.idx.msk [tilespmem:v2+s4+$0x0], $0xffff;
	_ =	sdelay $0x4  }
0xaf: {  	[tilespmem:$0x1BA30] =	vst v1  }
0xb0: {  	v1 =	vld.idx.msk [tilespmem:v40+s13+$0x0], $0xffff;
	_ =	sdelay $0x5  }
0xb1: {  	v2 =	vld.idx.msk [tilespmem:v41+s13+$0x0], $0xffff;
	_ =	sdelay $0x1  }
0xb2: {  	v1 =	vld.idx.msk [tilespmem:v1+s4+$0x0], $0xffff;
	_ =	sdelay $0x4  }
0xb3: {  	[tilespmem:$0x1ADC0] =	vst v1  }
0xb4: {  	v1 =	vld.idx.msk [tilespmem:v2+s4+$0x0], $0xffff;
	_ =	sdelay $0x4  }
0xb5: {  	[tilespmem:$0x1BA40] =	vst v1  }
0xb6: {  	v1 =	vld.idx.msk [tilespmem:v42+s13+$0x0], $0xffff;
	_ =	sdelay $0x5  }
0xb7: {  	v2 =	vld.idx.msk [tilespmem:v43+s13+$0x0], $0xffff;
	_ =	sdelay $0x1  }
0xb8: {  	v1 =	vld.idx.msk [tilespmem:v1+s4+$0x0], $0xffff;
	_ =	sdelay $0x4  }
0xb9: {  	[tilespmem:$0x1ADD0] =	vst v1  }
0xba: {  	v1 =	vld.idx.msk [tilespmem:v2+s4+$0x0], $0xffff;
	_ =	sdelay $0x4  }
0xbb: {  	[tilespmem:$0x1BA50] =	vst v1  }
0xbc: {  	v1 =	vld.idx.msk [tilespmem:v44+s13+$0x0], $0xffff;
	_ =	sdelay $0x5  }
0xbd: {  	v2 =	vld.idx.msk [tilespmem:v45+s13+$0x0], $0xffff;
	_ =	sdelay $0x1  }
0xbe: {  	v1 =	vld.idx.msk [tilespmem:v1+s4+$0x0], $0xffff;
	_ =	sdelay $0x4  }
0xbf: {  	[tilespmem:$0x1ADE0] =	vst v1  }
0xc0: {  	v1 =	vld.idx.msk [tilespmem:v2+s4+$0x0], $0xffff;
	_ =	sdelay $0x4  }
0xc1: {  	[tilespmem:$0x1BA60] =	vst v1  }
0xc2: {  	v1 =	vld.idx.msk [tilespmem:v46+s13+$0x0], $0xffff;
	_ =	sdelay $0x5  }
0xc3: {  	v2 =	vld.idx.msk [tilespmem:v47+s13+$0x0], $0xffff;
	_ =	sdelay $0x1  }
0xc4: {  	v1 =	vld.idx.msk [tilespmem:v1+s4+$0x0], $0xffff;
	_ =	sdelay $0x4  }
0xc5: {  	[tilespmem:$0x1ADF0] =	vst v1  }
0xc6: {  	v1 =	vld.idx.msk [tilespmem:v2+s4+$0x0], $0xffff;
	_ =	sdelay $0x4  }
0xc7: {  	[tilespmem:$0x1BA70] =	vst v1  }
0xc8: {  	v1 =	vld.idx.msk [tilespmem:v48+s13+$0x0], $0xffff;
	_ =	sdelay $0x5  }
0xc9: {  	v2 =	vld.idx.msk [tilespmem:v49+s13+$0x0], $0xffff;
	_ =	sdelay $0x1  }
0xca: {  	v1 =	vld.idx.msk [tilespmem:v1+s4+$0x0], $0xffff;
	_ =	sdelay $0x4  }
0xcb: {  	[tilespmem:$0x1AE00] =	vst v1  }
0xcc: {  	v1 =	vld.idx.msk [tilespmem:v2+s4+$0x0], $0xffff;
	_ =	sdelay $0x4  }
0xcd: {  	[tilespmem:$0x1BA80] =	vst v1  }
0xce: {  	v1 =	vld.idx.msk [tilespmem:v50+s13+$0x0], $0xffff;
	_ =	sdelay $0x5  }
0xcf: {  	v2 =	vld.idx.msk [tilespmem:v51+s13+$0x0], $0xffff;
	_ =	sdelay $0x1  }
0xd0: {  	v1 =	vld.idx.msk [tilespmem:v1+s4+$0x0], $0xffff;
	_ =	sdelay $0x4  }
0xd1: {  	[tilespmem:$0x1AE10] =	vst v1  }
0xd2: {  	v1 =	vld.idx.msk [tilespmem:v2+s4+$0x0], $0xffff;
	_ =	sdelay $0x4  }
0xd3: {  	[tilespmem:$0x1BA90] =	vst v1  }
0xd4: {  	v1 =	vld.idx.msk [tilespmem:v52+s13+$0x0], $0xffff;
	_ =	sdelay $0x5  }
0xd5: {  	v2 =	vld.idx.msk [tilespmem:v53+s13+$0x0], $0xffff;
	_ =	sdelay $0x1  }
0xd6: {  	v1 =	vld.idx.msk [tilespmem:v1+s4+$0x0], $0xffff;
	_ =	sdelay $0x4  }
0xd7: {  	[tilespmem:$0x1AE20] =	vst v1  }
0xd8: {  	v1 =	vld.idx.msk [tilespmem:v2+s4+$0x0], $0xffff;
	_ =	sdelay $0x4  }
0xd9: {  	[tilespmem:$0x1BAA0] =	vst v1  }
0xda: {  	v1 =	vld.idx.msk [tilespmem:v54+s13+$0x0], $0xffff;
	_ =	sdelay $0x5  }
0xdb: {  	v2 =	vld.idx.msk [tilespmem:v55+s13+$0x0], $0xffff;
	_ =	sdelay $0x1  }
0xdc: {  	v1 =	vld.idx.msk [tilespmem:v1+s4+$0x0], $0xffff;
	_ =	sdelay $0x4  }
0xdd: {  	[tilespmem:$0x1AE30] =	vst v1  }
0xde: {  	v1 =	vld.idx.msk [tilespmem:v2+s4+$0x0], $0xffff;
	_ =	sdelay $0x4  }
0xdf: {  	[tilespmem:$0x1BAB0] =	vst v1  }
0xe0: {  	v1 =	vld.idx.msk [tilespmem:v56+s13+$0x0], $0xffff;
	_ =	sdelay $0x5  }
0xe1: {  	v2 =	vld.idx.msk [tilespmem:v57+s13+$0x0], $0xffff;
	_ =	sdelay $0x1  }
0xe2: {  	v1 =	vld.idx.msk [tilespmem:v1+s4+$0x0], $0xffff;
	_ =	sdelay $0x4  }
0xe3: {  	[tilespmem:$0x1AE40] =	vst v1  }
0xe4: {  	v1 =	vld.idx.msk [tilespmem:v2+s4+$0x0], $0xffff;
	_ =	sdelay $0x4  }
0xe5: {  	[tilespmem:$0x1BAC0] =	vst v1  }
0xe6: {  	v1 =	vld.idx.msk [tilespmem:v58+s13+$0x0], $0xffff;
	_ =	sdelay $0x5  }
0xe7: {  	v2 =	vld.idx.msk [tilespmem:v59+s13+$0x0], $0xffff;
	_ =	sdelay $0x1  }
0xe8: {  	v1 =	vld.idx.msk [tilespmem:v1+s4+$0x0], $0xffff;
	_ =	sdelay $0x4  }
0xe9: {  	[tilespmem:$0x1AE50] =	vst v1  }
0xea: {  	v1 =	vld.idx.msk [tilespmem:v2+s4+$0x0], $0xffff;
	_ =	sdelay $0x4  }
0xeb: {  	[tilespmem:$0x1BAD0] =	vst v1  }
0xec: {  	v1 =	vld.idx.msk [tilespmem:v60+s13+$0x0], $0xffff;
	_ =	sdelay $0x5  }
0xed: {  	v2 =	vld.idx.msk [tilespmem:v61+s13+$0x0], $0xffff;
	_ =	sdelay $0x1  }
0xee: {  	v1 =	vld.idx.msk [tilespmem:v1+s4+$0x0], $0xffff;
	_ =	sdelay $0x4  }
0xef: {  	[tilespmem:$0x1AE60] =	vst v1  }
0xf0: {  	v1 =	vld.idx.msk [tilespmem:v2+s4+$0x0], $0xffff;
	_ =	sdelay $0x4  }
0xf1: {  	[tilespmem:$0x1BAE0] =	vst v1  }
0xf2: {  	v1 =	vld.idx.msk [tilespmem:v62+s13+$0x0], $0xffff;
	_ =	sdelay $0x5  }
0xf3: {  	v2 =	vld.idx.msk [tilespmem:v63+s13+$0x0], $0xffff;
	_ =	sdelay $0x1  }
0xf4: {  	v1 =	vld.idx.msk [tilespmem:v1+s4+$0x0], $0xffff;
	_ =	sdelay $0x4  }
0xf5: {  	[tilespmem:$0x1AE70] =	vst v1  }
0xf6: {  	v1 =	vld.idx.msk [tilespmem:v2+s4+$0x0], $0xffff  }
0xf7: {  	v2 =	vor.u32 $0x400, v0;
	_ =	sdelay $0x3  }
0xf8: {  	[tilespmem:$0x1BAF0] =	vst v1  }
0xf9: {  	v1 =	vld.idx.msk [tilespmem:v2+s13+$0x0], $0xffff  }
0xfa: {  	v2 =	vor.u32 $0x480, v0;
	_ =	sdelay $0x4  }
0xfb: {  	v2 =	vld.idx.msk [tilespmem:v2+s13+$0x0], $0xffff;
	_ =	sdelay $0x1  }
0xfc: {  	v1 =	vld.idx.msk [tilespmem:v1+s4+$0x0], $0xffff;
	_ =	sdelay $0x4  }
0xfd: {  	[tilespmem:$0x1AE80] =	vst v1  }
0xfe: {  	v1 =	vld.idx.msk [tilespmem:v2+s4+$0x0], $0xffff  }
0xff: {  	v2 =	vor.u32 $0x410, v0;
	_ =	sdelay $0x3  }
0x100: {  	[tilespmem:$0x1BB00] =	vst v1  }
0x101: {  	v1 =	vld.idx.msk [tilespmem:v2+s13+$0x0], $0xffff  }
0x102: {  	v2 =	vor.u32 $0x490, v0;
	_ =	sdelay $0x4  }
0x103: {  	v2 =	vld.idx.msk [tilespmem:v2+s13+$0x0], $0xffff;
	_ =	sdelay $0x1  }
0x104: {  	v1 =	vld.idx.msk [tilespmem:v1+s4+$0x0], $0xffff;
	_ =	sdelay $0x4  }
0x105: {  	[tilespmem:$0x1AE90] =	vst v1  }
0x106: {  	v1 =	vld.idx.msk [tilespmem:v2+s4+$0x0], $0xffff  }
0x107: {  	v2 =	vor.u32 $0x420, v0;
	_ =	sdelay $0x3  }
0x108: {  	[tilespmem:$0x1BB10] =	vst v1  }
0x109: {  	v1 =	vld.idx.msk [tilespmem:v2+s13+$0x0], $0xffff  }
0x10a: {  	v2 =	vor.u32 $0x4A0, v0;
	_ =	sdelay $0x4  }
0x10b: {  	v2 =	vld.idx.msk [tilespmem:v2+s13+$0x0], $0xffff;
	_ =	sdelay $0x1  }
0x10c: {  	v1 =	vld.idx.msk [tilespmem:v1+s4+$0x0], $0xffff;
	_ =	sdelay $0x4  }
0x10d: {  	[tilespmem:$0x1AEA0] =	vst v1  }
0x10e: {  	v1 =	vld.idx.msk [tilespmem:v2+s4+$0x0], $0xffff  }
0x10f: {  	v2 =	vor.u32 $0x430, v0;
	_ =	sdelay $0x3  }
0x110: {  	[tilespmem:$0x1BB20] =	vst v1  }
0x111: {  	v1 =	vld.idx.msk [tilespmem:v2+s13+$0x0], $0xffff  }
0x112: {  	v2 =	vor.u32 $0x4B0, v0;
	_ =	sdelay $0x4  }
0x113: {  	v2 =	vld.idx.msk [tilespmem:v2+s13+$0x0], $0xffff;
	_ =	sdelay $0x1  }
0x114: {  	v1 =	vld.idx.msk [tilespmem:v1+s4+$0x0], $0xffff;
	_ =	sdelay $0x4  }
0x115: {  	[tilespmem:$0x1AEB0] =	vst v1  }
0x116: {  	v1 =	vld.idx.msk [tilespmem:v2+s4+$0x0], $0xffff  }
0x117: {  	v2 =	vor.u32 $0x440, v0;
	_ =	sdelay $0x3  }
0x118: {  	[tilespmem:$0x1BB30] =	vst v1  }
0x119: {  	v1 =	vld.idx.msk [tilespmem:v2+s13+$0x0], $0xffff  }
0x11a: {  	v2 =	vor.u32 $0x4C0, v0;
	_ =	sdelay $0x4  }
0x11b: {  	v2 =	vld.idx.msk [tilespmem:v2+s13+$0x0], $0xffff;
	_ =	sdelay $0x1  }
0x11c: {  	v1 =	vld.idx.msk [tilespmem:v1+s4+$0x0], $0xffff;
	_ =	sdelay $0x4  }
0x11d: {  	[tilespmem:$0x1AEC0] =	vst v1  }
0x11e: {  	v1 =	vld.idx.msk [tilespmem:v2+s4+$0x0], $0xffff  }
0x11f: {  	v2 =	vor.u32 $0x450, v0;
	_ =	sdelay $0x3  }
0x120: {  	[tilespmem:$0x1BB40] =	vst v1  }
0x121: {  	v1 =	vld.idx.msk [tilespmem:v2+s13+$0x0], $0xffff  }
0x122: {  	v2 =	vor.u32 $0x4D0, v0;
	_ =	sdelay $0x4  }
0x123: {  	v2 =	vld.idx.msk [tilespmem:v2+s13+$0x0], $0xffff;
	_ =	sdelay $0x1  }
0x124: {  	v1 =	vld.idx.msk [tilespmem:v1+s4+$0x0], $0xffff;
	_ =	sdelay $0x4  }
0x125: {  	[tilespmem:$0x1AED0] =	vst v1  }
0x126: {  	v1 =	vld.idx.msk [tilespmem:v2+s4+$0x0], $0xffff  }
0x127: {  	v2 =	vor.u32 $0x460, v0;
	_ =	sdelay $0x3  }
0x128: {  	[tilespmem:$0x1BB50] =	vst v1  }
0x129: {  	v1 =	vld.idx.msk [tilespmem:v2+s13+$0x0], $0xffff  }
0x12a: {  	v2 =	vor.u32 $0x4E0, v0;
	_ =	sdelay $0x4  }
0x12b: {  	v2 =	vld.idx.msk [tilespmem:v2+s13+$0x0], $0xffff;
	_ =	sdelay $0x1  }
0x12c: {  	v1 =	vld.idx.msk [tilespmem:v1+s4+$0x0], $0xffff;
	_ =	sdelay $0x4  }
0x12d: {  	[tilespmem:$0x1AEE0] =	vst v1  }
0x12e: {  	v1 =	vld.idx.msk [tilespmem:v2+s4+$0x0], $0xffff  }
0x12f: {  	v2 =	vor.u32 $0x470, v0;
	_ =	sdelay $0x3  }
0x130: {  	[tilespmem:$0x1BB60] =	vst v1  }
0x131: {  	v1 =	vld.idx.msk [tilespmem:v2+s13+$0x0], $0xffff  }
0x132: {  	v2 =	vor.u32 $0x4F0, v0;
	_ =	sdelay $0x4  }
0x133: {  	v2 =	vld.idx.msk [tilespmem:v2+s13+$0x0], $0xffff;
	_ =	sdelay $0x1  }
0x134: {  	v1 =	vld.idx.msk [tilespmem:v1+s4+$0x0], $0xffff;
	_ =	sdelay $0x4  }
0x135: {  	[tilespmem:$0x1AEF0] =	vst v1  }
0x136: {  	v1 =	vld.idx.msk [tilespmem:v2+s4+$0x0], $0xffff  }
0x137: {  	v2 =	vor.u32 $0x500, v0;
	_ =	sdelay $0x3  }
0x138: {  	[tilespmem:$0x1BB70] =	vst v1  }
0x139: {  	v1 =	vld.idx.msk [tilespmem:v2+s13+$0x0], $0xffff  }
0x13a: {  	v2 =	vor.u32 $0x580, v0;
	_ =	sdelay $0x4  }
0x13b: {  	v2 =	vld.idx.msk [tilespmem:v2+s13+$0x0], $0xffff;
	_ =	sdelay $0x1  }
0x13c: {  	v1 =	vld.idx.msk [tilespmem:v1+s4+$0x0], $0xffff;
	_ =	sdelay $0x4  }
0x13d: {  	[tilespmem:$0x1AF00] =	vst v1  }
0x13e: {  	v1 =	vld.idx.msk [tilespmem:v2+s4+$0x0], $0xffff  }
0x13f: {  	v2 =	vor.u32 $0x510, v0;
	_ =	sdelay $0x3  }
0x140: {  	[tilespmem:$0x1BB80] =	vst v1  }
0x141: {  	v1 =	vld.idx.msk [tilespmem:v2+s13+$0x0], $0xffff  }
0x142: {  	v2 =	vor.u32 $0x590, v0;
	_ =	sdelay $0x4  }
0x143: {  	v2 =	vld.idx.msk [tilespmem:v2+s13+$0x0], $0xffff;
	_ =	sdelay $0x1  }
0x144: {  	v1 =	vld.idx.msk [tilespmem:v1+s4+$0x0], $0xffff;
	_ =	sdelay $0x4  }
0x145: {  	[tilespmem:$0x1AF10] =	vst v1  }
0x146: {  	v1 =	vld.idx.msk [tilespmem:v2+s4+$0x0], $0xffff  }
0x147: {  	v2 =	vor.u32 $0x520, v0;
	_ =	sdelay $0x3  }
0x148: {  	[tilespmem:$0x1BB90] =	vst v1  }
0x149: {  	v1 =	vld.idx.msk [tilespmem:v2+s13+$0x0], $0xffff  }
0x14a: {  	v2 =	vor.u32 $0x5A0, v0;
	_ =	sdelay $0x4  }
0x14b: {  	v2 =	vld.idx.msk [tilespmem:v2+s13+$0x0], $0xffff;
	_ =	sdelay $0x1  }
0x14c: {  	v1 =	vld.idx.msk [tilespmem:v1+s4+$0x0], $0xffff;
	_ =	sdelay $0x4  }
0x14d: {  	[tilespmem:$0x1AF20] =	vst v1  }
0x14e: {  	v1 =	vld.idx.msk [tilespmem:v2+s4+$0x0], $0xffff  }
0x14f: {  	v2 =	vor.u32 $0x530, v0;
	_ =	sdelay $0x3  }
0x150: {  	[tilespmem:$0x1BBA0] =	vst v1  }
0x151: {  	v1 =	vld.idx.msk [tilespmem:v2+s13+$0x0], $0xffff  }
0x152: {  	v2 =	vor.u32 $0x5B0, v0;
	_ =	sdelay $0x4  }
0x153: {  	v2 =	vld.idx.msk [tilespmem:v2+s13+$0x0], $0xffff;
	_ =	sdelay $0x1  }
0x154: {  	v1 =	vld.idx.msk [tilespmem:v1+s4+$0x0], $0xffff;
	_ =	sdelay $0x4  }
0x155: {  	[tilespmem:$0x1AF30] =	vst v1  }
0x156: {  	v1 =	vld.idx.msk [tilespmem:v2+s4+$0x0], $0xffff  }
0x157: {  	v2 =	vor.u32 $0x540, v0;
	_ =	sdelay $0x3  }
0x158: {  	[tilespmem:$0x1BBB0] =	vst v1  }
0x159: {  	v1 =	vld.idx.msk [tilespmem:v2+s13+$0x0], $0xffff  }
0x15a: {  	v2 =	vor.u32 $0x5C0, v0;
	_ =	sdelay $0x4  }
0x15b: {  	v2 =	vld.idx.msk [tilespmem:v2+s13+$0x0], $0xffff;
	_ =	sdelay $0x1  }
0x15c: {  	v1 =	vld.idx.msk [tilespmem:v1+s4+$0x0], $0xffff;
	_ =	sdelay $0x4  }
0x15d: {  	[tilespmem:$0x1AF40] =	vst v1  }
0x15e: {  	v1 =	vld.idx.msk [tilespmem:v2+s4+$0x0], $0xffff  }
0x15f: {  	v2 =	vor.u32 $0x550, v0;
	_ =	sdelay $0x3  }
0x160: {  	[tilespmem:$0x1BBC0] =	vst v1  }
0x161: {  	v1 =	vld.idx.msk [tilespmem:v2+s13+$0x0], $0xffff  }
0x162: {  	v2 =	vor.u32 $0x5D0, v0;
	_ =	sdelay $0x4  }
0x163: {  	v2 =	vld.idx.msk [tilespmem:v2+s13+$0x0], $0xffff;
	_ =	sdelay $0x1  }
0x164: {  	v1 =	vld.idx.msk [tilespmem:v1+s4+$0x0], $0xffff;
	_ =	sdelay $0x4  }
0x165: {  	[tilespmem:$0x1AF50] =	vst v1  }
0x166: {  	v1 =	vld.idx.msk [tilespmem:v2+s4+$0x0], $0xffff  }
0x167: {  	v2 =	vor.u32 $0x560, v0;
	_ =	sdelay $0x3  }
0x168: {  	[tilespmem:$0x1BBD0] =	vst v1  }
0x169: {  	v1 =	vld.idx.msk [tilespmem:v2+s13+$0x0], $0xffff  }
0x16a: {  	v2 =	vor.u32 $0x5E0, v0;
	_ =	sdelay $0x4  }
0x16b: {  	v2 =	vld.idx.msk [tilespmem:v2+s13+$0x0], $0xffff;
	_ =	sdelay $0x1  }
0x16c: {  	v1 =	vld.idx.msk [tilespmem:v1+s4+$0x0], $0xffff;
	_ =	sdelay $0x4  }
0x16d: {  	[tilespmem:$0x1AF60] =	vst v1  }
0x16e: {  	v1 =	vld.idx.msk [tilespmem:v2+s4+$0x0], $0xffff  }
0x16f: {  	v2 =	vor.u32 $0x570, v0;
	_ =	sdelay $0x3  }
0x170: {  	[tilespmem:$0x1BBE0] =	vst v1  }
0x171: {  	v1 =	vld.idx.msk [tilespmem:v2+s13+$0x0], $0xffff  }
0x172: {  	v2 =	vor.u32 $0x5F0, v0;
	_ =	sdelay $0x4  }
0x173: {  	v2 =	vld.idx.msk [tilespmem:v2+s13+$0x0], $0xffff;
	_ =	sdelay $0x1  }
0x174: {  	v1 =	vld.idx.msk [tilespmem:v1+s4+$0x0], $0xffff;
	_ =	sdelay $0x4  }
0x175: {  	[tilespmem:$0x1AF70] =	vst v1  }
0x176: {  	v1 =	vld.idx.msk [tilespmem:v2+s4+$0x0], $0xffff  }
0x177: {  	v2 =	vor.u32 $0x600, v0;
	_ =	sdelay $0x3  }
0x178: {  	[tilespmem:$0x1BBF0] =	vst v1  }
0x179: {  	v1 =	vld.idx.msk [tilespmem:v2+s13+$0x0], $0xffff  }
0x17a: {  	v2 =	vor.u32 $0x680, v0;
	_ =	sdelay $0x4  }
0x17b: {  	v2 =	vld.idx.msk [tilespmem:v2+s13+$0x0], $0xffff;
	_ =	sdelay $0x1  }
0x17c: {  	v1 =	vld.idx.msk [tilespmem:v1+s4+$0x0], $0xffff;
	_ =	sdelay $0x4  }
0x17d: {  	[tilespmem:$0x1AF80] =	vst v1  }
0x17e: {  	v1 =	vld.idx.msk [tilespmem:v2+s4+$0x0], $0xffff  }
0x17f: {  	v2 =	vor.u32 $0x610, v0;
	_ =	sdelay $0x3  }
0x180: {  	[tilespmem:$0x1BC00] =	vst v1  }
0x181: {  	v1 =	vld.idx.msk [tilespmem:v2+s13+$0x0], $0xffff  }
0x182: {  	v2 =	vor.u32 $0x690, v0;
	_ =	sdelay $0x4  }
0x183: {  	v2 =	vld.idx.msk [tilespmem:v2+s13+$0x0], $0xffff;
	_ =	sdelay $0x1  }
0x184: {  	v1 =	vld.idx.msk [tilespmem:v1+s4+$0x0], $0xffff;
	_ =	sdelay $0x4  }
0x185: {  	[tilespmem:$0x1AF90] =	vst v1  }
0x186: {  	v1 =	vld.idx.msk [tilespmem:v2+s4+$0x0], $0xffff  }
0x187: {  	v2 =	vor.u32 $0x620, v0;
	_ =	sdelay $0x3  }
0x188: {  	[tilespmem:$0x1BC10] =	vst v1  }
0x189: {  	v1 =	vld.idx.msk [tilespmem:v2+s13+$0x0], $0xffff  }
0x18a: {  	v2 =	vor.u32 $0x6A0, v0;
	_ =	sdelay $0x4  }
0x18b: {  	v2 =	vld.idx.msk [tilespmem:v2+s13+$0x0], $0xffff;
	_ =	sdelay $0x1  }
0x18c: {  	v1 =	vld.idx.msk [tilespmem:v1+s4+$0x0], $0xffff;
	_ =	sdelay $0x4  }
0x18d: {  	[tilespmem:$0x1AFA0] =	vst v1  }
0x18e: {  	v1 =	vld.idx.msk [tilespmem:v2+s4+$0x0], $0xffff  }
0x18f: {  	v2 =	vor.u32 $0x630, v0;
	_ =	sdelay $0x3  }
0x190: {  	[tilespmem:$0x1BC20] =	vst v1  }
0x191: {  	v1 =	vld.idx.msk [tilespmem:v2+s13+$0x0], $0xffff  }
0x192: {  	v2 =	vor.u32 $0x6B0, v0;
	_ =	sdelay $0x4  }
0x193: {  	v2 =	vld.idx.msk [tilespmem:v2+s13+$0x0], $0xffff;
	_ =	sdelay $0x1  }
0x194: {  	v1 =	vld.idx.msk [tilespmem:v1+s4+$0x0], $0xffff;
	_ =	sdelay $0x4  }
0x195: {  	[tilespmem:$0x1AFB0] =	vst v1  }
0x196: {  	v1 =	vld.idx.msk [tilespmem:v2+s4+$0x0], $0xffff  }
0x197: {  	v2 =	vor.u32 $0x640, v0;
	_ =	sdelay $0x3  }
0x198: {  	[tilespmem:$0x1BC30] =	vst v1  }
0x199: {  	v1 =	vld.idx.msk [tilespmem:v2+s13+$0x0], $0xffff  }
0x19a: {  	v2 =	vor.u32 $0x6C0, v0;
	_ =	sdelay $0x4  }
0x19b: {  	v2 =	vld.idx.msk [tilespmem:v2+s13+$0x0], $0xffff;
	_ =	sdelay $0x1  }
0x19c: {  	v1 =	vld.idx.msk [tilespmem:v1+s4+$0x0], $0xffff;
	_ =	sdelay $0x4  }
0x19d: {  	[tilespmem:$0x1AFC0] =	vst v1  }
0x19e: {  	v1 =	vld.idx.msk [tilespmem:v2+s4+$0x0], $0xffff  }
0x19f: {  	v2 =	vor.u32 $0x650, v0;
	_ =	sdelay $0x3  }
0x1a0: {  	[tilespmem:$0x1BC40] =	vst v1  }
0x1a1: {  	v1 =	vld.idx.msk [tilespmem:v2+s13+$0x0], $0xffff  }
0x1a2: {  	v2 =	vor.u32 $0x6D0, v0;
	_ =	sdelay $0x4  }
0x1a3: {  	v2 =	vld.idx.msk [tilespmem:v2+s13+$0x0], $0xffff;
	_ =	sdelay $0x1  }
0x1a4: {  	v1 =	vld.idx.msk [tilespmem:v1+s4+$0x0], $0xffff;
	_ =	sdelay $0x4  }
0x1a5: {  	[tilespmem:$0x1AFD0] =	vst v1  }
0x1a6: {  	v1 =	vld.idx.msk [tilespmem:v2+s4+$0x0], $0xffff  }
0x1a7: {  	v2 =	vor.u32 $0x660, v0;
	_ =	sdelay $0x3  }
0x1a8: {  	[tilespmem:$0x1BC50] =	vst v1  }
0x1a9: {  	v1 =	vld.idx.msk [tilespmem:v2+s13+$0x0], $0xffff  }
0x1aa: {  	v2 =	vor.u32 $0x6E0, v0;
	_ =	sdelay $0x4  }
0x1ab: {  	v2 =	vld.idx.msk [tilespmem:v2+s13+$0x0], $0xffff;
	_ =	sdelay $0x1  }
0x1ac: {  	v1 =	vld.idx.msk [tilespmem:v1+s4+$0x0], $0xffff;
	_ =	sdelay $0x4  }
0x1ad: {  	[tilespmem:$0x1AFE0] =	vst v1  }
0x1ae: {  	v1 =	vld.idx.msk [tilespmem:v2+s4+$0x0], $0xffff  }
0x1af: {  	v2 =	vor.u32 $0x670, v0;
	_ =	sdelay $0x3  }
0x1b0: {  	[tilespmem:$0x1BC60] =	vst v1  }
0x1b1: {  	v1 =	vld.idx.msk [tilespmem:v2+s13+$0x0], $0xffff  }
0x1b2: {  	v2 =	vor.u32 $0x6F0, v0;
	_ =	sdelay $0x4  }
0x1b3: {  	v2 =	vld.idx.msk [tilespmem:v2+s13+$0x0], $0xffff;
	_ =	sdelay $0x1  }
0x1b4: {  	v1 =	vld.idx.msk [tilespmem:v1+s4+$0x0], $0xffff;
	_ =	sdelay $0x4  }
0x1b5: {  	[tilespmem:$0x1AFF0] =	vst v1  }
0x1b6: {  	v1 =	vld.idx.msk [tilespmem:v2+s4+$0x0], $0xffff  }
0x1b7: {  	v2 =	vor.u32 $0x700, v0;
	_ =	sdelay $0x3  }
0x1b8: {  	[tilespmem:$0x1BC70] =	vst v1  }
0x1b9: {  	v1 =	vld.idx.msk [tilespmem:v2+s13+$0x0], $0xffff  }
0x1ba: {  	v2 =	vor.u32 $0x780, v0;
	_ =	sdelay $0x4  }
0x1bb: {  	v2 =	vld.idx.msk [tilespmem:v2+s13+$0x0], $0xffff;
	_ =	sdelay $0x1  }
0x1bc: {  	v1 =	vld.idx.msk [tilespmem:v1+s4+$0x0], $0xffff;
	_ =	sdelay $0x4  }
0x1bd: {  	[tilespmem:$0x1B000] =	vst v1  }
0x1be: {  	v1 =	vld.idx.msk [tilespmem:v2+s4+$0x0], $0xffff  }
0x1bf: {  	v2 =	vor.u32 $0x710, v0;
	_ =	sdelay $0x3  }
0x1c0: {  	[tilespmem:$0x1BC80] =	vst v1  }
0x1c1: {  	v1 =	vld.idx.msk [tilespmem:v2+s13+$0x0], $0xffff  }
0x1c2: {  	v2 =	vor.u32 $0x790, v0;
	_ =	sdelay $0x4  }
0x1c3: {  	v2 =	vld.idx.msk [tilespmem:v2+s13+$0x0], $0xffff;
	_ =	sdelay $0x1  }
0x1c4: {  	v1 =	vld.idx.msk [tilespmem:v1+s4+$0x0], $0xffff;
	_ =	sdelay $0x4  }
0x1c5: {  	[tilespmem:$0x1B010] =	vst v1  }
0x1c6: {  	v1 =	vld.idx.msk [tilespmem:v2+s4+$0x0], $0xffff  }
0x1c7: {  	v2 =	vor.u32 $0x720, v0;
	_ =	sdelay $0x3  }
0x1c8: {  	[tilespmem:$0x1BC90] =	vst v1  }
0x1c9: {  	v1 =	vld.idx.msk [tilespmem:v2+s13+$0x0], $0xffff  }
0x1ca: {  	v2 =	vor.u32 $0x7A0, v0;
	_ =	sdelay $0x4  }
0x1cb: {  	v2 =	vld.idx.msk [tilespmem:v2+s13+$0x0], $0xffff;
	_ =	sdelay $0x1  }
0x1cc: {  	v1 =	vld.idx.msk [tilespmem:v1+s4+$0x0], $0xffff;
	_ =	sdelay $0x4  }
0x1cd: {  	[tilespmem:$0x1B020] =	vst v1  }
0x1ce: {  	v1 =	vld.idx.msk [tilespmem:v2+s4+$0x0], $0xffff  }
0x1cf: {  	v2 =	vor.u32 $0x730, v0;
	_ =	sdelay $0x3  }
0x1d0: {  	[tilespmem:$0x1BCA0] =	vst v1  }
0x1d1: {  	v1 =	vld.idx.msk [tilespmem:v2+s13+$0x0], $0xffff  }
0x1d2: {  	v2 =	vor.u32 $0x7B0, v0;
	_ =	sdelay $0x4  }
0x1d3: {  	v2 =	vld.idx.msk [tilespmem:v2+s13+$0x0], $0xffff;
	_ =	sdelay $0x1  }
0x1d4: {  	v1 =	vld.idx.msk [tilespmem:v1+s4+$0x0], $0xffff;
	_ =	sdelay $0x4  }
0x1d5: {  	[tilespmem:$0x1B030] =	vst v1  }
0x1d6: {  	v1 =	vld.idx.msk [tilespmem:v2+s4+$0x0], $0xffff  }
0x1d7: {  	v2 =	vor.u32 $0x740, v0;
	_ =	sdelay $0x3  }
0x1d8: {  	[tilespmem:$0x1BCB0] =	vst v1  }
0x1d9: {  	v1 =	vld.idx.msk [tilespmem:v2+s13+$0x0], $0xffff  }
0x1da: {  	v2 =	vor.u32 $0x7C0, v0;
	_ =	sdelay $0x4  }
0x1db: {  	v2 =	vld.idx.msk [tilespmem:v2+s13+$0x0], $0xffff;
	_ =	sdelay $0x1  }
0x1dc: {  	v1 =	vld.idx.msk [tilespmem:v1+s4+$0x0], $0xffff;
	_ =	sdelay $0x4  }
0x1dd: {  	[tilespmem:$0x1B040] =	vst v1  }
0x1de: {  	v1 =	vld.idx.msk [tilespmem:v2+s4+$0x0], $0xffff  }
0x1df: {  	v2 =	vor.u32 $0x750, v0;
	_ =	sdelay $0x3  }
0x1e0: {  	[tilespmem:$0x1BCC0] =	vst v1  }
0x1e1: {  	v1 =	vld.idx.msk [tilespmem:v2+s13+$0x0], $0xffff  }
0x1e2: {  	v2 =	vor.u32 $0x7D0, v0;
	_ =	sdelay $0x4  }
0x1e3: {  	v2 =	vld.idx.msk [tilespmem:v2+s13+$0x0], $0xffff;
	_ =	sdelay $0x1  }
0x1e4: {  	v1 =	vld.idx.msk [tilespmem:v1+s4+$0x0], $0xffff;
	_ =	sdelay $0x4  }
0x1e5: {  	[tilespmem:$0x1B050] =	vst v1  }
0x1e6: {  	v1 =	vld.idx.msk [tilespmem:v2+s4+$0x0], $0xffff  }
0x1e7: {  	v2 =	vor.u32 $0x760, v0;
	_ =	sdelay $0x3  }
0x1e8: {  	[tilespmem:$0x1BCD0] =	vst v1  }
0x1e9: {  	v1 =	vld.idx.msk [tilespmem:v2+s13+$0x0], $0xffff  }
0x1ea: {  	v2 =	vor.u32 $0x7E0, v0;
	_ =	sdelay $0x4  }
0x1eb: {  	v2 =	vld.idx.msk [tilespmem:v2+s13+$0x0], $0xffff;
	_ =	sdelay $0x1  }
0x1ec: {  	v1 =	vld.idx.msk [tilespmem:v1+s4+$0x0], $0xffff;
	_ =	sdelay $0x4  }
0x1ed: {  	[tilespmem:$0x1B060] =	vst v1  }
0x1ee: {  	v1 =	vld.idx.msk [tilespmem:v2+s4+$0x0], $0xffff  }
0x1ef: {  	v2 =	vor.u32 $0x770, v0;
	_ =	sdelay $0x3  }
0x1f0: {  	[tilespmem:$0x1BCE0] =	vst v1  }
0x1f1: {  	v1 =	vld.idx.msk [tilespmem:v2+s13+$0x0], $0xffff  }
0x1f2: {  	v2 =	vor.u32 $0x7F0, v0;
	_ =	sdelay $0x4  }
0x1f3: {  	v2 =	vld.idx.msk [tilespmem:v2+s13+$0x0], $0xffff;
	_ =	sdelay $0x1  }
0x1f4: {  	v1 =	vld.idx.msk [tilespmem:v1+s4+$0x0], $0xffff;
	_ =	sdelay $0x4  }
0x1f5: {  	[tilespmem:$0x1B070] =	vst v1  }
0x1f6: {  	v1 =	vld.idx.msk [tilespmem:v2+s4+$0x0], $0xffff  }
0x1f7: {  	v2 =	vor.u32 $0x800, v0;
	_ =	sdelay $0x3  }
0x1f8: {  	[tilespmem:$0x1BCF0] =	vst v1  }
0x1f9: {  	v1 =	vld.idx.msk [tilespmem:v2+s13+$0x0], $0xffff  }
0x1fa: {  	v2 =	vor.u32 $0x880, v0;
	_ =	sdelay $0x4  }
0x1fb: {  	v2 =	vld.idx.msk [tilespmem:v2+s13+$0x0], $0xffff;
	_ =	sdelay $0x1  }
0x1fc: {  	v1 =	vld.idx.msk [tilespmem:v1+s4+$0x0], $0xffff;
	_ =	sdelay $0x4  }
0x1fd: {  	[tilespmem:$0x1B080] =	vst v1  }
0x1fe: {  	v1 =	vld.idx.msk [tilespmem:v2+s4+$0x0], $0xffff  }
0x1ff: {  	v2 =	vor.u32 $0x810, v0;
	_ =	sdelay $0x3  }
0x200: {  	[tilespmem:$0x1BD00] =	vst v1  }
0x201: {  	v1 =	vld.idx.msk [tilespmem:v2+s13+$0x0], $0xffff  }
0x202: {  	v2 =	vor.u32 $0x890, v0;
	_ =	sdelay $0x4  }
0x203: {  	v2 =	vld.idx.msk [tilespmem:v2+s13+$0x0], $0xffff;
	_ =	sdelay $0x1  }
0x204: {  	v1 =	vld.idx.msk [tilespmem:v1+s4+$0x0], $0xffff;
	_ =	sdelay $0x4  }
0x205: {  	[tilespmem:$0x1B090] =	vst v1  }
0x206: {  	v1 =	vld.idx.msk [tilespmem:v2+s4+$0x0], $0xffff  }
0x207: {  	v2 =	vor.u32 $0x820, v0;
	_ =	sdelay $0x3  }
0x208: {  	[tilespmem:$0x1BD10] =	vst v1  }
0x209: {  	v1 =	vld.idx.msk [tilespmem:v2+s13+$0x0], $0xffff  }
0x20a: {  	v2 =	vor.u32 $0x8A0, v0;
	_ =	sdelay $0x4  }
0x20b: {  	v2 =	vld.idx.msk [tilespmem:v2+s13+$0x0], $0xffff;
	_ =	sdelay $0x1  }
0x20c: {  	v1 =	vld.idx.msk [tilespmem:v1+s4+$0x0], $0xffff;
	_ =	sdelay $0x4  }
0x20d: {  	[tilespmem:$0x1B0A0] =	vst v1  }
0x20e: {  	v1 =	vld.idx.msk [tilespmem:v2+s4+$0x0], $0xffff  }
0x20f: {  	v2 =	vor.u32 $0x830, v0;
	_ =	sdelay $0x3  }
0x210: {  	[tilespmem:$0x1BD20] =	vst v1  }
0x211: {  	v1 =	vld.idx.msk [tilespmem:v2+s13+$0x0], $0xffff  }
0x212: {  	v2 =	vor.u32 $0x8B0, v0;
	_ =	sdelay $0x4  }
0x213: {  	v2 =	vld.idx.msk [tilespmem:v2+s13+$0x0], $0xffff;
	_ =	sdelay $0x1  }
0x214: {  	v1 =	vld.idx.msk [tilespmem:v1+s4+$0x0], $0xffff;
	_ =	sdelay $0x4  }
0x215: {  	[tilespmem:$0x1B0B0] =	vst v1  }
0x216: {  	v1 =	vld.idx.msk [tilespmem:v2+s4+$0x0], $0xffff  }
0x217: {  	v2 =	vor.u32 $0x840, v0;
	_ =	sdelay $0x3  }
0x218: {  	[tilespmem:$0x1BD30] =	vst v1  }
0x219: {  	v1 =	vld.idx.msk [tilespmem:v2+s13+$0x0], $0xffff  }
0x21a: {  	v2 =	vor.u32 $0x8C0, v0;
	_ =	sdelay $0x4  }
0x21b: {  	v2 =	vld.idx.msk [tilespmem:v2+s13+$0x0], $0xffff;
	_ =	sdelay $0x1  }
0x21c: {  	v1 =	vld.idx.msk [tilespmem:v1+s4+$0x0], $0xffff;
	_ =	sdelay $0x4  }
0x21d: {  	[tilespmem:$0x1B0C0] =	vst v1  }
0x21e: {  	v1 =	vld.idx.msk [tilespmem:v2+s4+$0x0], $0xffff  }
0x21f: {  	v2 =	vor.u32 $0x850, v0;
	_ =	sdelay $0x3  }
0x220: {  	[tilespmem:$0x1BD40] =	vst v1  }
0x221: {  	v1 =	vld.idx.msk [tilespmem:v2+s13+$0x0], $0xffff  }
0x222: {  	v2 =	vor.u32 $0x8D0, v0;
	_ =	sdelay $0x4  }
0x223: {  	v2 =	vld.idx.msk [tilespmem:v2+s13+$0x0], $0xffff;
	_ =	sdelay $0x1  }
0x224: {  	v1 =	vld.idx.msk [tilespmem:v1+s4+$0x0], $0xffff;
	_ =	sdelay $0x4  }
0x225: {  	[tilespmem:$0x1B0D0] =	vst v1  }
0x226: {  	v1 =	vld.idx.msk [tilespmem:v2+s4+$0x0], $0xffff  }
0x227: {  	v2 =	vor.u32 $0x860, v0;
	_ =	sdelay $0x3  }
0x228: {  	[tilespmem:$0x1BD50] =	vst v1  }
0x229: {  	v1 =	vld.idx.msk [tilespmem:v2+s13+$0x0], $0xffff  }
0x22a: {  	v2 =	vor.u32 $0x8E0, v0;
	_ =	sdelay $0x4  }
0x22b: {  	v2 =	vld.idx.msk [tilespmem:v2+s13+$0x0], $0xffff;
	_ =	sdelay $0x1  }
0x22c: {  	v1 =	vld.idx.msk [tilespmem:v1+s4+$0x0], $0xffff;
	_ =	sdelay $0x4  }
0x22d: {  	[tilespmem:$0x1B0E0] =	vst v1  }
0x22e: {  	v1 =	vld.idx.msk [tilespmem:v2+s4+$0x0], $0xffff  }
0x22f: {  	v2 =	vor.u32 $0x870, v0;
	_ =	sdelay $0x3  }
0x230: {  	[tilespmem:$0x1BD60] =	vst v1  }
0x231: {  	v1 =	vld.idx.msk [tilespmem:v2+s13+$0x0], $0xffff  }
0x232: {  	v2 =	vor.u32 $0x8F0, v0;
	_ =	sdelay $0x4  }
0x233: {  	v2 =	vld.idx.msk [tilespmem:v2+s13+$0x0], $0xffff;
	_ =	sdelay $0x1  }
0x234: {  	v1 =	vld.idx.msk [tilespmem:v1+s4+$0x0], $0xffff;
	_ =	sdelay $0x4  }
0x235: {  	[tilespmem:$0x1B0F0] =	vst v1  }
0x236: {  	v1 =	vld.idx.msk [tilespmem:v2+s4+$0x0], $0xffff  }
0x237: {  	v2 =	vor.u32 $0x900, v0;
	_ =	sdelay $0x3  }
0x238: {  	[tilespmem:$0x1BD70] =	vst v1  }
0x239: {  	v1 =	vld.idx.msk [tilespmem:v2+s13+$0x0], $0xffff  }
0x23a: {  	v2 =	vor.u32 $0x980, v0;
	_ =	sdelay $0x4  }
0x23b: {  	v2 =	vld.idx.msk [tilespmem:v2+s13+$0x0], $0xffff;
	_ =	sdelay $0x1  }
0x23c: {  	v1 =	vld.idx.msk [tilespmem:v1+s4+$0x0], $0xffff;
	_ =	sdelay $0x4  }
0x23d: {  	[tilespmem:$0x1B100] =	vst v1  }
0x23e: {  	v1 =	vld.idx.msk [tilespmem:v2+s4+$0x0], $0xffff  }
0x23f: {  	v2 =	vor.u32 $0x910, v0;
	_ =	sdelay $0x3  }
0x240: {  	[tilespmem:$0x1BD80] =	vst v1  }
0x241: {  	v1 =	vld.idx.msk [tilespmem:v2+s13+$0x0], $0xffff  }
0x242: {  	v2 =	vor.u32 $0x990, v0;
	_ =	sdelay $0x4  }
0x243: {  	v2 =	vld.idx.msk [tilespmem:v2+s13+$0x0], $0xffff;
	_ =	sdelay $0x1  }
0x244: {  	v1 =	vld.idx.msk [tilespmem:v1+s4+$0x0], $0xffff;
	_ =	sdelay $0x4  }
0x245: {  	[tilespmem:$0x1B110] =	vst v1  }
0x246: {  	v1 =	vld.idx.msk [tilespmem:v2+s4+$0x0], $0xffff  }
0x247: {  	v2 =	vor.u32 $0x920, v0;
	_ =	sdelay $0x3  }
0x248: {  	[tilespmem:$0x1BD90] =	vst v1  }
0x249: {  	v1 =	vld.idx.msk [tilespmem:v2+s13+$0x0], $0xffff  }
0x24a: {  	v2 =	vor.u32 $0x9A0, v0;
	_ =	sdelay $0x4  }
0x24b: {  	v2 =	vld.idx.msk [tilespmem:v2+s13+$0x0], $0xffff;
	_ =	sdelay $0x1  }
0x24c: {  	v1 =	vld.idx.msk [tilespmem:v1+s4+$0x0], $0xffff;
	_ =	sdelay $0x4  }
0x24d: {  	[tilespmem:$0x1B120] =	vst v1  }
0x24e: {  	v1 =	vld.idx.msk [tilespmem:v2+s4+$0x0], $0xffff  }
0x24f: {  	v2 =	vor.u32 $0x930, v0;
	_ =	sdelay $0x3  }
0x250: {  	[tilespmem:$0x1BDA0] =	vst v1  }
0x251: {  	v1 =	vld.idx.msk [tilespmem:v2+s13+$0x0], $0xffff  }
0x252: {  	v2 =	vor.u32 $0x9B0, v0;
	_ =	sdelay $0x4  }
0x253: {  	v2 =	vld.idx.msk [tilespmem:v2+s13+$0x0], $0xffff;
	_ =	sdelay $0x1  }
0x254: {  	v1 =	vld.idx.msk [tilespmem:v1+s4+$0x0], $0xffff;
	_ =	sdelay $0x4  }
0x255: {  	[tilespmem:$0x1B130] =	vst v1  }
0x256: {  	v1 =	vld.idx.msk [tilespmem:v2+s4+$0x0], $0xffff  }
0x257: {  	v2 =	vor.u32 $0x940, v0;
	_ =	sdelay $0x3  }
0x258: {  	[tilespmem:$0x1BDB0] =	vst v1  }
0x259: {  	v1 =	vld.idx.msk [tilespmem:v2+s13+$0x0], $0xffff  }
0x25a: {  	v2 =	vor.u32 $0x9C0, v0;
	_ =	sdelay $0x4  }
0x25b: {  	v2 =	vld.idx.msk [tilespmem:v2+s13+$0x0], $0xffff;
	_ =	sdelay $0x1  }
0x25c: {  	v1 =	vld.idx.msk [tilespmem:v1+s4+$0x0], $0xffff;
	_ =	sdelay $0x4  }
0x25d: {  	[tilespmem:$0x1B140] =	vst v1  }
0x25e: {  	v1 =	vld.idx.msk [tilespmem:v2+s4+$0x0], $0xffff  }
0x25f: {  	v2 =	vor.u32 $0x950, v0;
	_ =	sdelay $0x3  }
0x260: {  	[tilespmem:$0x1BDC0] =	vst v1  }
0x261: {  	v1 =	vld.idx.msk [tilespmem:v2+s13+$0x0], $0xffff  }
0x262: {  	v2 =	vor.u32 $0x9D0, v0;
	_ =	sdelay $0x4  }
0x263: {  	v2 =	vld.idx.msk [tilespmem:v2+s13+$0x0], $0xffff;
	_ =	sdelay $0x1  }
0x264: {  	v1 =	vld.idx.msk [tilespmem:v1+s4+$0x0], $0xffff;
	_ =	sdelay $0x4  }
0x265: {  	[tilespmem:$0x1B150] =	vst v1  }
0x266: {  	v1 =	vld.idx.msk [tilespmem:v2+s4+$0x0], $0xffff  }
0x267: {  	v2 =	vor.u32 $0x960, v0;
	_ =	sdelay $0x3  }
0x268: {  	[tilespmem:$0x1BDD0] =	vst v1  }
0x269: {  	v1 =	vld.idx.msk [tilespmem:v2+s13+$0x0], $0xffff  }
0x26a: {  	v2 =	vor.u32 $0x9E0, v0;
	_ =	sdelay $0x4  }
0x26b: {  	v2 =	vld.idx.msk [tilespmem:v2+s13+$0x0], $0xffff;
	_ =	sdelay $0x1  }
0x26c: {  	v1 =	vld.idx.msk [tilespmem:v1+s4+$0x0], $0xffff;
	_ =	sdelay $0x4  }
0x26d: {  	[tilespmem:$0x1B160] =	vst v1  }
0x26e: {  	v1 =	vld.idx.msk [tilespmem:v2+s4+$0x0], $0xffff  }
0x26f: {  	v2 =	vor.u32 $0x970, v0;
	_ =	sdelay $0x3  }
0x270: {  	[tilespmem:$0x1BDE0] =	vst v1  }
0x271: {  	v1 =	vld.idx.msk [tilespmem:v2+s13+$0x0], $0xffff  }
0x272: {  	v2 =	vor.u32 $0x9F0, v0;
	_ =	sdelay $0x4  }
0x273: {  	v2 =	vld.idx.msk [tilespmem:v2+s13+$0x0], $0xffff;
	_ =	sdelay $0x1  }
0x274: {  	v1 =	vld.idx.msk [tilespmem:v1+s4+$0x0], $0xffff;
	_ =	sdelay $0x4  }
0x275: {  	[tilespmem:$0x1B170] =	vst v1  }
0x276: {  	v1 =	vld.idx.msk [tilespmem:v2+s4+$0x0], $0xffff  }
0x277: {  	v2 =	vor.u32 $0xA00, v0;
	_ =	sdelay $0x3  }
0x278: {  	[tilespmem:$0x1BDF0] =	vst v1  }
0x279: {  	v1 =	vld.idx.msk [tilespmem:v2+s13+$0x0], $0xffff  }
0x27a: {  	v2 =	vor.u32 $0xA80, v0;
	_ =	sdelay $0x4  }
0x27b: {  	v2 =	vld.idx.msk [tilespmem:v2+s13+$0x0], $0xffff;
	_ =	sdelay $0x1  }
0x27c: {  	v1 =	vld.idx.msk [tilespmem:v1+s4+$0x0], $0xffff;
	_ =	sdelay $0x4  }
0x27d: {  	[tilespmem:$0x1B180] =	vst v1  }
0x27e: {  	v1 =	vld.idx.msk [tilespmem:v2+s4+$0x0], $0xffff  }
0x27f: {  	v2 =	vor.u32 $0xA10, v0;
	_ =	sdelay $0x3  }
0x280: {  	[tilespmem:$0x1BE00] =	vst v1  }
0x281: {  	v1 =	vld.idx.msk [tilespmem:v2+s13+$0x0], $0xffff  }
0x282: {  	v2 =	vor.u32 $0xA90, v0;
	_ =	sdelay $0x4  }
0x283: {  	v2 =	vld.idx.msk [tilespmem:v2+s13+$0x0], $0xffff;
	_ =	sdelay $0x1  }
0x284: {  	v1 =	vld.idx.msk [tilespmem:v1+s4+$0x0], $0xffff;
	_ =	sdelay $0x4  }
0x285: {  	[tilespmem:$0x1B190] =	vst v1  }
0x286: {  	v1 =	vld.idx.msk [tilespmem:v2+s4+$0x0], $0xffff  }
0x287: {  	v2 =	vor.u32 $0xA20, v0;
	_ =	sdelay $0x3  }
0x288: {  	[tilespmem:$0x1BE10] =	vst v1  }
0x289: {  	v1 =	vld.idx.msk [tilespmem:v2+s13+$0x0], $0xffff  }
0x28a: {  	v2 =	vor.u32 $0xAA0, v0;
	_ =	sdelay $0x4  }
0x28b: {  	v2 =	vld.idx.msk [tilespmem:v2+s13+$0x0], $0xffff;
	_ =	sdelay $0x1  }
0x28c: {  	v1 =	vld.idx.msk [tilespmem:v1+s4+$0x0], $0xffff;
	_ =	sdelay $0x4  }
0x28d: {  	[tilespmem:$0x1B1A0] =	vst v1  }
0x28e: {  	v1 =	vld.idx.msk [tilespmem:v2+s4+$0x0], $0xffff  }
0x28f: {  	v2 =	vor.u32 $0xA30, v0;
	_ =	sdelay $0x3  }
0x290: {  	[tilespmem:$0x1BE20] =	vst v1  }
0x291: {  	v1 =	vld.idx.msk [tilespmem:v2+s13+$0x0], $0xffff  }
0x292: {  	v2 =	vor.u32 $0xAB0, v0;
	_ =	sdelay $0x4  }
0x293: {  	v2 =	vld.idx.msk [tilespmem:v2+s13+$0x0], $0xffff;
	_ =	sdelay $0x1  }
0x294: {  	v1 =	vld.idx.msk [tilespmem:v1+s4+$0x0], $0xffff;
	_ =	sdelay $0x4  }
0x295: {  	[tilespmem:$0x1B1B0] =	vst v1  }
0x296: {  	v1 =	vld.idx.msk [tilespmem:v2+s4+$0x0], $0xffff  }
0x297: {  	v2 =	vor.u32 $0xA40, v0;
	_ =	sdelay $0x3  }
0x298: {  	[tilespmem:$0x1BE30] =	vst v1  }
0x299: {  	v1 =	vld.idx.msk [tilespmem:v2+s13+$0x0], $0xffff  }
0x29a: {  	v2 =	vor.u32 $0xAC0, v0;
	_ =	sdelay $0x4  }
0x29b: {  	v2 =	vld.idx.msk [tilespmem:v2+s13+$0x0], $0xffff;
	_ =	sdelay $0x1  }
0x29c: {  	v1 =	vld.idx.msk [tilespmem:v1+s4+$0x0], $0xffff;
	_ =	sdelay $0x4  }
0x29d: {  	[tilespmem:$0x1B1C0] =	vst v1  }
0x29e: {  	v1 =	vld.idx.msk [tilespmem:v2+s4+$0x0], $0xffff  }
0x29f: {  	v2 =	vor.u32 $0xA50, v0;
	_ =	sdelay $0x3  }
0x2a0: {  	[tilespmem:$0x1BE40] =	vst v1  }
0x2a1: {  	v1 =	vld.idx.msk [tilespmem:v2+s13+$0x0], $0xffff  }
0x2a2: {  	v2 =	vor.u32 $0xAD0, v0;
	_ =	sdelay $0x4  }
0x2a3: {  	v2 =	vld.idx.msk [tilespmem:v2+s13+$0x0], $0xffff;
	_ =	sdelay $0x1  }
0x2a4: {  	v1 =	vld.idx.msk [tilespmem:v1+s4+$0x0], $0xffff;
	_ =	sdelay $0x4  }
0x2a5: {  	[tilespmem:$0x1B1D0] =	vst v1  }
0x2a6: {  	v1 =	vld.idx.msk [tilespmem:v2+s4+$0x0], $0xffff  }
0x2a7: {  	v2 =	vor.u32 $0xA60, v0;
	_ =	sdelay $0x3  }
0x2a8: {  	[tilespmem:$0x1BE50] =	vst v1  }
0x2a9: {  	v1 =	vld.idx.msk [tilespmem:v2+s13+$0x0], $0xffff  }
0x2aa: {  	v2 =	vor.u32 $0xAE0, v0;
	_ =	sdelay $0x4  }
0x2ab: {  	v2 =	vld.idx.msk [tilespmem:v2+s13+$0x0], $0xffff;
	_ =	sdelay $0x1  }
0x2ac: {  	v1 =	vld.idx.msk [tilespmem:v1+s4+$0x0], $0xffff;
	_ =	sdelay $0x4  }
0x2ad: {  	[tilespmem:$0x1B1E0] =	vst v1  }
0x2ae: {  	v1 =	vld.idx.msk [tilespmem:v2+s4+$0x0], $0xffff  }
0x2af: {  	v2 =	vor.u32 $0xA70, v0;
	_ =	sdelay $0x3  }
0x2b0: {  	[tilespmem:$0x1BE60] =	vst v1  }
0x2b1: {  	v1 =	vld.idx.msk [tilespmem:v2+s13+$0x0], $0xffff  }
0x2b2: {  	v2 =	vor.u32 $0xAF0, v0;
	_ =	sdelay $0x4  }
0x2b3: {  	v2 =	vld.idx.msk [tilespmem:v2+s13+$0x0], $0xffff;
	_ =	sdelay $0x1  }
0x2b4: {  	v1 =	vld.idx.msk [tilespmem:v1+s4+$0x0], $0xffff;
	_ =	sdelay $0x4  }
0x2b5: {  	[tilespmem:$0x1B1F0] =	vst v1  }
0x2b6: {  	v1 =	vld.idx.msk [tilespmem:v2+s4+$0x0], $0xffff  }
0x2b7: {  	v2 =	vor.u32 $0xB00, v0;
	_ =	sdelay $0x3  }
0x2b8: {  	[tilespmem:$0x1BE70] =	vst v1  }
0x2b9: {  	v1 =	vld.idx.msk [tilespmem:v2+s13+$0x0], $0xffff  }
0x2ba: {  	v2 =	vor.u32 $0xB80, v0;
	_ =	sdelay $0x4  }
0x2bb: {  	v2 =	vld.idx.msk [tilespmem:v2+s13+$0x0], $0xffff;
	_ =	sdelay $0x1  }
0x2bc: {  	v1 =	vld.idx.msk [tilespmem:v1+s4+$0x0], $0xffff;
	_ =	sdelay $0x4  }
0x2bd: {  	[tilespmem:$0x1B200] =	vst v1  }
0x2be: {  	v1 =	vld.idx.msk [tilespmem:v2+s4+$0x0], $0xffff  }
0x2bf: {  	v2 =	vor.u32 $0xB10, v0;
	_ =	sdelay $0x3  }
0x2c0: {  	[tilespmem:$0x1BE80] =	vst v1  }
0x2c1: {  	v1 =	vld.idx.msk [tilespmem:v2+s13+$0x0], $0xffff  }
0x2c2: {  	v2 =	vor.u32 $0xB90, v0;
	_ =	sdelay $0x4  }
0x2c3: {  	v2 =	vld.idx.msk [tilespmem:v2+s13+$0x0], $0xffff;
	_ =	sdelay $0x1  }
0x2c4: {  	v1 =	vld.idx.msk [tilespmem:v1+s4+$0x0], $0xffff;
	_ =	sdelay $0x4  }
0x2c5: {  	[tilespmem:$0x1B210] =	vst v1  }
0x2c6: {  	v1 =	vld.idx.msk [tilespmem:v2+s4+$0x0], $0xffff  }
0x2c7: {  	v2 =	vor.u32 $0xB20, v0;
	_ =	sdelay $0x3  }
0x2c8: {  	[tilespmem:$0x1BE90] =	vst v1  }
0x2c9: {  	v1 =	vld.idx.msk [tilespmem:v2+s13+$0x0], $0xffff  }
0x2ca: {  	v2 =	vor.u32 $0xBA0, v0;
	_ =	sdelay $0x4  }
0x2cb: {  	v2 =	vld.idx.msk [tilespmem:v2+s13+$0x0], $0xffff;
	_ =	sdelay $0x1  }
0x2cc: {  	v1 =	vld.idx.msk [tilespmem:v1+s4+$0x0], $0xffff;
	_ =	sdelay $0x4  }
0x2cd: {  	[tilespmem:$0x1B220] =	vst v1  }
0x2ce: {  	v1 =	vld.idx.msk [tilespmem:v2+s4+$0x0], $0xffff  }
0x2cf: {  	v2 =	vor.u32 $0xB30, v0;
	_ =	sdelay $0x3  }
0x2d0: {  	[tilespmem:$0x1BEA0] =	vst v1  }
0x2d1: {  	v1 =	vld.idx.msk [tilespmem:v2+s13+$0x0], $0xffff  }
0x2d2: {  	v2 =	vor.u32 $0xBB0, v0;
	_ =	sdelay $0x4  }
0x2d3: {  	v2 =	vld.idx.msk [tilespmem:v2+s13+$0x0], $0xffff;
	_ =	sdelay $0x1  }
0x2d4: {  	v1 =	vld.idx.msk [tilespmem:v1+s4+$0x0], $0xffff;
	_ =	sdelay $0x4  }
0x2d5: {  	[tilespmem:$0x1B230] =	vst v1  }
0x2d6: {  	v1 =	vld.idx.msk [tilespmem:v2+s4+$0x0], $0xffff  }
0x2d7: {  	v2 =	vor.u32 $0xB40, v0;
	_ =	sdelay $0x3  }
0x2d8: {  	[tilespmem:$0x1BEB0] =	vst v1  }
0x2d9: {  	v1 =	vld.idx.msk [tilespmem:v2+s13+$0x0], $0xffff  }
0x2da: {  	v2 =	vor.u32 $0xBC0, v0;
	_ =	sdelay $0x4  }
0x2db: {  	v2 =	vld.idx.msk [tilespmem:v2+s13+$0x0], $0xffff;
	_ =	sdelay $0x1  }
0x2dc: {  	v1 =	vld.idx.msk [tilespmem:v1+s4+$0x0], $0xffff;
	_ =	sdelay $0x4  }
0x2dd: {  	[tilespmem:$0x1B240] =	vst v1  }
0x2de: {  	v1 =	vld.idx.msk [tilespmem:v2+s4+$0x0], $0xffff  }
0x2df: {  	v2 =	vor.u32 $0xB50, v0;
	_ =	sdelay $0x3  }
0x2e0: {  	[tilespmem:$0x1BEC0] =	vst v1  }
0x2e1: {  	v1 =	vld.idx.msk [tilespmem:v2+s13+$0x0], $0xffff  }
0x2e2: {  	v2 =	vor.u32 $0xBD0, v0;
	_ =	sdelay $0x4  }
0x2e3: {  	v2 =	vld.idx.msk [tilespmem:v2+s13+$0x0], $0xffff;
	_ =	sdelay $0x1  }
0x2e4: {  	v1 =	vld.idx.msk [tilespmem:v1+s4+$0x0], $0xffff;
	_ =	sdelay $0x4  }
0x2e5: {  	[tilespmem:$0x1B250] =	vst v1  }
0x2e6: {  	v1 =	vld.idx.msk [tilespmem:v2+s4+$0x0], $0xffff  }
0x2e7: {  	v2 =	vor.u32 $0xB60, v0;
	_ =	sdelay $0x3  }
0x2e8: {  	[tilespmem:$0x1BED0] =	vst v1  }
0x2e9: {  	v1 =	vld.idx.msk [tilespmem:v2+s13+$0x0], $0xffff  }
0x2ea: {  	v2 =	vor.u32 $0xBE0, v0;
	_ =	sdelay $0x4  }
0x2eb: {  	v2 =	vld.idx.msk [tilespmem:v2+s13+$0x0], $0xffff;
	_ =	sdelay $0x1  }
0x2ec: {  	v1 =	vld.idx.msk [tilespmem:v1+s4+$0x0], $0xffff;
	_ =	sdelay $0x4  }
0x2ed: {  	[tilespmem:$0x1B260] =	vst v1  }
0x2ee: {  	v1 =	vld.idx.msk [tilespmem:v2+s4+$0x0], $0xffff  }
0x2ef: {  	v2 =	vor.u32 $0xB70, v0;
	_ =	sdelay $0x3  }
0x2f0: {  	[tilespmem:$0x1BEE0] =	vst v1  }
0x2f1: {  	v1 =	vld.idx.msk [tilespmem:v2+s13+$0x0], $0xffff  }
0x2f2: {  	v2 =	vor.u32 $0xBF0, v0;
	_ =	sdelay $0x4  }
0x2f3: {  	v2 =	vld.idx.msk [tilespmem:v2+s13+$0x0], $0xffff;
	_ =	sdelay $0x1  }
0x2f4: {  	v1 =	vld.idx.msk [tilespmem:v1+s4+$0x0], $0xffff;
	_ =	sdelay $0x4  }
0x2f5: {  	[tilespmem:$0x1B270] =	vst v1  }
0x2f6: {  	v1 =	vld.idx.msk [tilespmem:v2+s4+$0x0], $0xffff  }
0x2f7: {  	v2 =	vor.u32 $0xC00, v0;
	_ =	sdelay $0x3  }
0x2f8: {  	[tilespmem:$0x1BEF0] =	vst v1  }
0x2f9: {  	v1 =	vld.idx.msk [tilespmem:v2+s13+$0x0], $0xffff  }
0x2fa: {  	v2 =	vor.u32 $0xC80, v0;
	_ =	sdelay $0x4  }
0x2fb: {  	v2 =	vld.idx.msk [tilespmem:v2+s13+$0x0], $0xffff;
	_ =	sdelay $0x1  }
0x2fc: {  	v1 =	vld.idx.msk [tilespmem:v1+s4+$0x0], $0xffff;
	_ =	sdelay $0x4  }
0x2fd: {  	[tilespmem:$0x1B280] =	vst v1  }
0x2fe: {  	v1 =	vld.idx.msk [tilespmem:v2+s4+$0x0], $0xffff  }
0x2ff: {  	v2 =	vor.u32 $0xC10, v0;
	_ =	sdelay $0x3  }
0x300: {  	[tilespmem:$0x1BF00] =	vst v1  }
0x301: {  	v1 =	vld.idx.msk [tilespmem:v2+s13+$0x0], $0xffff  }
0x302: {  	v2 =	vor.u32 $0xC90, v0;
	_ =	sdelay $0x4  }
0x303: {  	v2 =	vld.idx.msk [tilespmem:v2+s13+$0x0], $0xffff;
	_ =	sdelay $0x1  }
0x304: {  	v1 =	vld.idx.msk [tilespmem:v1+s4+$0x0], $0xffff;
	_ =	sdelay $0x4  }
0x305: {  	[tilespmem:$0x1B290] =	vst v1  }
0x306: {  	v1 =	vld.idx.msk [tilespmem:v2+s4+$0x0], $0xffff  }
0x307: {  	v2 =	vor.u32 $0xC20, v0;
	_ =	sdelay $0x3  }
0x308: {  	[tilespmem:$0x1BF10] =	vst v1  }
0x309: {  	v1 =	vld.idx.msk [tilespmem:v2+s13+$0x0], $0xffff  }
0x30a: {  	v2 =	vor.u32 $0xCA0, v0;
	_ =	sdelay $0x4  }
0x30b: {  	v2 =	vld.idx.msk [tilespmem:v2+s13+$0x0], $0xffff;
	_ =	sdelay $0x1  }
0x30c: {  	v1 =	vld.idx.msk [tilespmem:v1+s4+$0x0], $0xffff;
	_ =	sdelay $0x4  }
0x30d: {  	[tilespmem:$0x1B2A0] =	vst v1  }
0x30e: {  	v1 =	vld.idx.msk [tilespmem:v2+s4+$0x0], $0xffff  }
0x30f: {  	v2 =	vor.u32 $0xC30, v0;
	_ =	sdelay $0x3  }
0x310: {  	[tilespmem:$0x1BF20] =	vst v1  }
0x311: {  	v1 =	vld.idx.msk [tilespmem:v2+s13+$0x0], $0xffff  }
0x312: {  	v2 =	vor.u32 $0xCB0, v0;
	_ =	sdelay $0x4  }
0x313: {  	v2 =	vld.idx.msk [tilespmem:v2+s13+$0x0], $0xffff;
	_ =	sdelay $0x1  }
0x314: {  	v1 =	vld.idx.msk [tilespmem:v1+s4+$0x0], $0xffff;
	_ =	sdelay $0x4  }
0x315: {  	[tilespmem:$0x1B2B0] =	vst v1  }
0x316: {  	v1 =	vld.idx.msk [tilespmem:v2+s4+$0x0], $0xffff  }
0x317: {  	v2 =	vor.u32 $0xC40, v0;
	_ =	sdelay $0x3  }
0x318: {  	[tilespmem:$0x1BF30] =	vst v1  }
0x319: {  	v1 =	vld.idx.msk [tilespmem:v2+s13+$0x0], $0xffff  }
0x31a: {  	v2 =	vor.u32 $0xCC0, v0;
	_ =	sdelay $0x4  }
0x31b: {  	v2 =	vld.idx.msk [tilespmem:v2+s13+$0x0], $0xffff;
	_ =	sdelay $0x1  }
0x31c: {  	v1 =	vld.idx.msk [tilespmem:v1+s4+$0x0], $0xffff;
	_ =	sdelay $0x4  }
0x31d: {  	[tilespmem:$0x1B2C0] =	vst v1  }
0x31e: {  	v1 =	vld.idx.msk [tilespmem:v2+s4+$0x0], $0xffff  }
0x31f: {  	v2 =	vor.u32 $0xC50, v0;
	_ =	sdelay $0x3  }
0x320: {  	[tilespmem:$0x1BF40] =	vst v1  }
0x321: {  	v1 =	vld.idx.msk [tilespmem:v2+s13+$0x0], $0xffff  }
0x322: {  	v2 =	vor.u32 $0xCD0, v0;
	_ =	sdelay $0x4  }
0x323: {  	v2 =	vld.idx.msk [tilespmem:v2+s13+$0x0], $0xffff;
	_ =	sdelay $0x1  }
0x324: {  	v1 =	vld.idx.msk [tilespmem:v1+s4+$0x0], $0xffff;
	_ =	sdelay $0x4  }
0x325: {  	[tilespmem:$0x1B2D0] =	vst v1  }
0x326: {  	v1 =	vld.idx.msk [tilespmem:v2+s4+$0x0], $0xffff  }
0x327: {  	v2 =	vor.u32 $0xC60, v0;
	_ =	sdelay $0x3  }
0x328: {  	[tilespmem:$0x1BF50] =	vst v1  }
0x329: {  	v1 =	vld.idx.msk [tilespmem:v2+s13+$0x0], $0xffff  }
0x32a: {  	v2 =	vor.u32 $0xCE0, v0;
	_ =	sdelay $0x4  }
0x32b: {  	v2 =	vld.idx.msk [tilespmem:v2+s13+$0x0], $0xffff;
	_ =	sdelay $0x1  }
0x32c: {  	v1 =	vld.idx.msk [tilespmem:v1+s4+$0x0], $0xffff;
	_ =	sdelay $0x4  }
0x32d: {  	[tilespmem:$0x1B2E0] =	vst v1  }
0x32e: {  	v1 =	vld.idx.msk [tilespmem:v2+s4+$0x0], $0xffff  }
0x32f: {  	v2 =	vor.u32 $0xC70, v0;
	_ =	sdelay $0x3  }
0x330: {  	[tilespmem:$0x1BF60] =	vst v1  }
0x331: {  	v1 =	vld.idx.msk [tilespmem:v2+s13+$0x0], $0xffff  }
0x332: {  	v2 =	vor.u32 $0xCF0, v0;
	_ =	sdelay $0x4  }
0x333: {  	v2 =	vld.idx.msk [tilespmem:v2+s13+$0x0], $0xffff;
	_ =	sdelay $0x1  }
0x334: {  	v1 =	vld.idx.msk [tilespmem:v1+s4+$0x0], $0xffff;
	_ =	sdelay $0x4  }
0x335: {  	[tilespmem:$0x1B2F0] =	vst v1  }
0x336: {  	v1 =	vld.idx.msk [tilespmem:v2+s4+$0x0], $0xffff  }
0x337: {  	v2 =	vor.u32 $0xD00, v0;
	_ =	sdelay $0x3  }
0x338: {  	[tilespmem:$0x1BF70] =	vst v1  }
0x339: {  	v1 =	vld.idx.msk [tilespmem:v2+s13+$0x0], $0xffff  }
0x33a: {  	v2 =	vor.u32 $0xD80, v0;
	_ =	sdelay $0x4  }
0x33b: {  	v2 =	vld.idx.msk [tilespmem:v2+s13+$0x0], $0xffff;
	_ =	sdelay $0x1  }
0x33c: {  	v1 =	vld.idx.msk [tilespmem:v1+s4+$0x0], $0xffff;
	_ =	sdelay $0x4  }
0x33d: {  	[tilespmem:$0x1B300] =	vst v1  }
0x33e: {  	v1 =	vld.idx.msk [tilespmem:v2+s4+$0x0], $0xffff  }
0x33f: {  	v2 =	vor.u32 $0xD10, v0;
	_ =	sdelay $0x3  }
0x340: {  	[tilespmem:$0x1BF80] =	vst v1  }
0x341: {  	v1 =	vld.idx.msk [tilespmem:v2+s13+$0x0], $0xffff  }
0x342: {  	v2 =	vor.u32 $0xD90, v0;
	_ =	sdelay $0x4  }
0x343: {  	v2 =	vld.idx.msk [tilespmem:v2+s13+$0x0], $0xffff;
	_ =	sdelay $0x1  }
0x344: {  	v1 =	vld.idx.msk [tilespmem:v1+s4+$0x0], $0xffff;
	_ =	sdelay $0x4  }
0x345: {  	[tilespmem:$0x1B310] =	vst v1  }
0x346: {  	v1 =	vld.idx.msk [tilespmem:v2+s4+$0x0], $0xffff  }
0x347: {  	v2 =	vor.u32 $0xD20, v0;
	_ =	sdelay $0x3  }
0x348: {  	[tilespmem:$0x1BF90] =	vst v1  }
0x349: {  	v1 =	vld.idx.msk [tilespmem:v2+s13+$0x0], $0xffff  }
0x34a: {  	v2 =	vor.u32 $0xDA0, v0;
	_ =	sdelay $0x4  }
0x34b: {  	v2 =	vld.idx.msk [tilespmem:v2+s13+$0x0], $0xffff;
	_ =	sdelay $0x1  }
0x34c: {  	v1 =	vld.idx.msk [tilespmem:v1+s4+$0x0], $0xffff;
	_ =	sdelay $0x4  }
0x34d: {  	[tilespmem:$0x1B320] =	vst v1  }
0x34e: {  	v1 =	vld.idx.msk [tilespmem:v2+s4+$0x0], $0xffff  }
0x34f: {  	v2 =	vor.u32 $0xD30, v0;
	_ =	sdelay $0x3  }
0x350: {  	[tilespmem:$0x1BFA0] =	vst v1  }
0x351: {  	v1 =	vld.idx.msk [tilespmem:v2+s13+$0x0], $0xffff  }
0x352: {  	v2 =	vor.u32 $0xDB0, v0;
	_ =	sdelay $0x4  }
0x353: {  	v2 =	vld.idx.msk [tilespmem:v2+s13+$0x0], $0xffff;
	_ =	sdelay $0x1  }
0x354: {  	v1 =	vld.idx.msk [tilespmem:v1+s4+$0x0], $0xffff;
	_ =	sdelay $0x4  }
0x355: {  	[tilespmem:$0x1B330] =	vst v1  }
0x356: {  	v1 =	vld.idx.msk [tilespmem:v2+s4+$0x0], $0xffff  }
0x357: {  	v2 =	vor.u32 $0xD40, v0;
	_ =	sdelay $0x3  }
0x358: {  	[tilespmem:$0x1BFB0] =	vst v1  }
0x359: {  	v1 =	vld.idx.msk [tilespmem:v2+s13+$0x0], $0xffff  }
0x35a: {  	v2 =	vor.u32 $0xDC0, v0;
	_ =	sdelay $0x4  }
0x35b: {  	v2 =	vld.idx.msk [tilespmem:v2+s13+$0x0], $0xffff;
	_ =	sdelay $0x1  }
0x35c: {  	v1 =	vld.idx.msk [tilespmem:v1+s4+$0x0], $0xffff;
	_ =	sdelay $0x4  }
0x35d: {  	[tilespmem:$0x1B340] =	vst v1  }
0x35e: {  	v1 =	vld.idx.msk [tilespmem:v2+s4+$0x0], $0xffff  }
0x35f: {  	v2 =	vor.u32 $0xD50, v0;
	_ =	sdelay $0x3  }
0x360: {  	[tilespmem:$0x1BFC0] =	vst v1  }
0x361: {  	v1 =	vld.idx.msk [tilespmem:v2+s13+$0x0], $0xffff  }
0x362: {  	v2 =	vor.u32 $0xDD0, v0;
	_ =	sdelay $0x4  }
0x363: {  	v2 =	vld.idx.msk [tilespmem:v2+s13+$0x0], $0xffff;
	_ =	sdelay $0x1  }
0x364: {  	v1 =	vld.idx.msk [tilespmem:v1+s4+$0x0], $0xffff;
	_ =	sdelay $0x4  }
0x365: {  	[tilespmem:$0x1B350] =	vst v1  }
0x366: {  	v1 =	vld.idx.msk [tilespmem:v2+s4+$0x0], $0xffff  }
0x367: {  	v2 =	vor.u32 $0xD60, v0;
	_ =	sdelay $0x3  }
0x368: {  	[tilespmem:$0x1BFD0] =	vst v1  }
0x369: {  	v1 =	vld.idx.msk [tilespmem:v2+s13+$0x0], $0xffff  }
0x36a: {  	v2 =	vor.u32 $0xDE0, v0;
	_ =	sdelay $0x4  }
0x36b: {  	v2 =	vld.idx.msk [tilespmem:v2+s13+$0x0], $0xffff;
	_ =	sdelay $0x1  }
0x36c: {  	v1 =	vld.idx.msk [tilespmem:v1+s4+$0x0], $0xffff;
	_ =	sdelay $0x4  }
0x36d: {  	[tilespmem:$0x1B360] =	vst v1  }
0x36e: {  	v1 =	vld.idx.msk [tilespmem:v2+s4+$0x0], $0xffff  }
0x36f: {  	v2 =	vor.u32 $0xD70, v0;
	_ =	sdelay $0x3  }
0x370: {  	[tilespmem:$0x1BFE0] =	vst v1  }
0x371: {  	v1 =	vld.idx.msk [tilespmem:v2+s13+$0x0], $0xffff  }
0x372: {  	v2 =	vor.u32 $0xDF0, v0;
	_ =	sdelay $0x4  }
0x373: {  	v2 =	vld.idx.msk [tilespmem:v2+s13+$0x0], $0xffff;
	_ =	sdelay $0x1  }
0x374: {  	v1 =	vld.idx.msk [tilespmem:v1+s4+$0x0], $0xffff;
	_ =	sdelay $0x4  }
0x375: {  	[tilespmem:$0x1B370] =	vst v1  }
0x376: {  	v1 =	vld.idx.msk [tilespmem:v2+s4+$0x0], $0xffff  }
0x377: {  	v2 =	vor.u32 $0xE00, v0;
	_ =	sdelay $0x3  }
0x378: {  	[tilespmem:$0x1BFF0] =	vst v1  }
0x379: {  	v1 =	vld.idx.msk [tilespmem:v2+s13+$0x0], $0xffff  }
0x37a: {  	v2 =	vor.u32 $0xE80, v0;
	_ =	sdelay $0x4  }
0x37b: {  	v2 =	vld.idx.msk [tilespmem:v2+s13+$0x0], $0xffff;
	_ =	sdelay $0x1  }
0x37c: {  	v1 =	vld.idx.msk [tilespmem:v1+s4+$0x0], $0xffff;
	_ =	sdelay $0x4  }
0x37d: {  	[tilespmem:$0x1B380] =	vst v1  }
0x37e: {  	v1 =	vld.idx.msk [tilespmem:v2+s4+$0x0], $0xffff  }
0x37f: {  	v2 =	vor.u32 $0xE10, v0;
	_ =	sdelay $0x3  }
0x380: {  	[tilespmem:$0x1C000] =	vst v1  }
0x381: {  	v1 =	vld.idx.msk [tilespmem:v2+s13+$0x0], $0xffff  }
0x382: {  	v2 =	vor.u32 $0xE90, v0;
	_ =	sdelay $0x4  }
0x383: {  	v2 =	vld.idx.msk [tilespmem:v2+s13+$0x0], $0xffff;
	_ =	sdelay $0x1  }
0x384: {  	v1 =	vld.idx.msk [tilespmem:v1+s4+$0x0], $0xffff;
	_ =	sdelay $0x4  }
0x385: {  	[tilespmem:$0x1B390] =	vst v1  }
0x386: {  	v1 =	vld.idx.msk [tilespmem:v2+s4+$0x0], $0xffff  }
0x387: {  	v2 =	vor.u32 $0xE20, v0;
	_ =	sdelay $0x3  }
0x388: {  	[tilespmem:$0x1C010] =	vst v1  }
0x389: {  	v1 =	vld.idx.msk [tilespmem:v2+s13+$0x0], $0xffff  }
0x38a: {  	v2 =	vor.u32 $0xEA0, v0;
	_ =	sdelay $0x4  }
0x38b: {  	v2 =	vld.idx.msk [tilespmem:v2+s13+$0x0], $0xffff;
	_ =	sdelay $0x1  }
0x38c: {  	v1 =	vld.idx.msk [tilespmem:v1+s4+$0x0], $0xffff;
	_ =	sdelay $0x4  }
0x38d: {  	[tilespmem:$0x1B3A0] =	vst v1  }
0x38e: {  	v1 =	vld.idx.msk [tilespmem:v2+s4+$0x0], $0xffff  }
0x38f: {  	v2 =	vor.u32 $0xE30, v0;
	_ =	sdelay $0x3  }
0x390: {  	[tilespmem:$0x1C020] =	vst v1  }
0x391: {  	v1 =	vld.idx.msk [tilespmem:v2+s13+$0x0], $0xffff  }
0x392: {  	v2 =	vor.u32 $0xEB0, v0;
	_ =	sdelay $0x4  }
0x393: {  	v2 =	vld.idx.msk [tilespmem:v2+s13+$0x0], $0xffff;
	_ =	sdelay $0x1  }
0x394: {  	v1 =	vld.idx.msk [tilespmem:v1+s4+$0x0], $0xffff;
	_ =	sdelay $0x4  }
0x395: {  	[tilespmem:$0x1B3B0] =	vst v1  }
0x396: {  	v1 =	vld.idx.msk [tilespmem:v2+s4+$0x0], $0xffff  }
0x397: {  	v2 =	vor.u32 $0xE40, v0;
	_ =	sdelay $0x3  }
0x398: {  	[tilespmem:$0x1C030] =	vst v1  }
0x399: {  	v1 =	vld.idx.msk [tilespmem:v2+s13+$0x0], $0xffff  }
0x39a: {  	v2 =	vor.u32 $0xEC0, v0;
	_ =	sdelay $0x4  }
0x39b: {  	v2 =	vld.idx.msk [tilespmem:v2+s13+$0x0], $0xffff;
	_ =	sdelay $0x1  }
0x39c: {  	v1 =	vld.idx.msk [tilespmem:v1+s4+$0x0], $0xffff;
	_ =	sdelay $0x4  }
0x39d: {  	[tilespmem:$0x1B3C0] =	vst v1  }
0x39e: {  	v1 =	vld.idx.msk [tilespmem:v2+s4+$0x0], $0xffff  }
0x39f: {  	v2 =	vor.u32 $0xE50, v0;
	_ =	sdelay $0x3  }
0x3a0: {  	[tilespmem:$0x1C040] =	vst v1  }
0x3a1: {  	v1 =	vld.idx.msk [tilespmem:v2+s13+$0x0], $0xffff  }
0x3a2: {  	v2 =	vor.u32 $0xED0, v0;
	_ =	sdelay $0x4  }
0x3a3: {  	v2 =	vld.idx.msk [tilespmem:v2+s13+$0x0], $0xffff;
	_ =	sdelay $0x1  }
0x3a4: {  	v1 =	vld.idx.msk [tilespmem:v1+s4+$0x0], $0xffff;
	_ =	sdelay $0x4  }
0x3a5: {  	[tilespmem:$0x1B3D0] =	vst v1  }
0x3a6: {  	v1 =	vld.idx.msk [tilespmem:v2+s4+$0x0], $0xffff  }
0x3a7: {  	v2 =	vor.u32 $0xE60, v0;
	_ =	sdelay $0x3  }
0x3a8: {  	[tilespmem:$0x1C050] =	vst v1  }
0x3a9: {  	v1 =	vld.idx.msk [tilespmem:v2+s13+$0x0], $0xffff  }
0x3aa: {  	v2 =	vor.u32 $0xEE0, v0;
	_ =	sdelay $0x4  }
0x3ab: {  	v2 =	vld.idx.msk [tilespmem:v2+s13+$0x0], $0xffff;
	_ =	sdelay $0x1  }
0x3ac: {  	v1 =	vld.idx.msk [tilespmem:v1+s4+$0x0], $0xffff;
	_ =	sdelay $0x4  }
0x3ad: {  	[tilespmem:$0x1B3E0] =	vst v1  }
0x3ae: {  	v1 =	vld.idx.msk [tilespmem:v2+s4+$0x0], $0xffff  }
0x3af: {  	v2 =	vor.u32 $0xE70, v0;
	_ =	sdelay $0x3  }
0x3b0: {  	[tilespmem:$0x1C060] =	vst v1  }
0x3b1: {  	v1 =	vld.idx.msk [tilespmem:v2+s13+$0x0], $0xffff  }
0x3b2: {  	v2 =	vor.u32 $0xEF0, v0;
	_ =	sdelay $0x4  }
0x3b3: {  	v2 =	vld.idx.msk [tilespmem:v2+s13+$0x0], $0xffff;
	_ =	sdelay $0x1  }
0x3b4: {  	v1 =	vld.idx.msk [tilespmem:v1+s4+$0x0], $0xffff;
	_ =	sdelay $0x4  }
0x3b5: {  	[tilespmem:$0x1B3F0] =	vst v1  }
0x3b6: {  	v1 =	vld.idx.msk [tilespmem:v2+s4+$0x0], $0xffff  }
0x3b7: {  	v2 =	vor.u32 $0xF00, v0;
	_ =	sdelay $0x3  }
0x3b8: {  	[tilespmem:$0x1C070] =	vst v1  }
0x3b9: {  	v1 =	vld.idx.msk [tilespmem:v2+s13+$0x0], $0xffff  }
0x3ba: {  	v2 =	vor.u32 $0xF80, v0;
	_ =	sdelay $0x4  }
0x3bb: {  	v2 =	vld.idx.msk [tilespmem:v2+s13+$0x0], $0xffff;
	_ =	sdelay $0x1  }
0x3bc: {  	v1 =	vld.idx.msk [tilespmem:v1+s4+$0x0], $0xffff;
	_ =	sdelay $0x4  }
0x3bd: {  	[tilespmem:$0x1B400] =	vst v1  }
0x3be: {  	v1 =	vld.idx.msk [tilespmem:v2+s4+$0x0], $0xffff  }
0x3bf: {  	v2 =	vor.u32 $0xF10, v0;
	_ =	sdelay $0x3  }
0x3c0: {  	[tilespmem:$0x1C080] =	vst v1  }
0x3c1: {  	v1 =	vld.idx.msk [tilespmem:v2+s13+$0x0], $0xffff  }
0x3c2: {  	v2 =	vor.u32 $0xF90, v0;
	_ =	sdelay $0x4  }
0x3c3: {  	v2 =	vld.idx.msk [tilespmem:v2+s13+$0x0], $0xffff;
	_ =	sdelay $0x1  }
0x3c4: {  	v1 =	vld.idx.msk [tilespmem:v1+s4+$0x0], $0xffff;
	_ =	sdelay $0x4  }
0x3c5: {  	[tilespmem:$0x1B410] =	vst v1  }
0x3c6: {  	v1 =	vld.idx.msk [tilespmem:v2+s4+$0x0], $0xffff  }
0x3c7: {  	v2 =	vor.u32 $0xF20, v0;
	_ =	sdelay $0x3  }
0x3c8: {  	[tilespmem:$0x1C090] =	vst v1  }
0x3c9: {  	v1 =	vld.idx.msk [tilespmem:v2+s13+$0x0], $0xffff  }
0x3ca: {  	v2 =	vor.u32 $0xFA0, v0;
	_ =	sdelay $0x4  }
0x3cb: {  	v2 =	vld.idx.msk [tilespmem:v2+s13+$0x0], $0xffff;
	_ =	sdelay $0x1  }
0x3cc: {  	v1 =	vld.idx.msk [tilespmem:v1+s4+$0x0], $0xffff;
	_ =	sdelay $0x4  }
0x3cd: {  	[tilespmem:$0x1B420] =	vst v1  }
0x3ce: {  	v1 =	vld.idx.msk [tilespmem:v2+s4+$0x0], $0xffff  }
0x3cf: {  	v2 =	vor.u32 $0xF30, v0;
	_ =	sdelay $0x3  }
0x3d0: {  	[tilespmem:$0x1C0A0] =	vst v1  }
0x3d1: {  	v1 =	vld.idx.msk [tilespmem:v2+s13+$0x0], $0xffff  }
0x3d2: {  	v2 =	vor.u32 $0xFB0, v0;
	_ =	sdelay $0x4  }
0x3d3: {  	v2 =	vld.idx.msk [tilespmem:v2+s13+$0x0], $0xffff;
	_ =	sdelay $0x1  }
0x3d4: {  	v1 =	vld.idx.msk [tilespmem:v1+s4+$0x0], $0xffff;
	_ =	sdelay $0x4  }
0x3d5: {  	[tilespmem:$0x1B430] =	vst v1  }
0x3d6: {  	v1 =	vld.idx.msk [tilespmem:v2+s4+$0x0], $0xffff  }
0x3d7: {  	v2 =	vor.u32 $0xF40, v0;
	_ =	sdelay $0x3  }
0x3d8: {  	[tilespmem:$0x1C0B0] =	vst v1  }
0x3d9: {  	v1 =	vld.idx.msk [tilespmem:v2+s13+$0x0], $0xffff  }
0x3da: {  	v2 =	vor.u32 $0xFC0, v0;
	_ =	sdelay $0x4  }
0x3db: {  	v2 =	vld.idx.msk [tilespmem:v2+s13+$0x0], $0xffff;
	_ =	sdelay $0x1  }
0x3dc: {  	v1 =	vld.idx.msk [tilespmem:v1+s4+$0x0], $0xffff;
	_ =	sdelay $0x4  }
0x3dd: {  	[tilespmem:$0x1B440] =	vst v1  }
0x3de: {  	v1 =	vld.idx.msk [tilespmem:v2+s4+$0x0], $0xffff  }
0x3df: {  	v2 =	vor.u32 $0xF50, v0;
	_ =	sdelay $0x3  }
0x3e0: {  	[tilespmem:$0x1C0C0] =	vst v1  }
0x3e1: {  	v1 =	vld.idx.msk [tilespmem:v2+s13+$0x0], $0xffff  }
0x3e2: {  	v2 =	vor.u32 $0xFD0, v0;
	_ =	sdelay $0x4  }
0x3e3: {  	v2 =	vld.idx.msk [tilespmem:v2+s13+$0x0], $0xffff;
	_ =	sdelay $0x1  }
0x3e4: {  	v1 =	vld.idx.msk [tilespmem:v1+s4+$0x0], $0xffff;
	_ =	sdelay $0x4  }
0x3e5: {  	[tilespmem:$0x1B450] =	vst v1  }
0x3e6: {  	v1 =	vld.idx.msk [tilespmem:v2+s4+$0x0], $0xffff  }
0x3e7: {  	v2 =	vor.u32 $0xF60, v0;
	_ =	sdelay $0x3  }
0x3e8: {  	[tilespmem:$0x1C0D0] =	vst v1  }
0x3e9: {  	v1 =	vld.idx.msk [tilespmem:v2+s13+$0x0], $0xffff  }
0x3ea: {  	v2 =	vor.u32 $0xFE0, v0;
	_ =	sdelay $0x4  }
0x3eb: {  	v2 =	vld.idx.msk [tilespmem:v2+s13+$0x0], $0xffff;
	_ =	sdelay $0x1  }
0x3ec: {  	v1 =	vld.idx.msk [tilespmem:v1+s4+$0x0], $0xffff;
	_ =	sdelay $0x4  }
0x3ed: {  	[tilespmem:$0x1B460] =	vst v1  }
0x3ee: {  	v1 =	vld.idx.msk [tilespmem:v2+s4+$0x0], $0xffff  }
0x3ef: {  	v2 =	vor.u32 $0xF70, v0;
	_ =	sdelay $0x3  }
0x3f0: {  	[tilespmem:$0x1C0E0] =	vst v1  }
0x3f1: {  	v1 =	vld.idx.msk [tilespmem:v2+s13+$0x0], $0xffff  }
0x3f2: {  	v2 =	vor.u32 $0xFF0, v0;
	_ =	sdelay $0x4  }
0x3f3: {  	v2 =	vld.idx.msk [tilespmem:v2+s13+$0x0], $0xffff;
	_ =	sdelay $0x1  }
0x3f4: {  	v1 =	vld.idx.msk [tilespmem:v1+s4+$0x0], $0xffff;
	_ =	sdelay $0x4  }
0x3f5: {  	[tilespmem:$0x1B470] =	vst v1  }
0x3f6: {  	v1 =	vld.idx.msk [tilespmem:v2+s4+$0x0], $0xffff  }
0x3f7: {  	v2 =	vor.u32 $0x1000, v0;
	_ =	sdelay $0x3  }
0x3f8: {  	[tilespmem:$0x1C0F0] =	vst v1  }
0x3f9: {  	v1 =	vld.idx.msk [tilespmem:v2+s13+$0x0], $0xffff  }
0x3fa: {  	v2 =	vor.u32 $0x1080, v0;
	_ =	sdelay $0x4  }
0x3fb: {  	v2 =	vld.idx.msk [tilespmem:v2+s13+$0x0], $0xffff;
	_ =	sdelay $0x1  }
0x3fc: {  	v1 =	vld.idx.msk [tilespmem:v1+s4+$0x0], $0xffff;
	_ =	sdelay $0x4  }
0x3fd: {  	[tilespmem:$0x1B480] =	vst v1  }
0x3fe: {  	v1 =	vld.idx.msk [tilespmem:v2+s4+$0x0], $0xffff  }
0x3ff: {  	v2 =	vor.u32 $0x1010, v0;
	_ =	sdelay $0x3  }
0x400: {  	[tilespmem:$0x1C100] =	vst v1  }
0x401: {  	v1 =	vld.idx.msk [tilespmem:v2+s13+$0x0], $0xffff  }
0x402: {  	v2 =	vor.u32 $0x1090, v0;
	_ =	sdelay $0x4  }
0x403: {  	v2 =	vld.idx.msk [tilespmem:v2+s13+$0x0], $0xffff;
	_ =	sdelay $0x1  }
0x404: {  	v1 =	vld.idx.msk [tilespmem:v1+s4+$0x0], $0xffff;
	_ =	sdelay $0x4  }
0x405: {  	[tilespmem:$0x1B490] =	vst v1  }
0x406: {  	v1 =	vld.idx.msk [tilespmem:v2+s4+$0x0], $0xffff  }
0x407: {  	v2 =	vor.u32 $0x1020, v0;
	_ =	sdelay $0x3  }
0x408: {  	[tilespmem:$0x1C110] =	vst v1  }
0x409: {  	v1 =	vld.idx.msk [tilespmem:v2+s13+$0x0], $0xffff  }
0x40a: {  	v2 =	vor.u32 $0x10A0, v0;
	_ =	sdelay $0x4  }
0x40b: {  	v2 =	vld.idx.msk [tilespmem:v2+s13+$0x0], $0xffff;
	_ =	sdelay $0x1  }
0x40c: {  	v1 =	vld.idx.msk [tilespmem:v1+s4+$0x0], $0xffff;
	_ =	sdelay $0x4  }
0x40d: {  	[tilespmem:$0x1B4A0] =	vst v1  }
0x40e: {  	v1 =	vld.idx.msk [tilespmem:v2+s4+$0x0], $0xffff  }
0x40f: {  	v2 =	vor.u32 $0x1030, v0;
	_ =	sdelay $0x3  }
0x410: {  	[tilespmem:$0x1C120] =	vst v1  }
0x411: {  	v1 =	vld.idx.msk [tilespmem:v2+s13+$0x0], $0xffff  }
0x412: {  	v2 =	vor.u32 $0x10B0, v0;
	_ =	sdelay $0x4  }
0x413: {  	v2 =	vld.idx.msk [tilespmem:v2+s13+$0x0], $0xffff;
	_ =	sdelay $0x1  }
0x414: {  	v1 =	vld.idx.msk [tilespmem:v1+s4+$0x0], $0xffff;
	_ =	sdelay $0x4  }
0x415: {  	[tilespmem:$0x1B4B0] =	vst v1  }
0x416: {  	v1 =	vld.idx.msk [tilespmem:v2+s4+$0x0], $0xffff  }
0x417: {  	v2 =	vor.u32 $0x1040, v0;
	_ =	sdelay $0x3  }
0x418: {  	[tilespmem:$0x1C130] =	vst v1  }
0x419: {  	v1 =	vld.idx.msk [tilespmem:v2+s13+$0x0], $0xffff  }
0x41a: {  	v2 =	vor.u32 $0x10C0, v0;
	_ =	sdelay $0x4  }
0x41b: {  	v2 =	vld.idx.msk [tilespmem:v2+s13+$0x0], $0xffff;
	_ =	sdelay $0x1  }
0x41c: {  	v1 =	vld.idx.msk [tilespmem:v1+s4+$0x0], $0xffff;
	_ =	sdelay $0x4  }
0x41d: {  	[tilespmem:$0x1B4C0] =	vst v1  }
0x41e: {  	v1 =	vld.idx.msk [tilespmem:v2+s4+$0x0], $0xffff  }
0x41f: {  	v2 =	vor.u32 $0x1050, v0;
	_ =	sdelay $0x3  }
0x420: {  	[tilespmem:$0x1C140] =	vst v1  }
0x421: {  	v1 =	vld.idx.msk [tilespmem:v2+s13+$0x0], $0xffff  }
0x422: {  	v2 =	vor.u32 $0x10D0, v0;
	_ =	sdelay $0x4  }
0x423: {  	v2 =	vld.idx.msk [tilespmem:v2+s13+$0x0], $0xffff;
	_ =	sdelay $0x1  }
0x424: {  	v1 =	vld.idx.msk [tilespmem:v1+s4+$0x0], $0xffff;
	_ =	sdelay $0x4  }
0x425: {  	[tilespmem:$0x1B4D0] =	vst v1  }
0x426: {  	v1 =	vld.idx.msk [tilespmem:v2+s4+$0x0], $0xffff  }
0x427: {  	v2 =	vor.u32 $0x1060, v0;
	_ =	sdelay $0x3  }
0x428: {  	[tilespmem:$0x1C150] =	vst v1  }
0x429: {  	v1 =	vld.idx.msk [tilespmem:v2+s13+$0x0], $0xffff  }
0x42a: {  	v2 =	vor.u32 $0x10E0, v0;
	_ =	sdelay $0x4  }
0x42b: {  	v2 =	vld.idx.msk [tilespmem:v2+s13+$0x0], $0xffff;
	_ =	sdelay $0x1  }
0x42c: {  	v1 =	vld.idx.msk [tilespmem:v1+s4+$0x0], $0xffff;
	_ =	sdelay $0x4  }
0x42d: {  	[tilespmem:$0x1B4E0] =	vst v1  }
0x42e: {  	v1 =	vld.idx.msk [tilespmem:v2+s4+$0x0], $0xffff  }
0x42f: {  	v2 =	vor.u32 $0x1070, v0;
	_ =	sdelay $0x3  }
0x430: {  	[tilespmem:$0x1C160] =	vst v1  }
0x431: {  	v1 =	vld.idx.msk [tilespmem:v2+s13+$0x0], $0xffff  }
0x432: {  	v2 =	vor.u32 $0x10F0, v0;
	_ =	sdelay $0x4  }
0x433: {  	v2 =	vld.idx.msk [tilespmem:v2+s13+$0x0], $0xffff;
	_ =	sdelay $0x1  }
0x434: {  	v1 =	vld.idx.msk [tilespmem:v1+s4+$0x0], $0xffff;
	_ =	sdelay $0x4  }
0x435: {  	[tilespmem:$0x1B4F0] =	vst v1  }
0x436: {  	v1 =	vld.idx.msk [tilespmem:v2+s4+$0x0], $0xffff  }
0x437: {  	v2 =	vor.u32 $0x1100, v0;
	_ =	sdelay $0x3  }
0x438: {  	[tilespmem:$0x1C170] =	vst v1  }
0x439: {  	v1 =	vld.idx.msk [tilespmem:v2+s13+$0x0], $0xffff  }
0x43a: {  	v2 =	vor.u32 $0x1180, v0;
	_ =	sdelay $0x4  }
0x43b: {  	v2 =	vld.idx.msk [tilespmem:v2+s13+$0x0], $0xffff;
	_ =	sdelay $0x1  }
0x43c: {  	v1 =	vld.idx.msk [tilespmem:v1+s4+$0x0], $0xffff;
	_ =	sdelay $0x4  }
0x43d: {  	[tilespmem:$0x1B500] =	vst v1  }
0x43e: {  	v1 =	vld.idx.msk [tilespmem:v2+s4+$0x0], $0xffff  }
0x43f: {  	v2 =	vor.u32 $0x1110, v0;
	_ =	sdelay $0x3  }
0x440: {  	[tilespmem:$0x1C180] =	vst v1  }
0x441: {  	v1 =	vld.idx.msk [tilespmem:v2+s13+$0x0], $0xffff  }
0x442: {  	v2 =	vor.u32 $0x1190, v0;
	_ =	sdelay $0x4  }
0x443: {  	v2 =	vld.idx.msk [tilespmem:v2+s13+$0x0], $0xffff;
	_ =	sdelay $0x1  }
0x444: {  	v1 =	vld.idx.msk [tilespmem:v1+s4+$0x0], $0xffff;
	_ =	sdelay $0x4  }
0x445: {  	[tilespmem:$0x1B510] =	vst v1  }
0x446: {  	v1 =	vld.idx.msk [tilespmem:v2+s4+$0x0], $0xffff  }
0x447: {  	v2 =	vor.u32 $0x1120, v0;
	_ =	sdelay $0x3  }
0x448: {  	[tilespmem:$0x1C190] =	vst v1  }
0x449: {  	v1 =	vld.idx.msk [tilespmem:v2+s13+$0x0], $0xffff  }
0x44a: {  	v2 =	vor.u32 $0x11A0, v0;
	_ =	sdelay $0x4  }
0x44b: {  	v2 =	vld.idx.msk [tilespmem:v2+s13+$0x0], $0xffff;
	_ =	sdelay $0x1  }
0x44c: {  	v1 =	vld.idx.msk [tilespmem:v1+s4+$0x0], $0xffff;
	_ =	sdelay $0x4  }
0x44d: {  	[tilespmem:$0x1B520] =	vst v1  }
0x44e: {  	v1 =	vld.idx.msk [tilespmem:v2+s4+$0x0], $0xffff  }
0x44f: {  	v2 =	vor.u32 $0x1130, v0;
	_ =	sdelay $0x3  }
0x450: {  	[tilespmem:$0x1C1A0] =	vst v1  }
0x451: {  	v1 =	vld.idx.msk [tilespmem:v2+s13+$0x0], $0xffff  }
0x452: {  	v2 =	vor.u32 $0x11B0, v0;
	_ =	sdelay $0x4  }
0x453: {  	v2 =	vld.idx.msk [tilespmem:v2+s13+$0x0], $0xffff;
	_ =	sdelay $0x1  }
0x454: {  	v1 =	vld.idx.msk [tilespmem:v1+s4+$0x0], $0xffff;
	_ =	sdelay $0x4  }
0x455: {  	[tilespmem:$0x1B530] =	vst v1  }
0x456: {  	v1 =	vld.idx.msk [tilespmem:v2+s4+$0x0], $0xffff  }
0x457: {  	v2 =	vor.u32 $0x1140, v0;
	_ =	sdelay $0x3  }
0x458: {  	[tilespmem:$0x1C1B0] =	vst v1  }
0x459: {  	v1 =	vld.idx.msk [tilespmem:v2+s13+$0x0], $0xffff  }
0x45a: {  	v2 =	vor.u32 $0x11C0, v0;
	_ =	sdelay $0x4  }
0x45b: {  	v2 =	vld.idx.msk [tilespmem:v2+s13+$0x0], $0xffff;
	_ =	sdelay $0x1  }
0x45c: {  	v1 =	vld.idx.msk [tilespmem:v1+s4+$0x0], $0xffff;
	_ =	sdelay $0x4  }
0x45d: {  	[tilespmem:$0x1B540] =	vst v1  }
0x45e: {  	v1 =	vld.idx.msk [tilespmem:v2+s4+$0x0], $0xffff  }
0x45f: {  	v2 =	vor.u32 $0x1150, v0;
	_ =	sdelay $0x3  }
0x460: {  	[tilespmem:$0x1C1C0] =	vst v1  }
0x461: {  	v1 =	vld.idx.msk [tilespmem:v2+s13+$0x0], $0xffff  }
0x462: {  	v2 =	vor.u32 $0x11D0, v0;
	_ =	sdelay $0x4  }
0x463: {  	v2 =	vld.idx.msk [tilespmem:v2+s13+$0x0], $0xffff;
	_ =	sdelay $0x1  }
0x464: {  	v1 =	vld.idx.msk [tilespmem:v1+s4+$0x0], $0xffff;
	_ =	sdelay $0x4  }
0x465: {  	[tilespmem:$0x1B550] =	vst v1  }
0x466: {  	v1 =	vld.idx.msk [tilespmem:v2+s4+$0x0], $0xffff  }
0x467: {  	v2 =	vor.u32 $0x1160, v0;
	_ =	sdelay $0x3  }
0x468: {  	[tilespmem:$0x1C1D0] =	vst v1  }
0x469: {  	v1 =	vld.idx.msk [tilespmem:v2+s13+$0x0], $0xffff  }
0x46a: {  	v2 =	vor.u32 $0x11E0, v0;
	_ =	sdelay $0x4  }
0x46b: {  	v2 =	vld.idx.msk [tilespmem:v2+s13+$0x0], $0xffff;
	_ =	sdelay $0x1  }
0x46c: {  	v1 =	vld.idx.msk [tilespmem:v1+s4+$0x0], $0xffff;
	_ =	sdelay $0x4  }
0x46d: {  	[tilespmem:$0x1B560] =	vst v1  }
0x46e: {  	v1 =	vld.idx.msk [tilespmem:v2+s4+$0x0], $0xffff  }
0x46f: {  	v2 =	vor.u32 $0x1170, v0;
	_ =	sdelay $0x3  }
0x470: {  	[tilespmem:$0x1C1E0] =	vst v1  }
0x471: {  	v1 =	vld.idx.msk [tilespmem:v2+s13+$0x0], $0xffff  }
0x472: {  	v2 =	vor.u32 $0x11F0, v0;
	_ =	sdelay $0x4  }
0x473: {  	v2 =	vld.idx.msk [tilespmem:v2+s13+$0x0], $0xffff;
	_ =	sdelay $0x1  }
0x474: {  	v1 =	vld.idx.msk [tilespmem:v1+s4+$0x0], $0xffff;
	_ =	sdelay $0x4  }
0x475: {  	[tilespmem:$0x1B570] =	vst v1  }
0x476: {  	v1 =	vld.idx.msk [tilespmem:v2+s4+$0x0], $0xffff  }
0x477: {  	v2 =	vor.u32 $0x1200, v0;
	_ =	sdelay $0x3  }
0x478: {  	[tilespmem:$0x1C1F0] =	vst v1  }
0x479: {  	v1 =	vld.idx.msk [tilespmem:v2+s13+$0x0], $0xffff  }
0x47a: {  	v2 =	vor.u32 $0x1280, v0;
	_ =	sdelay $0x4  }
0x47b: {  	v2 =	vld.idx.msk [tilespmem:v2+s13+$0x0], $0xffff;
	_ =	sdelay $0x1  }
0x47c: {  	v1 =	vld.idx.msk [tilespmem:v1+s4+$0x0], $0xffff;
	_ =	sdelay $0x4  }
0x47d: {  	[tilespmem:$0x1B580] =	vst v1  }
0x47e: {  	v1 =	vld.idx.msk [tilespmem:v2+s4+$0x0], $0xffff  }
0x47f: {  	v2 =	vor.u32 $0x1210, v0;
	_ =	sdelay $0x3  }
0x480: {  	[tilespmem:$0x1C200] =	vst v1  }
0x481: {  	v1 =	vld.idx.msk [tilespmem:v2+s13+$0x0], $0xffff  }
0x482: {  	v2 =	vor.u32 $0x1290, v0;
	_ =	sdelay $0x4  }
0x483: {  	v2 =	vld.idx.msk [tilespmem:v2+s13+$0x0], $0xffff;
	_ =	sdelay $0x1  }
0x484: {  	v1 =	vld.idx.msk [tilespmem:v1+s4+$0x0], $0xffff;
	_ =	sdelay $0x4  }
0x485: {  	[tilespmem:$0x1B590] =	vst v1  }
0x486: {  	v1 =	vld.idx.msk [tilespmem:v2+s4+$0x0], $0xffff  }
0x487: {  	v2 =	vor.u32 $0x1220, v0;
	_ =	sdelay $0x3  }
0x488: {  	[tilespmem:$0x1C210] =	vst v1  }
0x489: {  	v1 =	vld.idx.msk [tilespmem:v2+s13+$0x0], $0xffff  }
0x48a: {  	v2 =	vor.u32 $0x12A0, v0;
	_ =	sdelay $0x4  }
0x48b: {  	v2 =	vld.idx.msk [tilespmem:v2+s13+$0x0], $0xffff;
	_ =	sdelay $0x1  }
0x48c: {  	v1 =	vld.idx.msk [tilespmem:v1+s4+$0x0], $0xffff;
	_ =	sdelay $0x4  }
0x48d: {  	[tilespmem:$0x1B5A0] =	vst v1  }
0x48e: {  	v1 =	vld.idx.msk [tilespmem:v2+s4+$0x0], $0xffff  }
0x48f: {  	v2 =	vor.u32 $0x1230, v0;
	_ =	sdelay $0x3  }
0x490: {  	[tilespmem:$0x1C220] =	vst v1  }
0x491: {  	v1 =	vld.idx.msk [tilespmem:v2+s13+$0x0], $0xffff  }
0x492: {  	v2 =	vor.u32 $0x12B0, v0;
	_ =	sdelay $0x4  }
0x493: {  	v2 =	vld.idx.msk [tilespmem:v2+s13+$0x0], $0xffff;
	_ =	sdelay $0x1  }
0x494: {  	v1 =	vld.idx.msk [tilespmem:v1+s4+$0x0], $0xffff;
	_ =	sdelay $0x4  }
0x495: {  	[tilespmem:$0x1B5B0] =	vst v1  }
0x496: {  	v1 =	vld.idx.msk [tilespmem:v2+s4+$0x0], $0xffff  }
0x497: {  	v2 =	vor.u32 $0x1240, v0;
	_ =	sdelay $0x3  }
0x498: {  	[tilespmem:$0x1C230] =	vst v1  }
0x499: {  	v1 =	vld.idx.msk [tilespmem:v2+s13+$0x0], $0xffff  }
0x49a: {  	v2 =	vor.u32 $0x12C0, v0;
	_ =	sdelay $0x4  }
0x49b: {  	v2 =	vld.idx.msk [tilespmem:v2+s13+$0x0], $0xffff;
	_ =	sdelay $0x1  }
0x49c: {  	v1 =	vld.idx.msk [tilespmem:v1+s4+$0x0], $0xffff;
	_ =	sdelay $0x4  }
0x49d: {  	[tilespmem:$0x1B5C0] =	vst v1  }
0x49e: {  	v1 =	vld.idx.msk [tilespmem:v2+s4+$0x0], $0xffff  }
0x49f: {  	v2 =	vor.u32 $0x1250, v0;
	_ =	sdelay $0x3  }
0x4a0: {  	[tilespmem:$0x1C240] =	vst v1  }
0x4a1: {  	v1 =	vld.idx.msk [tilespmem:v2+s13+$0x0], $0xffff  }
0x4a2: {  	v2 =	vor.u32 $0x12D0, v0;
	_ =	sdelay $0x4  }
0x4a3: {  	v2 =	vld.idx.msk [tilespmem:v2+s13+$0x0], $0xffff;
	_ =	sdelay $0x1  }
0x4a4: {  	v1 =	vld.idx.msk [tilespmem:v1+s4+$0x0], $0xffff;
	_ =	sdelay $0x4  }
0x4a5: {  	[tilespmem:$0x1B5D0] =	vst v1  }
0x4a6: {  	v1 =	vld.idx.msk [tilespmem:v2+s4+$0x0], $0xffff  }
0x4a7: {  	v2 =	vor.u32 $0x1260, v0;
	_ =	sdelay $0x3  }
0x4a8: {  	[tilespmem:$0x1C250] =	vst v1  }
0x4a9: {  	v1 =	vld.idx.msk [tilespmem:v2+s13+$0x0], $0xffff  }
0x4aa: {  	v2 =	vor.u32 $0x12E0, v0;
	_ =	sdelay $0x4  }
0x4ab: {  	v2 =	vld.idx.msk [tilespmem:v2+s13+$0x0], $0xffff;
	_ =	sdelay $0x1  }
0x4ac: {  	v1 =	vld.idx.msk [tilespmem:v1+s4+$0x0], $0xffff;
	_ =	sdelay $0x4  }
0x4ad: {  	[tilespmem:$0x1B5E0] =	vst v1  }
0x4ae: {  	v1 =	vld.idx.msk [tilespmem:v2+s4+$0x0], $0xffff  }
0x4af: {  	v2 =	vor.u32 $0x1270, v0;
	_ =	sdelay $0x3  }
0x4b0: {  	[tilespmem:$0x1C260] =	vst v1  }
0x4b1: {  	v1 =	vld.idx.msk [tilespmem:v2+s13+$0x0], $0xffff  }
0x4b2: {  	v2 =	vor.u32 $0x12F0, v0;
	_ =	sdelay $0x4  }
0x4b3: {  	v2 =	vld.idx.msk [tilespmem:v2+s13+$0x0], $0xffff;
	_ =	sdelay $0x1  }
0x4b4: {  	v1 =	vld.idx.msk [tilespmem:v1+s4+$0x0], $0xffff;
	_ =	sdelay $0x4  }
0x4b5: {  	[tilespmem:$0x1B5F0] =	vst v1  }
0x4b6: {  	v1 =	vld.idx.msk [tilespmem:v2+s4+$0x0], $0xffff  }
0x4b7: {  	v2 =	vor.u32 $0x1300, v0;
	_ =	sdelay $0x3  }
0x4b8: {  	[tilespmem:$0x1C270] =	vst v1  }
0x4b9: {  	v1 =	vld.idx.msk [tilespmem:v2+s13+$0x0], $0xffff  }
0x4ba: {  	v2 =	vor.u32 $0x1380, v0;
	_ =	sdelay $0x4  }
0x4bb: {  	v2 =	vld.idx.msk [tilespmem:v2+s13+$0x0], $0xffff;
	_ =	sdelay $0x1  }
0x4bc: {  	v1 =	vld.idx.msk [tilespmem:v1+s4+$0x0], $0xffff;
	_ =	sdelay $0x4  }
0x4bd: {  	[tilespmem:$0x1B600] =	vst v1  }
0x4be: {  	v1 =	vld.idx.msk [tilespmem:v2+s4+$0x0], $0xffff  }
0x4bf: {  	v2 =	vor.u32 $0x1310, v0;
	_ =	sdelay $0x3  }
0x4c0: {  	[tilespmem:$0x1C280] =	vst v1  }
0x4c1: {  	v1 =	vld.idx.msk [tilespmem:v2+s13+$0x0], $0xffff  }
0x4c2: {  	v2 =	vor.u32 $0x1390, v0;
	_ =	sdelay $0x4  }
0x4c3: {  	v2 =	vld.idx.msk [tilespmem:v2+s13+$0x0], $0xffff;
	_ =	sdelay $0x1  }
0x4c4: {  	v1 =	vld.idx.msk [tilespmem:v1+s4+$0x0], $0xffff;
	_ =	sdelay $0x4  }
0x4c5: {  	[tilespmem:$0x1B610] =	vst v1  }
0x4c6: {  	v1 =	vld.idx.msk [tilespmem:v2+s4+$0x0], $0xffff  }
0x4c7: {  	v2 =	vor.u32 $0x1320, v0;
	_ =	sdelay $0x3  }
0x4c8: {  	[tilespmem:$0x1C290] =	vst v1  }
0x4c9: {  	v1 =	vld.idx.msk [tilespmem:v2+s13+$0x0], $0xffff  }
0x4ca: {  	v2 =	vor.u32 $0x13A0, v0;
	_ =	sdelay $0x4  }
0x4cb: {  	v2 =	vld.idx.msk [tilespmem:v2+s13+$0x0], $0xffff;
	_ =	sdelay $0x1  }
0x4cc: {  	v1 =	vld.idx.msk [tilespmem:v1+s4+$0x0], $0xffff;
	_ =	sdelay $0x4  }
0x4cd: {  	[tilespmem:$0x1B620] =	vst v1  }
0x4ce: {  	v1 =	vld.idx.msk [tilespmem:v2+s4+$0x0], $0xffff  }
0x4cf: {  	v2 =	vor.u32 $0x1330, v0;
	_ =	sdelay $0x3  }
0x4d0: {  	[tilespmem:$0x1C2A0] =	vst v1  }
0x4d1: {  	v1 =	vld.idx.msk [tilespmem:v2+s13+$0x0], $0xffff  }
0x4d2: {  	v2 =	vor.u32 $0x13B0, v0;
	_ =	sdelay $0x4  }
0x4d3: {  	v2 =	vld.idx.msk [tilespmem:v2+s13+$0x0], $0xffff;
	_ =	sdelay $0x1  }
0x4d4: {  	v1 =	vld.idx.msk [tilespmem:v1+s4+$0x0], $0xffff;
	_ =	sdelay $0x4  }
0x4d5: {  	[tilespmem:$0x1B630] =	vst v1  }
0x4d6: {  	v1 =	vld.idx.msk [tilespmem:v2+s4+$0x0], $0xffff  }
0x4d7: {  	v2 =	vor.u32 $0x1340, v0;
	_ =	sdelay $0x3  }
0x4d8: {  	[tilespmem:$0x1C2B0] =	vst v1  }
0x4d9: {  	v1 =	vld.idx.msk [tilespmem:v2+s13+$0x0], $0xffff  }
0x4da: {  	v2 =	vor.u32 $0x13C0, v0;
	_ =	sdelay $0x4  }
0x4db: {  	v2 =	vld.idx.msk [tilespmem:v2+s13+$0x0], $0xffff;
	_ =	sdelay $0x1  }
0x4dc: {  	v1 =	vld.idx.msk [tilespmem:v1+s4+$0x0], $0xffff;
	_ =	sdelay $0x4  }
0x4dd: {  	[tilespmem:$0x1B640] =	vst v1  }
0x4de: {  	v1 =	vld.idx.msk [tilespmem:v2+s4+$0x0], $0xffff  }
0x4df: {  	v2 =	vor.u32 $0x1350, v0;
	_ =	sdelay $0x3  }
0x4e0: {  	[tilespmem:$0x1C2C0] =	vst v1  }
0x4e1: {  	v1 =	vld.idx.msk [tilespmem:v2+s13+$0x0], $0xffff  }
0x4e2: {  	v2 =	vor.u32 $0x13D0, v0;
	_ =	sdelay $0x4  }
0x4e3: {  	v2 =	vld.idx.msk [tilespmem:v2+s13+$0x0], $0xffff;
	_ =	sdelay $0x1  }
0x4e4: {  	v1 =	vld.idx.msk [tilespmem:v1+s4+$0x0], $0xffff;
	_ =	sdelay $0x4  }
0x4e5: {  	[tilespmem:$0x1B650] =	vst v1  }
0x4e6: {  	v1 =	vld.idx.msk [tilespmem:v2+s4+$0x0], $0xffff  }
0x4e7: {  	v2 =	vor.u32 $0x1360, v0;
	_ =	sdelay $0x3  }
0x4e8: {  	[tilespmem:$0x1C2D0] =	vst v1  }
0x4e9: {  	v1 =	vld.idx.msk [tilespmem:v2+s13+$0x0], $0xffff  }
0x4ea: {  	v2 =	vor.u32 $0x13E0, v0;
	_ =	sdelay $0x4  }
0x4eb: {  	v2 =	vld.idx.msk [tilespmem:v2+s13+$0x0], $0xffff;
	_ =	sdelay $0x1  }
0x4ec: {  	v1 =	vld.idx.msk [tilespmem:v1+s4+$0x0], $0xffff;
	_ =	sdelay $0x4  }
0x4ed: {  	[tilespmem:$0x1B660] =	vst v1  }
0x4ee: {  	v1 =	vld.idx.msk [tilespmem:v2+s4+$0x0], $0xffff  }
0x4ef: {  	v2 =	vor.u32 $0x1370, v0;
	_ =	sdelay $0x3  }
0x4f0: {  	[tilespmem:$0x1C2E0] =	vst v1  }
0x4f1: {  	v1 =	vld.idx.msk [tilespmem:v2+s13+$0x0], $0xffff  }
0x4f2: {  	v2 =	vor.u32 $0x13F0, v0;
	_ =	sdelay $0x4  }
0x4f3: {  	v2 =	vld.idx.msk [tilespmem:v2+s13+$0x0], $0xffff;
	_ =	sdelay $0x1  }
0x4f4: {  	v1 =	vld.idx.msk [tilespmem:v1+s4+$0x0], $0xffff;
	_ =	sdelay $0x4  }
0x4f5: {  	[tilespmem:$0x1B670] =	vst v1  }
0x4f6: {  	v1 =	vld.idx.msk [tilespmem:v2+s4+$0x0], $0xffff  }
0x4f7: {  	v2 =	vor.u32 $0x1400, v0;
	_ =	sdelay $0x3  }
0x4f8: {  	[tilespmem:$0x1C2F0] =	vst v1  }
0x4f9: {  	v1 =	vld.idx.msk [tilespmem:v2+s13+$0x0], $0xffff  }
0x4fa: {  	v2 =	vor.u32 $0x1480, v0;
	_ =	sdelay $0x4  }
0x4fb: {  	v2 =	vld.idx.msk [tilespmem:v2+s13+$0x0], $0xffff;
	_ =	sdelay $0x1  }
0x4fc: {  	v1 =	vld.idx.msk [tilespmem:v1+s4+$0x0], $0xffff;
	_ =	sdelay $0x4  }
0x4fd: {  	[tilespmem:$0x1B680] =	vst v1  }
0x4fe: {  	v1 =	vld.idx.msk [tilespmem:v2+s4+$0x0], $0xffff  }
0x4ff: {  	v2 =	vor.u32 $0x1410, v0;
	_ =	sdelay $0x3  }
0x500: {  	[tilespmem:$0x1C300] =	vst v1  }
0x501: {  	v1 =	vld.idx.msk [tilespmem:v2+s13+$0x0], $0xffff  }
0x502: {  	v2 =	vor.u32 $0x1490, v0;
	_ =	sdelay $0x4  }
0x503: {  	v2 =	vld.idx.msk [tilespmem:v2+s13+$0x0], $0xffff;
	_ =	sdelay $0x1  }
0x504: {  	v1 =	vld.idx.msk [tilespmem:v1+s4+$0x0], $0xffff;
	_ =	sdelay $0x4  }
0x505: {  	[tilespmem:$0x1B690] =	vst v1  }
0x506: {  	v1 =	vld.idx.msk [tilespmem:v2+s4+$0x0], $0xffff  }
0x507: {  	v2 =	vor.u32 $0x1420, v0;
	_ =	sdelay $0x3  }
0x508: {  	[tilespmem:$0x1C310] =	vst v1  }
0x509: {  	v1 =	vld.idx.msk [tilespmem:v2+s13+$0x0], $0xffff  }
0x50a: {  	v2 =	vor.u32 $0x14A0, v0;
	_ =	sdelay $0x4  }
0x50b: {  	v2 =	vld.idx.msk [tilespmem:v2+s13+$0x0], $0xffff;
	_ =	sdelay $0x1  }
0x50c: {  	v1 =	vld.idx.msk [tilespmem:v1+s4+$0x0], $0xffff;
	_ =	sdelay $0x4  }
0x50d: {  	[tilespmem:$0x1B6A0] =	vst v1  }
0x50e: {  	v1 =	vld.idx.msk [tilespmem:v2+s4+$0x0], $0xffff  }
0x50f: {  	v2 =	vor.u32 $0x1430, v0;
	_ =	sdelay $0x3  }
0x510: {  	[tilespmem:$0x1C320] =	vst v1  }
0x511: {  	v1 =	vld.idx.msk [tilespmem:v2+s13+$0x0], $0xffff  }
0x512: {  	v2 =	vor.u32 $0x14B0, v0;
	_ =	sdelay $0x4  }
0x513: {  	v2 =	vld.idx.msk [tilespmem:v2+s13+$0x0], $0xffff;
	_ =	sdelay $0x1  }
0x514: {  	v1 =	vld.idx.msk [tilespmem:v1+s4+$0x0], $0xffff;
	_ =	sdelay $0x4  }
0x515: {  	[tilespmem:$0x1B6B0] =	vst v1  }
0x516: {  	v1 =	vld.idx.msk [tilespmem:v2+s4+$0x0], $0xffff  }
0x517: {  	v2 =	vor.u32 $0x1440, v0;
	_ =	sdelay $0x3  }
0x518: {  	[tilespmem:$0x1C330] =	vst v1  }
0x519: {  	v1 =	vld.idx.msk [tilespmem:v2+s13+$0x0], $0xffff  }
0x51a: {  	v2 =	vor.u32 $0x14C0, v0;
	_ =	sdelay $0x4  }
0x51b: {  	v2 =	vld.idx.msk [tilespmem:v2+s13+$0x0], $0xffff;
	_ =	sdelay $0x1  }
0x51c: {  	v1 =	vld.idx.msk [tilespmem:v1+s4+$0x0], $0xffff;
	_ =	sdelay $0x4  }
0x51d: {  	[tilespmem:$0x1B6C0] =	vst v1  }
0x51e: {  	v1 =	vld.idx.msk [tilespmem:v2+s4+$0x0], $0xffff  }
0x51f: {  	v2 =	vor.u32 $0x1450, v0;
	_ =	sdelay $0x3  }
0x520: {  	[tilespmem:$0x1C340] =	vst v1  }
0x521: {  	v1 =	vld.idx.msk [tilespmem:v2+s13+$0x0], $0xffff  }
0x522: {  	v2 =	vor.u32 $0x14D0, v0;
	_ =	sdelay $0x4  }
0x523: {  	v2 =	vld.idx.msk [tilespmem:v2+s13+$0x0], $0xffff;
	_ =	sdelay $0x1  }
0x524: {  	v1 =	vld.idx.msk [tilespmem:v1+s4+$0x0], $0xffff;
	_ =	sdelay $0x4  }
0x525: {  	[tilespmem:$0x1B6D0] =	vst v1  }
0x526: {  	v1 =	vld.idx.msk [tilespmem:v2+s4+$0x0], $0xffff  }
0x527: {  	v2 =	vor.u32 $0x1460, v0;
	_ =	sdelay $0x3  }
0x528: {  	[tilespmem:$0x1C350] =	vst v1  }
0x529: {  	v1 =	vld.idx.msk [tilespmem:v2+s13+$0x0], $0xffff  }
0x52a: {  	v2 =	vor.u32 $0x14E0, v0;
	_ =	sdelay $0x4  }
0x52b: {  	v2 =	vld.idx.msk [tilespmem:v2+s13+$0x0], $0xffff;
	_ =	sdelay $0x1  }
0x52c: {  	v1 =	vld.idx.msk [tilespmem:v1+s4+$0x0], $0xffff;
	_ =	sdelay $0x4  }
0x52d: {  	[tilespmem:$0x1B6E0] =	vst v1  }
0x52e: {  	v1 =	vld.idx.msk [tilespmem:v2+s4+$0x0], $0xffff  }
0x52f: {  	v2 =	vor.u32 $0x1470, v0;
	_ =	sdelay $0x3  }
0x530: {  	[tilespmem:$0x1C360] =	vst v1  }
0x531: {  	v1 =	vld.idx.msk [tilespmem:v2+s13+$0x0], $0xffff  }
0x532: {  	v2 =	vor.u32 $0x14F0, v0;
	_ =	sdelay $0x4  }
0x533: {  	v2 =	vld.idx.msk [tilespmem:v2+s13+$0x0], $0xffff;
	_ =	sdelay $0x1  }
0x534: {  	v1 =	vld.idx.msk [tilespmem:v1+s4+$0x0], $0xffff;
	_ =	sdelay $0x4  }
0x535: {  	[tilespmem:$0x1B6F0] =	vst v1  }
0x536: {  	v1 =	vld.idx.msk [tilespmem:v2+s4+$0x0], $0xffff  }
0x537: {  	v2 =	vor.u32 $0x1500, v0;
	_ =	sdelay $0x3  }
0x538: {  	[tilespmem:$0x1C370] =	vst v1  }
0x539: {  	v1 =	vld.idx.msk [tilespmem:v2+s13+$0x0], $0xffff  }
0x53a: {  	v2 =	vor.u32 $0x1580, v0;
	_ =	sdelay $0x4  }
0x53b: {  	v2 =	vld.idx.msk [tilespmem:v2+s13+$0x0], $0xffff;
	_ =	sdelay $0x1  }
0x53c: {  	v1 =	vld.idx.msk [tilespmem:v1+s4+$0x0], $0xffff;
	_ =	sdelay $0x4  }
0x53d: {  	[tilespmem:$0x1B700] =	vst v1  }
0x53e: {  	v1 =	vld.idx.msk [tilespmem:v2+s4+$0x0], $0xffff  }
0x53f: {  	v2 =	vor.u32 $0x1510, v0;
	_ =	sdelay $0x3  }
0x540: {  	[tilespmem:$0x1C380] =	vst v1  }
0x541: {  	v1 =	vld.idx.msk [tilespmem:v2+s13+$0x0], $0xffff  }
0x542: {  	v2 =	vor.u32 $0x1590, v0;
	_ =	sdelay $0x4  }
0x543: {  	v2 =	vld.idx.msk [tilespmem:v2+s13+$0x0], $0xffff;
	_ =	sdelay $0x1  }
0x544: {  	v1 =	vld.idx.msk [tilespmem:v1+s4+$0x0], $0xffff;
	_ =	sdelay $0x4  }
0x545: {  	[tilespmem:$0x1B710] =	vst v1  }
0x546: {  	v1 =	vld.idx.msk [tilespmem:v2+s4+$0x0], $0xffff  }
0x547: {  	v2 =	vor.u32 $0x1520, v0;
	_ =	sdelay $0x3  }
0x548: {  	[tilespmem:$0x1C390] =	vst v1  }
0x549: {  	v1 =	vld.idx.msk [tilespmem:v2+s13+$0x0], $0xffff  }
0x54a: {  	v2 =	vor.u32 $0x15A0, v0;
	_ =	sdelay $0x4  }
0x54b: {  	v2 =	vld.idx.msk [tilespmem:v2+s13+$0x0], $0xffff;
	_ =	sdelay $0x1  }
0x54c: {  	v1 =	vld.idx.msk [tilespmem:v1+s4+$0x0], $0xffff;
	_ =	sdelay $0x4  }
0x54d: {  	[tilespmem:$0x1B720] =	vst v1  }
0x54e: {  	v1 =	vld.idx.msk [tilespmem:v2+s4+$0x0], $0xffff  }
0x54f: {  	v2 =	vor.u32 $0x1530, v0;
	_ =	sdelay $0x3  }
0x550: {  	[tilespmem:$0x1C3A0] =	vst v1  }
0x551: {  	v1 =	vld.idx.msk [tilespmem:v2+s13+$0x0], $0xffff  }
0x552: {  	v2 =	vor.u32 $0x15B0, v0;
	_ =	sdelay $0x4  }
0x553: {  	v2 =	vld.idx.msk [tilespmem:v2+s13+$0x0], $0xffff;
	_ =	sdelay $0x1  }
0x554: {  	v1 =	vld.idx.msk [tilespmem:v1+s4+$0x0], $0xffff;
	_ =	sdelay $0x4  }
0x555: {  	[tilespmem:$0x1B730] =	vst v1  }
0x556: {  	v1 =	vld.idx.msk [tilespmem:v2+s4+$0x0], $0xffff  }
0x557: {  	v2 =	vor.u32 $0x1540, v0;
	_ =	sdelay $0x3  }
0x558: {  	[tilespmem:$0x1C3B0] =	vst v1  }
0x559: {  	v1 =	vld.idx.msk [tilespmem:v2+s13+$0x0], $0xffff  }
0x55a: {  	v2 =	vor.u32 $0x15C0, v0;
	_ =	sdelay $0x4  }
0x55b: {  	v2 =	vld.idx.msk [tilespmem:v2+s13+$0x0], $0xffff;
	_ =	sdelay $0x1  }
0x55c: {  	v1 =	vld.idx.msk [tilespmem:v1+s4+$0x0], $0xffff;
	_ =	sdelay $0x4  }
0x55d: {  	[tilespmem:$0x1B740] =	vst v1  }
0x55e: {  	v1 =	vld.idx.msk [tilespmem:v2+s4+$0x0], $0xffff  }
0x55f: {  	v2 =	vor.u32 $0x1550, v0;
	_ =	sdelay $0x3  }
0x560: {  	[tilespmem:$0x1C3C0] =	vst v1  }
0x561: {  	v1 =	vld.idx.msk [tilespmem:v2+s13+$0x0], $0xffff  }
0x562: {  	v2 =	vor.u32 $0x15D0, v0;
	_ =	sdelay $0x4  }
0x563: {  	v2 =	vld.idx.msk [tilespmem:v2+s13+$0x0], $0xffff;
	_ =	sdelay $0x1  }
0x564: {  	v1 =	vld.idx.msk [tilespmem:v1+s4+$0x0], $0xffff;
	_ =	sdelay $0x4  }
0x565: {  	[tilespmem:$0x1B750] =	vst v1  }
0x566: {  	v1 =	vld.idx.msk [tilespmem:v2+s4+$0x0], $0xffff  }
0x567: {  	v2 =	vor.u32 $0x1560, v0;
	_ =	sdelay $0x3  }
0x568: {  	[tilespmem:$0x1C3D0] =	vst v1  }
0x569: {  	v1 =	vld.idx.msk [tilespmem:v2+s13+$0x0], $0xffff  }
0x56a: {  	v2 =	vor.u32 $0x15E0, v0;
	_ =	sdelay $0x4  }
0x56b: {  	v2 =	vld.idx.msk [tilespmem:v2+s13+$0x0], $0xffff;
	_ =	sdelay $0x1  }
0x56c: {  	v1 =	vld.idx.msk [tilespmem:v1+s4+$0x0], $0xffff;
	_ =	sdelay $0x4  }
0x56d: {  	[tilespmem:$0x1B760] =	vst v1  }
0x56e: {  	v1 =	vld.idx.msk [tilespmem:v2+s4+$0x0], $0xffff  }
0x56f: {  	v2 =	vor.u32 $0x1570, v0;
	_ =	sdelay $0x3  }
0x570: {  	[tilespmem:$0x1C3E0] =	vst v1  }
0x571: {  	v1 =	vld.idx.msk [tilespmem:v2+s13+$0x0], $0xffff  }
0x572: {  	v2 =	vor.u32 $0x15F0, v0;
	_ =	sdelay $0x4  }
0x573: {  	v2 =	vld.idx.msk [tilespmem:v2+s13+$0x0], $0xffff;
	_ =	sdelay $0x1  }
0x574: {  	v1 =	vld.idx.msk [tilespmem:v1+s4+$0x0], $0xffff;
	_ =	sdelay $0x4  }
0x575: {  	[tilespmem:$0x1B770] =	vst v1  }
0x576: {  	v1 =	vld.idx.msk [tilespmem:v2+s4+$0x0], $0xffff  }
0x577: {  	v2 =	vor.u32 $0x1600, v0;
	_ =	sdelay $0x3  }
0x578: {  	[tilespmem:$0x1C3F0] =	vst v1  }
0x579: {  	v1 =	vld.idx.msk [tilespmem:v2+s13+$0x0], $0xffff  }
0x57a: {  	v2 =	vor.u32 $0x1680, v0;
	_ =	sdelay $0x4  }
0x57b: {  	v2 =	vld.idx.msk [tilespmem:v2+s13+$0x0], $0xffff;
	_ =	sdelay $0x1  }
0x57c: {  	v1 =	vld.idx.msk [tilespmem:v1+s4+$0x0], $0xffff;
	_ =	sdelay $0x4  }
0x57d: {  	[tilespmem:$0x1B780] =	vst v1  }
0x57e: {  	v1 =	vld.idx.msk [tilespmem:v2+s4+$0x0], $0xffff  }
0x57f: {  	v2 =	vor.u32 $0x1610, v0;
	_ =	sdelay $0x3  }
0x580: {  	[tilespmem:$0x1C400] =	vst v1  }
0x581: {  	v1 =	vld.idx.msk [tilespmem:v2+s13+$0x0], $0xffff  }
0x582: {  	v2 =	vor.u32 $0x1690, v0;
	_ =	sdelay $0x4  }
0x583: {  	v2 =	vld.idx.msk [tilespmem:v2+s13+$0x0], $0xffff;
	_ =	sdelay $0x1  }
0x584: {  	v1 =	vld.idx.msk [tilespmem:v1+s4+$0x0], $0xffff;
	_ =	sdelay $0x4  }
0x585: {  	[tilespmem:$0x1B790] =	vst v1  }
0x586: {  	v1 =	vld.idx.msk [tilespmem:v2+s4+$0x0], $0xffff  }
0x587: {  	v2 =	vor.u32 $0x1620, v0;
	_ =	sdelay $0x3  }
0x588: {  	[tilespmem:$0x1C410] =	vst v1  }
0x589: {  	v1 =	vld.idx.msk [tilespmem:v2+s13+$0x0], $0xffff  }
0x58a: {  	v2 =	vor.u32 $0x16A0, v0;
	_ =	sdelay $0x4  }
0x58b: {  	v2 =	vld.idx.msk [tilespmem:v2+s13+$0x0], $0xffff;
	_ =	sdelay $0x1  }
0x58c: {  	v1 =	vld.idx.msk [tilespmem:v1+s4+$0x0], $0xffff;
	_ =	sdelay $0x4  }
0x58d: {  	[tilespmem:$0x1B7A0] =	vst v1  }
0x58e: {  	v1 =	vld.idx.msk [tilespmem:v2+s4+$0x0], $0xffff  }
0x58f: {  	v2 =	vor.u32 $0x1630, v0;
	_ =	sdelay $0x3  }
0x590: {  	[tilespmem:$0x1C420] =	vst v1  }
0x591: {  	v1 =	vld.idx.msk [tilespmem:v2+s13+$0x0], $0xffff  }
0x592: {  	v2 =	vor.u32 $0x16B0, v0;
	_ =	sdelay $0x4  }
0x593: {  	v2 =	vld.idx.msk [tilespmem:v2+s13+$0x0], $0xffff;
	_ =	sdelay $0x1  }
0x594: {  	v1 =	vld.idx.msk [tilespmem:v1+s4+$0x0], $0xffff;
	_ =	sdelay $0x4  }
0x595: {  	[tilespmem:$0x1B7B0] =	vst v1  }
0x596: {  	v1 =	vld.idx.msk [tilespmem:v2+s4+$0x0], $0xffff  }
0x597: {  	v2 =	vor.u32 $0x1640, v0;
	_ =	sdelay $0x3  }
0x598: {  	[tilespmem:$0x1C430] =	vst v1  }
0x599: {  	v1 =	vld.idx.msk [tilespmem:v2+s13+$0x0], $0xffff  }
0x59a: {  	v2 =	vor.u32 $0x16C0, v0;
	_ =	sdelay $0x4  }
0x59b: {  	v2 =	vld.idx.msk [tilespmem:v2+s13+$0x0], $0xffff;
	_ =	sdelay $0x1  }
0x59c: {  	v1 =	vld.idx.msk [tilespmem:v1+s4+$0x0], $0xffff;
	_ =	sdelay $0x4  }
0x59d: {  	[tilespmem:$0x1B7C0] =	vst v1  }
0x59e: {  	v1 =	vld.idx.msk [tilespmem:v2+s4+$0x0], $0xffff  }
0x59f: {  	v2 =	vor.u32 $0x1650, v0;
	_ =	sdelay $0x3  }
0x5a0: {  	[tilespmem:$0x1C440] =	vst v1  }
0x5a1: {  	v1 =	vld.idx.msk [tilespmem:v2+s13+$0x0], $0xffff  }
0x5a2: {  	v2 =	vor.u32 $0x16D0, v0;
	_ =	sdelay $0x4  }
0x5a3: {  	v2 =	vld.idx.msk [tilespmem:v2+s13+$0x0], $0xffff;
	_ =	sdelay $0x1  }
0x5a4: {  	v1 =	vld.idx.msk [tilespmem:v1+s4+$0x0], $0xffff;
	_ =	sdelay $0x4  }
0x5a5: {  	[tilespmem:$0x1B7D0] =	vst v1  }
0x5a6: {  	v1 =	vld.idx.msk [tilespmem:v2+s4+$0x0], $0xffff  }
0x5a7: {  	v2 =	vor.u32 $0x1660, v0;
	_ =	sdelay $0x3  }
0x5a8: {  	[tilespmem:$0x1C450] =	vst v1  }
0x5a9: {  	v1 =	vld.idx.msk [tilespmem:v2+s13+$0x0], $0xffff  }
0x5aa: {  	v2 =	vor.u32 $0x16E0, v0;
	_ =	sdelay $0x4  }
0x5ab: {  	v2 =	vld.idx.msk [tilespmem:v2+s13+$0x0], $0xffff;
	_ =	sdelay $0x1  }
0x5ac: {  	v1 =	vld.idx.msk [tilespmem:v1+s4+$0x0], $0xffff;
	_ =	sdelay $0x4  }
0x5ad: {  	[tilespmem:$0x1B7E0] =	vst v1  }
0x5ae: {  	v1 =	vld.idx.msk [tilespmem:v2+s4+$0x0], $0xffff  }
0x5af: {  	v2 =	vor.u32 $0x1670, v0;
	_ =	sdelay $0x3  }
0x5b0: {  	[tilespmem:$0x1C460] =	vst v1  }
0x5b1: {  	v1 =	vld.idx.msk [tilespmem:v2+s13+$0x0], $0xffff  }
0x5b2: {  	v2 =	vor.u32 $0x16F0, v0;
	_ =	sdelay $0x4  }
0x5b3: {  	v2 =	vld.idx.msk [tilespmem:v2+s13+$0x0], $0xffff;
	_ =	sdelay $0x1  }
0x5b4: {  	v1 =	vld.idx.msk [tilespmem:v1+s4+$0x0], $0xffff;
	_ =	sdelay $0x4  }
0x5b5: {  	[tilespmem:$0x1B7F0] =	vst v1  }
0x5b6: {  	v1 =	vld.idx.msk [tilespmem:v2+s4+$0x0], $0xffff  }
0x5b7: {  	v2 =	vor.u32 $0x1700, v0;
	_ =	sdelay $0x3  }
0x5b8: {  	[tilespmem:$0x1C470] =	vst v1  }
0x5b9: {  	v1 =	vld.idx.msk [tilespmem:v2+s13+$0x0], $0xffff  }
0x5ba: {  	v2 =	vor.u32 $0x1780, v0;
	_ =	sdelay $0x4  }
0x5bb: {  	v2 =	vld.idx.msk [tilespmem:v2+s13+$0x0], $0xffff;
	_ =	sdelay $0x1  }
0x5bc: {  	v1 =	vld.idx.msk [tilespmem:v1+s4+$0x0], $0xffff;
	_ =	sdelay $0x4  }
0x5bd: {  	[tilespmem:$0x1B800] =	vst v1  }
0x5be: {  	v1 =	vld.idx.msk [tilespmem:v2+s4+$0x0], $0xffff  }
0x5bf: {  	v2 =	vor.u32 $0x1710, v0;
	_ =	sdelay $0x3  }
0x5c0: {  	[tilespmem:$0x1C480] =	vst v1  }
0x5c1: {  	v1 =	vld.idx.msk [tilespmem:v2+s13+$0x0], $0xffff  }
0x5c2: {  	v2 =	vor.u32 $0x1790, v0;
	_ =	sdelay $0x4  }
0x5c3: {  	v2 =	vld.idx.msk [tilespmem:v2+s13+$0x0], $0xffff;
	_ =	sdelay $0x1  }
0x5c4: {  	v1 =	vld.idx.msk [tilespmem:v1+s4+$0x0], $0xffff;
	_ =	sdelay $0x4  }
0x5c5: {  	[tilespmem:$0x1B810] =	vst v1  }
0x5c6: {  	v1 =	vld.idx.msk [tilespmem:v2+s4+$0x0], $0xffff  }
0x5c7: {  	v2 =	vor.u32 $0x1720, v0;
	_ =	sdelay $0x3  }
0x5c8: {  	[tilespmem:$0x1C490] =	vst v1  }
0x5c9: {  	v1 =	vld.idx.msk [tilespmem:v2+s13+$0x0], $0xffff  }
0x5ca: {  	v2 =	vor.u32 $0x17A0, v0;
	_ =	sdelay $0x4  }
0x5cb: {  	v2 =	vld.idx.msk [tilespmem:v2+s13+$0x0], $0xffff;
	_ =	sdelay $0x1  }
0x5cc: {  	v1 =	vld.idx.msk [tilespmem:v1+s4+$0x0], $0xffff;
	_ =	sdelay $0x4  }
0x5cd: {  	[tilespmem:$0x1B820] =	vst v1  }
0x5ce: {  	v1 =	vld.idx.msk [tilespmem:v2+s4+$0x0], $0xffff  }
0x5cf: {  	v2 =	vor.u32 $0x1730, v0;
	_ =	sdelay $0x3  }
0x5d0: {  	[tilespmem:$0x1C4A0] =	vst v1  }
0x5d1: {  	v1 =	vld.idx.msk [tilespmem:v2+s13+$0x0], $0xffff  }
0x5d2: {  	v2 =	vor.u32 $0x17B0, v0;
	_ =	sdelay $0x4  }
0x5d3: {  	v2 =	vld.idx.msk [tilespmem:v2+s13+$0x0], $0xffff;
	_ =	sdelay $0x1  }
0x5d4: {  	v1 =	vld.idx.msk [tilespmem:v1+s4+$0x0], $0xffff;
	_ =	sdelay $0x4  }
0x5d5: {  	[tilespmem:$0x1B830] =	vst v1  }
0x5d6: {  	v1 =	vld.idx.msk [tilespmem:v2+s4+$0x0], $0xffff  }
0x5d7: {  	v2 =	vor.u32 $0x1740, v0;
	_ =	sdelay $0x3  }
0x5d8: {  	[tilespmem:$0x1C4B0] =	vst v1  }
0x5d9: {  	v1 =	vld.idx.msk [tilespmem:v2+s13+$0x0], $0xffff  }
0x5da: {  	v2 =	vor.u32 $0x17C0, v0;
	_ =	sdelay $0x4  }
0x5db: {  	v2 =	vld.idx.msk [tilespmem:v2+s13+$0x0], $0xffff;
	_ =	sdelay $0x1  }
0x5dc: {  	v1 =	vld.idx.msk [tilespmem:v1+s4+$0x0], $0xffff;
	_ =	sdelay $0x4  }
0x5dd: {  	[tilespmem:$0x1B840] =	vst v1  }
0x5de: {  	v1 =	vld.idx.msk [tilespmem:v2+s4+$0x0], $0xffff  }
0x5df: {  	v2 =	vor.u32 $0x1750, v0;
	_ =	sdelay $0x3  }
0x5e0: {  	[tilespmem:$0x1C4C0] =	vst v1  }
0x5e1: {  	v1 =	vld.idx.msk [tilespmem:v2+s13+$0x0], $0xffff  }
0x5e2: {  	v2 =	vor.u32 $0x17D0, v0;
	_ =	sdelay $0x4  }
0x5e3: {  	v2 =	vld.idx.msk [tilespmem:v2+s13+$0x0], $0xffff;
	_ =	sdelay $0x1  }
0x5e4: {  	v1 =	vld.idx.msk [tilespmem:v1+s4+$0x0], $0xffff;
	_ =	sdelay $0x4  }
0x5e5: {  	[tilespmem:$0x1B850] =	vst v1  }
0x5e6: {  	v1 =	vld.idx.msk [tilespmem:v2+s4+$0x0], $0xffff  }
0x5e7: {  	v2 =	vor.u32 $0x1760, v0;
	_ =	sdelay $0x3  }
0x5e8: {  	[tilespmem:$0x1C4D0] =	vst v1  }
0x5e9: {  	v1 =	vld.idx.msk [tilespmem:v2+s13+$0x0], $0xffff  }
0x5ea: {  	v2 =	vor.u32 $0x17E0, v0;
	_ =	sdelay $0x4  }
0x5eb: {  	v2 =	vld.idx.msk [tilespmem:v2+s13+$0x0], $0xffff;
	_ =	sdelay $0x1  }
0x5ec: {  	v1 =	vld.idx.msk [tilespmem:v1+s4+$0x0], $0xffff;
	_ =	sdelay $0x4  }
0x5ed: {  	[tilespmem:$0x1B860] =	vst v1  }
0x5ee: {  	v1 =	vld.idx.msk [tilespmem:v2+s4+$0x0], $0xffff  }
0x5ef: {  	v2 =	vor.u32 $0x1770, v0;
	_ =	sdelay $0x3  }
0x5f0: {  	[tilespmem:$0x1C4E0] =	vst v1  }
0x5f1: {  	v1 =	vld.idx.msk [tilespmem:v2+s13+$0x0], $0xffff  }
0x5f2: {  	v2 =	vor.u32 $0x17F0, v0;
	_ =	sdelay $0x4  }
0x5f3: {  	v2 =	vld.idx.msk [tilespmem:v2+s13+$0x0], $0xffff;
	_ =	sdelay $0x1  }
0x5f4: {  	v1 =	vld.idx.msk [tilespmem:v1+s4+$0x0], $0xffff;
	_ =	sdelay $0x4  }
0x5f5: {  	[tilespmem:$0x1B870] =	vst v1  }
0x5f6: {  	v1 =	vld.idx.msk [tilespmem:v2+s4+$0x0], $0xffff  }
0x5f7: {  	v2 =	vor.u32 $0x1800, v0;
	_ =	sdelay $0x3  }
0x5f8: {  	[tilespmem:$0x1C4F0] =	vst v1  }
0x5f9: {  	v1 =	vld.idx.msk [tilespmem:v2+s13+$0x0], $0xffff  }
0x5fa: {  	v2 =	vor.u32 $0x1880, v0;
	_ =	sdelay $0x4  }
0x5fb: {  	v2 =	vld.idx.msk [tilespmem:v2+s13+$0x0], $0xffff;
	_ =	sdelay $0x1  }
0x5fc: {  	v1 =	vld.idx.msk [tilespmem:v1+s4+$0x0], $0xffff;
	_ =	sdelay $0x4  }
0x5fd: {  	[tilespmem:$0x1B880] =	vst v1  }
0x5fe: {  	v1 =	vld.idx.msk [tilespmem:v2+s4+$0x0], $0xffff  }
0x5ff: {  	v2 =	vor.u32 $0x1810, v0;
	_ =	sdelay $0x3  }
0x600: {  	[tilespmem:$0x1C500] =	vst v1  }
0x601: {  	v1 =	vld.idx.msk [tilespmem:v2+s13+$0x0], $0xffff  }
0x602: {  	v2 =	vor.u32 $0x1890, v0;
	_ =	sdelay $0x4  }
0x603: {  	v2 =	vld.idx.msk [tilespmem:v2+s13+$0x0], $0xffff;
	_ =	sdelay $0x1  }
0x604: {  	v1 =	vld.idx.msk [tilespmem:v1+s4+$0x0], $0xffff;
	_ =	sdelay $0x4  }
0x605: {  	[tilespmem:$0x1B890] =	vst v1  }
0x606: {  	v1 =	vld.idx.msk [tilespmem:v2+s4+$0x0], $0xffff  }
0x607: {  	v2 =	vor.u32 $0x1820, v0;
	_ =	sdelay $0x3  }
0x608: {  	[tilespmem:$0x1C510] =	vst v1  }
0x609: {  	v1 =	vld.idx.msk [tilespmem:v2+s13+$0x0], $0xffff  }
0x60a: {  	v2 =	vor.u32 $0x18A0, v0;
	_ =	sdelay $0x4  }
0x60b: {  	v2 =	vld.idx.msk [tilespmem:v2+s13+$0x0], $0xffff;
	_ =	sdelay $0x1  }
0x60c: {  	v1 =	vld.idx.msk [tilespmem:v1+s4+$0x0], $0xffff;
	_ =	sdelay $0x4  }
0x60d: {  	[tilespmem:$0x1B8A0] =	vst v1  }
0x60e: {  	v1 =	vld.idx.msk [tilespmem:v2+s4+$0x0], $0xffff  }
0x60f: {  	v2 =	vor.u32 $0x1830, v0;
	_ =	sdelay $0x3  }
0x610: {  	[tilespmem:$0x1C520] =	vst v1  }
0x611: {  	v1 =	vld.idx.msk [tilespmem:v2+s13+$0x0], $0xffff  }
0x612: {  	v2 =	vor.u32 $0x18B0, v0;
	_ =	sdelay $0x4  }
0x613: {  	v2 =	vld.idx.msk [tilespmem:v2+s13+$0x0], $0xffff;
	_ =	sdelay $0x1  }
0x614: {  	v1 =	vld.idx.msk [tilespmem:v1+s4+$0x0], $0xffff;
	_ =	sdelay $0x4  }
0x615: {  	[tilespmem:$0x1B8B0] =	vst v1  }
0x616: {  	v1 =	vld.idx.msk [tilespmem:v2+s4+$0x0], $0xffff  }
0x617: {  	v2 =	vor.u32 $0x1840, v0;
	_ =	sdelay $0x3  }
0x618: {  	[tilespmem:$0x1C530] =	vst v1  }
0x619: {  	v1 =	vld.idx.msk [tilespmem:v2+s13+$0x0], $0xffff  }
0x61a: {  	v2 =	vor.u32 $0x18C0, v0;
	_ =	sdelay $0x4  }
0x61b: {  	v2 =	vld.idx.msk [tilespmem:v2+s13+$0x0], $0xffff;
	_ =	sdelay $0x1  }
0x61c: {  	v1 =	vld.idx.msk [tilespmem:v1+s4+$0x0], $0xffff;
	_ =	sdelay $0x4  }
0x61d: {  	[tilespmem:$0x1B8C0] =	vst v1  }
0x61e: {  	v1 =	vld.idx.msk [tilespmem:v2+s4+$0x0], $0xffff  }
0x61f: {  	v2 =	vor.u32 $0x1850, v0;
	_ =	sdelay $0x3  }
0x620: {  	[tilespmem:$0x1C540] =	vst v1  }
0x621: {  	v1 =	vld.idx.msk [tilespmem:v2+s13+$0x0], $0xffff  }
0x622: {  	v2 =	vor.u32 $0x18D0, v0;
	_ =	sdelay $0x4  }
0x623: {  	v2 =	vld.idx.msk [tilespmem:v2+s13+$0x0], $0xffff;
	_ =	sdelay $0x1  }
0x624: {  	v1 =	vld.idx.msk [tilespmem:v1+s4+$0x0], $0xffff;
	_ =	sdelay $0x4  }
0x625: {  	[tilespmem:$0x1B8D0] =	vst v1  }
0x626: {  	v1 =	vld.idx.msk [tilespmem:v2+s4+$0x0], $0xffff  }
0x627: {  	v2 =	vor.u32 $0x1860, v0;
	_ =	sdelay $0x3  }
0x628: {  	[tilespmem:$0x1C550] =	vst v1  }
0x629: {  	v1 =	vld.idx.msk [tilespmem:v2+s13+$0x0], $0xffff  }
0x62a: {  	v2 =	vor.u32 $0x18E0, v0;
	_ =	sdelay $0x4  }
0x62b: {  	v2 =	vld.idx.msk [tilespmem:v2+s13+$0x0], $0xffff;
	_ =	sdelay $0x1  }
0x62c: {  	v1 =	vld.idx.msk [tilespmem:v1+s4+$0x0], $0xffff;
	_ =	sdelay $0x4  }
0x62d: {  	[tilespmem:$0x1B8E0] =	vst v1  }
0x62e: {  	v1 =	vld.idx.msk [tilespmem:v2+s4+$0x0], $0xffff  }
0x62f: {  	v2 =	vor.u32 $0x1870, v0;
	_ =	sdelay $0x3  }
0x630: {  	[tilespmem:$0x1C560] =	vst v1  }
0x631: {  	v1 =	vld.idx.msk [tilespmem:v2+s13+$0x0], $0xffff  }
0x632: {  	v2 =	vor.u32 $0x18F0, v0;
	_ =	sdelay $0x4  }
0x633: {  	v2 =	vld.idx.msk [tilespmem:v2+s13+$0x0], $0xffff;
	_ =	sdelay $0x1  }
0x634: {  	v1 =	vld.idx.msk [tilespmem:v1+s4+$0x0], $0xffff;
	_ =	sdelay $0x4  }
0x635: {  	[tilespmem:$0x1B8F0] =	vst v1  }
0x636: {  	v1 =	vld.idx.msk [tilespmem:v2+s4+$0x0], $0xffff;
	_ =	sdelay $0x4  }
0x637: {  	s30 =	sadd.s32 s6, s21;
	[tilespmem:$0x1C570] =	vst v1  }
0x638: {  	[hbm4b:s30+s4] =	stream.linear.scatter [tilespmem:s16], [sflag:$0x2], $0xC80, $0x38;
	[tilespmem:$0x1C580] =	vst v63  }
0x639: {  	_ =	swait.ge [sflag:s14], $0xC80  }
0x63a: {  	[sflag:s14] =	ssyncset.done $0x0  }
0x63b: {  	s31 =	sadd.s32 s7, s21;
	[sflag:s14] =	ssyncadd.s32 $0xFFFFF380  }
0x63c: {  	[hbm4b:s31+s4] =	stream.linear.scatter [tilespmem:s17], [sflag:$0x2], $0xC80, $0x38;
	[tilespmem:$0x1C580] =	vst v63  }
0x63d: {  	_ =	swait.ge [sflag:s14], $0xC80  }
0x63e: {  	[sflag:s14] =	ssyncset.done $0x0  }
.Ltmp5:
0x63f: {  	s21 =	sadd.s32 s9, s21;
	[sflag:s14] =	ssyncadd.s32 $0xFFFFF380;
	(pc) =	sbr.rel .LBB2_4-.Ltmp5, $4  }
0x640: {  	[hbm4b:s21+s4] =	stream.linear.scatter [tilespmem:s15], [sflag:$0x1], $0xC80, $0x38;
	[tilespmem:$0x1C580] =	vst v63  }
0x641: {  	_ =	swait.ge [sflag:s12], $0xC80  }
0x642: {  	[sflag:s12] =	ssyncset.done $0x0  }
0x643: {  	[sflag:s12] =	ssyncadd.s32 $0xFFFFF380  }
.LBB2_6:
0x644: {  	_ =	sfence.sel $0x180000  }
0x645: {  	[bflag:$0x0] =	sbarrier.arrive $0xFFFF  }
0x646: {  	p0 =	sne.s32 s8, $0x0;
	_ =	strace $0x90000047  }
0x647: {  	s0 =	sadd.s32 @!p0 $0x100000, s3;
	[bflag:$0x2] =	sbarrier.arrive $0xFFFF  }
0x648: {  	[sflag:s0] =	ssyncadd.tile.s32 @!p0 $0x1;
	_ =	shalt  }
.Lfunc_end2:
_tile_overlayer_lowered:
.L_overlay_start_2:
0x649: {  	(tag) =	ssettag $0x2  }
0x64a: {  	s0 =	rddreg [dreg:$0x0];
	s2 =	stileid.u32  }
0x64b: {  	s1 =	rddreg [dreg:$0x1];
	p0 =	sne.s32 s2, $0x0  }
0x64c: {  	s3 =	rddreg [dreg:$0x2];
	[bflag:$0x3] =	sbarrier.arrive $0xFFFF;
	s2 =	simm.s32 @!p0 $0x1C01  }
0x64d: {  	[timem:s3], [sflag:s2] =	dma.local @!p0 [hbm:s0], s1  }
0x64e: {  	s0 =	simm.s32 @!p0 $0x1  }
0x64f: {  	_ =	swait.ge @!p0 [sflag:s0], s1  }
0x650: {  	s1 =	ssub.s32 @!p0 $0x0, s1;
	[sflag:s0] =	ssyncset.done @!p0 $0x0  }
0x651: {  	[sflag:s0] =	ssyncadd.s32 @!p0 s1  }
0x652: {  	[bflag:$0x3] =	sbarrier.arrive $0xFFFF  }
0x653: {  	_ =	shalt  }

</sc_bundles>
